<compile_context>
chip_gen: v7x
topology: tpu7x:2x2x1
jax: 0.10.2.dev20260603
libtpu: 0.0.44.dev20260713+nightly
codegen_flags: <defaults>
</compile_context>

<pallas_src>
import jax
import jax.numpy as jnp
from jax import lax
from jax.experimental import pallas as pl
from jax.experimental.pallas import tpu as pltpu
from jax.experimental.pallas import tpu_sc as plsc

OUT_C = 768
ROW = 384 * 3 * 3
N = OUT_C * ROW
L = 16

NT = 9 * (OUT_C // 8)
TILE_ROW = 8 * 384
NW = 32
T_PER_W = NT // NW
CHUNK_T = 9
N_CHUNKS = T_PER_W // CHUNK_T
CHUNK = CHUNK_T * TILE_ROW
SUBV = 8


def _body(x_hbm, clv_hbm, par_hbm, cal_hbm, out_hbm,
          xb0, xb1, cb0, cb1, cal_v, par_v,
          sx0, sx1, sc0, sc1, so0, so1, scal):
    wid = lax.axis_index("s") * 2 + lax.axis_index("c")
    t0 = wid * T_PER_W

    xbufs = (xb0, xb1)
    cbufs = (cb0, cb1)
    sxs = (sx0, sx1)
    scs = (sc0, sc1)
    sos = (so0, so1)

    def start_in(k):
        p = k & 1
        base = (t0 + k * CHUNK_T) * TILE_ROW
        dx = pltpu.async_copy(x_hbm.at[pl.ds(base, CHUNK)], xbufs[p], sxs[p])
        dc = pltpu.async_copy(clv_hbm.at[pl.ds(base, CHUNK)], cbufs[p], scs[p])
        return dx, dc

    in0 = start_in(0)
    in1 = start_in(1)
    dcal = pltpu.async_copy(cal_hbm.at[pl.ds(t0 * 8 * L, T_PER_W * 8 * L)],
                            cal_v, scal)
    pltpu.sync_copy(par_hbm, par_v)

    qv = par_v[pl.ds(0, L)]
    alv = par_v[pl.ds(L, L)]
    wmv = par_v[pl.ds(2 * L, L)]

    lb = [jnp.full((L,), qv[i]) * alv for i in range(8)]
    tb = [(lb[i] + lb[i + 1]) * 0.5 * wmv for i in range(7)]
    dcal.wait()

    def compute(k, p):
        xr, cr = xbufs[p], cbufs[p]

        for c in range(3):
            def jbody(jj, c=c):
                vh = jj & 1
                s = (jj >> 1) & 7
                u = jj >> 4
                vbase = u * TILE_ROW + c * 1024 + s * 128 + vh * (4 * L)
                scv = cal_v[pl.ds(k * (CHUNK_T * 8 * L) + u * (8 * L) + s * L,
                                  L)] * wmv
                for v in range(SUBV // 2):
                    off = vbase + v * L
                    w = xr[pl.ds(off, L)] * cr[pl.ds(off, L)]
                    a = jnp.abs(w)
                    q01 = jnp.where(a > tb[0], lb[1], lb[0])
                    q23 = jnp.where(a > tb[2], lb[3], lb[2])
                    q45 = jnp.where(a > tb[4], lb[5], lb[4])
                    q67 = jnp.where(a > tb[6], lb[7], lb[6])
                    qlo = jnp.where(a > tb[1], q23, q01)
                    qhi = jnp.where(a > tb[5], q67, q45)
                    q = jnp.where(a > tb[3], qhi, qlo)
                    cr[pl.ds(off, L)] = q * (jnp.sign(w) * scv)

            plsc.parallel_loop(0, CHUNK_T * 8 * 2, 1, unroll=1)(jbody)

    ins = [in0, in1, None]
    outs = [None, None, None]
    for k in range(N_CHUNKS):
        p = k & 1
        dx, dc = ins[k]
        dx.wait()
        dc.wait()
        compute(k, p)
        base = (t0 + k * CHUNK_T) * TILE_ROW
        outs[k] = pltpu.async_copy(cbufs[p], out_hbm.at[pl.ds(base, CHUNK)],
                                   sos[p])
        if k == 0:
            outs[0].wait()
            ins[2] = start_in(2)
    outs[1].wait()
    outs[2].wait()


@jax.jit
def kernel(x, qps, alpha, wm, clv, calpha):
    def to_linear(a):
        a = jnp.transpose(a, (2, 3, 0, 1)).reshape(NT, 8, 3, 128)
        return jnp.transpose(a, (0, 2, 1, 3)).reshape(N)

    xf = to_linear(x)
    cf = to_linear(clv)
    par = jnp.concatenate([
        qps, jnp.broadcast_to(qps[7:8], (8,)),
        jnp.broadcast_to(alpha, (L,)),
        jnp.broadcast_to(wm, (L,)),
    ])
    cr = jnp.tile(calpha.reshape(OUT_C // 8, 8), (9, 1))
    cal = jnp.broadcast_to(cr[:, :, None], (NT, 8, L)).reshape(NT * 8 * L)

    mesh = plsc.VectorSubcoreMesh(core_axis_name="c", subcore_axis_name="s")
    f = pl.kernel(
        _body,
        out_type=jax.ShapeDtypeStruct((N,), jnp.float32),
        mesh=mesh,
        scratch_types=[
            pltpu.VMEM((CHUNK,), jnp.float32),
            pltpu.VMEM((CHUNK,), jnp.float32),
            pltpu.VMEM((CHUNK,), jnp.float32),
            pltpu.VMEM((CHUNK,), jnp.float32),
            pltpu.VMEM((T_PER_W * 8 * L,), jnp.float32),
            pltpu.VMEM((3 * L,), jnp.float32),
            pltpu.SemaphoreType.DMA,
            pltpu.SemaphoreType.DMA,
            pltpu.SemaphoreType.DMA,
            pltpu.SemaphoreType.DMA,
            pltpu.SemaphoreType.DMA,
            pltpu.SemaphoreType.DMA,
            pltpu.SemaphoreType.DMA,
        ],
    )
    out = f(xf, cf, par, cal)

    out = jnp.transpose(out.reshape(NT, 3, 8, 128), (0, 2, 1, 3))
    out = out.reshape(3, 3, OUT_C, 384)
    return jnp.transpose(out, (2, 3, 0, 1))

# --- scband reference (transcript-rebuilt; emitter-appended) ---
"""Pipeline reference for scband-qpsquantizer-14465449852956 (READ-ONLY COPY).

The authoritative reference and input builder live on the scoring server;
editing this copy changes nothing except your own understanding.
"""

import jax, jax.numpy as jnp
import numpy as np

OUT_C, IN_C, KH, KW = 768, 384, 3, 3
N_LEVELS = 8  # 2**(n_bits-1) for n_bits=4


def subset_quant(wgt, qps):
    # Faithful port of torch subset_quant with straight-through estimator.
    w_rs = jnp.reshape(wgt, (-1,))
    # [N, L] distance matrix between |w| and codebook levels
    dist = jnp.abs(jnp.abs(w_rs)[:, None] - qps[None, :])
    idx = jnp.argmin(dist, axis=1)
    w_q = jnp.take(qps, idx)
    q = jnp.reshape(w_q * jnp.sign(w_rs), wgt.shape)
    # (quantized - wgt).detach() + wgt  ==  STE
    return jax.lax.stop_gradient(q - wgt) + wgt


def setup_inputs(seed: int = 0) -> dict:
    key = jax.random.key(seed)
    k1, k2 = jax.random.split(key)
    x = jax.random.normal(k1, (OUT_C, IN_C, KH, KW), dtype=jnp.float32)
    # cand_assign: candidate levels normalized so max == 1
    qps = jnp.sort(jax.random.uniform(k2, (N_LEVELS,), dtype=jnp.float32, minval=0.05, maxval=1.0))
    qps = qps / jnp.max(qps)
    alpha = jnp.ones((1,), dtype=jnp.float32)          # alpha_discover result (buffer)
    wm = jnp.ones((1,), dtype=jnp.float32)             # max(|orgm.weight|) (buffer)
    clv = jnp.ones((OUT_C, IN_C, KH, KW), dtype=jnp.float32)   # nn.Parameter, init ones
    calpha = jnp.ones((OUT_C, 1), dtype=jnp.float32)           # nn.Parameter, init ones
    return {"x": x, "qps": qps, "alpha": alpha, "wm": wm, "clv": clv, "calpha": calpha}


def reference(x, qps, alpha, wm, clv, calpha):
    xs = x / wm
    x_q = subset_quant(xs * clv, qps * alpha)
    # f_process: per-out-channel scale calpha applied over flattened trailing dims
    d = x_q.shape
    x_q = (x_q.reshape(d[0], -1) * calpha).reshape(d)
    return x_q * wm

if __name__ == "__main__":
    import jax
    _d = setup_inputs()
    print(jax.jit(kernel)(*tuple(_d.values())))

</pallas_src>

<mosaic_0001>
#map = affine_map<(d0, d1) -> (0)>
module attributes {stable_mosaic.version = 14 : i64} {
  func.func @_body(%arg0: i32, %arg1: i32, %arg2: memref<2654208xf32, #tpu.memory_space<hbm>>, %arg3: memref<2654208xf32, #tpu.memory_space<hbm>>, %arg4: memref<48xf32, #tpu.memory_space<hbm>>, %arg5: memref<110592xf32, #tpu.memory_space<hbm>>, %arg6: memref<2654208xf32, #tpu.memory_space<hbm>>, %arg7: memref<27648xf32, #tpu.memory_space<vmem>>, %arg8: memref<27648xf32, #tpu.memory_space<vmem>>, %arg9: memref<27648xf32, #tpu.memory_space<vmem>>, %arg10: memref<27648xf32, #tpu.memory_space<vmem>>, %arg11: memref<3456xf32, #tpu.memory_space<vmem>>, %arg12: memref<48xf32, #tpu.memory_space<vmem>>, %arg13: memref<!tpu.dma_semaphore, #tpu.memory_space<semaphore_mem>>, %arg14: memref<!tpu.dma_semaphore, #tpu.memory_space<semaphore_mem>>, %arg15: memref<!tpu.dma_semaphore, #tpu.memory_space<semaphore_mem>>, %arg16: memref<!tpu.dma_semaphore, #tpu.memory_space<semaphore_mem>>, %arg17: memref<!tpu.dma_semaphore, #tpu.memory_space<semaphore_mem>>, %arg18: memref<!tpu.dma_semaphore, #tpu.memory_space<semaphore_mem>>, %arg19: memref<!tpu.dma_semaphore, #tpu.memory_space<semaphore_mem>>) attributes {dimension_semantics = [#tpu.dimension_semantics<core_parallel>, #tpu.dimension_semantics<subcore_parallel>], iteration_bounds = array<i64: 2, 16>, scalar_prefetch = 0 : i64, scratch_operands = 13 : i64, tpu.core_type = #tpu.core_type<sc_vector_subcore>, window_params = [{transform_indices = #map}, {transform_indices = #map}, {transform_indices = #map}, {transform_indices = #map}, {transform_indices = #map}]} {
    %mul3A = arith.constant 2 : i32
    %mul3A_0 = arith.muli %arg1, %mul3A : i32
    %add3A = arith.addi %mul3A_0, %arg0 : i32
    %mul3A_1 = arith.constant 27 : i32
    %mul3A_2 = arith.muli %add3A, %mul3A_1 : i32
    %add3A_3 = arith.constant 0 : i32
    %add3A_4 = arith.addi %mul3A_2, %add3A_3 : i32
    %mul3A_5 = arith.constant 3072 : i32
    %mul3A_6 = arith.muli %add3A_4, %mul3A_5 : i32
    %dma_start3A = tpu.memref_slice %arg2[%mul3A_6] : memref<2654208xf32, #tpu.memory_space<hbm>> -> memref<27648xf32, #tpu.memory_space<hbm>>
    %dma_start3A_7 = tpu.memref_slice %arg2[%mul3A_6] : memref<2654208xf32, #tpu.memory_space<hbm>> -> memref<27648xf32, #tpu.memory_space<hbm>>
    tpu.enqueue_dma source(%dma_start3A_7 : memref<27648xf32, #tpu.memory_space<hbm>>) target(%arg7 : memref<27648xf32, #tpu.memory_space<vmem>>) target_semaphore(%arg13 : memref<!tpu.dma_semaphore, #tpu.memory_space<semaphore_mem>>)
    %dma_start3A_8 = tpu.memref_slice %arg3[%mul3A_6] : memref<2654208xf32, #tpu.memory_space<hbm>> -> memref<27648xf32, #tpu.memory_space<hbm>>
    %dma_start3A_9 = tpu.memref_slice %arg3[%mul3A_6] : memref<2654208xf32, #tpu.memory_space<hbm>> -> memref<27648xf32, #tpu.memory_space<hbm>>
    tpu.enqueue_dma source(%dma_start3A_9 : memref<27648xf32, #tpu.memory_space<hbm>>) target(%arg9 : memref<27648xf32, #tpu.memory_space<vmem>>) target_semaphore(%arg15 : memref<!tpu.dma_semaphore, #tpu.memory_space<semaphore_mem>>)
    %add3A_10 = arith.constant 9 : i32
    %add3A_11 = arith.addi %mul3A_2, %add3A_10 : i32
    %mul3A_12 = arith.constant 3072 : i32
    %mul3A_13 = arith.muli %add3A_11, %mul3A_12 : i32
    %dma_start3A_14 = tpu.memref_slice %arg2[%mul3A_13] : memref<2654208xf32, #tpu.memory_space<hbm>> -> memref<27648xf32, #tpu.memory_space<hbm>>
    %dma_start3A_15 = tpu.memref_slice %arg2[%mul3A_13] : memref<2654208xf32, #tpu.memory_space<hbm>> -> memref<27648xf32, #tpu.memory_space<hbm>>
    tpu.enqueue_dma source(%dma_start3A_15 : memref<27648xf32, #tpu.memory_space<hbm>>) target(%arg8 : memref<27648xf32, #tpu.memory_space<vmem>>) target_semaphore(%arg14 : memref<!tpu.dma_semaphore, #tpu.memory_space<semaphore_mem>>)
    %dma_start3A_16 = tpu.memref_slice %arg3[%mul3A_13] : memref<2654208xf32, #tpu.memory_space<hbm>> -> memref<27648xf32, #tpu.memory_space<hbm>>
    %dma_start3A_17 = tpu.memref_slice %arg3[%mul3A_13] : memref<2654208xf32, #tpu.memory_space<hbm>> -> memref<27648xf32, #tpu.memory_space<hbm>>
    tpu.enqueue_dma source(%dma_start3A_17 : memref<27648xf32, #tpu.memory_space<hbm>>) target(%arg10 : memref<27648xf32, #tpu.memory_space<vmem>>) target_semaphore(%arg16 : memref<!tpu.dma_semaphore, #tpu.memory_space<semaphore_mem>>)
    %mul3A_18 = arith.constant 8 : i32
    %mul3A_19 = arith.muli %mul3A_2, %mul3A_18 : i32
    %mul3A_20 = arith.constant 16 : i32
    %mul3A_21 = arith.muli %mul3A_19, %mul3A_20 : i32
    %dma_start3A_22 = tpu.memref_slice %arg5[%mul3A_21] : memref<110592xf32, #tpu.memory_space<hbm>> -> memref<3456xf32, #tpu.memory_space<hbm>>
    %dma_start3A_23 = tpu.memref_slice %arg5[%mul3A_21] : memref<110592xf32, #tpu.memory_space<hbm>> -> memref<3456xf32, #tpu.memory_space<hbm>>
    tpu.enqueue_dma source(%dma_start3A_23 : memref<3456xf32, #tpu.memory_space<hbm>>) target(%arg11 : memref<3456xf32, #tpu.memory_space<vmem>>) target_semaphore(%arg19 : memref<!tpu.dma_semaphore, #tpu.memory_space<semaphore_mem>>)
    "tpu.region"() ({
      %run_scoped3A = tpu.sem_alloc : memref<!tpu.dma_semaphore, #tpu.memory_space<semaphore_mem>>
      tpu.enqueue_dma source(%arg4 : memref<48xf32, #tpu.memory_space<hbm>>) target(%arg12 : memref<48xf32, #tpu.memory_space<vmem>>) target_semaphore(%run_scoped3A : memref<!tpu.dma_semaphore, #tpu.memory_space<semaphore_mem>>)
      tpu.wait_dma2 semaphore(%run_scoped3A : memref<!tpu.dma_semaphore, #tpu.memory_space<semaphore_mem>>) src(%arg4 : memref<48xf32, #tpu.memory_space<hbm>>) dst(%arg12 : memref<48xf32, #tpu.memory_space<vmem>>)
      tpu.yield
    }) : () -> ()
    %get3A = arith.constant 0 : index
    %get3A_24 = tpu.vector_load %arg12[%get3A] {strides = array<i32>} : memref<48xf32, #tpu.memory_space<vmem>>, vector<16xf32>,
    %get3A_25 = vector.shape_cast %get3A_24 : vector<16xf32> to vector<16xf32>
    %get3A_26 = arith.constant 16 : index
    %get3A_27 = tpu.vector_load %arg12[%get3A_26] {strides = array<i32>} : memref<48xf32, #tpu.memory_space<vmem>>, vector<16xf32>,
    %get3A_28 = vector.shape_cast %get3A_27 : vector<16xf32> to vector<16xf32>
    %get3A_29 = arith.constant 32 : index
    %get3A_30 = tpu.vector_load %arg12[%get3A_29] {strides = array<i32>} : memref<48xf32, #tpu.memory_space<vmem>>, vector<16xf32>,
    %get3A_31 = vector.shape_cast %get3A_30 : vector<16xf32> to vector<16xf32>
    %slice3A = vector.extract_strided_slice %get3A_25 {offsets = [0], sizes = [1], strides = [1]} : vector<16xf32> to vector<1xf32>
    %squeeze3A = vector.extract %slice3A[0] : f32 from vector<1xf32>
    %broadcast_in_dim3A = vector.broadcast %squeeze3A : f32 to vector<16xf32>
    %mul3A_32 = arith.mulf %broadcast_in_dim3A, %get3A_28 : vector<16xf32>
    %slice3A_33 = vector.extract_strided_slice %get3A_25 {offsets = [1], sizes = [1], strides = [1]} : vector<16xf32> to vector<1xf32>
    %squeeze3A_34 = vector.extract %slice3A_33[0] : f32 from vector<1xf32>
    %broadcast_in_dim3A_35 = vector.broadcast %squeeze3A_34 : f32 to vector<16xf32>
    %mul3A_36 = arith.mulf %broadcast_in_dim3A_35, %get3A_28 : vector<16xf32>
    %slice3A_37 = vector.extract_strided_slice %get3A_25 {offsets = [2], sizes = [1], strides = [1]} : vector<16xf32> to vector<1xf32>
    %squeeze3A_38 = vector.extract %slice3A_37[0] : f32 from vector<1xf32>
    %broadcast_in_dim3A_39 = vector.broadcast %squeeze3A_38 : f32 to vector<16xf32>
    %mul3A_40 = arith.mulf %broadcast_in_dim3A_39, %get3A_28 : vector<16xf32>
    %slice3A_41 = vector.extract_strided_slice %get3A_25 {offsets = [3], sizes = [1], strides = [1]} : vector<16xf32> to vector<1xf32>
    %squeeze3A_42 = vector.extract %slice3A_41[0] : f32 from vector<1xf32>
    %broadcast_in_dim3A_43 = vector.broadcast %squeeze3A_42 : f32 to vector<16xf32>
    %mul3A_44 = arith.mulf %broadcast_in_dim3A_43, %get3A_28 : vector<16xf32>
    %slice3A_45 = vector.extract_strided_slice %get3A_25 {offsets = [4], sizes = [1], strides = [1]} : vector<16xf32> to vector<1xf32>
    %squeeze3A_46 = vector.extract %slice3A_45[0] : f32 from vector<1xf32>
    %broadcast_in_dim3A_47 = vector.broadcast %squeeze3A_46 : f32 to vector<16xf32>
    %mul3A_48 = arith.mulf %broadcast_in_dim3A_47, %get3A_28 : vector<16xf32>
    %slice3A_49 = vector.extract_strided_slice %get3A_25 {offsets = [5], sizes = [1], strides = [1]} : vector<16xf32> to vector<1xf32>
    %squeeze3A_50 = vector.extract %slice3A_49[0] : f32 from vector<1xf32>
    %broadcast_in_dim3A_51 = vector.broadcast %squeeze3A_50 : f32 to vector<16xf32>
    %mul3A_52 = arith.mulf %broadcast_in_dim3A_51, %get3A_28 : vector<16xf32>
    %slice3A_53 = vector.extract_strided_slice %get3A_25 {offsets = [6], sizes = [1], strides = [1]} : vector<16xf32> to vector<1xf32>
    %squeeze3A_54 = vector.extract %slice3A_53[0] : f32 from vector<1xf32>
    %broadcast_in_dim3A_55 = vector.broadcast %squeeze3A_54 : f32 to vector<16xf32>
    %mul3A_56 = arith.mulf %broadcast_in_dim3A_55, %get3A_28 : vector<16xf32>
    %slice3A_57 = vector.extract_strided_slice %get3A_25 {offsets = [7], sizes = [1], strides = [1]} : vector<16xf32> to vector<1xf32>
    %squeeze3A_58 = vector.extract %slice3A_57[0] : f32 from vector<1xf32>
    %broadcast_in_dim3A_59 = vector.broadcast %squeeze3A_58 : f32 to vector<16xf32>
    %mul3A_60 = arith.mulf %broadcast_in_dim3A_59, %get3A_28 : vector<16xf32>
    %add3A_61 = arith.addf %mul3A_32, %mul3A_36 : vector<16xf32>
    %mul3A_62 = arith.constant 5.000000e-01 : f32
    %mul3A_63 = vector.broadcast %mul3A_62 : f32 to vector<16xf32>
    %mul3A_64 = arith.mulf %add3A_61, %mul3A_63 : vector<16xf32>
    %mul3A_65 = arith.mulf %mul3A_64, %get3A_31 : vector<16xf32>
    %add3A_66 = arith.addf %mul3A_36, %mul3A_40 : vector<16xf32>
    %mul3A_67 = arith.constant 5.000000e-01 : f32
    %mul3A_68 = vector.broadcast %mul3A_67 : f32 to vector<16xf32>
    %mul3A_69 = arith.mulf %add3A_66, %mul3A_68 : vector<16xf32>
    %mul3A_70 = arith.mulf %mul3A_69, %get3A_31 : vector<16xf32>
    %add3A_71 = arith.addf %mul3A_40, %mul3A_44 : vector<16xf32>
    %mul3A_72 = arith.constant 5.000000e-01 : f32
    %mul3A_73 = vector.broadcast %mul3A_72 : f32 to vector<16xf32>
    %mul3A_74 = arith.mulf %add3A_71, %mul3A_73 : vector<16xf32>
    %mul3A_75 = arith.mulf %mul3A_74, %get3A_31 : vector<16xf32>
    %add3A_76 = arith.addf %mul3A_44, %mul3A_48 : vector<16xf32>
    %mul3A_77 = arith.constant 5.000000e-01 : f32
    %mul3A_78 = vector.broadcast %mul3A_77 : f32 to vector<16xf32>
    %mul3A_79 = arith.mulf %add3A_76, %mul3A_78 : vector<16xf32>
    %mul3A_80 = arith.mulf %mul3A_79, %get3A_31 : vector<16xf32>
    %add3A_81 = arith.addf %mul3A_48, %mul3A_52 : vector<16xf32>
    %mul3A_82 = arith.constant 5.000000e-01 : f32
    %mul3A_83 = vector.broadcast %mul3A_82 : f32 to vector<16xf32>
    %mul3A_84 = arith.mulf %add3A_81, %mul3A_83 : vector<16xf32>
    %mul3A_85 = arith.mulf %mul3A_84, %get3A_31 : vector<16xf32>
    %add3A_86 = arith.addf %mul3A_52, %mul3A_56 : vector<16xf32>
    %mul3A_87 = arith.constant 5.000000e-01 : f32
    %mul3A_88 = vector.broadcast %mul3A_87 : f32 to vector<16xf32>
    %mul3A_89 = arith.mulf %add3A_86, %mul3A_88 : vector<16xf32>
    %mul3A_90 = arith.mulf %mul3A_89, %get3A_31 : vector<16xf32>
    %add3A_91 = arith.addf %mul3A_56, %mul3A_60 : vector<16xf32>
    %mul3A_92 = arith.constant 5.000000e-01 : f32
    %mul3A_93 = vector.broadcast %mul3A_92 : f32 to vector<16xf32>
    %mul3A_94 = arith.mulf %add3A_91, %mul3A_93 : vector<16xf32>
    %mul3A_95 = arith.mulf %mul3A_94, %get3A_31 : vector<16xf32>
    %dma_wait3A = tpu.memref_slice %arg5[%mul3A_21] : memref<110592xf32, #tpu.memory_space<hbm>> -> memref<3456xf32, #tpu.memory_space<hbm>>
    %dma_wait3A_96 = tpu.memref_slice %arg5[%mul3A_21] : memref<110592xf32, #tpu.memory_space<hbm>> -> memref<3456xf32, #tpu.memory_space<hbm>>
    tpu.wait_dma2 semaphore(%arg19 : memref<!tpu.dma_semaphore, #tpu.memory_space<semaphore_mem>>) src(%dma_wait3A_96 : memref<3456xf32, #tpu.memory_space<hbm>>) dst(%arg11 : memref<3456xf32, #tpu.memory_space<vmem>>)
    %dma_wait3A_97 = tpu.memref_slice %arg2[%mul3A_6] : memref<2654208xf32, #tpu.memory_space<hbm>> -> memref<27648xf32, #tpu.memory_space<hbm>>
    %dma_wait3A_98 = tpu.memref_slice %arg2[%mul3A_6] : memref<2654208xf32, #tpu.memory_space<hbm>> -> memref<27648xf32, #tpu.memory_space<hbm>>
    tpu.wait_dma2 semaphore(%arg13 : memref<!tpu.dma_semaphore, #tpu.memory_space<semaphore_mem>>) src(%dma_wait3A_98 : memref<27648xf32, #tpu.memory_space<hbm>>) dst(%arg7 : memref<27648xf32, #tpu.memory_space<vmem>>)
    %dma_wait3A_99 = tpu.memref_slice %arg3[%mul3A_6] : memref<2654208xf32, #tpu.memory_space<hbm>> -> memref<27648xf32, #tpu.memory_space<hbm>>
    %dma_wait3A_100 = tpu.memref_slice %arg3[%mul3A_6] : memref<2654208xf32, #tpu.memory_space<hbm>> -> memref<27648xf32, #tpu.memory_space<hbm>>
    tpu.wait_dma2 semaphore(%arg15 : memref<!tpu.dma_semaphore, #tpu.memory_space<semaphore_mem>>) src(%dma_wait3A_100 : memref<27648xf32, #tpu.memory_space<hbm>>) dst(%arg9 : memref<27648xf32, #tpu.memory_space<vmem>>)
    %parallel_loop3A = arith.constant 0 : i32
    %parallel_loop3A_101 = arith.constant 144 : i32
    %parallel_loop3A_102 = arith.constant 1 : i32
    scf.for %parallel_loop3A_167 = %parallel_loop3A to %parallel_loop3A_101 step %parallel_loop3A_102  : i32 {
      %parallel_loop3A_168 = arith.constant 1 : i32
      %parallel_loop3A_169 = arith.andi %parallel_loop3A_167, %parallel_loop3A_168 : i32
      %parallel_loop3A_170 = arith.constant 1 : i32
      %parallel_loop3A_171 = arith.shrsi %parallel_loop3A_167, %parallel_loop3A_170 : i32
      %parallel_loop3A_172 = arith.constant 7 : i32
      %parallel_loop3A_173 = arith.andi %parallel_loop3A_171, %parallel_loop3A_172 : i32
      %parallel_loop3A_174 = arith.constant 4 : i32
      %parallel_loop3A_175 = arith.shrsi %parallel_loop3A_167, %parallel_loop3A_174 : i32
      %parallel_loop3A_176 = arith.constant 3072 : i32
      %parallel_loop3A_177 = arith.muli %parallel_loop3A_175, %parallel_loop3A_176 : i32
      %parallel_loop3A_178 = arith.constant 0 : i32
      %parallel_loop3A_179 = arith.addi %parallel_loop3A_177, %parallel_loop3A_178 : i32
      %parallel_loop3A_180 = arith.constant 128 : i32
      %parallel_loop3A_181 = arith.muli %parallel_loop3A_173, %parallel_loop3A_180 : i32
      %parallel_loop3A_182 = arith.addi %parallel_loop3A_179, %parallel_loop3A_181 : i32
      %parallel_loop3A_183 = arith.constant 64 : i32
      %parallel_loop3A_184 = arith.muli %parallel_loop3A_169, %parallel_loop3A_183 : i32
      %parallel_loop3A_185 = arith.addi %parallel_loop3A_182, %parallel_loop3A_184 : i32
      %parallel_loop3A_186 = arith.constant 128 : i32
      %parallel_loop3A_187 = arith.muli %parallel_loop3A_175, %parallel_loop3A_186 : i32
      %parallel_loop3A_188 = arith.constant 0 : i32
      %parallel_loop3A_189 = arith.addi %parallel_loop3A_188, %parallel_loop3A_187 : i32
      %parallel_loop3A_190 = arith.constant 16 : i32
      %parallel_loop3A_191 = arith.muli %parallel_loop3A_173, %parallel_loop3A_190 : i32
      %parallel_loop3A_192 = arith.addi %parallel_loop3A_189, %parallel_loop3A_191 : i32
      %parallel_loop3A_193 = arith.index_cast %parallel_loop3A_192 : i32 to index
      %parallel_loop3A_194 = tpu.vector_load %arg11[%parallel_loop3A_193] {strides = array<i32>} : memref<3456xf32, #tpu.memory_space<vmem>>, vector<16xf32>,
      %parallel_loop3A_195 = vector.shape_cast %parallel_loop3A_194 : vector<16xf32> to vector<16xf32>
      %parallel_loop3A_196 = arith.mulf %parallel_loop3A_195, %get3A_31 : vector<16xf32>
      %parallel_loop3A_197 = arith.constant 0 : i32
      %parallel_loop3A_198 = arith.addi %parallel_loop3A_185, %parallel_loop3A_197 : i32
      %parallel_loop3A_199 = arith.index_cast %parallel_loop3A_198 : i32 to index
      %parallel_loop3A_200 = tpu.vector_load %arg7[%parallel_loop3A_199] {strides = array<i32>} : memref<27648xf32, #tpu.memory_space<vmem>>, vector<16xf32>,
      %parallel_loop3A_201 = vector.shape_cast %parallel_loop3A_200 : vector<16xf32> to vector<16xf32>
      %parallel_loop3A_202 = arith.index_cast %parallel_loop3A_198 : i32 to index
      %parallel_loop3A_203 = tpu.vector_load %arg9[%parallel_loop3A_202] {strides = array<i32>} : memref<27648xf32, #tpu.memory_space<vmem>>, vector<16xf32>,
      %parallel_loop3A_204 = vector.shape_cast %parallel_loop3A_203 : vector<16xf32> to vector<16xf32>
      %parallel_loop3A_205 = arith.mulf %parallel_loop3A_201, %parallel_loop3A_204 : vector<16xf32>
      %parallel_loop3A_206 = math.absf %parallel_loop3A_205 : vector<16xf32>
      %parallel_loop3A_207 = arith.cmpf ogt, %parallel_loop3A_206, %mul3A_65 : vector<16xf32>
      %parallel_loop3A_208 = arith.select %parallel_loop3A_207, %mul3A_36, %mul3A_32 : vector<16xi1>, vector<16xf32>
      %parallel_loop3A_209 = arith.cmpf ogt, %parallel_loop3A_206, %mul3A_75 : vector<16xf32>
      %parallel_loop3A_210 = arith.select %parallel_loop3A_209, %mul3A_44, %mul3A_40 : vector<16xi1>, vector<16xf32>
      %parallel_loop3A_211 = arith.cmpf ogt, %parallel_loop3A_206, %mul3A_85 : vector<16xf32>
      %parallel_loop3A_212 = arith.select %parallel_loop3A_211, %mul3A_52, %mul3A_48 : vector<16xi1>, vector<16xf32>
      %parallel_loop3A_213 = arith.cmpf ogt, %parallel_loop3A_206, %mul3A_95 : vector<16xf32>
      %parallel_loop3A_214 = arith.select %parallel_loop3A_213, %mul3A_60, %mul3A_56 : vector<16xi1>, vector<16xf32>
      %parallel_loop3A_215 = arith.cmpf ogt, %parallel_loop3A_206, %mul3A_70 : vector<16xf32>
      %parallel_loop3A_216 = arith.select %parallel_loop3A_215, %parallel_loop3A_210, %parallel_loop3A_208 : vector<16xi1>, vector<16xf32>
      %parallel_loop3A_217 = arith.cmpf ogt, %parallel_loop3A_206, %mul3A_90 : vector<16xf32>
      %parallel_loop3A_218 = arith.select %parallel_loop3A_217, %parallel_loop3A_214, %parallel_loop3A_212 : vector<16xi1>, vector<16xf32>
      %parallel_loop3A_219 = arith.cmpf ogt, %parallel_loop3A_206, %mul3A_80 : vector<16xf32>
      %parallel_loop3A_220 = arith.select %parallel_loop3A_219, %parallel_loop3A_218, %parallel_loop3A_216 : vector<16xi1>, vector<16xf32>
      %parallel_loop3A_221 = tpu.bitcast %parallel_loop3A_205 : vector<16xf32> -> vector<16xi32>
      %parallel_loop3A_222 = arith.constant -2147483648 : i32
      %parallel_loop3A_223 = vector.broadcast %parallel_loop3A_222 : i32 to vector<16xi32>
      %parallel_loop3A_224 = arith.andi %parallel_loop3A_221, %parallel_loop3A_223 : vector<16xi32>
      %parallel_loop3A_225 = arith.constant 1065353216 : i32
      %parallel_loop3A_226 = vector.broadcast %parallel_loop3A_225 : i32 to vector<16xi32>
      %parallel_loop3A_227 = arith.ori %parallel_loop3A_226, %parallel_loop3A_224 : vector<16xi32>
      %parallel_loop3A_228 = tpu.bitcast %parallel_loop3A_227 : vector<16xi32> -> vector<16xf32>
      %parallel_loop3A_229 = math.absf %parallel_loop3A_205 : vector<16xf32>
      %parallel_loop3A_230 = arith.constant 0.000000e+00 : f32
      %parallel_loop3A_231 = vector.broadcast %parallel_loop3A_230 : f32 to vector<16xf32>
      %parallel_loop3A_232 = arith.cmpf ogt, %parallel_loop3A_229, %parallel_loop3A_231 : vector<16xf32>
      %parallel_loop3A_233 = arith.select %parallel_loop3A_232, %parallel_loop3A_228, %parallel_loop3A_205 : vector<16xi1>, vector<16xf32>
      %parallel_loop3A_234 = arith.mulf %parallel_loop3A_233, %parallel_loop3A_196 : vector<16xf32>
      %parallel_loop3A_235 = arith.mulf %parallel_loop3A_220, %parallel_loop3A_234 : vector<16xf32>
      %parallel_loop3A_236 = arith.index_cast %parallel_loop3A_198 : i32 to index
      %parallel_loop3A_237 = tpu.vector_load %arg9[%parallel_loop3A_236] {strides = array<i32>} : memref<27648xf32, #tpu.memory_space<vmem>>, vector<16xf32>,
      %parallel_loop3A_238 = vector.shape_cast %parallel_loop3A_237 : vector<16xf32> to vector<16xf32>
      %parallel_loop3A_239 = vector.shape_cast %parallel_loop3A_235 : vector<16xf32> to vector<16xf32>
      tpu.vector_store %arg9[%parallel_loop3A_236], %parallel_loop3A_239 {strides = array<i32>} : memref<27648xf32, #tpu.memory_space<vmem>>, vector<16xf32>,
      %parallel_loop3A_240 = arith.constant 16 : i32
      %parallel_loop3A_241 = arith.addi %parallel_loop3A_185, %parallel_loop3A_240 : i32
      %parallel_loop3A_242 = arith.index_cast %parallel_loop3A_241 : i32 to index
      %parallel_loop3A_243 = tpu.vector_load %arg7[%parallel_loop3A_242] {strides = array<i32>} : memref<27648xf32, #tpu.memory_space<vmem>>, vector<16xf32>,
      %parallel_loop3A_244 = vector.shape_cast %parallel_loop3A_243 : vector<16xf32> to vector<16xf32>
      %parallel_loop3A_245 = arith.index_cast %parallel_loop3A_241 : i32 to index
      %parallel_loop3A_246 = tpu.vector_load %arg9[%parallel_loop3A_245] {strides = array<i32>} : memref<27648xf32, #tpu.memory_space<vmem>>, vector<16xf32>,
      %parallel_loop3A_247 = vector.shape_cast %parallel_loop3A_246 : vector<16xf32> to vector<16xf32>
      %parallel_loop3A_248 = arith.mulf %parallel_loop3A_244, %parallel_loop3A_247 : vector<16xf32>
      %parallel_loop3A_249 = math.absf %parallel_loop3A_248 : vector<16xf32>
      %parallel_loop3A_250 = arith.cmpf ogt, %parallel_loop3A_249, %mul3A_65 : vector<16xf32>
      %parallel_loop3A_251 = arith.select %parallel_loop3A_250, %mul3A_36, %mul3A_32 : vector<16xi1>, vector<16xf32>
      %parallel_loop3A_252 = arith.cmpf ogt, %parallel_loop3A_249, %mul3A_75 : vector<16xf32>
      %parallel_loop3A_253 = arith.select %parallel_loop3A_252, %mul3A_44, %mul3A_40 : vector<16xi1>, vector<16xf32>
      %parallel_loop3A_254 = arith.cmpf ogt, %parallel_loop3A_249, %mul3A_85 : vector<16xf32>
      %parallel_loop3A_255 = arith.select %parallel_loop3A_254, %mul3A_52, %mul3A_48 : vector<16xi1>, vector<16xf32>
      %parallel_loop3A_256 = arith.cmpf ogt, %parallel_loop3A_249, %mul3A_95 : vector<16xf32>
      %parallel_loop3A_257 = arith.select %parallel_loop3A_256, %mul3A_60, %mul3A_56 : vector<16xi1>, vector<16xf32>
      %parallel_loop3A_258 = arith.cmpf ogt, %parallel_loop3A_249, %mul3A_70 : vector<16xf32>
      %parallel_loop3A_259 = arith.select %parallel_loop3A_258, %parallel_loop3A_253, %parallel_loop3A_251 : vector<16xi1>, vector<16xf32>
      %parallel_loop3A_260 = arith.cmpf ogt, %parallel_loop3A_249, %mul3A_90 : vector<16xf32>
      %parallel_loop3A_261 = arith.select %parallel_loop3A_260, %parallel_loop3A_257, %parallel_loop3A_255 : vector<16xi1>, vector<16xf32>
      %parallel_loop3A_262 = arith.cmpf ogt, %parallel_loop3A_249, %mul3A_80 : vector<16xf32>
      %parallel_loop3A_263 = arith.select %parallel_loop3A_262, %parallel_loop3A_261, %parallel_loop3A_259 : vector<16xi1>, vector<16xf32>
      %parallel_loop3A_264 = tpu.bitcast %parallel_loop3A_248 : vector<16xf32> -> vector<16xi32>
      %parallel_loop3A_265 = arith.constant -2147483648 : i32
      %parallel_loop3A_266 = vector.broadcast %parallel_loop3A_265 : i32 to vector<16xi32>
      %parallel_loop3A_267 = arith.andi %parallel_loop3A_264, %parallel_loop3A_266 : vector<16xi32>
      %parallel_loop3A_268 = arith.constant 1065353216 : i32
      %parallel_loop3A_269 = vector.broadcast %parallel_loop3A_268 : i32 to vector<16xi32>
      %parallel_loop3A_270 = arith.ori %parallel_loop3A_269, %parallel_loop3A_267 : vector<16xi32>
      %parallel_loop3A_271 = tpu.bitcast %parallel_loop3A_270 : vector<16xi32> -> vector<16xf32>
      %parallel_loop3A_272 = math.absf %parallel_loop3A_248 : vector<16xf32>
      %parallel_loop3A_273 = arith.constant 0.000000e+00 : f32
      %parallel_loop3A_274 = vector.broadcast %parallel_loop3A_273 : f32 to vector<16xf32>
      %parallel_loop3A_275 = arith.cmpf ogt, %parallel_loop3A_272, %parallel_loop3A_274 : vector<16xf32>
      %parallel_loop3A_276 = arith.select %parallel_loop3A_275, %parallel_loop3A_271, %parallel_loop3A_248 : vector<16xi1>, vector<16xf32>
      %parallel_loop3A_277 = arith.mulf %parallel_loop3A_276, %parallel_loop3A_196 : vector<16xf32>
      %parallel_loop3A_278 = arith.mulf %parallel_loop3A_263, %parallel_loop3A_277 : vector<16xf32>
      %parallel_loop3A_279 = arith.index_cast %parallel_loop3A_241 : i32 to index
      %parallel_loop3A_280 = tpu.vector_load %arg9[%parallel_loop3A_279] {strides = array<i32>} : memref<27648xf32, #tpu.memory_space<vmem>>, vector<16xf32>,
      %parallel_loop3A_281 = vector.shape_cast %parallel_loop3A_280 : vector<16xf32> to vector<16xf32>
      %parallel_loop3A_282 = vector.shape_cast %parallel_loop3A_278 : vector<16xf32> to vector<16xf32>
      tpu.vector_store %arg9[%parallel_loop3A_279], %parallel_loop3A_282 {strides = array<i32>} : memref<27648xf32, #tpu.memory_space<vmem>>, vector<16xf32>,
      %parallel_loop3A_283 = arith.constant 32 : i32
      %parallel_loop3A_284 = arith.addi %parallel_loop3A_185, %parallel_loop3A_283 : i32
      %parallel_loop3A_285 = arith.index_cast %parallel_loop3A_284 : i32 to index
      %parallel_loop3A_286 = tpu.vector_load %arg7[%parallel_loop3A_285] {strides = array<i32>} : memref<27648xf32, #tpu.memory_space<vmem>>, vector<16xf32>,
      %parallel_loop3A_287 = vector.shape_cast %parallel_loop3A_286 : vector<16xf32> to vector<16xf32>
      %parallel_loop3A_288 = arith.index_cast %parallel_loop3A_284 : i32 to index
      %parallel_loop3A_289 = tpu.vector_load %arg9[%parallel_loop3A_288] {strides = array<i32>} : memref<27648xf32, #tpu.memory_space<vmem>>, vector<16xf32>,
      %parallel_loop3A_290 = vector.shape_cast %parallel_loop3A_289 : vector<16xf32> to vector<16xf32>
      %parallel_loop3A_291 = arith.mulf %parallel_loop3A_287, %parallel_loop3A_290 : vector<16xf32>
      %parallel_loop3A_292 = math.absf %parallel_loop3A_291 : vector<16xf32>
      %parallel_loop3A_293 = arith.cmpf ogt, %parallel_loop3A_292, %mul3A_65 : vector<16xf32>
      %parallel_loop3A_294 = arith.select %parallel_loop3A_293, %mul3A_36, %mul3A_32 : vector<16xi1>, vector<16xf32>
      %parallel_loop3A_295 = arith.cmpf ogt, %parallel_loop3A_292, %mul3A_75 : vector<16xf32>
      %parallel_loop3A_296 = arith.select %parallel_loop3A_295, %mul3A_44, %mul3A_40 : vector<16xi1>, vector<16xf32>
      %parallel_loop3A_297 = arith.cmpf ogt, %parallel_loop3A_292, %mul3A_85 : vector<16xf32>
      %parallel_loop3A_298 = arith.select %parallel_loop3A_297, %mul3A_52, %mul3A_48 : vector<16xi1>, vector<16xf32>
      %parallel_loop3A_299 = arith.cmpf ogt, %parallel_loop3A_292, %mul3A_95 : vector<16xf32>
      %parallel_loop3A_300 = arith.select %parallel_loop3A_299, %mul3A_60, %mul3A_56 : vector<16xi1>, vector<16xf32>
      %parallel_loop3A_301 = arith.cmpf ogt, %parallel_loop3A_292, %mul3A_70 : vector<16xf32>
      %parallel_loop3A_302 = arith.select %parallel_loop3A_301, %parallel_loop3A_296, %parallel_loop3A_294 : vector<16xi1>, vector<16xf32>
      %parallel_loop3A_303 = arith.cmpf ogt, %parallel_loop3A_292, %mul3A_90 : vector<16xf32>
      %parallel_loop3A_304 = arith.select %parallel_loop3A_303, %parallel_loop3A_300, %parallel_loop3A_298 : vector<16xi1>, vector<16xf32>
      %parallel_loop3A_305 = arith.cmpf ogt, %parallel_loop3A_292, %mul3A_80 : vector<16xf32>
      %parallel_loop3A_306 = arith.select %parallel_loop3A_305, %parallel_loop3A_304, %parallel_loop3A_302 : vector<16xi1>, vector<16xf32>
      %parallel_loop3A_307 = tpu.bitcast %parallel_loop3A_291 : vector<16xf32> -> vector<16xi32>
      %parallel_loop3A_308 = arith.constant -2147483648 : i32
      %parallel_loop3A_309 = vector.broadcast %parallel_loop3A_308 : i32 to vector<16xi32>
      %parallel_loop3A_310 = arith.andi %parallel_loop3A_307, %parallel_loop3A_309 : vector<16xi32>
      %parallel_loop3A_311 = arith.constant 1065353216 : i32
      %parallel_loop3A_312 = vector.broadcast %parallel_loop3A_311 : i32 to vector<16xi32>
      %parallel_loop3A_313 = arith.ori %parallel_loop3A_312, %parallel_loop3A_310 : vector<16xi32>
      %parallel_loop3A_314 = tpu.bitcast %parallel_loop3A_313 : vector<16xi32> -> vector<16xf32>
      %parallel_loop3A_315 = math.absf %parallel_loop3A_291 : vector<16xf32>
      %parallel_loop3A_316 = arith.constant 0.000000e+00 : f32
      %parallel_loop3A_317 = vector.broadcast %parallel_loop3A_316 : f32 to vector<16xf32>
      %parallel_loop3A_318 = arith.cmpf ogt, %parallel_loop3A_315, %parallel_loop3A_317 : vector<16xf32>
      %parallel_loop3A_319 = arith.select %parallel_loop3A_318, %parallel_loop3A_314, %parallel_loop3A_291 : vector<16xi1>, vector<16xf32>
      %parallel_loop3A_320 = arith.mulf %parallel_loop3A_319, %parallel_loop3A_196 : vector<16xf32>
      %parallel_loop3A_321 = arith.mulf %parallel_loop3A_306, %parallel_loop3A_320 : vector<16xf32>
      %parallel_loop3A_322 = arith.index_cast %parallel_loop3A_284 : i32 to index
      %parallel_loop3A_323 = tpu.vector_load %arg9[%parallel_loop3A_322] {strides = array<i32>} : memref<27648xf32, #tpu.memory_space<vmem>>, vector<16xf32>,
      %parallel_loop3A_324 = vector.shape_cast %parallel_loop3A_323 : vector<16xf32> to vector<16xf32>
      %parallel_loop3A_325 = vector.shape_cast %parallel_loop3A_321 : vector<16xf32> to vector<16xf32>
      tpu.vector_store %arg9[%parallel_loop3A_322], %parallel_loop3A_325 {strides = array<i32>} : memref<27648xf32, #tpu.memory_space<vmem>>, vector<16xf32>,
      %parallel_loop3A_326 = arith.constant 48 : i32
      %parallel_loop3A_327 = arith.addi %parallel_loop3A_185, %parallel_loop3A_326 : i32
      %parallel_loop3A_328 = arith.index_cast %parallel_loop3A_327 : i32 to index
      %parallel_loop3A_329 = tpu.vector_load %arg7[%parallel_loop3A_328] {strides = array<i32>} : memref<27648xf32, #tpu.memory_space<vmem>>, vector<16xf32>,
      %parallel_loop3A_330 = vector.shape_cast %parallel_loop3A_329 : vector<16xf32> to vector<16xf32>
      %parallel_loop3A_331 = arith.index_cast %parallel_loop3A_327 : i32 to index
      %parallel_loop3A_332 = tpu.vector_load %arg9[%parallel_loop3A_331] {strides = array<i32>} : memref<27648xf32, #tpu.memory_space<vmem>>, vector<16xf32>,
      %parallel_loop3A_333 = vector.shape_cast %parallel_loop3A_332 : vector<16xf32> to vector<16xf32>
      %parallel_loop3A_334 = arith.mulf %parallel_loop3A_330, %parallel_loop3A_333 : vector<16xf32>
      %parallel_loop3A_335 = math.absf %parallel_loop3A_334 : vector<16xf32>
      %parallel_loop3A_336 = arith.cmpf ogt, %parallel_loop3A_335, %mul3A_65 : vector<16xf32>
      %parallel_loop3A_337 = arith.select %parallel_loop3A_336, %mul3A_36, %mul3A_32 : vector<16xi1>, vector<16xf32>
      %parallel_loop3A_338 = arith.cmpf ogt, %parallel_loop3A_335, %mul3A_75 : vector<16xf32>
      %parallel_loop3A_339 = arith.select %parallel_loop3A_338, %mul3A_44, %mul3A_40 : vector<16xi1>, vector<16xf32>
      %parallel_loop3A_340 = arith.cmpf ogt, %parallel_loop3A_335, %mul3A_85 : vector<16xf32>
      %parallel_loop3A_341 = arith.select %parallel_loop3A_340, %mul3A_52, %mul3A_48 : vector<16xi1>, vector<16xf32>
      %parallel_loop3A_342 = arith.cmpf ogt, %parallel_loop3A_335, %mul3A_95 : vector<16xf32>
      %parallel_loop3A_343 = arith.select %parallel_loop3A_342, %mul3A_60, %mul3A_56 : vector<16xi1>, vector<16xf32>
      %parallel_loop3A_344 = arith.cmpf ogt, %parallel_loop3A_335, %mul3A_70 : vector<16xf32>
      %parallel_loop3A_345 = arith.select %parallel_loop3A_344, %parallel_loop3A_339, %parallel_loop3A_337 : vector<16xi1>, vector<16xf32>
      %parallel_loop3A_346 = arith.cmpf ogt, %parallel_loop3A_335, %mul3A_90 : vector<16xf32>
      %parallel_loop3A_347 = arith.select %parallel_loop3A_346, %parallel_loop3A_343, %parallel_loop3A_341 : vector<16xi1>, vector<16xf32>
      %parallel_loop3A_348 = arith.cmpf ogt, %parallel_loop3A_335, %mul3A_80 : vector<16xf32>
      %parallel_loop3A_349 = arith.select %parallel_loop3A_348, %parallel_loop3A_347, %parallel_loop3A_345 : vector<16xi1>, vector<16xf32>
      %parallel_loop3A_350 = tpu.bitcast %parallel_loop3A_334 : vector<16xf32> -> vector<16xi32>
      %parallel_loop3A_351 = arith.constant -2147483648 : i32
      %parallel_loop3A_352 = vector.broadcast %parallel_loop3A_351 : i32 to vector<16xi32>
      %parallel_loop3A_353 = arith.andi %parallel_loop3A_350, %parallel_loop3A_352 : vector<16xi32>
      %parallel_loop3A_354 = arith.constant 1065353216 : i32
      %parallel_loop3A_355 = vector.broadcast %parallel_loop3A_354 : i32 to vector<16xi32>
      %parallel_loop3A_356 = arith.ori %parallel_loop3A_355, %parallel_loop3A_353 : vector<16xi32>
      %parallel_loop3A_357 = tpu.bitcast %parallel_loop3A_356 : vector<16xi32> -> vector<16xf32>
      %parallel_loop3A_358 = math.absf %parallel_loop3A_334 : vector<16xf32>
      %parallel_loop3A_359 = arith.constant 0.000000e+00 : f32
      %parallel_loop3A_360 = vector.broadcast %parallel_loop3A_359 : f32 to vector<16xf32>
      %parallel_loop3A_361 = arith.cmpf ogt, %parallel_loop3A_358, %parallel_loop3A_360 : vector<16xf32>
      %parallel_loop3A_362 = arith.select %parallel_loop3A_361, %parallel_loop3A_357, %parallel_loop3A_334 : vector<16xi1>, vector<16xf32>
      %parallel_loop3A_363 = arith.mulf %parallel_loop3A_362, %parallel_loop3A_196 : vector<16xf32>
      %parallel_loop3A_364 = arith.mulf %parallel_loop3A_349, %parallel_loop3A_363 : vector<16xf32>
      %parallel_loop3A_365 = arith.index_cast %parallel_loop3A_327 : i32 to index
      %parallel_loop3A_366 = tpu.vector_load %arg9[%parallel_loop3A_365] {strides = array<i32>} : memref<27648xf32, #tpu.memory_space<vmem>>, vector<16xf32>,
      %parallel_loop3A_367 = vector.shape_cast %parallel_loop3A_366 : vector<16xf32> to vector<16xf32>
      %parallel_loop3A_368 = vector.shape_cast %parallel_loop3A_364 : vector<16xf32> to vector<16xf32>
      tpu.vector_store %arg9[%parallel_loop3A_365], %parallel_loop3A_368 {strides = array<i32>} : memref<27648xf32, #tpu.memory_space<vmem>>, vector<16xf32>,
    } {sc.loop_unroll_factor = 1 : i64, sc.parallel_access}
    %parallel_loop3A_103 = arith.constant 0 : i32
    %parallel_loop3A_104 = arith.constant 144 : i32
    %parallel_loop3A_105 = arith.constant 1 : i32
    scf.for %parallel_loop3A_167 = %parallel_loop3A_103 to %parallel_loop3A_104 step %parallel_loop3A_105  : i32 {
      %parallel_loop3A_168 = arith.constant 1 : i32
      %parallel_loop3A_169 = arith.andi %parallel_loop3A_167, %parallel_loop3A_168 : i32
      %parallel_loop3A_170 = arith.constant 1 : i32
      %parallel_loop3A_171 = arith.shrsi %parallel_loop3A_167, %parallel_loop3A_170 : i32
      %parallel_loop3A_172 = arith.constant 7 : i32
      %parallel_loop3A_173 = arith.andi %parallel_loop3A_171, %parallel_loop3A_172 : i32
      %parallel_loop3A_174 = arith.constant 4 : i32
      %parallel_loop3A_175 = arith.shrsi %parallel_loop3A_167, %parallel_loop3A_174 : i32
      %parallel_loop3A_176 = arith.constant 3072 : i32
      %parallel_loop3A_177 = arith.muli %parallel_loop3A_175, %parallel_loop3A_176 : i32
      %parallel_loop3A_178 = arith.constant 1024 : i32
      %parallel_loop3A_179 = arith.addi %parallel_loop3A_177, %parallel_loop3A_178 : i32
      %parallel_loop3A_180 = arith.constant 128 : i32
      %parallel_loop3A_181 = arith.muli %parallel_loop3A_173, %parallel_loop3A_180 : i32
      %parallel_loop3A_182 = arith.addi %parallel_loop3A_179, %parallel_loop3A_181 : i32
      %parallel_loop3A_183 = arith.constant 64 : i32
      %parallel_loop3A_184 = arith.muli %parallel_loop3A_169, %parallel_loop3A_183 : i32
      %parallel_loop3A_185 = arith.addi %parallel_loop3A_182, %parallel_loop3A_184 : i32
      %parallel_loop3A_186 = arith.constant 128 : i32
      %parallel_loop3A_187 = arith.muli %parallel_loop3A_175, %parallel_loop3A_186 : i32
      %parallel_loop3A_188 = arith.constant 0 : i32
      %parallel_loop3A_189 = arith.addi %parallel_loop3A_188, %parallel_loop3A_187 : i32
      %parallel_loop3A_190 = arith.constant 16 : i32
      %parallel_loop3A_191 = arith.muli %parallel_loop3A_173, %parallel_loop3A_190 : i32
      %parallel_loop3A_192 = arith.addi %parallel_loop3A_189, %parallel_loop3A_191 : i32
      %parallel_loop3A_193 = arith.index_cast %parallel_loop3A_192 : i32 to index
      %parallel_loop3A_194 = tpu.vector_load %arg11[%parallel_loop3A_193] {strides = array<i32>} : memref<3456xf32, #tpu.memory_space<vmem>>, vector<16xf32>,
      %parallel_loop3A_195 = vector.shape_cast %parallel_loop3A_194 : vector<16xf32> to vector<16xf32>
      %parallel_loop3A_196 = arith.mulf %parallel_loop3A_195, %get3A_31 : vector<16xf32>
      %parallel_loop3A_197 = arith.constant 0 : i32
      %parallel_loop3A_198 = arith.addi %parallel_loop3A_185, %parallel_loop3A_197 : i32
      %parallel_loop3A_199 = arith.index_cast %parallel_loop3A_198 : i32 to index
      %parallel_loop3A_200 = tpu.vector_load %arg7[%parallel_loop3A_199] {strides = array<i32>} : memref<27648xf32, #tpu.memory_space<vmem>>, vector<16xf32>,
      %parallel_loop3A_201 = vector.shape_cast %parallel_loop3A_200 : vector<16xf32> to vector<16xf32>
      %parallel_loop3A_202 = arith.index_cast %parallel_loop3A_198 : i32 to index
      %parallel_loop3A_203 = tpu.vector_load %arg9[%parallel_loop3A_202] {strides = array<i32>} : memref<27648xf32, #tpu.memory_space<vmem>>, vector<16xf32>,
      %parallel_loop3A_204 = vector.shape_cast %parallel_loop3A_203 : vector<16xf32> to vector<16xf32>
      %parallel_loop3A_205 = arith.mulf %parallel_loop3A_201, %parallel_loop3A_204 : vector<16xf32>
      %parallel_loop3A_206 = math.absf %parallel_loop3A_205 : vector<16xf32>
      %parallel_loop3A_207 = arith.cmpf ogt, %parallel_loop3A_206, %mul3A_65 : vector<16xf32>
      %parallel_loop3A_208 = arith.select %parallel_loop3A_207, %mul3A_36, %mul3A_32 : vector<16xi1>, vector<16xf32>
      %parallel_loop3A_209 = arith.cmpf ogt, %parallel_loop3A_206, %mul3A_75 : vector<16xf32>
      %parallel_loop3A_210 = arith.select %parallel_loop3A_209, %mul3A_44, %mul3A_40 : vector<16xi1>, vector<16xf32>
      %parallel_loop3A_211 = arith.cmpf ogt, %parallel_loop3A_206, %mul3A_85 : vector<16xf32>
      %parallel_loop3A_212 = arith.select %parallel_loop3A_211, %mul3A_52, %mul3A_48 : vector<16xi1>, vector<16xf32>
      %parallel_loop3A_213 = arith.cmpf ogt, %parallel_loop3A_206, %mul3A_95 : vector<16xf32>
      %parallel_loop3A_214 = arith.select %parallel_loop3A_213, %mul3A_60, %mul3A_56 : vector<16xi1>, vector<16xf32>
      %parallel_loop3A_215 = arith.cmpf ogt, %parallel_loop3A_206, %mul3A_70 : vector<16xf32>
      %parallel_loop3A_216 = arith.select %parallel_loop3A_215, %parallel_loop3A_210, %parallel_loop3A_208 : vector<16xi1>, vector<16xf32>
      %parallel_loop3A_217 = arith.cmpf ogt, %parallel_loop3A_206, %mul3A_90 : vector<16xf32>
      %parallel_loop3A_218 = arith.select %parallel_loop3A_217, %parallel_loop3A_214, %parallel_loop3A_212 : vector<16xi1>, vector<16xf32>
      %parallel_loop3A_219 = arith.cmpf ogt, %parallel_loop3A_206, %mul3A_80 : vector<16xf32>
      %parallel_loop3A_220 = arith.select %parallel_loop3A_219, %parallel_loop3A_218, %parallel_loop3A_216 : vector<16xi1>, vector<16xf32>
      %parallel_loop3A_221 = tpu.bitcast %parallel_loop3A_205 : vector<16xf32> -> vector<16xi32>
      %parallel_loop3A_222 = arith.constant -2147483648 : i32
      %parallel_loop3A_223 = vector.broadcast %parallel_loop3A_222 : i32 to vector<16xi32>
      %parallel_loop3A_224 = arith.andi %parallel_loop3A_221, %parallel_loop3A_223 : vector<16xi32>
      %parallel_loop3A_225 = arith.constant 1065353216 : i32
      %parallel_loop3A_226 = vector.broadcast %parallel_loop3A_225 : i32 to vector<16xi32>
      %parallel_loop3A_227 = arith.ori %parallel_loop3A_226, %parallel_loop3A_224 : vector<16xi32>
      %parallel_loop3A_228 = tpu.bitcast %parallel_loop3A_227 : vector<16xi32> -> vector<16xf32>
      %parallel_loop3A_229 = math.absf %parallel_loop3A_205 : vector<16xf32>
      %parallel_loop3A_230 = arith.constant 0.000000e+00 : f32
      %parallel_loop3A_231 = vector.broadcast %parallel_loop3A_230 : f32 to vector<16xf32>
      %parallel_loop3A_232 = arith.cmpf ogt, %parallel_loop3A_229, %parallel_loop3A_231 : vector<16xf32>
      %parallel_loop3A_233 = arith.select %parallel_loop3A_232, %parallel_loop3A_228, %parallel_loop3A_205 : vector<16xi1>, vector<16xf32>
      %parallel_loop3A_234 = arith.mulf %parallel_loop3A_233, %parallel_loop3A_196 : vector<16xf32>
      %parallel_loop3A_235 = arith.mulf %parallel_loop3A_220, %parallel_loop3A_234 : vector<16xf32>
      %parallel_loop3A_236 = arith.index_cast %parallel_loop3A_198 : i32 to index
      %parallel_loop3A_237 = tpu.vector_load %arg9[%parallel_loop3A_236] {strides = array<i32>} : memref<27648xf32, #tpu.memory_space<vmem>>, vector<16xf32>,
      %parallel_loop3A_238 = vector.shape_cast %parallel_loop3A_237 : vector<16xf32> to vector<16xf32>
      %parallel_loop3A_239 = vector.shape_cast %parallel_loop3A_235 : vector<16xf32> to vector<16xf32>
      tpu.vector_store %arg9[%parallel_loop3A_236], %parallel_loop3A_239 {strides = array<i32>} : memref<27648xf32, #tpu.memory_space<vmem>>, vector<16xf32>,
      %parallel_loop3A_240 = arith.constant 16 : i32
      %parallel_loop3A_241 = arith.addi %parallel_loop3A_185, %parallel_loop3A_240 : i32
      %parallel_loop3A_242 = arith.index_cast %parallel_loop3A_241 : i32 to index
      %parallel_loop3A_243 = tpu.vector_load %arg7[%parallel_loop3A_242] {strides = array<i32>} : memref<27648xf32, #tpu.memory_space<vmem>>, vector<16xf32>,
      %parallel_loop3A_244 = vector.shape_cast %parallel_loop3A_243 : vector<16xf32> to vector<16xf32>
      %parallel_loop3A_245 = arith.index_cast %parallel_loop3A_241 : i32 to index
      %parallel_loop3A_246 = tpu.vector_load %arg9[%parallel_loop3A_245] {strides = array<i32>} : memref<27648xf32, #tpu.memory_space<vmem>>, vector<16xf32>,
      %parallel_loop3A_247 = vector.shape_cast %parallel_loop3A_246 : vector<16xf32> to vector<16xf32>
      %parallel_loop3A_248 = arith.mulf %parallel_loop3A_244, %parallel_loop3A_247 : vector<16xf32>
      %parallel_loop3A_249 = math.absf %parallel_loop3A_248 : vector<16xf32>
      %parallel_loop3A_250 = arith.cmpf ogt, %parallel_loop3A_249, %mul3A_65 : vector<16xf32>
      %parallel_loop3A_251 = arith.select %parallel_loop3A_250, %mul3A_36, %mul3A_32 : vector<16xi1>, vector<16xf32>
      %parallel_loop3A_252 = arith.cmpf ogt, %parallel_loop3A_249, %mul3A_75 : vector<16xf32>
      %parallel_loop3A_253 = arith.select %parallel_loop3A_252, %mul3A_44, %mul3A_40 : vector<16xi1>, vector<16xf32>
      %parallel_loop3A_254 = arith.cmpf ogt, %parallel_loop3A_249, %mul3A_85 : vector<16xf32>
      %parallel_loop3A_255 = arith.select %parallel_loop3A_254, %mul3A_52, %mul3A_48 : vector<16xi1>, vector<16xf32>
      %parallel_loop3A_256 = arith.cmpf ogt, %parallel_loop3A_249, %mul3A_95 : vector<16xf32>
      %parallel_loop3A_257 = arith.select %parallel_loop3A_256, %mul3A_60, %mul3A_56 : vector<16xi1>, vector<16xf32>
      %parallel_loop3A_258 = arith.cmpf ogt, %parallel_loop3A_249, %mul3A_70 : vector<16xf32>
      %parallel_loop3A_259 = arith.select %parallel_loop3A_258, %parallel_loop3A_253, %parallel_loop3A_251 : vector<16xi1>, vector<16xf32>
      %parallel_loop3A_260 = arith.cmpf ogt, %parallel_loop3A_249, %mul3A_90 : vector<16xf32>
      %parallel_loop3A_261 = arith.select %parallel_loop3A_260, %parallel_loop3A_257, %parallel_loop3A_255 : vector<16xi1>, vector<16xf32>
      %parallel_loop3A_262 = arith.cmpf ogt, %parallel_loop3A_249, %mul3A_80 : vector<16xf32>
      %parallel_loop3A_263 = arith.select %parallel_loop3A_262, %parallel_loop3A_261, %parallel_loop3A_259 : vector<16xi1>, vector<16xf32>
      %parallel_loop3A_264 = tpu.bitcast %parallel_loop3A_248 : vector<16xf32> -> vector<16xi32>
      %parallel_loop3A_265 = arith.constant -2147483648 : i32
      %parallel_loop3A_266 = vector.broadcast %parallel_loop3A_265 : i32 to vector<16xi32>
      %parallel_loop3A_267 = arith.andi %parallel_loop3A_264, %parallel_loop3A_266 : vector<16xi32>
      %parallel_loop3A_268 = arith.constant 1065353216 : i32
      %parallel_loop3A_269 = vector.broadcast %parallel_loop3A_268 : i32 to vector<16xi32>
      %parallel_loop3A_270 = arith.ori %parallel_loop3A_269, %parallel_loop3A_267 : vector<16xi32>
      %parallel_loop3A_271 = tpu.bitcast %parallel_loop3A_270 : vector<16xi32> -> vector<16xf32>
      %parallel_loop3A_272 = math.absf %parallel_loop3A_248 : vector<16xf32>
      %parallel_loop3A_273 = arith.constant 0.000000e+00 : f32
      %parallel_loop3A_274 = vector.broadcast %parallel_loop3A_273 : f32 to vector<16xf32>
      %parallel_loop3A_275 = arith.cmpf ogt, %parallel_loop3A_272, %parallel_loop3A_274 : vector<16xf32>
      %parallel_loop3A_276 = arith.select %parallel_loop3A_275, %parallel_loop3A_271, %parallel_loop3A_248 : vector<16xi1>, vector<16xf32>
      %parallel_loop3A_277 = arith.mulf %parallel_loop3A_276, %parallel_loop3A_196 : vector<16xf32>
      %parallel_loop3A_278 = arith.mulf %parallel_loop3A_263, %parallel_loop3A_277 : vector<16xf32>
      %parallel_loop3A_279 = arith.index_cast %parallel_loop3A_241 : i32 to index
      %parallel_loop3A_280 = tpu.vector_load %arg9[%parallel_loop3A_279] {strides = array<i32>} : memref<27648xf32, #tpu.memory_space<vmem>>, vector<16xf32>,
      %parallel_loop3A_281 = vector.shape_cast %parallel_loop3A_280 : vector<16xf32> to vector<16xf32>
      %parallel_loop3A_282 = vector.shape_cast %parallel_loop3A_278 : vector<16xf32> to vector<16xf32>
      tpu.vector_store %arg9[%parallel_loop3A_279], %parallel_loop3A_282 {strides = array<i32>} : memref<27648xf32, #tpu.memory_space<vmem>>, vector<16xf32>,
      %parallel_loop3A_283 = arith.constant 32 : i32
      %parallel_loop3A_284 = arith.addi %parallel_loop3A_185, %parallel_loop3A_283 : i32
      %parallel_loop3A_285 = arith.index_cast %parallel_loop3A_284 : i32 to index
      %parallel_loop3A_286 = tpu.vector_load %arg7[%parallel_loop3A_285] {strides = array<i32>} : memref<27648xf32, #tpu.memory_space<vmem>>, vector<16xf32>,
      %parallel_loop3A_287 = vector.shape_cast %parallel_loop3A_286 : vector<16xf32> to vector<16xf32>
      %parallel_loop3A_288 = arith.index_cast %parallel_loop3A_284 : i32 to index
      %parallel_loop3A_289 = tpu.vector_load %arg9[%parallel_loop3A_288] {strides = array<i32>} : memref<27648xf32, #tpu.memory_space<vmem>>, vector<16xf32>,
      %parallel_loop3A_290 = vector.shape_cast %parallel_loop3A_289 : vector<16xf32> to vector<16xf32>
      %parallel_loop3A_291 = arith.mulf %parallel_loop3A_287, %parallel_loop3A_290 : vector<16xf32>
      %parallel_loop3A_292 = math.absf %parallel_loop3A_291 : vector<16xf32>
      %parallel_loop3A_293 = arith.cmpf ogt, %parallel_loop3A_292, %mul3A_65 : vector<16xf32>
      %parallel_loop3A_294 = arith.select %parallel_loop3A_293, %mul3A_36, %mul3A_32 : vector<16xi1>, vector<16xf32>
      %parallel_loop3A_295 = arith.cmpf ogt, %parallel_loop3A_292, %mul3A_75 : vector<16xf32>
      %parallel_loop3A_296 = arith.select %parallel_loop3A_295, %mul3A_44, %mul3A_40 : vector<16xi1>, vector<16xf32>
      %parallel_loop3A_297 = arith.cmpf ogt, %parallel_loop3A_292, %mul3A_85 : vector<16xf32>
      %parallel_loop3A_298 = arith.select %parallel_loop3A_297, %mul3A_52, %mul3A_48 : vector<16xi1>, vector<16xf32>
      %parallel_loop3A_299 = arith.cmpf ogt, %parallel_loop3A_292, %mul3A_95 : vector<16xf32>
      %parallel_loop3A_300 = arith.select %parallel_loop3A_299, %mul3A_60, %mul3A_56 : vector<16xi1>, vector<16xf32>
      %parallel_loop3A_301 = arith.cmpf ogt, %parallel_loop3A_292, %mul3A_70 : vector<16xf32>
      %parallel_loop3A_302 = arith.select %parallel_loop3A_301, %parallel_loop3A_296, %parallel_loop3A_294 : vector<16xi1>, vector<16xf32>
      %parallel_loop3A_303 = arith.cmpf ogt, %parallel_loop3A_292, %mul3A_90 : vector<16xf32>
      %parallel_loop3A_304 = arith.select %parallel_loop3A_303, %parallel_loop3A_300, %parallel_loop3A_298 : vector<16xi1>, vector<16xf32>
      %parallel_loop3A_305 = arith.cmpf ogt, %parallel_loop3A_292, %mul3A_80 : vector<16xf32>
      %parallel_loop3A_306 = arith.select %parallel_loop3A_305, %parallel_loop3A_304, %parallel_loop3A_302 : vector<16xi1>, vector<16xf32>
      %parallel_loop3A_307 = tpu.bitcast %parallel_loop3A_291 : vector<16xf32> -> vector<16xi32>
      %parallel_loop3A_308 = arith.constant -2147483648 : i32
      %parallel_loop3A_309 = vector.broadcast %parallel_loop3A_308 : i32 to vector<16xi32>
      %parallel_loop3A_310 = arith.andi %parallel_loop3A_307, %parallel_loop3A_309 : vector<16xi32>
      %parallel_loop3A_311 = arith.constant 1065353216 : i32
      %parallel_loop3A_312 = vector.broadcast %parallel_loop3A_311 : i32 to vector<16xi32>
      %parallel_loop3A_313 = arith.ori %parallel_loop3A_312, %parallel_loop3A_310 : vector<16xi32>
      %parallel_loop3A_314 = tpu.bitcast %parallel_loop3A_313 : vector<16xi32> -> vector<16xf32>
      %parallel_loop3A_315 = math.absf %parallel_loop3A_291 : vector<16xf32>
      %parallel_loop3A_316 = arith.constant 0.000000e+00 : f32
      %parallel_loop3A_317 = vector.broadcast %parallel_loop3A_316 : f32 to vector<16xf32>
      %parallel_loop3A_318 = arith.cmpf ogt, %parallel_loop3A_315, %parallel_loop3A_317 : vector<16xf32>
      %parallel_loop3A_319 = arith.select %parallel_loop3A_318, %parallel_loop3A_314, %parallel_loop3A_291 : vector<16xi1>, vector<16xf32>
      %parallel_loop3A_320 = arith.mulf %parallel_loop3A_319, %parallel_loop3A_196 : vector<16xf32>
      %parallel_loop3A_321 = arith.mulf %parallel_loop3A_306, %parallel_loop3A_320 : vector<16xf32>
      %parallel_loop3A_322 = arith.index_cast %parallel_loop3A_284 : i32 to index
      %parallel_loop3A_323 = tpu.vector_load %arg9[%parallel_loop3A_322] {strides = array<i32>} : memref<27648xf32, #tpu.memory_space<vmem>>, vector<16xf32>,
      %parallel_loop3A_324 = vector.shape_cast %parallel_loop3A_323 : vector<16xf32> to vector<16xf32>
      %parallel_loop3A_325 = vector.shape_cast %parallel_loop3A_321 : vector<16xf32> to vector<16xf32>
      tpu.vector_store %arg9[%parallel_loop3A_322], %parallel_loop3A_325 {strides = array<i32>} : memref<27648xf32, #tpu.memory_space<vmem>>, vector<16xf32>,
      %parallel_loop3A_326 = arith.constant 48 : i32
      %parallel_loop3A_327 = arith.addi %parallel_loop3A_185, %parallel_loop3A_326 : i32
      %parallel_loop3A_328 = arith.index_cast %parallel_loop3A_327 : i32 to index
      %parallel_loop3A_329 = tpu.vector_load %arg7[%parallel_loop3A_328] {strides = array<i32>} : memref<27648xf32, #tpu.memory_space<vmem>>, vector<16xf32>,
      %parallel_loop3A_330 = vector.shape_cast %parallel_loop3A_329 : vector<16xf32> to vector<16xf32>
      %parallel_loop3A_331 = arith.index_cast %parallel_loop3A_327 : i32 to index
      %parallel_loop3A_332 = tpu.vector_load %arg9[%parallel_loop3A_331] {strides = array<i32>} : memref<27648xf32, #tpu.memory_space<vmem>>, vector<16xf32>,
      %parallel_loop3A_333 = vector.shape_cast %parallel_loop3A_332 : vector<16xf32> to vector<16xf32>
      %parallel_loop3A_334 = arith.mulf %parallel_loop3A_330, %parallel_loop3A_333 : vector<16xf32>
      %parallel_loop3A_335 = math.absf %parallel_loop3A_334 : vector<16xf32>
      %parallel_loop3A_336 = arith.cmpf ogt, %parallel_loop3A_335, %mul3A_65 : vector<16xf32>
      %parallel_loop3A_337 = arith.select %parallel_loop3A_336, %mul3A_36, %mul3A_32 : vector<16xi1>, vector<16xf32>
      %parallel_loop3A_338 = arith.cmpf ogt, %parallel_loop3A_335, %mul3A_75 : vector<16xf32>
      %parallel_loop3A_339 = arith.select %parallel_loop3A_338, %mul3A_44, %mul3A_40 : vector<16xi1>, vector<16xf32>
      %parallel_loop3A_340 = arith.cmpf ogt, %parallel_loop3A_335, %mul3A_85 : vector<16xf32>
      %parallel_loop3A_341 = arith.select %parallel_loop3A_340, %mul3A_52, %mul3A_48 : vector<16xi1>, vector<16xf32>
      %parallel_loop3A_342 = arith.cmpf ogt, %parallel_loop3A_335, %mul3A_95 : vector<16xf32>
      %parallel_loop3A_343 = arith.select %parallel_loop3A_342, %mul3A_60, %mul3A_56 : vector<16xi1>, vector<16xf32>
      %parallel_loop3A_344 = arith.cmpf ogt, %parallel_loop3A_335, %mul3A_70 : vector<16xf32>
      %parallel_loop3A_345 = arith.select %parallel_loop3A_344, %parallel_loop3A_339, %parallel_loop3A_337 : vector<16xi1>, vector<16xf32>
      %parallel_loop3A_346 = arith.cmpf ogt, %parallel_loop3A_335, %mul3A_90 : vector<16xf32>
      %parallel_loop3A_347 = arith.select %parallel_loop3A_346, %parallel_loop3A_343, %parallel_loop3A_341 : vector<16xi1>, vector<16xf32>
      %parallel_loop3A_348 = arith.cmpf ogt, %parallel_loop3A_335, %mul3A_80 : vector<16xf32>
      %parallel_loop3A_349 = arith.select %parallel_loop3A_348, %parallel_loop3A_347, %parallel_loop3A_345 : vector<16xi1>, vector<16xf32>
      %parallel_loop3A_350 = tpu.bitcast %parallel_loop3A_334 : vector<16xf32> -> vector<16xi32>
      %parallel_loop3A_351 = arith.constant -2147483648 : i32
      %parallel_loop3A_352 = vector.broadcast %parallel_loop3A_351 : i32 to vector<16xi32>
      %parallel_loop3A_353 = arith.andi %parallel_loop3A_350, %parallel_loop3A_352 : vector<16xi32>
      %parallel_loop3A_354 = arith.constant 1065353216 : i32
      %parallel_loop3A_355 = vector.broadcast %parallel_loop3A_354 : i32 to vector<16xi32>
      %parallel_loop3A_356 = arith.ori %parallel_loop3A_355, %parallel_loop3A_353 : vector<16xi32>
      %parallel_loop3A_357 = tpu.bitcast %parallel_loop3A_356 : vector<16xi32> -> vector<16xf32>
      %parallel_loop3A_358 = math.absf %parallel_loop3A_334 : vector<16xf32>
      %parallel_loop3A_359 = arith.constant 0.000000e+00 : f32
      %parallel_loop3A_360 = vector.broadcast %parallel_loop3A_359 : f32 to vector<16xf32>
      %parallel_loop3A_361 = arith.cmpf ogt, %parallel_loop3A_358, %parallel_loop3A_360 : vector<16xf32>
      %parallel_loop3A_362 = arith.select %parallel_loop3A_361, %parallel_loop3A_357, %parallel_loop3A_334 : vector<16xi1>, vector<16xf32>
      %parallel_loop3A_363 = arith.mulf %parallel_loop3A_362, %parallel_loop3A_196 : vector<16xf32>
      %parallel_loop3A_364 = arith.mulf %parallel_loop3A_349, %parallel_loop3A_363 : vector<16xf32>
      %parallel_loop3A_365 = arith.index_cast %parallel_loop3A_327 : i32 to index
      %parallel_loop3A_366 = tpu.vector_load %arg9[%parallel_loop3A_365] {strides = array<i32>} : memref<27648xf32, #tpu.memory_space<vmem>>, vector<16xf32>,
      %parallel_loop3A_367 = vector.shape_cast %parallel_loop3A_366 : vector<16xf32> to vector<16xf32>
      %parallel_loop3A_368 = vector.shape_cast %parallel_loop3A_364 : vector<16xf32> to vector<16xf32>
      tpu.vector_store %arg9[%parallel_loop3A_365], %parallel_loop3A_368 {strides = array<i32>} : memref<27648xf32, #tpu.memory_space<vmem>>, vector<16xf32>,
    } {sc.loop_unroll_factor = 1 : i64, sc.parallel_access}
    %parallel_loop3A_106 = arith.constant 0 : i32
    %parallel_loop3A_107 = arith.constant 144 : i32
    %parallel_loop3A_108 = arith.constant 1 : i32
    scf.for %parallel_loop3A_167 = %parallel_loop3A_106 to %parallel_loop3A_107 step %parallel_loop3A_108  : i32 {
      %parallel_loop3A_168 = arith.constant 1 : i32
      %parallel_loop3A_169 = arith.andi %parallel_loop3A_167, %parallel_loop3A_168 : i32
      %parallel_loop3A_170 = arith.constant 1 : i32
      %parallel_loop3A_171 = arith.shrsi %parallel_loop3A_167, %parallel_loop3A_170 : i32
      %parallel_loop3A_172 = arith.constant 7 : i32
      %parallel_loop3A_173 = arith.andi %parallel_loop3A_171, %parallel_loop3A_172 : i32
      %parallel_loop3A_174 = arith.constant 4 : i32
      %parallel_loop3A_175 = arith.shrsi %parallel_loop3A_167, %parallel_loop3A_174 : i32
      %parallel_loop3A_176 = arith.constant 3072 : i32
      %parallel_loop3A_177 = arith.muli %parallel_loop3A_175, %parallel_loop3A_176 : i32
      %parallel_loop3A_178 = arith.constant 2048 : i32
      %parallel_loop3A_179 = arith.addi %parallel_loop3A_177, %parallel_loop3A_178 : i32
      %parallel_loop3A_180 = arith.constant 128 : i32
      %parallel_loop3A_181 = arith.muli %parallel_loop3A_173, %parallel_loop3A_180 : i32
      %parallel_loop3A_182 = arith.addi %parallel_loop3A_179, %parallel_loop3A_181 : i32
      %parallel_loop3A_183 = arith.constant 64 : i32
      %parallel_loop3A_184 = arith.muli %parallel_loop3A_169, %parallel_loop3A_183 : i32
      %parallel_loop3A_185 = arith.addi %parallel_loop3A_182, %parallel_loop3A_184 : i32
      %parallel_loop3A_186 = arith.constant 128 : i32
      %parallel_loop3A_187 = arith.muli %parallel_loop3A_175, %parallel_loop3A_186 : i32
      %parallel_loop3A_188 = arith.constant 0 : i32
      %parallel_loop3A_189 = arith.addi %parallel_loop3A_188, %parallel_loop3A_187 : i32
      %parallel_loop3A_190 = arith.constant 16 : i32
      %parallel_loop3A_191 = arith.muli %parallel_loop3A_173, %parallel_loop3A_190 : i32
      %parallel_loop3A_192 = arith.addi %parallel_loop3A_189, %parallel_loop3A_191 : i32
      %parallel_loop3A_193 = arith.index_cast %parallel_loop3A_192 : i32 to index
      %parallel_loop3A_194 = tpu.vector_load %arg11[%parallel_loop3A_193] {strides = array<i32>} : memref<3456xf32, #tpu.memory_space<vmem>>, vector<16xf32>,
      %parallel_loop3A_195 = vector.shape_cast %parallel_loop3A_194 : vector<16xf32> to vector<16xf32>
      %parallel_loop3A_196 = arith.mulf %parallel_loop3A_195, %get3A_31 : vector<16xf32>
      %parallel_loop3A_197 = arith.constant 0 : i32
      %parallel_loop3A_198 = arith.addi %parallel_loop3A_185, %parallel_loop3A_197 : i32
      %parallel_loop3A_199 = arith.index_cast %parallel_loop3A_198 : i32 to index
      %parallel_loop3A_200 = tpu.vector_load %arg7[%parallel_loop3A_199] {strides = array<i32>} : memref<27648xf32, #tpu.memory_space<vmem>>, vector<16xf32>,
      %parallel_loop3A_201 = vector.shape_cast %parallel_loop3A_200 : vector<16xf32> to vector<16xf32>
      %parallel_loop3A_202 = arith.index_cast %parallel_loop3A_198 : i32 to index
      %parallel_loop3A_203 = tpu.vector_load %arg9[%parallel_loop3A_202] {strides = array<i32>} : memref<27648xf32, #tpu.memory_space<vmem>>, vector<16xf32>,
      %parallel_loop3A_204 = vector.shape_cast %parallel_loop3A_203 : vector<16xf32> to vector<16xf32>
      %parallel_loop3A_205 = arith.mulf %parallel_loop3A_201, %parallel_loop3A_204 : vector<16xf32>
      %parallel_loop3A_206 = math.absf %parallel_loop3A_205 : vector<16xf32>
      %parallel_loop3A_207 = arith.cmpf ogt, %parallel_loop3A_206, %mul3A_65 : vector<16xf32>
      %parallel_loop3A_208 = arith.select %parallel_loop3A_207, %mul3A_36, %mul3A_32 : vector<16xi1>, vector<16xf32>
      %parallel_loop3A_209 = arith.cmpf ogt, %parallel_loop3A_206, %mul3A_75 : vector<16xf32>
      %parallel_loop3A_210 = arith.select %parallel_loop3A_209, %mul3A_44, %mul3A_40 : vector<16xi1>, vector<16xf32>
      %parallel_loop3A_211 = arith.cmpf ogt, %parallel_loop3A_206, %mul3A_85 : vector<16xf32>
      %parallel_loop3A_212 = arith.select %parallel_loop3A_211, %mul3A_52, %mul3A_48 : vector<16xi1>, vector<16xf32>
      %parallel_loop3A_213 = arith.cmpf ogt, %parallel_loop3A_206, %mul3A_95 : vector<16xf32>
      %parallel_loop3A_214 = arith.select %parallel_loop3A_213, %mul3A_60, %mul3A_56 : vector<16xi1>, vector<16xf32>
      %parallel_loop3A_215 = arith.cmpf ogt, %parallel_loop3A_206, %mul3A_70 : vector<16xf32>
      %parallel_loop3A_216 = arith.select %parallel_loop3A_215, %parallel_loop3A_210, %parallel_loop3A_208 : vector<16xi1>, vector<16xf32>
      %parallel_loop3A_217 = arith.cmpf ogt, %parallel_loop3A_206, %mul3A_90 : vector<16xf32>
      %parallel_loop3A_218 = arith.select %parallel_loop3A_217, %parallel_loop3A_214, %parallel_loop3A_212 : vector<16xi1>, vector<16xf32>
      %parallel_loop3A_219 = arith.cmpf ogt, %parallel_loop3A_206, %mul3A_80 : vector<16xf32>
      %parallel_loop3A_220 = arith.select %parallel_loop3A_219, %parallel_loop3A_218, %parallel_loop3A_216 : vector<16xi1>, vector<16xf32>
      %parallel_loop3A_221 = tpu.bitcast %parallel_loop3A_205 : vector<16xf32> -> vector<16xi32>
      %parallel_loop3A_222 = arith.constant -2147483648 : i32
      %parallel_loop3A_223 = vector.broadcast %parallel_loop3A_222 : i32 to vector<16xi32>
      %parallel_loop3A_224 = arith.andi %parallel_loop3A_221, %parallel_loop3A_223 : vector<16xi32>
      %parallel_loop3A_225 = arith.constant 1065353216 : i32
      %parallel_loop3A_226 = vector.broadcast %parallel_loop3A_225 : i32 to vector<16xi32>
      %parallel_loop3A_227 = arith.ori %parallel_loop3A_226, %parallel_loop3A_224 : vector<16xi32>
      %parallel_loop3A_228 = tpu.bitcast %parallel_loop3A_227 : vector<16xi32> -> vector<16xf32>
      %parallel_loop3A_229 = math.absf %parallel_loop3A_205 : vector<16xf32>
      %parallel_loop3A_230 = arith.constant 0.000000e+00 : f32
      %parallel_loop3A_231 = vector.broadcast %parallel_loop3A_230 : f32 to vector<16xf32>
      %parallel_loop3A_232 = arith.cmpf ogt, %parallel_loop3A_229, %parallel_loop3A_231 : vector<16xf32>
      %parallel_loop3A_233 = arith.select %parallel_loop3A_232, %parallel_loop3A_228, %parallel_loop3A_205 : vector<16xi1>, vector<16xf32>
      %parallel_loop3A_234 = arith.mulf %parallel_loop3A_233, %parallel_loop3A_196 : vector<16xf32>
      %parallel_loop3A_235 = arith.mulf %parallel_loop3A_220, %parallel_loop3A_234 : vector<16xf32>
      %parallel_loop3A_236 = arith.index_cast %parallel_loop3A_198 : i32 to index
      %parallel_loop3A_237 = tpu.vector_load %arg9[%parallel_loop3A_236] {strides = array<i32>} : memref<27648xf32, #tpu.memory_space<vmem>>, vector<16xf32>,
      %parallel_loop3A_238 = vector.shape_cast %parallel_loop3A_237 : vector<16xf32> to vector<16xf32>
      %parallel_loop3A_239 = vector.shape_cast %parallel_loop3A_235 : vector<16xf32> to vector<16xf32>
      tpu.vector_store %arg9[%parallel_loop3A_236], %parallel_loop3A_239 {strides = array<i32>} : memref<27648xf32, #tpu.memory_space<vmem>>, vector<16xf32>,
      %parallel_loop3A_240 = arith.constant 16 : i32
      %parallel_loop3A_241 = arith.addi %parallel_loop3A_185, %parallel_loop3A_240 : i32
      %parallel_loop3A_242 = arith.index_cast %parallel_loop3A_241 : i32 to index
      %parallel_loop3A_243 = tpu.vector_load %arg7[%parallel_loop3A_242] {strides = array<i32>} : memref<27648xf32, #tpu.memory_space<vmem>>, vector<16xf32>,
      %parallel_loop3A_244 = vector.shape_cast %parallel_loop3A_243 : vector<16xf32> to vector<16xf32>
      %parallel_loop3A_245 = arith.index_cast %parallel_loop3A_241 : i32 to index
      %parallel_loop3A_246 = tpu.vector_load %arg9[%parallel_loop3A_245] {strides = array<i32>} : memref<27648xf32, #tpu.memory_space<vmem>>, vector<16xf32>,
      %parallel_loop3A_247 = vector.shape_cast %parallel_loop3A_246 : vector<16xf32> to vector<16xf32>
      %parallel_loop3A_248 = arith.mulf %parallel_loop3A_244, %parallel_loop3A_247 : vector<16xf32>
      %parallel_loop3A_249 = math.absf %parallel_loop3A_248 : vector<16xf32>
      %parallel_loop3A_250 = arith.cmpf ogt, %parallel_loop3A_249, %mul3A_65 : vector<16xf32>
      %parallel_loop3A_251 = arith.select %parallel_loop3A_250, %mul3A_36, %mul3A_32 : vector<16xi1>, vector<16xf32>
      %parallel_loop3A_252 = arith.cmpf ogt, %parallel_loop3A_249, %mul3A_75 : vector<16xf32>
      %parallel_loop3A_253 = arith.select %parallel_loop3A_252, %mul3A_44, %mul3A_40 : vector<16xi1>, vector<16xf32>
      %parallel_loop3A_254 = arith.cmpf ogt, %parallel_loop3A_249, %mul3A_85 : vector<16xf32>
      %parallel_loop3A_255 = arith.select %parallel_loop3A_254, %mul3A_52, %mul3A_48 : vector<16xi1>, vector<16xf32>
      %parallel_loop3A_256 = arith.cmpf ogt, %parallel_loop3A_249, %mul3A_95 : vector<16xf32>
      %parallel_loop3A_257 = arith.select %parallel_loop3A_256, %mul3A_60, %mul3A_56 : vector<16xi1>, vector<16xf32>
      %parallel_loop3A_258 = arith.cmpf ogt, %parallel_loop3A_249, %mul3A_70 : vector<16xf32>
      %parallel_loop3A_259 = arith.select %parallel_loop3A_258, %parallel_loop3A_253, %parallel_loop3A_251 : vector<16xi1>, vector<16xf32>
      %parallel_loop3A_260 = arith.cmpf ogt, %parallel_loop3A_249, %mul3A_90 : vector<16xf32>
      %parallel_loop3A_261 = arith.select %parallel_loop3A_260, %parallel_loop3A_257, %parallel_loop3A_255 : vector<16xi1>, vector<16xf32>
      %parallel_loop3A_262 = arith.cmpf ogt, %parallel_loop3A_249, %mul3A_80 : vector<16xf32>
      %parallel_loop3A_263 = arith.select %parallel_loop3A_262, %parallel_loop3A_261, %parallel_loop3A_259 : vector<16xi1>, vector<16xf32>
      %parallel_loop3A_264 = tpu.bitcast %parallel_loop3A_248 : vector<16xf32> -> vector<16xi32>
      %parallel_loop3A_265 = arith.constant -2147483648 : i32
      %parallel_loop3A_266 = vector.broadcast %parallel_loop3A_265 : i32 to vector<16xi32>
      %parallel_loop3A_267 = arith.andi %parallel_loop3A_264, %parallel_loop3A_266 : vector<16xi32>
      %parallel_loop3A_268 = arith.constant 1065353216 : i32
      %parallel_loop3A_269 = vector.broadcast %parallel_loop3A_268 : i32 to vector<16xi32>
      %parallel_loop3A_270 = arith.ori %parallel_loop3A_269, %parallel_loop3A_267 : vector<16xi32>
      %parallel_loop3A_271 = tpu.bitcast %parallel_loop3A_270 : vector<16xi32> -> vector<16xf32>
      %parallel_loop3A_272 = math.absf %parallel_loop3A_248 : vector<16xf32>
      %parallel_loop3A_273 = arith.constant 0.000000e+00 : f32
      %parallel_loop3A_274 = vector.broadcast %parallel_loop3A_273 : f32 to vector<16xf32>
      %parallel_loop3A_275 = arith.cmpf ogt, %parallel_loop3A_272, %parallel_loop3A_274 : vector<16xf32>
      %parallel_loop3A_276 = arith.select %parallel_loop3A_275, %parallel_loop3A_271, %parallel_loop3A_248 : vector<16xi1>, vector<16xf32>
      %parallel_loop3A_277 = arith.mulf %parallel_loop3A_276, %parallel_loop3A_196 : vector<16xf32>
      %parallel_loop3A_278 = arith.mulf %parallel_loop3A_263, %parallel_loop3A_277 : vector<16xf32>
      %parallel_loop3A_279 = arith.index_cast %parallel_loop3A_241 : i32 to index
      %parallel_loop3A_280 = tpu.vector_load %arg9[%parallel_loop3A_279] {strides = array<i32>} : memref<27648xf32, #tpu.memory_space<vmem>>, vector<16xf32>,
      %parallel_loop3A_281 = vector.shape_cast %parallel_loop3A_280 : vector<16xf32> to vector<16xf32>
      %parallel_loop3A_282 = vector.shape_cast %parallel_loop3A_278 : vector<16xf32> to vector<16xf32>
      tpu.vector_store %arg9[%parallel_loop3A_279], %parallel_loop3A_282 {strides = array<i32>} : memref<27648xf32, #tpu.memory_space<vmem>>, vector<16xf32>,
      %parallel_loop3A_283 = arith.constant 32 : i32
      %parallel_loop3A_284 = arith.addi %parallel_loop3A_185, %parallel_loop3A_283 : i32
      %parallel_loop3A_285 = arith.index_cast %parallel_loop3A_284 : i32 to index
      %parallel_loop3A_286 = tpu.vector_load %arg7[%parallel_loop3A_285] {strides = array<i32>} : memref<27648xf32, #tpu.memory_space<vmem>>, vector<16xf32>,
      %parallel_loop3A_287 = vector.shape_cast %parallel_loop3A_286 : vector<16xf32> to vector<16xf32>
      %parallel_loop3A_288 = arith.index_cast %parallel_loop3A_284 : i32 to index
      %parallel_loop3A_289 = tpu.vector_load %arg9[%parallel_loop3A_288] {strides = array<i32>} : memref<27648xf32, #tpu.memory_space<vmem>>, vector<16xf32>,
      %parallel_loop3A_290 = vector.shape_cast %parallel_loop3A_289 : vector<16xf32> to vector<16xf32>
      %parallel_loop3A_291 = arith.mulf %parallel_loop3A_287, %parallel_loop3A_290 : vector<16xf32>
      %parallel_loop3A_292 = math.absf %parallel_loop3A_291 : vector<16xf32>
      %parallel_loop3A_293 = arith.cmpf ogt, %parallel_loop3A_292, %mul3A_65 : vector<16xf32>
      %parallel_loop3A_294 = arith.select %parallel_loop3A_293, %mul3A_36, %mul3A_32 : vector<16xi1>, vector<16xf32>
      %parallel_loop3A_295 = arith.cmpf ogt, %parallel_loop3A_292, %mul3A_75 : vector<16xf32>
      %parallel_loop3A_296 = arith.select %parallel_loop3A_295, %mul3A_44, %mul3A_40 : vector<16xi1>, vector<16xf32>
      %parallel_loop3A_297 = arith.cmpf ogt, %parallel_loop3A_292, %mul3A_85 : vector<16xf32>
      %parallel_loop3A_298 = arith.select %parallel_loop3A_297, %mul3A_52, %mul3A_48 : vector<16xi1>, vector<16xf32>
      %parallel_loop3A_299 = arith.cmpf ogt, %parallel_loop3A_292, %mul3A_95 : vector<16xf32>
      %parallel_loop3A_300 = arith.select %parallel_loop3A_299, %mul3A_60, %mul3A_56 : vector<16xi1>, vector<16xf32>
      %parallel_loop3A_301 = arith.cmpf ogt, %parallel_loop3A_292, %mul3A_70 : vector<16xf32>
      %parallel_loop3A_302 = arith.select %parallel_loop3A_301, %parallel_loop3A_296, %parallel_loop3A_294 : vector<16xi1>, vector<16xf32>
      %parallel_loop3A_303 = arith.cmpf ogt, %parallel_loop3A_292, %mul3A_90 : vector<16xf32>
      %parallel_loop3A_304 = arith.select %parallel_loop3A_303, %parallel_loop3A_300, %parallel_loop3A_298 : vector<16xi1>, vector<16xf32>
      %parallel_loop3A_305 = arith.cmpf ogt, %parallel_loop3A_292, %mul3A_80 : vector<16xf32>
      %parallel_loop3A_306 = arith.select %parallel_loop3A_305, %parallel_loop3A_304, %parallel_loop3A_302 : vector<16xi1>, vector<16xf32>
      %parallel_loop3A_307 = tpu.bitcast %parallel_loop3A_291 : vector<16xf32> -> vector<16xi32>
      %parallel_loop3A_308 = arith.constant -2147483648 : i32
      %parallel_loop3A_309 = vector.broadcast %parallel_loop3A_308 : i32 to vector<16xi32>
      %parallel_loop3A_310 = arith.andi %parallel_loop3A_307, %parallel_loop3A_309 : vector<16xi32>
      %parallel_loop3A_311 = arith.constant 1065353216 : i32
      %parallel_loop3A_312 = vector.broadcast %parallel_loop3A_311 : i32 to vector<16xi32>
      %parallel_loop3A_313 = arith.ori %parallel_loop3A_312, %parallel_loop3A_310 : vector<16xi32>
      %parallel_loop3A_314 = tpu.bitcast %parallel_loop3A_313 : vector<16xi32> -> vector<16xf32>
      %parallel_loop3A_315 = math.absf %parallel_loop3A_291 : vector<16xf32>
      %parallel_loop3A_316 = arith.constant 0.000000e+00 : f32
      %parallel_loop3A_317 = vector.broadcast %parallel_loop3A_316 : f32 to vector<16xf32>
      %parallel_loop3A_318 = arith.cmpf ogt, %parallel_loop3A_315, %parallel_loop3A_317 : vector<16xf32>
      %parallel_loop3A_319 = arith.select %parallel_loop3A_318, %parallel_loop3A_314, %parallel_loop3A_291 : vector<16xi1>, vector<16xf32>
      %parallel_loop3A_320 = arith.mulf %parallel_loop3A_319, %parallel_loop3A_196 : vector<16xf32>
      %parallel_loop3A_321 = arith.mulf %parallel_loop3A_306, %parallel_loop3A_320 : vector<16xf32>
      %parallel_loop3A_322 = arith.index_cast %parallel_loop3A_284 : i32 to index
      %parallel_loop3A_323 = tpu.vector_load %arg9[%parallel_loop3A_322] {strides = array<i32>} : memref<27648xf32, #tpu.memory_space<vmem>>, vector<16xf32>,
      %parallel_loop3A_324 = vector.shape_cast %parallel_loop3A_323 : vector<16xf32> to vector<16xf32>
      %parallel_loop3A_325 = vector.shape_cast %parallel_loop3A_321 : vector<16xf32> to vector<16xf32>
      tpu.vector_store %arg9[%parallel_loop3A_322], %parallel_loop3A_325 {strides = array<i32>} : memref<27648xf32, #tpu.memory_space<vmem>>, vector<16xf32>,
      %parallel_loop3A_326 = arith.constant 48 : i32
      %parallel_loop3A_327 = arith.addi %parallel_loop3A_185, %parallel_loop3A_326 : i32
      %parallel_loop3A_328 = arith.index_cast %parallel_loop3A_327 : i32 to index
      %parallel_loop3A_329 = tpu.vector_load %arg7[%parallel_loop3A_328] {strides = array<i32>} : memref<27648xf32, #tpu.memory_space<vmem>>, vector<16xf32>,
      %parallel_loop3A_330 = vector.shape_cast %parallel_loop3A_329 : vector<16xf32> to vector<16xf32>
      %parallel_loop3A_331 = arith.index_cast %parallel_loop3A_327 : i32 to index
      %parallel_loop3A_332 = tpu.vector_load %arg9[%parallel_loop3A_331] {strides = array<i32>} : memref<27648xf32, #tpu.memory_space<vmem>>, vector<16xf32>,
      %parallel_loop3A_333 = vector.shape_cast %parallel_loop3A_332 : vector<16xf32> to vector<16xf32>
      %parallel_loop3A_334 = arith.mulf %parallel_loop3A_330, %parallel_loop3A_333 : vector<16xf32>
      %parallel_loop3A_335 = math.absf %parallel_loop3A_334 : vector<16xf32>
      %parallel_loop3A_336 = arith.cmpf ogt, %parallel_loop3A_335, %mul3A_65 : vector<16xf32>
      %parallel_loop3A_337 = arith.select %parallel_loop3A_336, %mul3A_36, %mul3A_32 : vector<16xi1>, vector<16xf32>
      %parallel_loop3A_338 = arith.cmpf ogt, %parallel_loop3A_335, %mul3A_75 : vector<16xf32>
      %parallel_loop3A_339 = arith.select %parallel_loop3A_338, %mul3A_44, %mul3A_40 : vector<16xi1>, vector<16xf32>
      %parallel_loop3A_340 = arith.cmpf ogt, %parallel_loop3A_335, %mul3A_85 : vector<16xf32>
      %parallel_loop3A_341 = arith.select %parallel_loop3A_340, %mul3A_52, %mul3A_48 : vector<16xi1>, vector<16xf32>
      %parallel_loop3A_342 = arith.cmpf ogt, %parallel_loop3A_335, %mul3A_95 : vector<16xf32>
      %parallel_loop3A_343 = arith.select %parallel_loop3A_342, %mul3A_60, %mul3A_56 : vector<16xi1>, vector<16xf32>
      %parallel_loop3A_344 = arith.cmpf ogt, %parallel_loop3A_335, %mul3A_70 : vector<16xf32>
      %parallel_loop3A_345 = arith.select %parallel_loop3A_344, %parallel_loop3A_339, %parallel_loop3A_337 : vector<16xi1>, vector<16xf32>
      %parallel_loop3A_346 = arith.cmpf ogt, %parallel_loop3A_335, %mul3A_90 : vector<16xf32>
      %parallel_loop3A_347 = arith.select %parallel_loop3A_346, %parallel_loop3A_343, %parallel_loop3A_341 : vector<16xi1>, vector<16xf32>
      %parallel_loop3A_348 = arith.cmpf ogt, %parallel_loop3A_335, %mul3A_80 : vector<16xf32>
      %parallel_loop3A_349 = arith.select %parallel_loop3A_348, %parallel_loop3A_347, %parallel_loop3A_345 : vector<16xi1>, vector<16xf32>
      %parallel_loop3A_350 = tpu.bitcast %parallel_loop3A_334 : vector<16xf32> -> vector<16xi32>
      %parallel_loop3A_351 = arith.constant -2147483648 : i32
      %parallel_loop3A_352 = vector.broadcast %parallel_loop3A_351 : i32 to vector<16xi32>
      %parallel_loop3A_353 = arith.andi %parallel_loop3A_350, %parallel_loop3A_352 : vector<16xi32>
      %parallel_loop3A_354 = arith.constant 1065353216 : i32
      %parallel_loop3A_355 = vector.broadcast %parallel_loop3A_354 : i32 to vector<16xi32>
      %parallel_loop3A_356 = arith.ori %parallel_loop3A_355, %parallel_loop3A_353 : vector<16xi32>
      %parallel_loop3A_357 = tpu.bitcast %parallel_loop3A_356 : vector<16xi32> -> vector<16xf32>
      %parallel_loop3A_358 = math.absf %parallel_loop3A_334 : vector<16xf32>
      %parallel_loop3A_359 = arith.constant 0.000000e+00 : f32
      %parallel_loop3A_360 = vector.broadcast %parallel_loop3A_359 : f32 to vector<16xf32>
      %parallel_loop3A_361 = arith.cmpf ogt, %parallel_loop3A_358, %parallel_loop3A_360 : vector<16xf32>
      %parallel_loop3A_362 = arith.select %parallel_loop3A_361, %parallel_loop3A_357, %parallel_loop3A_334 : vector<16xi1>, vector<16xf32>
      %parallel_loop3A_363 = arith.mulf %parallel_loop3A_362, %parallel_loop3A_196 : vector<16xf32>
      %parallel_loop3A_364 = arith.mulf %parallel_loop3A_349, %parallel_loop3A_363 : vector<16xf32>
      %parallel_loop3A_365 = arith.index_cast %parallel_loop3A_327 : i32 to index
      %parallel_loop3A_366 = tpu.vector_load %arg9[%parallel_loop3A_365] {strides = array<i32>} : memref<27648xf32, #tpu.memory_space<vmem>>, vector<16xf32>,
      %parallel_loop3A_367 = vector.shape_cast %parallel_loop3A_366 : vector<16xf32> to vector<16xf32>
      %parallel_loop3A_368 = vector.shape_cast %parallel_loop3A_364 : vector<16xf32> to vector<16xf32>
      tpu.vector_store %arg9[%parallel_loop3A_365], %parallel_loop3A_368 {strides = array<i32>} : memref<27648xf32, #tpu.memory_space<vmem>>, vector<16xf32>,
    } {sc.loop_unroll_factor = 1 : i64, sc.parallel_access}
    %add3A_109 = arith.constant 0 : i32
    %add3A_110 = arith.addi %mul3A_2, %add3A_109 : i32
    %mul3A_111 = arith.constant 3072 : i32
    %mul3A_112 = arith.muli %add3A_110, %mul3A_111 : i32
    %dma_start3A_113 = tpu.memref_slice %arg6[%mul3A_112] : memref<2654208xf32, #tpu.memory_space<hbm>> -> memref<27648xf32, #tpu.memory_space<hbm>>
    %dma_start3A_114 = tpu.memref_slice %arg6[%mul3A_112] : memref<2654208xf32, #tpu.memory_space<hbm>> -> memref<27648xf32, #tpu.memory_space<hbm>>
    tpu.enqueue_dma source(%arg9 : memref<27648xf32, #tpu.memory_space<vmem>>) target(%dma_start3A_114 : memref<27648xf32, #tpu.memory_space<hbm>>) target_semaphore(%arg17 : memref<!tpu.dma_semaphore, #tpu.memory_space<semaphore_mem>>)
    %dma_wait3A_115 = tpu.memref_slice %arg6[%mul3A_112] : memref<2654208xf32, #tpu.memory_space<hbm>> -> memref<27648xf32, #tpu.memory_space<hbm>>
    %dma_wait3A_116 = tpu.memref_slice %arg6[%mul3A_112] : memref<2654208xf32, #tpu.memory_space<hbm>> -> memref<27648xf32, #tpu.memory_space<hbm>>
    tpu.wait_dma2 semaphore(%arg17 : memref<!tpu.dma_semaphore, #tpu.memory_space<semaphore_mem>>) src(%arg9 : memref<27648xf32, #tpu.memory_space<vmem>>) dst(%dma_wait3A_116 : memref<27648xf32, #tpu.memory_space<hbm>>)
    %add3A_117 = arith.constant 18 : i32
    %add3A_118 = arith.addi %mul3A_2, %add3A_117 : i32
    %mul3A_119 = arith.constant 3072 : i32
    %mul3A_120 = arith.muli %add3A_118, %mul3A_119 : i32
    %dma_start3A_121 = tpu.memref_slice %arg2[%mul3A_120] : memref<2654208xf32, #tpu.memory_space<hbm>> -> memref<27648xf32, #tpu.memory_space<hbm>>
    %dma_start3A_122 = tpu.memref_slice %arg2[%mul3A_120] : memref<2654208xf32, #tpu.memory_space<hbm>> -> memref<27648xf32, #tpu.memory_space<hbm>>
    tpu.enqueue_dma source(%dma_start3A_122 : memref<27648xf32, #tpu.memory_space<hbm>>) target(%arg7 : memref<27648xf32, #tpu.memory_space<vmem>>) target_semaphore(%arg13 : memref<!tpu.dma_semaphore, #tpu.memory_space<semaphore_mem>>)
    %dma_start3A_123 = tpu.memref_slice %arg3[%mul3A_120] : memref<2654208xf32, #tpu.memory_space<hbm>> -> memref<27648xf32, #tpu.memory_space<hbm>>
    %dma_start3A_124 = tpu.memref_slice %arg3[%mul3A_120] : memref<2654208xf32, #tpu.memory_space<hbm>> -> memref<27648xf32, #tpu.memory_space<hbm>>
    tpu.enqueue_dma source(%dma_start3A_124 : memref<27648xf32, #tpu.memory_space<hbm>>) target(%arg9 : memref<27648xf32, #tpu.memory_space<vmem>>) target_semaphore(%arg15 : memref<!tpu.dma_semaphore, #tpu.memory_space<semaphore_mem>>)
    %dma_wait3A_125 = tpu.memref_slice %arg2[%mul3A_13] : memref<2654208xf32, #tpu.memory_space<hbm>> -> memref<27648xf32, #tpu.memory_space<hbm>>
    %dma_wait3A_126 = tpu.memref_slice %arg2[%mul3A_13] : memref<2654208xf32, #tpu.memory_space<hbm>> -> memref<27648xf32, #tpu.memory_space<hbm>>
    tpu.wait_dma2 semaphore(%arg14 : memref<!tpu.dma_semaphore, #tpu.memory_space<semaphore_mem>>) src(%dma_wait3A_126 : memref<27648xf32, #tpu.memory_space<hbm>>) dst(%arg8 : memref<27648xf32, #tpu.memory_space<vmem>>)
    %dma_wait3A_127 = tpu.memref_slice %arg3[%mul3A_13] : memref<2654208xf32, #tpu.memory_space<hbm>> -> memref<27648xf32, #tpu.memory_space<hbm>>
    %dma_wait3A_128 = tpu.memref_slice %arg3[%mul3A_13] : memref<2654208xf32, #tpu.memory_space<hbm>> -> memref<27648xf32, #tpu.memory_space<hbm>>
    tpu.wait_dma2 semaphore(%arg16 : memref<!tpu.dma_semaphore, #tpu.memory_space<semaphore_mem>>) src(%dma_wait3A_128 : memref<27648xf32, #tpu.memory_space<hbm>>) dst(%arg10 : memref<27648xf32, #tpu.memory_space<vmem>>)
    %parallel_loop3A_129 = arith.constant 0 : i32
    %parallel_loop3A_130 = arith.constant 144 : i32
    %parallel_loop3A_131 = arith.constant 1 : i32
    scf.for %parallel_loop3A_167 = %parallel_loop3A_129 to %parallel_loop3A_130 step %parallel_loop3A_131  : i32 {
      %parallel_loop3A_168 = arith.constant 1 : i32
      %parallel_loop3A_169 = arith.andi %parallel_loop3A_167, %parallel_loop3A_168 : i32
      %parallel_loop3A_170 = arith.constant 1 : i32
      %parallel_loop3A_171 = arith.shrsi %parallel_loop3A_167, %parallel_loop3A_170 : i32
      %parallel_loop3A_172 = arith.constant 7 : i32
      %parallel_loop3A_173 = arith.andi %parallel_loop3A_171, %parallel_loop3A_172 : i32
      %parallel_loop3A_174 = arith.constant 4 : i32
      %parallel_loop3A_175 = arith.shrsi %parallel_loop3A_167, %parallel_loop3A_174 : i32
      %parallel_loop3A_176 = arith.constant 3072 : i32
      %parallel_loop3A_177 = arith.muli %parallel_loop3A_175, %parallel_loop3A_176 : i32
      %parallel_loop3A_178 = arith.constant 0 : i32
      %parallel_loop3A_179 = arith.addi %parallel_loop3A_177, %parallel_loop3A_178 : i32
      %parallel_loop3A_180 = arith.constant 128 : i32
      %parallel_loop3A_181 = arith.muli %parallel_loop3A_173, %parallel_loop3A_180 : i32
      %parallel_loop3A_182 = arith.addi %parallel_loop3A_179, %parallel_loop3A_181 : i32
      %parallel_loop3A_183 = arith.constant 64 : i32
      %parallel_loop3A_184 = arith.muli %parallel_loop3A_169, %parallel_loop3A_183 : i32
      %parallel_loop3A_185 = arith.addi %parallel_loop3A_182, %parallel_loop3A_184 : i32
      %parallel_loop3A_186 = arith.constant 128 : i32
      %parallel_loop3A_187 = arith.muli %parallel_loop3A_175, %parallel_loop3A_186 : i32
      %parallel_loop3A_188 = arith.constant 1152 : i32
      %parallel_loop3A_189 = arith.addi %parallel_loop3A_188, %parallel_loop3A_187 : i32
      %parallel_loop3A_190 = arith.constant 16 : i32
      %parallel_loop3A_191 = arith.muli %parallel_loop3A_173, %parallel_loop3A_190 : i32
      %parallel_loop3A_192 = arith.addi %parallel_loop3A_189, %parallel_loop3A_191 : i32
      %parallel_loop3A_193 = arith.index_cast %parallel_loop3A_192 : i32 to index
      %parallel_loop3A_194 = tpu.vector_load %arg11[%parallel_loop3A_193] {strides = array<i32>} : memref<3456xf32, #tpu.memory_space<vmem>>, vector<16xf32>,
      %parallel_loop3A_195 = vector.shape_cast %parallel_loop3A_194 : vector<16xf32> to vector<16xf32>
      %parallel_loop3A_196 = arith.mulf %parallel_loop3A_195, %get3A_31 : vector<16xf32>
      %parallel_loop3A_197 = arith.constant 0 : i32
      %parallel_loop3A_198 = arith.addi %parallel_loop3A_185, %parallel_loop3A_197 : i32
      %parallel_loop3A_199 = arith.index_cast %parallel_loop3A_198 : i32 to index
      %parallel_loop3A_200 = tpu.vector_load %arg8[%parallel_loop3A_199] {strides = array<i32>} : memref<27648xf32, #tpu.memory_space<vmem>>, vector<16xf32>,
      %parallel_loop3A_201 = vector.shape_cast %parallel_loop3A_200 : vector<16xf32> to vector<16xf32>
      %parallel_loop3A_202 = arith.index_cast %parallel_loop3A_198 : i32 to index
      %parallel_loop3A_203 = tpu.vector_load %arg10[%parallel_loop3A_202] {strides = array<i32>} : memref<27648xf32, #tpu.memory_space<vmem>>, vector<16xf32>,
      %parallel_loop3A_204 = vector.shape_cast %parallel_loop3A_203 : vector<16xf32> to vector<16xf32>
      %parallel_loop3A_205 = arith.mulf %parallel_loop3A_201, %parallel_loop3A_204 : vector<16xf32>
      %parallel_loop3A_206 = math.absf %parallel_loop3A_205 : vector<16xf32>
      %parallel_loop3A_207 = arith.cmpf ogt, %parallel_loop3A_206, %mul3A_65 : vector<16xf32>
      %parallel_loop3A_208 = arith.select %parallel_loop3A_207, %mul3A_36, %mul3A_32 : vector<16xi1>, vector<16xf32>
      %parallel_loop3A_209 = arith.cmpf ogt, %parallel_loop3A_206, %mul3A_75 : vector<16xf32>
      %parallel_loop3A_210 = arith.select %parallel_loop3A_209, %mul3A_44, %mul3A_40 : vector<16xi1>, vector<16xf32>
      %parallel_loop3A_211 = arith.cmpf ogt, %parallel_loop3A_206, %mul3A_85 : vector<16xf32>
      %parallel_loop3A_212 = arith.select %parallel_loop3A_211, %mul3A_52, %mul3A_48 : vector<16xi1>, vector<16xf32>
      %parallel_loop3A_213 = arith.cmpf ogt, %parallel_loop3A_206, %mul3A_95 : vector<16xf32>
      %parallel_loop3A_214 = arith.select %parallel_loop3A_213, %mul3A_60, %mul3A_56 : vector<16xi1>, vector<16xf32>
      %parallel_loop3A_215 = arith.cmpf ogt, %parallel_loop3A_206, %mul3A_70 : vector<16xf32>
      %parallel_loop3A_216 = arith.select %parallel_loop3A_215, %parallel_loop3A_210, %parallel_loop3A_208 : vector<16xi1>, vector<16xf32>
      %parallel_loop3A_217 = arith.cmpf ogt, %parallel_loop3A_206, %mul3A_90 : vector<16xf32>
      %parallel_loop3A_218 = arith.select %parallel_loop3A_217, %parallel_loop3A_214, %parallel_loop3A_212 : vector<16xi1>, vector<16xf32>
      %parallel_loop3A_219 = arith.cmpf ogt, %parallel_loop3A_206, %mul3A_80 : vector<16xf32>
      %parallel_loop3A_220 = arith.select %parallel_loop3A_219, %parallel_loop3A_218, %parallel_loop3A_216 : vector<16xi1>, vector<16xf32>
      %parallel_loop3A_221 = tpu.bitcast %parallel_loop3A_205 : vector<16xf32> -> vector<16xi32>
      %parallel_loop3A_222 = arith.constant -2147483648 : i32
      %parallel_loop3A_223 = vector.broadcast %parallel_loop3A_222 : i32 to vector<16xi32>
      %parallel_loop3A_224 = arith.andi %parallel_loop3A_221, %parallel_loop3A_223 : vector<16xi32>
      %parallel_loop3A_225 = arith.constant 1065353216 : i32
      %parallel_loop3A_226 = vector.broadcast %parallel_loop3A_225 : i32 to vector<16xi32>
      %parallel_loop3A_227 = arith.ori %parallel_loop3A_226, %parallel_loop3A_224 : vector<16xi32>
      %parallel_loop3A_228 = tpu.bitcast %parallel_loop3A_227 : vector<16xi32> -> vector<16xf32>
      %parallel_loop3A_229 = math.absf %parallel_loop3A_205 : vector<16xf32>
      %parallel_loop3A_230 = arith.constant 0.000000e+00 : f32
      %parallel_loop3A_231 = vector.broadcast %parallel_loop3A_230 : f32 to vector<16xf32>
      %parallel_loop3A_232 = arith.cmpf ogt, %parallel_loop3A_229, %parallel_loop3A_231 : vector<16xf32>
      %parallel_loop3A_233 = arith.select %parallel_loop3A_232, %parallel_loop3A_228, %parallel_loop3A_205 : vector<16xi1>, vector<16xf32>
      %parallel_loop3A_234 = arith.mulf %parallel_loop3A_233, %parallel_loop3A_196 : vector<16xf32>
      %parallel_loop3A_235 = arith.mulf %parallel_loop3A_220, %parallel_loop3A_234 : vector<16xf32>
      %parallel_loop3A_236 = arith.index_cast %parallel_loop3A_198 : i32 to index
      %parallel_loop3A_237 = tpu.vector_load %arg10[%parallel_loop3A_236] {strides = array<i32>} : memref<27648xf32, #tpu.memory_space<vmem>>, vector<16xf32>,
      %parallel_loop3A_238 = vector.shape_cast %parallel_loop3A_237 : vector<16xf32> to vector<16xf32>
      %parallel_loop3A_239 = vector.shape_cast %parallel_loop3A_235 : vector<16xf32> to vector<16xf32>
      tpu.vector_store %arg10[%parallel_loop3A_236], %parallel_loop3A_239 {strides = array<i32>} : memref<27648xf32, #tpu.memory_space<vmem>>, vector<16xf32>,
      %parallel_loop3A_240 = arith.constant 16 : i32
      %parallel_loop3A_241 = arith.addi %parallel_loop3A_185, %parallel_loop3A_240 : i32
      %parallel_loop3A_242 = arith.index_cast %parallel_loop3A_241 : i32 to index
      %parallel_loop3A_243 = tpu.vector_load %arg8[%parallel_loop3A_242] {strides = array<i32>} : memref<27648xf32, #tpu.memory_space<vmem>>, vector<16xf32>,
      %parallel_loop3A_244 = vector.shape_cast %parallel_loop3A_243 : vector<16xf32> to vector<16xf32>
      %parallel_loop3A_245 = arith.index_cast %parallel_loop3A_241 : i32 to index
      %parallel_loop3A_246 = tpu.vector_load %arg10[%parallel_loop3A_245] {strides = array<i32>} : memref<27648xf32, #tpu.memory_space<vmem>>, vector<16xf32>,
      %parallel_loop3A_247 = vector.shape_cast %parallel_loop3A_246 : vector<16xf32> to vector<16xf32>
      %parallel_loop3A_248 = arith.mulf %parallel_loop3A_244, %parallel_loop3A_247 : vector<16xf32>
      %parallel_loop3A_249 = math.absf %parallel_loop3A_248 : vector<16xf32>
      %parallel_loop3A_250 = arith.cmpf ogt, %parallel_loop3A_249, %mul3A_65 : vector<16xf32>
      %parallel_loop3A_251 = arith.select %parallel_loop3A_250, %mul3A_36, %mul3A_32 : vector<16xi1>, vector<16xf32>
      %parallel_loop3A_252 = arith.cmpf ogt, %parallel_loop3A_249, %mul3A_75 : vector<16xf32>
      %parallel_loop3A_253 = arith.select %parallel_loop3A_252, %mul3A_44, %mul3A_40 : vector<16xi1>, vector<16xf32>
      %parallel_loop3A_254 = arith.cmpf ogt, %parallel_loop3A_249, %mul3A_85 : vector<16xf32>
      %parallel_loop3A_255 = arith.select %parallel_loop3A_254, %mul3A_52, %mul3A_48 : vector<16xi1>, vector<16xf32>
      %parallel_loop3A_256 = arith.cmpf ogt, %parallel_loop3A_249, %mul3A_95 : vector<16xf32>
      %parallel_loop3A_257 = arith.select %parallel_loop3A_256, %mul3A_60, %mul3A_56 : vector<16xi1>, vector<16xf32>
      %parallel_loop3A_258 = arith.cmpf ogt, %parallel_loop3A_249, %mul3A_70 : vector<16xf32>
      %parallel_loop3A_259 = arith.select %parallel_loop3A_258, %parallel_loop3A_253, %parallel_loop3A_251 : vector<16xi1>, vector<16xf32>
      %parallel_loop3A_260 = arith.cmpf ogt, %parallel_loop3A_249, %mul3A_90 : vector<16xf32>
      %parallel_loop3A_261 = arith.select %parallel_loop3A_260, %parallel_loop3A_257, %parallel_loop3A_255 : vector<16xi1>, vector<16xf32>
      %parallel_loop3A_262 = arith.cmpf ogt, %parallel_loop3A_249, %mul3A_80 : vector<16xf32>
      %parallel_loop3A_263 = arith.select %parallel_loop3A_262, %parallel_loop3A_261, %parallel_loop3A_259 : vector<16xi1>, vector<16xf32>
      %parallel_loop3A_264 = tpu.bitcast %parallel_loop3A_248 : vector<16xf32> -> vector<16xi32>
      %parallel_loop3A_265 = arith.constant -2147483648 : i32
      %parallel_loop3A_266 = vector.broadcast %parallel_loop3A_265 : i32 to vector<16xi32>
      %parallel_loop3A_267 = arith.andi %parallel_loop3A_264, %parallel_loop3A_266 : vector<16xi32>
      %parallel_loop3A_268 = arith.constant 1065353216 : i32
      %parallel_loop3A_269 = vector.broadcast %parallel_loop3A_268 : i32 to vector<16xi32>
      %parallel_loop3A_270 = arith.ori %parallel_loop3A_269, %parallel_loop3A_267 : vector<16xi32>
      %parallel_loop3A_271 = tpu.bitcast %parallel_loop3A_270 : vector<16xi32> -> vector<16xf32>
      %parallel_loop3A_272 = math.absf %parallel_loop3A_248 : vector<16xf32>
      %parallel_loop3A_273 = arith.constant 0.000000e+00 : f32
      %parallel_loop3A_274 = vector.broadcast %parallel_loop3A_273 : f32 to vector<16xf32>
      %parallel_loop3A_275 = arith.cmpf ogt, %parallel_loop3A_272, %parallel_loop3A_274 : vector<16xf32>
      %parallel_loop3A_276 = arith.select %parallel_loop3A_275, %parallel_loop3A_271, %parallel_loop3A_248 : vector<16xi1>, vector<16xf32>
      %parallel_loop3A_277 = arith.mulf %parallel_loop3A_276, %parallel_loop3A_196 : vector<16xf32>
      %parallel_loop3A_278 = arith.mulf %parallel_loop3A_263, %parallel_loop3A_277 : vector<16xf32>
      %parallel_loop3A_279 = arith.index_cast %parallel_loop3A_241 : i32 to index
      %parallel_loop3A_280 = tpu.vector_load %arg10[%parallel_loop3A_279] {strides = array<i32>} : memref<27648xf32, #tpu.memory_space<vmem>>, vector<16xf32>,
      %parallel_loop3A_281 = vector.shape_cast %parallel_loop3A_280 : vector<16xf32> to vector<16xf32>
      %parallel_loop3A_282 = vector.shape_cast %parallel_loop3A_278 : vector<16xf32> to vector<16xf32>
      tpu.vector_store %arg10[%parallel_loop3A_279], %parallel_loop3A_282 {strides = array<i32>} : memref<27648xf32, #tpu.memory_space<vmem>>, vector<16xf32>,
      %parallel_loop3A_283 = arith.constant 32 : i32
      %parallel_loop3A_284 = arith.addi %parallel_loop3A_185, %parallel_loop3A_283 : i32
      %parallel_loop3A_285 = arith.index_cast %parallel_loop3A_284 : i32 to index
      %parallel_loop3A_286 = tpu.vector_load %arg8[%parallel_loop3A_285] {strides = array<i32>} : memref<27648xf32, #tpu.memory_space<vmem>>, vector<16xf32>,
      %parallel_loop3A_287 = vector.shape_cast %parallel_loop3A_286 : vector<16xf32> to vector<16xf32>
      %parallel_loop3A_288 = arith.index_cast %parallel_loop3A_284 : i32 to index
      %parallel_loop3A_289 = tpu.vector_load %arg10[%parallel_loop3A_288] {strides = array<i32>} : memref<27648xf32, #tpu.memory_space<vmem>>, vector<16xf32>,
      %parallel_loop3A_290 = vector.shape_cast %parallel_loop3A_289 : vector<16xf32> to vector<16xf32>
      %parallel_loop3A_291 = arith.mulf %parallel_loop3A_287, %parallel_loop3A_290 : vector<16xf32>
      %parallel_loop3A_292 = math.absf %parallel_loop3A_291 : vector<16xf32>
      %parallel_loop3A_293 = arith.cmpf ogt, %parallel_loop3A_292, %mul3A_65 : vector<16xf32>
      %parallel_loop3A_294 = arith.select %parallel_loop3A_293, %mul3A_36, %mul3A_32 : vector<16xi1>, vector<16xf32>
      %parallel_loop3A_295 = arith.cmpf ogt, %parallel_loop3A_292, %mul3A_75 : vector<16xf32>
      %parallel_loop3A_296 = arith.select %parallel_loop3A_295, %mul3A_44, %mul3A_40 : vector<16xi1>, vector<16xf32>
      %parallel_loop3A_297 = arith.cmpf ogt, %parallel_loop3A_292, %mul3A_85 : vector<16xf32>
      %parallel_loop3A_298 = arith.select %parallel_loop3A_297, %mul3A_52, %mul3A_48 : vector<16xi1>, vector<16xf32>
      %parallel_loop3A_299 = arith.cmpf ogt, %parallel_loop3A_292, %mul3A_95 : vector<16xf32>
      %parallel_loop3A_300 = arith.select %parallel_loop3A_299, %mul3A_60, %mul3A_56 : vector<16xi1>, vector<16xf32>
      %parallel_loop3A_301 = arith.cmpf ogt, %parallel_loop3A_292, %mul3A_70 : vector<16xf32>
      %parallel_loop3A_302 = arith.select %parallel_loop3A_301, %parallel_loop3A_296, %parallel_loop3A_294 : vector<16xi1>, vector<16xf32>
      %parallel_loop3A_303 = arith.cmpf ogt, %parallel_loop3A_292, %mul3A_90 : vector<16xf32>
      %parallel_loop3A_304 = arith.select %parallel_loop3A_303, %parallel_loop3A_300, %parallel_loop3A_298 : vector<16xi1>, vector<16xf32>
      %parallel_loop3A_305 = arith.cmpf ogt, %parallel_loop3A_292, %mul3A_80 : vector<16xf32>
      %parallel_loop3A_306 = arith.select %parallel_loop3A_305, %parallel_loop3A_304, %parallel_loop3A_302 : vector<16xi1>, vector<16xf32>
      %parallel_loop3A_307 = tpu.bitcast %parallel_loop3A_291 : vector<16xf32> -> vector<16xi32>
      %parallel_loop3A_308 = arith.constant -2147483648 : i32
      %parallel_loop3A_309 = vector.broadcast %parallel_loop3A_308 : i32 to vector<16xi32>
      %parallel_loop3A_310 = arith.andi %parallel_loop3A_307, %parallel_loop3A_309 : vector<16xi32>
      %parallel_loop3A_311 = arith.constant 1065353216 : i32
      %parallel_loop3A_312 = vector.broadcast %parallel_loop3A_311 : i32 to vector<16xi32>
      %parallel_loop3A_313 = arith.ori %parallel_loop3A_312, %parallel_loop3A_310 : vector<16xi32>
      %parallel_loop3A_314 = tpu.bitcast %parallel_loop3A_313 : vector<16xi32> -> vector<16xf32>
      %parallel_loop3A_315 = math.absf %parallel_loop3A_291 : vector<16xf32>
      %parallel_loop3A_316 = arith.constant 0.000000e+00 : f32
      %parallel_loop3A_317 = vector.broadcast %parallel_loop3A_316 : f32 to vector<16xf32>
      %parallel_loop3A_318 = arith.cmpf ogt, %parallel_loop3A_315, %parallel_loop3A_317 : vector<16xf32>
      %parallel_loop3A_319 = arith.select %parallel_loop3A_318, %parallel_loop3A_314, %parallel_loop3A_291 : vector<16xi1>, vector<16xf32>
      %parallel_loop3A_320 = arith.mulf %parallel_loop3A_319, %parallel_loop3A_196 : vector<16xf32>
      %parallel_loop3A_321 = arith.mulf %parallel_loop3A_306, %parallel_loop3A_320 : vector<16xf32>
      %parallel_loop3A_322 = arith.index_cast %parallel_loop3A_284 : i32 to index
      %parallel_loop3A_323 = tpu.vector_load %arg10[%parallel_loop3A_322] {strides = array<i32>} : memref<27648xf32, #tpu.memory_space<vmem>>, vector<16xf32>,
      %parallel_loop3A_324 = vector.shape_cast %parallel_loop3A_323 : vector<16xf32> to vector<16xf32>
      %parallel_loop3A_325 = vector.shape_cast %parallel_loop3A_321 : vector<16xf32> to vector<16xf32>
      tpu.vector_store %arg10[%parallel_loop3A_322], %parallel_loop3A_325 {strides = array<i32>} : memref<27648xf32, #tpu.memory_space<vmem>>, vector<16xf32>,
      %parallel_loop3A_326 = arith.constant 48 : i32
      %parallel_loop3A_327 = arith.addi %parallel_loop3A_185, %parallel_loop3A_326 : i32
      %parallel_loop3A_328 = arith.index_cast %parallel_loop3A_327 : i32 to index
      %parallel_loop3A_329 = tpu.vector_load %arg8[%parallel_loop3A_328] {strides = array<i32>} : memref<27648xf32, #tpu.memory_space<vmem>>, vector<16xf32>,
      %parallel_loop3A_330 = vector.shape_cast %parallel_loop3A_329 : vector<16xf32> to vector<16xf32>
      %parallel_loop3A_331 = arith.index_cast %parallel_loop3A_327 : i32 to index
      %parallel_loop3A_332 = tpu.vector_load %arg10[%parallel_loop3A_331] {strides = array<i32>} : memref<27648xf32, #tpu.memory_space<vmem>>, vector<16xf32>,
      %parallel_loop3A_333 = vector.shape_cast %parallel_loop3A_332 : vector<16xf32> to vector<16xf32>
      %parallel_loop3A_334 = arith.mulf %parallel_loop3A_330, %parallel_loop3A_333 : vector<16xf32>
      %parallel_loop3A_335 = math.absf %parallel_loop3A_334 : vector<16xf32>
      %parallel_loop3A_336 = arith.cmpf ogt, %parallel_loop3A_335, %mul3A_65 : vector<16xf32>
      %parallel_loop3A_337 = arith.select %parallel_loop3A_336, %mul3A_36, %mul3A_32 : vector<16xi1>, vector<16xf32>
      %parallel_loop3A_338 = arith.cmpf ogt, %parallel_loop3A_335, %mul3A_75 : vector<16xf32>
      %parallel_loop3A_339 = arith.select %parallel_loop3A_338, %mul3A_44, %mul3A_40 : vector<16xi1>, vector<16xf32>
      %parallel_loop3A_340 = arith.cmpf ogt, %parallel_loop3A_335, %mul3A_85 : vector<16xf32>
      %parallel_loop3A_341 = arith.select %parallel_loop3A_340, %mul3A_52, %mul3A_48 : vector<16xi1>, vector<16xf32>
      %parallel_loop3A_342 = arith.cmpf ogt, %parallel_loop3A_335, %mul3A_95 : vector<16xf32>
      %parallel_loop3A_343 = arith.select %parallel_loop3A_342, %mul3A_60, %mul3A_56 : vector<16xi1>, vector<16xf32>
      %parallel_loop3A_344 = arith.cmpf ogt, %parallel_loop3A_335, %mul3A_70 : vector<16xf32>
      %parallel_loop3A_345 = arith.select %parallel_loop3A_344, %parallel_loop3A_339, %parallel_loop3A_337 : vector<16xi1>, vector<16xf32>
      %parallel_loop3A_346 = arith.cmpf ogt, %parallel_loop3A_335, %mul3A_90 : vector<16xf32>
      %parallel_loop3A_347 = arith.select %parallel_loop3A_346, %parallel_loop3A_343, %parallel_loop3A_341 : vector<16xi1>, vector<16xf32>
      %parallel_loop3A_348 = arith.cmpf ogt, %parallel_loop3A_335, %mul3A_80 : vector<16xf32>
      %parallel_loop3A_349 = arith.select %parallel_loop3A_348, %parallel_loop3A_347, %parallel_loop3A_345 : vector<16xi1>, vector<16xf32>
      %parallel_loop3A_350 = tpu.bitcast %parallel_loop3A_334 : vector<16xf32> -> vector<16xi32>
      %parallel_loop3A_351 = arith.constant -2147483648 : i32
      %parallel_loop3A_352 = vector.broadcast %parallel_loop3A_351 : i32 to vector<16xi32>
      %parallel_loop3A_353 = arith.andi %parallel_loop3A_350, %parallel_loop3A_352 : vector<16xi32>
      %parallel_loop3A_354 = arith.constant 1065353216 : i32
      %parallel_loop3A_355 = vector.broadcast %parallel_loop3A_354 : i32 to vector<16xi32>
      %parallel_loop3A_356 = arith.ori %parallel_loop3A_355, %parallel_loop3A_353 : vector<16xi32>
      %parallel_loop3A_357 = tpu.bitcast %parallel_loop3A_356 : vector<16xi32> -> vector<16xf32>
      %parallel_loop3A_358 = math.absf %parallel_loop3A_334 : vector<16xf32>
      %parallel_loop3A_359 = arith.constant 0.000000e+00 : f32
      %parallel_loop3A_360 = vector.broadcast %parallel_loop3A_359 : f32 to vector<16xf32>
      %parallel_loop3A_361 = arith.cmpf ogt, %parallel_loop3A_358, %parallel_loop3A_360 : vector<16xf32>
      %parallel_loop3A_362 = arith.select %parallel_loop3A_361, %parallel_loop3A_357, %parallel_loop3A_334 : vector<16xi1>, vector<16xf32>
      %parallel_loop3A_363 = arith.mulf %parallel_loop3A_362, %parallel_loop3A_196 : vector<16xf32>
      %parallel_loop3A_364 = arith.mulf %parallel_loop3A_349, %parallel_loop3A_363 : vector<16xf32>
      %parallel_loop3A_365 = arith.index_cast %parallel_loop3A_327 : i32 to index
      %parallel_loop3A_366 = tpu.vector_load %arg10[%parallel_loop3A_365] {strides = array<i32>} : memref<27648xf32, #tpu.memory_space<vmem>>, vector<16xf32>,
      %parallel_loop3A_367 = vector.shape_cast %parallel_loop3A_366 : vector<16xf32> to vector<16xf32>
      %parallel_loop3A_368 = vector.shape_cast %parallel_loop3A_364 : vector<16xf32> to vector<16xf32>
      tpu.vector_store %arg10[%parallel_loop3A_365], %parallel_loop3A_368 {strides = array<i32>} : memref<27648xf32, #tpu.memory_space<vmem>>, vector<16xf32>,
    } {sc.loop_unroll_factor = 1 : i64, sc.parallel_access}
    %parallel_loop3A_132 = arith.constant 0 : i32
    %parallel_loop3A_133 = arith.constant 144 : i32
    %parallel_loop3A_134 = arith.constant 1 : i32
    scf.for %parallel_loop3A_167 = %parallel_loop3A_132 to %parallel_loop3A_133 step %parallel_loop3A_134  : i32 {
      %parallel_loop3A_168 = arith.constant 1 : i32
      %parallel_loop3A_169 = arith.andi %parallel_loop3A_167, %parallel_loop3A_168 : i32
      %parallel_loop3A_170 = arith.constant 1 : i32
      %parallel_loop3A_171 = arith.shrsi %parallel_loop3A_167, %parallel_loop3A_170 : i32
      %parallel_loop3A_172 = arith.constant 7 : i32
      %parallel_loop3A_173 = arith.andi %parallel_loop3A_171, %parallel_loop3A_172 : i32
      %parallel_loop3A_174 = arith.constant 4 : i32
      %parallel_loop3A_175 = arith.shrsi %parallel_loop3A_167, %parallel_loop3A_174 : i32
      %parallel_loop3A_176 = arith.constant 3072 : i32
      %parallel_loop3A_177 = arith.muli %parallel_loop3A_175, %parallel_loop3A_176 : i32
      %parallel_loop3A_178 = arith.constant 1024 : i32
      %parallel_loop3A_179 = arith.addi %parallel_loop3A_177, %parallel_loop3A_178 : i32
      %parallel_loop3A_180 = arith.constant 128 : i32
      %parallel_loop3A_181 = arith.muli %parallel_loop3A_173, %parallel_loop3A_180 : i32
      %parallel_loop3A_182 = arith.addi %parallel_loop3A_179, %parallel_loop3A_181 : i32
      %parallel_loop3A_183 = arith.constant 64 : i32
      %parallel_loop3A_184 = arith.muli %parallel_loop3A_169, %parallel_loop3A_183 : i32
      %parallel_loop3A_185 = arith.addi %parallel_loop3A_182, %parallel_loop3A_184 : i32
      %parallel_loop3A_186 = arith.constant 128 : i32
      %parallel_loop3A_187 = arith.muli %parallel_loop3A_175, %parallel_loop3A_186 : i32
      %parallel_loop3A_188 = arith.constant 1152 : i32
      %parallel_loop3A_189 = arith.addi %parallel_loop3A_188, %parallel_loop3A_187 : i32
      %parallel_loop3A_190 = arith.constant 16 : i32
      %parallel_loop3A_191 = arith.muli %parallel_loop3A_173, %parallel_loop3A_190 : i32
      %parallel_loop3A_192 = arith.addi %parallel_loop3A_189, %parallel_loop3A_191 : i32
      %parallel_loop3A_193 = arith.index_cast %parallel_loop3A_192 : i32 to index
      %parallel_loop3A_194 = tpu.vector_load %arg11[%parallel_loop3A_193] {strides = array<i32>} : memref<3456xf32, #tpu.memory_space<vmem>>, vector<16xf32>,
      %parallel_loop3A_195 = vector.shape_cast %parallel_loop3A_194 : vector<16xf32> to vector<16xf32>
      %parallel_loop3A_196 = arith.mulf %parallel_loop3A_195, %get3A_31 : vector<16xf32>
      %parallel_loop3A_197 = arith.constant 0 : i32
      %parallel_loop3A_198 = arith.addi %parallel_loop3A_185, %parallel_loop3A_197 : i32
      %parallel_loop3A_199 = arith.index_cast %parallel_loop3A_198 : i32 to index
      %parallel_loop3A_200 = tpu.vector_load %arg8[%parallel_loop3A_199] {strides = array<i32>} : memref<27648xf32, #tpu.memory_space<vmem>>, vector<16xf32>,
      %parallel_loop3A_201 = vector.shape_cast %parallel_loop3A_200 : vector<16xf32> to vector<16xf32>
      %parallel_loop3A_202 = arith.index_cast %parallel_loop3A_198 : i32 to index
      %parallel_loop3A_203 = tpu.vector_load %arg10[%parallel_loop3A_202] {strides = array<i32>} : memref<27648xf32, #tpu.memory_space<vmem>>, vector<16xf32>,
      %parallel_loop3A_204 = vector.shape_cast %parallel_loop3A_203 : vector<16xf32> to vector<16xf32>
      %parallel_loop3A_205 = arith.mulf %parallel_loop3A_201, %parallel_loop3A_204 : vector<16xf32>
      %parallel_loop3A_206 = math.absf %parallel_loop3A_205 : vector<16xf32>
      %parallel_loop3A_207 = arith.cmpf ogt, %parallel_loop3A_206, %mul3A_65 : vector<16xf32>
      %parallel_loop3A_208 = arith.select %parallel_loop3A_207, %mul3A_36, %mul3A_32 : vector<16xi1>, vector<16xf32>
      %parallel_loop3A_209 = arith.cmpf ogt, %parallel_loop3A_206, %mul3A_75 : vector<16xf32>
      %parallel_loop3A_210 = arith.select %parallel_loop3A_209, %mul3A_44, %mul3A_40 : vector<16xi1>, vector<16xf32>
      %parallel_loop3A_211 = arith.cmpf ogt, %parallel_loop3A_206, %mul3A_85 : vector<16xf32>
      %parallel_loop3A_212 = arith.select %parallel_loop3A_211, %mul3A_52, %mul3A_48 : vector<16xi1>, vector<16xf32>
      %parallel_loop3A_213 = arith.cmpf ogt, %parallel_loop3A_206, %mul3A_95 : vector<16xf32>
      %parallel_loop3A_214 = arith.select %parallel_loop3A_213, %mul3A_60, %mul3A_56 : vector<16xi1>, vector<16xf32>
      %parallel_loop3A_215 = arith.cmpf ogt, %parallel_loop3A_206, %mul3A_70 : vector<16xf32>
      %parallel_loop3A_216 = arith.select %parallel_loop3A_215, %parallel_loop3A_210, %parallel_loop3A_208 : vector<16xi1>, vector<16xf32>
      %parallel_loop3A_217 = arith.cmpf ogt, %parallel_loop3A_206, %mul3A_90 : vector<16xf32>
      %parallel_loop3A_218 = arith.select %parallel_loop3A_217, %parallel_loop3A_214, %parallel_loop3A_212 : vector<16xi1>, vector<16xf32>
      %parallel_loop3A_219 = arith.cmpf ogt, %parallel_loop3A_206, %mul3A_80 : vector<16xf32>
      %parallel_loop3A_220 = arith.select %parallel_loop3A_219, %parallel_loop3A_218, %parallel_loop3A_216 : vector<16xi1>, vector<16xf32>
      %parallel_loop3A_221 = tpu.bitcast %parallel_loop3A_205 : vector<16xf32> -> vector<16xi32>
      %parallel_loop3A_222 = arith.constant -2147483648 : i32
      %parallel_loop3A_223 = vector.broadcast %parallel_loop3A_222 : i32 to vector<16xi32>
      %parallel_loop3A_224 = arith.andi %parallel_loop3A_221, %parallel_loop3A_223 : vector<16xi32>
      %parallel_loop3A_225 = arith.constant 1065353216 : i32
      %parallel_loop3A_226 = vector.broadcast %parallel_loop3A_225 : i32 to vector<16xi32>
      %parallel_loop3A_227 = arith.ori %parallel_loop3A_226, %parallel_loop3A_224 : vector<16xi32>
      %parallel_loop3A_228 = tpu.bitcast %parallel_loop3A_227 : vector<16xi32> -> vector<16xf32>
      %parallel_loop3A_229 = math.absf %parallel_loop3A_205 : vector<16xf32>
      %parallel_loop3A_230 = arith.constant 0.000000e+00 : f32
      %parallel_loop3A_231 = vector.broadcast %parallel_loop3A_230 : f32 to vector<16xf32>
      %parallel_loop3A_232 = arith.cmpf ogt, %parallel_loop3A_229, %parallel_loop3A_231 : vector<16xf32>
      %parallel_loop3A_233 = arith.select %parallel_loop3A_232, %parallel_loop3A_228, %parallel_loop3A_205 : vector<16xi1>, vector<16xf32>
      %parallel_loop3A_234 = arith.mulf %parallel_loop3A_233, %parallel_loop3A_196 : vector<16xf32>
      %parallel_loop3A_235 = arith.mulf %parallel_loop3A_220, %parallel_loop3A_234 : vector<16xf32>
      %parallel_loop3A_236 = arith.index_cast %parallel_loop3A_198 : i32 to index
      %parallel_loop3A_237 = tpu.vector_load %arg10[%parallel_loop3A_236] {strides = array<i32>} : memref<27648xf32, #tpu.memory_space<vmem>>, vector<16xf32>,
      %parallel_loop3A_238 = vector.shape_cast %parallel_loop3A_237 : vector<16xf32> to vector<16xf32>
      %parallel_loop3A_239 = vector.shape_cast %parallel_loop3A_235 : vector<16xf32> to vector<16xf32>
      tpu.vector_store %arg10[%parallel_loop3A_236], %parallel_loop3A_239 {strides = array<i32>} : memref<27648xf32, #tpu.memory_space<vmem>>, vector<16xf32>,
      %parallel_loop3A_240 = arith.constant 16 : i32
      %parallel_loop3A_241 = arith.addi %parallel_loop3A_185, %parallel_loop3A_240 : i32
      %parallel_loop3A_242 = arith.index_cast %parallel_loop3A_241 : i32 to index
      %parallel_loop3A_243 = tpu.vector_load %arg8[%parallel_loop3A_242] {strides = array<i32>} : memref<27648xf32, #tpu.memory_space<vmem>>, vector<16xf32>,
      %parallel_loop3A_244 = vector.shape_cast %parallel_loop3A_243 : vector<16xf32> to vector<16xf32>
      %parallel_loop3A_245 = arith.index_cast %parallel_loop3A_241 : i32 to index
      %parallel_loop3A_246 = tpu.vector_load %arg10[%parallel_loop3A_245] {strides = array<i32>} : memref<27648xf32, #tpu.memory_space<vmem>>, vector<16xf32>,
      %parallel_loop3A_247 = vector.shape_cast %parallel_loop3A_246 : vector<16xf32> to vector<16xf32>
      %parallel_loop3A_248 = arith.mulf %parallel_loop3A_244, %parallel_loop3A_247 : vector<16xf32>
      %parallel_loop3A_249 = math.absf %parallel_loop3A_248 : vector<16xf32>
      %parallel_loop3A_250 = arith.cmpf ogt, %parallel_loop3A_249, %mul3A_65 : vector<16xf32>
      %parallel_loop3A_251 = arith.select %parallel_loop3A_250, %mul3A_36, %mul3A_32 : vector<16xi1>, vector<16xf32>
      %parallel_loop3A_252 = arith.cmpf ogt, %parallel_loop3A_249, %mul3A_75 : vector<16xf32>
      %parallel_loop3A_253 = arith.select %parallel_loop3A_252, %mul3A_44, %mul3A_40 : vector<16xi1>, vector<16xf32>
      %parallel_loop3A_254 = arith.cmpf ogt, %parallel_loop3A_249, %mul3A_85 : vector<16xf32>
      %parallel_loop3A_255 = arith.select %parallel_loop3A_254, %mul3A_52, %mul3A_48 : vector<16xi1>, vector<16xf32>
      %parallel_loop3A_256 = arith.cmpf ogt, %parallel_loop3A_249, %mul3A_95 : vector<16xf32>
      %parallel_loop3A_257 = arith.select %parallel_loop3A_256, %mul3A_60, %mul3A_56 : vector<16xi1>, vector<16xf32>
      %parallel_loop3A_258 = arith.cmpf ogt, %parallel_loop3A_249, %mul3A_70 : vector<16xf32>
      %parallel_loop3A_259 = arith.select %parallel_loop3A_258, %parallel_loop3A_253, %parallel_loop3A_251 : vector<16xi1>, vector<16xf32>
      %parallel_loop3A_260 = arith.cmpf ogt, %parallel_loop3A_249, %mul3A_90 : vector<16xf32>
      %parallel_loop3A_261 = arith.select %parallel_loop3A_260, %parallel_loop3A_257, %parallel_loop3A_255 : vector<16xi1>, vector<16xf32>
      %parallel_loop3A_262 = arith.cmpf ogt, %parallel_loop3A_249, %mul3A_80 : vector<16xf32>
      %parallel_loop3A_263 = arith.select %parallel_loop3A_262, %parallel_loop3A_261, %parallel_loop3A_259 : vector<16xi1>, vector<16xf32>
      %parallel_loop3A_264 = tpu.bitcast %parallel_loop3A_248 : vector<16xf32> -> vector<16xi32>
      %parallel_loop3A_265 = arith.constant -2147483648 : i32
      %parallel_loop3A_266 = vector.broadcast %parallel_loop3A_265 : i32 to vector<16xi32>
      %parallel_loop3A_267 = arith.andi %parallel_loop3A_264, %parallel_loop3A_266 : vector<16xi32>
      %parallel_loop3A_268 = arith.constant 1065353216 : i32
      %parallel_loop3A_269 = vector.broadcast %parallel_loop3A_268 : i32 to vector<16xi32>
      %parallel_loop3A_270 = arith.ori %parallel_loop3A_269, %parallel_loop3A_267 : vector<16xi32>
      %parallel_loop3A_271 = tpu.bitcast %parallel_loop3A_270 : vector<16xi32> -> vector<16xf32>
      %parallel_loop3A_272 = math.absf %parallel_loop3A_248 : vector<16xf32>
      %parallel_loop3A_273 = arith.constant 0.000000e+00 : f32
      %parallel_loop3A_274 = vector.broadcast %parallel_loop3A_273 : f32 to vector<16xf32>
      %parallel_loop3A_275 = arith.cmpf ogt, %parallel_loop3A_272, %parallel_loop3A_274 : vector<16xf32>
      %parallel_loop3A_276 = arith.select %parallel_loop3A_275, %parallel_loop3A_271, %parallel_loop3A_248 : vector<16xi1>, vector<16xf32>
      %parallel_loop3A_277 = arith.mulf %parallel_loop3A_276, %parallel_loop3A_196 : vector<16xf32>
      %parallel_loop3A_278 = arith.mulf %parallel_loop3A_263, %parallel_loop3A_277 : vector<16xf32>
      %parallel_loop3A_279 = arith.index_cast %parallel_loop3A_241 : i32 to index
      %parallel_loop3A_280 = tpu.vector_load %arg10[%parallel_loop3A_279] {strides = array<i32>} : memref<27648xf32, #tpu.memory_space<vmem>>, vector<16xf32>,
      %parallel_loop3A_281 = vector.shape_cast %parallel_loop3A_280 : vector<16xf32> to vector<16xf32>
      %parallel_loop3A_282 = vector.shape_cast %parallel_loop3A_278 : vector<16xf32> to vector<16xf32>
      tpu.vector_store %arg10[%parallel_loop3A_279], %parallel_loop3A_282 {strides = array<i32>} : memref<27648xf32, #tpu.memory_space<vmem>>, vector<16xf32>,
      %parallel_loop3A_283 = arith.constant 32 : i32
      %parallel_loop3A_284 = arith.addi %parallel_loop3A_185, %parallel_loop3A_283 : i32
      %parallel_loop3A_285 = arith.index_cast %parallel_loop3A_284 : i32 to index
      %parallel_loop3A_286 = tpu.vector_load %arg8[%parallel_loop3A_285] {strides = array<i32>} : memref<27648xf32, #tpu.memory_space<vmem>>, vector<16xf32>,
      %parallel_loop3A_287 = vector.shape_cast %parallel_loop3A_286 : vector<16xf32> to vector<16xf32>
      %parallel_loop3A_288 = arith.index_cast %parallel_loop3A_284 : i32 to index
      %parallel_loop3A_289 = tpu.vector_load %arg10[%parallel_loop3A_288] {strides = array<i32>} : memref<27648xf32, #tpu.memory_space<vmem>>, vector<16xf32>,
      %parallel_loop3A_290 = vector.shape_cast %parallel_loop3A_289 : vector<16xf32> to vector<16xf32>
      %parallel_loop3A_291 = arith.mulf %parallel_loop3A_287, %parallel_loop3A_290 : vector<16xf32>
      %parallel_loop3A_292 = math.absf %parallel_loop3A_291 : vector<16xf32>
      %parallel_loop3A_293 = arith.cmpf ogt, %parallel_loop3A_292, %mul3A_65 : vector<16xf32>
      %parallel_loop3A_294 = arith.select %parallel_loop3A_293, %mul3A_36, %mul3A_32 : vector<16xi1>, vector<16xf32>
      %parallel_loop3A_295 = arith.cmpf ogt, %parallel_loop3A_292, %mul3A_75 : vector<16xf32>
      %parallel_loop3A_296 = arith.select %parallel_loop3A_295, %mul3A_44, %mul3A_40 : vector<16xi1>, vector<16xf32>
      %parallel_loop3A_297 = arith.cmpf ogt, %parallel_loop3A_292, %mul3A_85 : vector<16xf32>
      %parallel_loop3A_298 = arith.select %parallel_loop3A_297, %mul3A_52, %mul3A_48 : vector<16xi1>, vector<16xf32>
      %parallel_loop3A_299 = arith.cmpf ogt, %parallel_loop3A_292, %mul3A_95 : vector<16xf32>
      %parallel_loop3A_300 = arith.select %parallel_loop3A_299, %mul3A_60, %mul3A_56 : vector<16xi1>, vector<16xf32>
      %parallel_loop3A_301 = arith.cmpf ogt, %parallel_loop3A_292, %mul3A_70 : vector<16xf32>
      %parallel_loop3A_302 = arith.select %parallel_loop3A_301, %parallel_loop3A_296, %parallel_loop3A_294 : vector<16xi1>, vector<16xf32>
      %parallel_loop3A_303 = arith.cmpf ogt, %parallel_loop3A_292, %mul3A_90 : vector<16xf32>
      %parallel_loop3A_304 = arith.select %parallel_loop3A_303, %parallel_loop3A_300, %parallel_loop3A_298 : vector<16xi1>, vector<16xf32>
      %parallel_loop3A_305 = arith.cmpf ogt, %parallel_loop3A_292, %mul3A_80 : vector<16xf32>
      %parallel_loop3A_306 = arith.select %parallel_loop3A_305, %parallel_loop3A_304, %parallel_loop3A_302 : vector<16xi1>, vector<16xf32>
      %parallel_loop3A_307 = tpu.bitcast %parallel_loop3A_291 : vector<16xf32> -> vector<16xi32>
      %parallel_loop3A_308 = arith.constant -2147483648 : i32
      %parallel_loop3A_309 = vector.broadcast %parallel_loop3A_308 : i32 to vector<16xi32>
      %parallel_loop3A_310 = arith.andi %parallel_loop3A_307, %parallel_loop3A_309 : vector<16xi32>
      %parallel_loop3A_311 = arith.constant 1065353216 : i32
      %parallel_loop3A_312 = vector.broadcast %parallel_loop3A_311 : i32 to vector<16xi32>
      %parallel_loop3A_313 = arith.ori %parallel_loop3A_312, %parallel_loop3A_310 : vector<16xi32>
      %parallel_loop3A_314 = tpu.bitcast %parallel_loop3A_313 : vector<16xi32> -> vector<16xf32>
      %parallel_loop3A_315 = math.absf %parallel_loop3A_291 : vector<16xf32>
      %parallel_loop3A_316 = arith.constant 0.000000e+00 : f32
      %parallel_loop3A_317 = vector.broadcast %parallel_loop3A_316 : f32 to vector<16xf32>
      %parallel_loop3A_318 = arith.cmpf ogt, %parallel_loop3A_315, %parallel_loop3A_317 : vector<16xf32>
      %parallel_loop3A_319 = arith.select %parallel_loop3A_318, %parallel_loop3A_314, %parallel_loop3A_291 : vector<16xi1>, vector<16xf32>
      %parallel_loop3A_320 = arith.mulf %parallel_loop3A_319, %parallel_loop3A_196 : vector<16xf32>
      %parallel_loop3A_321 = arith.mulf %parallel_loop3A_306, %parallel_loop3A_320 : vector<16xf32>
      %parallel_loop3A_322 = arith.index_cast %parallel_loop3A_284 : i32 to index
      %parallel_loop3A_323 = tpu.vector_load %arg10[%parallel_loop3A_322] {strides = array<i32>} : memref<27648xf32, #tpu.memory_space<vmem>>, vector<16xf32>,
      %parallel_loop3A_324 = vector.shape_cast %parallel_loop3A_323 : vector<16xf32> to vector<16xf32>
      %parallel_loop3A_325 = vector.shape_cast %parallel_loop3A_321 : vector<16xf32> to vector<16xf32>
      tpu.vector_store %arg10[%parallel_loop3A_322], %parallel_loop3A_325 {strides = array<i32>} : memref<27648xf32, #tpu.memory_space<vmem>>, vector<16xf32>,
      %parallel_loop3A_326 = arith.constant 48 : i32
      %parallel_loop3A_327 = arith.addi %parallel_loop3A_185, %parallel_loop3A_326 : i32
      %parallel_loop3A_328 = arith.index_cast %parallel_loop3A_327 : i32 to index
      %parallel_loop3A_329 = tpu.vector_load %arg8[%parallel_loop3A_328] {strides = array<i32>} : memref<27648xf32, #tpu.memory_space<vmem>>, vector<16xf32>,
      %parallel_loop3A_330 = vector.shape_cast %parallel_loop3A_329 : vector<16xf32> to vector<16xf32>
      %parallel_loop3A_331 = arith.index_cast %parallel_loop3A_327 : i32 to index
      %parallel_loop3A_332 = tpu.vector_load %arg10[%parallel_loop3A_331] {strides = array<i32>} : memref<27648xf32, #tpu.memory_space<vmem>>, vector<16xf32>,
      %parallel_loop3A_333 = vector.shape_cast %parallel_loop3A_332 : vector<16xf32> to vector<16xf32>
      %parallel_loop3A_334 = arith.mulf %parallel_loop3A_330, %parallel_loop3A_333 : vector<16xf32>
      %parallel_loop3A_335 = math.absf %parallel_loop3A_334 : vector<16xf32>
      %parallel_loop3A_336 = arith.cmpf ogt, %parallel_loop3A_335, %mul3A_65 : vector<16xf32>
      %parallel_loop3A_337 = arith.select %parallel_loop3A_336, %mul3A_36, %mul3A_32 : vector<16xi1>, vector<16xf32>
      %parallel_loop3A_338 = arith.cmpf ogt, %parallel_loop3A_335, %mul3A_75 : vector<16xf32>
      %parallel_loop3A_339 = arith.select %parallel_loop3A_338, %mul3A_44, %mul3A_40 : vector<16xi1>, vector<16xf32>
      %parallel_loop3A_340 = arith.cmpf ogt, %parallel_loop3A_335, %mul3A_85 : vector<16xf32>
      %parallel_loop3A_341 = arith.select %parallel_loop3A_340, %mul3A_52, %mul3A_48 : vector<16xi1>, vector<16xf32>
      %parallel_loop3A_342 = arith.cmpf ogt, %parallel_loop3A_335, %mul3A_95 : vector<16xf32>
      %parallel_loop3A_343 = arith.select %parallel_loop3A_342, %mul3A_60, %mul3A_56 : vector<16xi1>, vector<16xf32>
      %parallel_loop3A_344 = arith.cmpf ogt, %parallel_loop3A_335, %mul3A_70 : vector<16xf32>
      %parallel_loop3A_345 = arith.select %parallel_loop3A_344, %parallel_loop3A_339, %parallel_loop3A_337 : vector<16xi1>, vector<16xf32>
      %parallel_loop3A_346 = arith.cmpf ogt, %parallel_loop3A_335, %mul3A_90 : vector<16xf32>
      %parallel_loop3A_347 = arith.select %parallel_loop3A_346, %parallel_loop3A_343, %parallel_loop3A_341 : vector<16xi1>, vector<16xf32>
      %parallel_loop3A_348 = arith.cmpf ogt, %parallel_loop3A_335, %mul3A_80 : vector<16xf32>
      %parallel_loop3A_349 = arith.select %parallel_loop3A_348, %parallel_loop3A_347, %parallel_loop3A_345 : vector<16xi1>, vector<16xf32>
      %parallel_loop3A_350 = tpu.bitcast %parallel_loop3A_334 : vector<16xf32> -> vector<16xi32>
      %parallel_loop3A_351 = arith.constant -2147483648 : i32
      %parallel_loop3A_352 = vector.broadcast %parallel_loop3A_351 : i32 to vector<16xi32>
      %parallel_loop3A_353 = arith.andi %parallel_loop3A_350, %parallel_loop3A_352 : vector<16xi32>
      %parallel_loop3A_354 = arith.constant 1065353216 : i32
      %parallel_loop3A_355 = vector.broadcast %parallel_loop3A_354 : i32 to vector<16xi32>
      %parallel_loop3A_356 = arith.ori %parallel_loop3A_355, %parallel_loop3A_353 : vector<16xi32>
      %parallel_loop3A_357 = tpu.bitcast %parallel_loop3A_356 : vector<16xi32> -> vector<16xf32>
      %parallel_loop3A_358 = math.absf %parallel_loop3A_334 : vector<16xf32>
      %parallel_loop3A_359 = arith.constant 0.000000e+00 : f32
      %parallel_loop3A_360 = vector.broadcast %parallel_loop3A_359 : f32 to vector<16xf32>
      %parallel_loop3A_361 = arith.cmpf ogt, %parallel_loop3A_358, %parallel_loop3A_360 : vector<16xf32>
      %parallel_loop3A_362 = arith.select %parallel_loop3A_361, %parallel_loop3A_357, %parallel_loop3A_334 : vector<16xi1>, vector<16xf32>
      %parallel_loop3A_363 = arith.mulf %parallel_loop3A_362, %parallel_loop3A_196 : vector<16xf32>
      %parallel_loop3A_364 = arith.mulf %parallel_loop3A_349, %parallel_loop3A_363 : vector<16xf32>
      %parallel_loop3A_365 = arith.index_cast %parallel_loop3A_327 : i32 to index
      %parallel_loop3A_366 = tpu.vector_load %arg10[%parallel_loop3A_365] {strides = array<i32>} : memref<27648xf32, #tpu.memory_space<vmem>>, vector<16xf32>,
      %parallel_loop3A_367 = vector.shape_cast %parallel_loop3A_366 : vector<16xf32> to vector<16xf32>
      %parallel_loop3A_368 = vector.shape_cast %parallel_loop3A_364 : vector<16xf32> to vector<16xf32>
      tpu.vector_store %arg10[%parallel_loop3A_365], %parallel_loop3A_368 {strides = array<i32>} : memref<27648xf32, #tpu.memory_space<vmem>>, vector<16xf32>,
    } {sc.loop_unroll_factor = 1 : i64, sc.parallel_access}
    %parallel_loop3A_135 = arith.constant 0 : i32
    %parallel_loop3A_136 = arith.constant 144 : i32
    %parallel_loop3A_137 = arith.constant 1 : i32
    scf.for %parallel_loop3A_167 = %parallel_loop3A_135 to %parallel_loop3A_136 step %parallel_loop3A_137  : i32 {
      %parallel_loop3A_168 = arith.constant 1 : i32
      %parallel_loop3A_169 = arith.andi %parallel_loop3A_167, %parallel_loop3A_168 : i32
      %parallel_loop3A_170 = arith.constant 1 : i32
      %parallel_loop3A_171 = arith.shrsi %parallel_loop3A_167, %parallel_loop3A_170 : i32
      %parallel_loop3A_172 = arith.constant 7 : i32
      %parallel_loop3A_173 = arith.andi %parallel_loop3A_171, %parallel_loop3A_172 : i32
      %parallel_loop3A_174 = arith.constant 4 : i32
      %parallel_loop3A_175 = arith.shrsi %parallel_loop3A_167, %parallel_loop3A_174 : i32
      %parallel_loop3A_176 = arith.constant 3072 : i32
      %parallel_loop3A_177 = arith.muli %parallel_loop3A_175, %parallel_loop3A_176 : i32
      %parallel_loop3A_178 = arith.constant 2048 : i32
      %parallel_loop3A_179 = arith.addi %parallel_loop3A_177, %parallel_loop3A_178 : i32
      %parallel_loop3A_180 = arith.constant 128 : i32
      %parallel_loop3A_181 = arith.muli %parallel_loop3A_173, %parallel_loop3A_180 : i32
      %parallel_loop3A_182 = arith.addi %parallel_loop3A_179, %parallel_loop3A_181 : i32
      %parallel_loop3A_183 = arith.constant 64 : i32
      %parallel_loop3A_184 = arith.muli %parallel_loop3A_169, %parallel_loop3A_183 : i32
      %parallel_loop3A_185 = arith.addi %parallel_loop3A_182, %parallel_loop3A_184 : i32
      %parallel_loop3A_186 = arith.constant 128 : i32
      %parallel_loop3A_187 = arith.muli %parallel_loop3A_175, %parallel_loop3A_186 : i32
      %parallel_loop3A_188 = arith.constant 1152 : i32
      %parallel_loop3A_189 = arith.addi %parallel_loop3A_188, %parallel_loop3A_187 : i32
      %parallel_loop3A_190 = arith.constant 16 : i32
      %parallel_loop3A_191 = arith.muli %parallel_loop3A_173, %parallel_loop3A_190 : i32
      %parallel_loop3A_192 = arith.addi %parallel_loop3A_189, %parallel_loop3A_191 : i32
      %parallel_loop3A_193 = arith.index_cast %parallel_loop3A_192 : i32 to index
      %parallel_loop3A_194 = tpu.vector_load %arg11[%parallel_loop3A_193] {strides = array<i32>} : memref<3456xf32, #tpu.memory_space<vmem>>, vector<16xf32>,
      %parallel_loop3A_195 = vector.shape_cast %parallel_loop3A_194 : vector<16xf32> to vector<16xf32>
      %parallel_loop3A_196 = arith.mulf %parallel_loop3A_195, %get3A_31 : vector<16xf32>
      %parallel_loop3A_197 = arith.constant 0 : i32
      %parallel_loop3A_198 = arith.addi %parallel_loop3A_185, %parallel_loop3A_197 : i32
      %parallel_loop3A_199 = arith.index_cast %parallel_loop3A_198 : i32 to index
      %parallel_loop3A_200 = tpu.vector_load %arg8[%parallel_loop3A_199] {strides = array<i32>} : memref<27648xf32, #tpu.memory_space<vmem>>, vector<16xf32>,
      %parallel_loop3A_201 = vector.shape_cast %parallel_loop3A_200 : vector<16xf32> to vector<16xf32>
      %parallel_loop3A_202 = arith.index_cast %parallel_loop3A_198 : i32 to index
      %parallel_loop3A_203 = tpu.vector_load %arg10[%parallel_loop3A_202] {strides = array<i32>} : memref<27648xf32, #tpu.memory_space<vmem>>, vector<16xf32>,
      %parallel_loop3A_204 = vector.shape_cast %parallel_loop3A_203 : vector<16xf32> to vector<16xf32>
      %parallel_loop3A_205 = arith.mulf %parallel_loop3A_201, %parallel_loop3A_204 : vector<16xf32>
      %parallel_loop3A_206 = math.absf %parallel_loop3A_205 : vector<16xf32>
      %parallel_loop3A_207 = arith.cmpf ogt, %parallel_loop3A_206, %mul3A_65 : vector<16xf32>
      %parallel_loop3A_208 = arith.select %parallel_loop3A_207, %mul3A_36, %mul3A_32 : vector<16xi1>, vector<16xf32>
      %parallel_loop3A_209 = arith.cmpf ogt, %parallel_loop3A_206, %mul3A_75 : vector<16xf32>
      %parallel_loop3A_210 = arith.select %parallel_loop3A_209, %mul3A_44, %mul3A_40 : vector<16xi1>, vector<16xf32>
      %parallel_loop3A_211 = arith.cmpf ogt, %parallel_loop3A_206, %mul3A_85 : vector<16xf32>
      %parallel_loop3A_212 = arith.select %parallel_loop3A_211, %mul3A_52, %mul3A_48 : vector<16xi1>, vector<16xf32>
      %parallel_loop3A_213 = arith.cmpf ogt, %parallel_loop3A_206, %mul3A_95 : vector<16xf32>
      %parallel_loop3A_214 = arith.select %parallel_loop3A_213, %mul3A_60, %mul3A_56 : vector<16xi1>, vector<16xf32>
      %parallel_loop3A_215 = arith.cmpf ogt, %parallel_loop3A_206, %mul3A_70 : vector<16xf32>
      %parallel_loop3A_216 = arith.select %parallel_loop3A_215, %parallel_loop3A_210, %parallel_loop3A_208 : vector<16xi1>, vector<16xf32>
      %parallel_loop3A_217 = arith.cmpf ogt, %parallel_loop3A_206, %mul3A_90 : vector<16xf32>
      %parallel_loop3A_218 = arith.select %parallel_loop3A_217, %parallel_loop3A_214, %parallel_loop3A_212 : vector<16xi1>, vector<16xf32>
      %parallel_loop3A_219 = arith.cmpf ogt, %parallel_loop3A_206, %mul3A_80 : vector<16xf32>
      %parallel_loop3A_220 = arith.select %parallel_loop3A_219, %parallel_loop3A_218, %parallel_loop3A_216 : vector<16xi1>, vector<16xf32>
      %parallel_loop3A_221 = tpu.bitcast %parallel_loop3A_205 : vector<16xf32> -> vector<16xi32>
      %parallel_loop3A_222 = arith.constant -2147483648 : i32
      %parallel_loop3A_223 = vector.broadcast %parallel_loop3A_222 : i32 to vector<16xi32>
      %parallel_loop3A_224 = arith.andi %parallel_loop3A_221, %parallel_loop3A_223 : vector<16xi32>
      %parallel_loop3A_225 = arith.constant 1065353216 : i32
      %parallel_loop3A_226 = vector.broadcast %parallel_loop3A_225 : i32 to vector<16xi32>
      %parallel_loop3A_227 = arith.ori %parallel_loop3A_226, %parallel_loop3A_224 : vector<16xi32>
      %parallel_loop3A_228 = tpu.bitcast %parallel_loop3A_227 : vector<16xi32> -> vector<16xf32>
      %parallel_loop3A_229 = math.absf %parallel_loop3A_205 : vector<16xf32>
      %parallel_loop3A_230 = arith.constant 0.000000e+00 : f32
      %parallel_loop3A_231 = vector.broadcast %parallel_loop3A_230 : f32 to vector<16xf32>
      %parallel_loop3A_232 = arith.cmpf ogt, %parallel_loop3A_229, %parallel_loop3A_231 : vector<16xf32>
      %parallel_loop3A_233 = arith.select %parallel_loop3A_232, %parallel_loop3A_228, %parallel_loop3A_205 : vector<16xi1>, vector<16xf32>
      %parallel_loop3A_234 = arith.mulf %parallel_loop3A_233, %parallel_loop3A_196 : vector<16xf32>
      %parallel_loop3A_235 = arith.mulf %parallel_loop3A_220, %parallel_loop3A_234 : vector<16xf32>
      %parallel_loop3A_236 = arith.index_cast %parallel_loop3A_198 : i32 to index
      %parallel_loop3A_237 = tpu.vector_load %arg10[%parallel_loop3A_236] {strides = array<i32>} : memref<27648xf32, #tpu.memory_space<vmem>>, vector<16xf32>,
      %parallel_loop3A_238 = vector.shape_cast %parallel_loop3A_237 : vector<16xf32> to vector<16xf32>
      %parallel_loop3A_239 = vector.shape_cast %parallel_loop3A_235 : vector<16xf32> to vector<16xf32>
      tpu.vector_store %arg10[%parallel_loop3A_236], %parallel_loop3A_239 {strides = array<i32>} : memref<27648xf32, #tpu.memory_space<vmem>>, vector<16xf32>,
      %parallel_loop3A_240 = arith.constant 16 : i32
      %parallel_loop3A_241 = arith.addi %parallel_loop3A_185, %parallel_loop3A_240 : i32
      %parallel_loop3A_242 = arith.index_cast %parallel_loop3A_241 : i32 to index
      %parallel_loop3A_243 = tpu.vector_load %arg8[%parallel_loop3A_242] {strides = array<i32>} : memref<27648xf32, #tpu.memory_space<vmem>>, vector<16xf32>,
      %parallel_loop3A_244 = vector.shape_cast %parallel_loop3A_243 : vector<16xf32> to vector<16xf32>
      %parallel_loop3A_245 = arith.index_cast %parallel_loop3A_241 : i32 to index
      %parallel_loop3A_246 = tpu.vector_load %arg10[%parallel_loop3A_245] {strides = array<i32>} : memref<27648xf32, #tpu.memory_space<vmem>>, vector<16xf32>,
      %parallel_loop3A_247 = vector.shape_cast %parallel_loop3A_246 : vector<16xf32> to vector<16xf32>
      %parallel_loop3A_248 = arith.mulf %parallel_loop3A_244, %parallel_loop3A_247 : vector<16xf32>
      %parallel_loop3A_249 = math.absf %parallel_loop3A_248 : vector<16xf32>
      %parallel_loop3A_250 = arith.cmpf ogt, %parallel_loop3A_249, %mul3A_65 : vector<16xf32>
      %parallel_loop3A_251 = arith.select %parallel_loop3A_250, %mul3A_36, %mul3A_32 : vector<16xi1>, vector<16xf32>
      %parallel_loop3A_252 = arith.cmpf ogt, %parallel_loop3A_249, %mul3A_75 : vector<16xf32>
      %parallel_loop3A_253 = arith.select %parallel_loop3A_252, %mul3A_44, %mul3A_40 : vector<16xi1>, vector<16xf32>
      %parallel_loop3A_254 = arith.cmpf ogt, %parallel_loop3A_249, %mul3A_85 : vector<16xf32>
      %parallel_loop3A_255 = arith.select %parallel_loop3A_254, %mul3A_52, %mul3A_48 : vector<16xi1>, vector<16xf32>
      %parallel_loop3A_256 = arith.cmpf ogt, %parallel_loop3A_249, %mul3A_95 : vector<16xf32>
      %parallel_loop3A_257 = arith.select %parallel_loop3A_256, %mul3A_60, %mul3A_56 : vector<16xi1>, vector<16xf32>
      %parallel_loop3A_258 = arith.cmpf ogt, %parallel_loop3A_249, %mul3A_70 : vector<16xf32>
      %parallel_loop3A_259 = arith.select %parallel_loop3A_258, %parallel_loop3A_253, %parallel_loop3A_251 : vector<16xi1>, vector<16xf32>
      %parallel_loop3A_260 = arith.cmpf ogt, %parallel_loop3A_249, %mul3A_90 : vector<16xf32>
      %parallel_loop3A_261 = arith.select %parallel_loop3A_260, %parallel_loop3A_257, %parallel_loop3A_255 : vector<16xi1>, vector<16xf32>
      %parallel_loop3A_262 = arith.cmpf ogt, %parallel_loop3A_249, %mul3A_80 : vector<16xf32>
      %parallel_loop3A_263 = arith.select %parallel_loop3A_262, %parallel_loop3A_261, %parallel_loop3A_259 : vector<16xi1>, vector<16xf32>
      %parallel_loop3A_264 = tpu.bitcast %parallel_loop3A_248 : vector<16xf32> -> vector<16xi32>
      %parallel_loop3A_265 = arith.constant -2147483648 : i32
      %parallel_loop3A_266 = vector.broadcast %parallel_loop3A_265 : i32 to vector<16xi32>
      %parallel_loop3A_267 = arith.andi %parallel_loop3A_264, %parallel_loop3A_266 : vector<16xi32>
      %parallel_loop3A_268 = arith.constant 1065353216 : i32
      %parallel_loop3A_269 = vector.broadcast %parallel_loop3A_268 : i32 to vector<16xi32>
      %parallel_loop3A_270 = arith.ori %parallel_loop3A_269, %parallel_loop3A_267 : vector<16xi32>
      %parallel_loop3A_271 = tpu.bitcast %parallel_loop3A_270 : vector<16xi32> -> vector<16xf32>
      %parallel_loop3A_272 = math.absf %parallel_loop3A_248 : vector<16xf32>
      %parallel_loop3A_273 = arith.constant 0.000000e+00 : f32
      %parallel_loop3A_274 = vector.broadcast %parallel_loop3A_273 : f32 to vector<16xf32>
      %parallel_loop3A_275 = arith.cmpf ogt, %parallel_loop3A_272, %parallel_loop3A_274 : vector<16xf32>
      %parallel_loop3A_276 = arith.select %parallel_loop3A_275, %parallel_loop3A_271, %parallel_loop3A_248 : vector<16xi1>, vector<16xf32>
      %parallel_loop3A_277 = arith.mulf %parallel_loop3A_276, %parallel_loop3A_196 : vector<16xf32>
      %parallel_loop3A_278 = arith.mulf %parallel_loop3A_263, %parallel_loop3A_277 : vector<16xf32>
      %parallel_loop3A_279 = arith.index_cast %parallel_loop3A_241 : i32 to index
      %parallel_loop3A_280 = tpu.vector_load %arg10[%parallel_loop3A_279] {strides = array<i32>} : memref<27648xf32, #tpu.memory_space<vmem>>, vector<16xf32>,
      %parallel_loop3A_281 = vector.shape_cast %parallel_loop3A_280 : vector<16xf32> to vector<16xf32>
      %parallel_loop3A_282 = vector.shape_cast %parallel_loop3A_278 : vector<16xf32> to vector<16xf32>
      tpu.vector_store %arg10[%parallel_loop3A_279], %parallel_loop3A_282 {strides = array<i32>} : memref<27648xf32, #tpu.memory_space<vmem>>, vector<16xf32>,
      %parallel_loop3A_283 = arith.constant 32 : i32
      %parallel_loop3A_284 = arith.addi %parallel_loop3A_185, %parallel_loop3A_283 : i32
      %parallel_loop3A_285 = arith.index_cast %parallel_loop3A_284 : i32 to index
      %parallel_loop3A_286 = tpu.vector_load %arg8[%parallel_loop3A_285] {strides = array<i32>} : memref<27648xf32, #tpu.memory_space<vmem>>, vector<16xf32>,
      %parallel_loop3A_287 = vector.shape_cast %parallel_loop3A_286 : vector<16xf32> to vector<16xf32>
      %parallel_loop3A_288 = arith.index_cast %parallel_loop3A_284 : i32 to index
      %parallel_loop3A_289 = tpu.vector_load %arg10[%parallel_loop3A_288] {strides = array<i32>} : memref<27648xf32, #tpu.memory_space<vmem>>, vector<16xf32>,
      %parallel_loop3A_290 = vector.shape_cast %parallel_loop3A_289 : vector<16xf32> to vector<16xf32>
      %parallel_loop3A_291 = arith.mulf %parallel_loop3A_287, %parallel_loop3A_290 : vector<16xf32>
      %parallel_loop3A_292 = math.absf %parallel_loop3A_291 : vector<16xf32>
      %parallel_loop3A_293 = arith.cmpf ogt, %parallel_loop3A_292, %mul3A_65 : vector<16xf32>
      %parallel_loop3A_294 = arith.select %parallel_loop3A_293, %mul3A_36, %mul3A_32 : vector<16xi1>, vector<16xf32>
      %parallel_loop3A_295 = arith.cmpf ogt, %parallel_loop3A_292, %mul3A_75 : vector<16xf32>
      %parallel_loop3A_296 = arith.select %parallel_loop3A_295, %mul3A_44, %mul3A_40 : vector<16xi1>, vector<16xf32>
      %parallel_loop3A_297 = arith.cmpf ogt, %parallel_loop3A_292, %mul3A_85 : vector<16xf32>
      %parallel_loop3A_298 = arith.select %parallel_loop3A_297, %mul3A_52, %mul3A_48 : vector<16xi1>, vector<16xf32>
      %parallel_loop3A_299 = arith.cmpf ogt, %parallel_loop3A_292, %mul3A_95 : vector<16xf32>
      %parallel_loop3A_300 = arith.select %parallel_loop3A_299, %mul3A_60, %mul3A_56 : vector<16xi1>, vector<16xf32>
      %parallel_loop3A_301 = arith.cmpf ogt, %parallel_loop3A_292, %mul3A_70 : vector<16xf32>
      %parallel_loop3A_302 = arith.select %parallel_loop3A_301, %parallel_loop3A_296, %parallel_loop3A_294 : vector<16xi1>, vector<16xf32>
      %parallel_loop3A_303 = arith.cmpf ogt, %parallel_loop3A_292, %mul3A_90 : vector<16xf32>
      %parallel_loop3A_304 = arith.select %parallel_loop3A_303, %parallel_loop3A_300, %parallel_loop3A_298 : vector<16xi1>, vector<16xf32>
      %parallel_loop3A_305 = arith.cmpf ogt, %parallel_loop3A_292, %mul3A_80 : vector<16xf32>
      %parallel_loop3A_306 = arith.select %parallel_loop3A_305, %parallel_loop3A_304, %parallel_loop3A_302 : vector<16xi1>, vector<16xf32>
      %parallel_loop3A_307 = tpu.bitcast %parallel_loop3A_291 : vector<16xf32> -> vector<16xi32>
      %parallel_loop3A_308 = arith.constant -2147483648 : i32
      %parallel_loop3A_309 = vector.broadcast %parallel_loop3A_308 : i32 to vector<16xi32>
      %parallel_loop3A_310 = arith.andi %parallel_loop3A_307, %parallel_loop3A_309 : vector<16xi32>
      %parallel_loop3A_311 = arith.constant 1065353216 : i32
      %parallel_loop3A_312 = vector.broadcast %parallel_loop3A_311 : i32 to vector<16xi32>
      %parallel_loop3A_313 = arith.ori %parallel_loop3A_312, %parallel_loop3A_310 : vector<16xi32>
      %parallel_loop3A_314 = tpu.bitcast %parallel_loop3A_313 : vector<16xi32> -> vector<16xf32>
      %parallel_loop3A_315 = math.absf %parallel_loop3A_291 : vector<16xf32>
      %parallel_loop3A_316 = arith.constant 0.000000e+00 : f32
      %parallel_loop3A_317 = vector.broadcast %parallel_loop3A_316 : f32 to vector<16xf32>
      %parallel_loop3A_318 = arith.cmpf ogt, %parallel_loop3A_315, %parallel_loop3A_317 : vector<16xf32>
      %parallel_loop3A_319 = arith.select %parallel_loop3A_318, %parallel_loop3A_314, %parallel_loop3A_291 : vector<16xi1>, vector<16xf32>
      %parallel_loop3A_320 = arith.mulf %parallel_loop3A_319, %parallel_loop3A_196 : vector<16xf32>
      %parallel_loop3A_321 = arith.mulf %parallel_loop3A_306, %parallel_loop3A_320 : vector<16xf32>
      %parallel_loop3A_322 = arith.index_cast %parallel_loop3A_284 : i32 to index
      %parallel_loop3A_323 = tpu.vector_load %arg10[%parallel_loop3A_322] {strides = array<i32>} : memref<27648xf32, #tpu.memory_space<vmem>>, vector<16xf32>,
      %parallel_loop3A_324 = vector.shape_cast %parallel_loop3A_323 : vector<16xf32> to vector<16xf32>
      %parallel_loop3A_325 = vector.shape_cast %parallel_loop3A_321 : vector<16xf32> to vector<16xf32>
      tpu.vector_store %arg10[%parallel_loop3A_322], %parallel_loop3A_325 {strides = array<i32>} : memref<27648xf32, #tpu.memory_space<vmem>>, vector<16xf32>,
      %parallel_loop3A_326 = arith.constant 48 : i32
      %parallel_loop3A_327 = arith.addi %parallel_loop3A_185, %parallel_loop3A_326 : i32
      %parallel_loop3A_328 = arith.index_cast %parallel_loop3A_327 : i32 to index
      %parallel_loop3A_329 = tpu.vector_load %arg8[%parallel_loop3A_328] {strides = array<i32>} : memref<27648xf32, #tpu.memory_space<vmem>>, vector<16xf32>,
      %parallel_loop3A_330 = vector.shape_cast %parallel_loop3A_329 : vector<16xf32> to vector<16xf32>
      %parallel_loop3A_331 = arith.index_cast %parallel_loop3A_327 : i32 to index
      %parallel_loop3A_332 = tpu.vector_load %arg10[%parallel_loop3A_331] {strides = array<i32>} : memref<27648xf32, #tpu.memory_space<vmem>>, vector<16xf32>,
      %parallel_loop3A_333 = vector.shape_cast %parallel_loop3A_332 : vector<16xf32> to vector<16xf32>
      %parallel_loop3A_334 = arith.mulf %parallel_loop3A_330, %parallel_loop3A_333 : vector<16xf32>
      %parallel_loop3A_335 = math.absf %parallel_loop3A_334 : vector<16xf32>
      %parallel_loop3A_336 = arith.cmpf ogt, %parallel_loop3A_335, %mul3A_65 : vector<16xf32>
      %parallel_loop3A_337 = arith.select %parallel_loop3A_336, %mul3A_36, %mul3A_32 : vector<16xi1>, vector<16xf32>
      %parallel_loop3A_338 = arith.cmpf ogt, %parallel_loop3A_335, %mul3A_75 : vector<16xf32>
      %parallel_loop3A_339 = arith.select %parallel_loop3A_338, %mul3A_44, %mul3A_40 : vector<16xi1>, vector<16xf32>
      %parallel_loop3A_340 = arith.cmpf ogt, %parallel_loop3A_335, %mul3A_85 : vector<16xf32>
      %parallel_loop3A_341 = arith.select %parallel_loop3A_340, %mul3A_52, %mul3A_48 : vector<16xi1>, vector<16xf32>
      %parallel_loop3A_342 = arith.cmpf ogt, %parallel_loop3A_335, %mul3A_95 : vector<16xf32>
      %parallel_loop3A_343 = arith.select %parallel_loop3A_342, %mul3A_60, %mul3A_56 : vector<16xi1>, vector<16xf32>
      %parallel_loop3A_344 = arith.cmpf ogt, %parallel_loop3A_335, %mul3A_70 : vector<16xf32>
      %parallel_loop3A_345 = arith.select %parallel_loop3A_344, %parallel_loop3A_339, %parallel_loop3A_337 : vector<16xi1>, vector<16xf32>
      %parallel_loop3A_346 = arith.cmpf ogt, %parallel_loop3A_335, %mul3A_90 : vector<16xf32>
      %parallel_loop3A_347 = arith.select %parallel_loop3A_346, %parallel_loop3A_343, %parallel_loop3A_341 : vector<16xi1>, vector<16xf32>
      %parallel_loop3A_348 = arith.cmpf ogt, %parallel_loop3A_335, %mul3A_80 : vector<16xf32>
      %parallel_loop3A_349 = arith.select %parallel_loop3A_348, %parallel_loop3A_347, %parallel_loop3A_345 : vector<16xi1>, vector<16xf32>
      %parallel_loop3A_350 = tpu.bitcast %parallel_loop3A_334 : vector<16xf32> -> vector<16xi32>
      %parallel_loop3A_351 = arith.constant -2147483648 : i32
      %parallel_loop3A_352 = vector.broadcast %parallel_loop3A_351 : i32 to vector<16xi32>
      %parallel_loop3A_353 = arith.andi %parallel_loop3A_350, %parallel_loop3A_352 : vector<16xi32>
      %parallel_loop3A_354 = arith.constant 1065353216 : i32
      %parallel_loop3A_355 = vector.broadcast %parallel_loop3A_354 : i32 to vector<16xi32>
      %parallel_loop3A_356 = arith.ori %parallel_loop3A_355, %parallel_loop3A_353 : vector<16xi32>
      %parallel_loop3A_357 = tpu.bitcast %parallel_loop3A_356 : vector<16xi32> -> vector<16xf32>
      %parallel_loop3A_358 = math.absf %parallel_loop3A_334 : vector<16xf32>
      %parallel_loop3A_359 = arith.constant 0.000000e+00 : f32
      %parallel_loop3A_360 = vector.broadcast %parallel_loop3A_359 : f32 to vector<16xf32>
      %parallel_loop3A_361 = arith.cmpf ogt, %parallel_loop3A_358, %parallel_loop3A_360 : vector<16xf32>
      %parallel_loop3A_362 = arith.select %parallel_loop3A_361, %parallel_loop3A_357, %parallel_loop3A_334 : vector<16xi1>, vector<16xf32>
      %parallel_loop3A_363 = arith.mulf %parallel_loop3A_362, %parallel_loop3A_196 : vector<16xf32>
      %parallel_loop3A_364 = arith.mulf %parallel_loop3A_349, %parallel_loop3A_363 : vector<16xf32>
      %parallel_loop3A_365 = arith.index_cast %parallel_loop3A_327 : i32 to index
      %parallel_loop3A_366 = tpu.vector_load %arg10[%parallel_loop3A_365] {strides = array<i32>} : memref<27648xf32, #tpu.memory_space<vmem>>, vector<16xf32>,
      %parallel_loop3A_367 = vector.shape_cast %parallel_loop3A_366 : vector<16xf32> to vector<16xf32>
      %parallel_loop3A_368 = vector.shape_cast %parallel_loop3A_364 : vector<16xf32> to vector<16xf32>
      tpu.vector_store %arg10[%parallel_loop3A_365], %parallel_loop3A_368 {strides = array<i32>} : memref<27648xf32, #tpu.memory_space<vmem>>, vector<16xf32>,
    } {sc.loop_unroll_factor = 1 : i64, sc.parallel_access}
    %add3A_138 = arith.constant 9 : i32
    %add3A_139 = arith.addi %mul3A_2, %add3A_138 : i32
    %mul3A_140 = arith.constant 3072 : i32
    %mul3A_141 = arith.muli %add3A_139, %mul3A_140 : i32
    %dma_start3A_142 = tpu.memref_slice %arg6[%mul3A_141] : memref<2654208xf32, #tpu.memory_space<hbm>> -> memref<27648xf32, #tpu.memory_space<hbm>>
    %dma_start3A_143 = tpu.memref_slice %arg6[%mul3A_141] : memref<2654208xf32, #tpu.memory_space<hbm>> -> memref<27648xf32, #tpu.memory_space<hbm>>
    tpu.enqueue_dma source(%arg10 : memref<27648xf32, #tpu.memory_space<vmem>>) target(%dma_start3A_143 : memref<27648xf32, #tpu.memory_space<hbm>>) target_semaphore(%arg18 : memref<!tpu.dma_semaphore, #tpu.memory_space<semaphore_mem>>)
    %dma_wait3A_144 = tpu.memref_slice %arg2[%mul3A_120] : memref<2654208xf32, #tpu.memory_space<hbm>> -> memref<27648xf32, #tpu.memory_space<hbm>>
    %dma_wait3A_145 = tpu.memref_slice %arg2[%mul3A_120] : memref<2654208xf32, #tpu.memory_space<hbm>> -> memref<27648xf32, #tpu.memory_space<hbm>>
    tpu.wait_dma2 semaphore(%arg13 : memref<!tpu.dma_semaphore, #tpu.memory_space<semaphore_mem>>) src(%dma_wait3A_145 : memref<27648xf32, #tpu.memory_space<hbm>>) dst(%arg7 : memref<27648xf32, #tpu.memory_space<vmem>>)
    %dma_wait3A_146 = tpu.memref_slice %arg3[%mul3A_120] : memref<2654208xf32, #tpu.memory_space<hbm>> -> memref<27648xf32, #tpu.memory_space<hbm>>
    %dma_wait3A_147 = tpu.memref_slice %arg3[%mul3A_120] : memref<2654208xf32, #tpu.memory_space<hbm>> -> memref<27648xf32, #tpu.memory_space<hbm>>
    tpu.wait_dma2 semaphore(%arg15 : memref<!tpu.dma_semaphore, #tpu.memory_space<semaphore_mem>>) src(%dma_wait3A_147 : memref<27648xf32, #tpu.memory_space<hbm>>) dst(%arg9 : memref<27648xf32, #tpu.memory_space<vmem>>)
    %parallel_loop3A_148 = arith.constant 0 : i32
    %parallel_loop3A_149 = arith.constant 144 : i32
    %parallel_loop3A_150 = arith.constant 1 : i32
    scf.for %parallel_loop3A_167 = %parallel_loop3A_148 to %parallel_loop3A_149 step %parallel_loop3A_150  : i32 {
      %parallel_loop3A_168 = arith.constant 1 : i32
      %parallel_loop3A_169 = arith.andi %parallel_loop3A_167, %parallel_loop3A_168 : i32
      %parallel_loop3A_170 = arith.constant 1 : i32
      %parallel_loop3A_171 = arith.shrsi %parallel_loop3A_167, %parallel_loop3A_170 : i32
      %parallel_loop3A_172 = arith.constant 7 : i32
      %parallel_loop3A_173 = arith.andi %parallel_loop3A_171, %parallel_loop3A_172 : i32
      %parallel_loop3A_174 = arith.constant 4 : i32
      %parallel_loop3A_175 = arith.shrsi %parallel_loop3A_167, %parallel_loop3A_174 : i32
      %parallel_loop3A_176 = arith.constant 3072 : i32
      %parallel_loop3A_177 = arith.muli %parallel_loop3A_175, %parallel_loop3A_176 : i32
      %parallel_loop3A_178 = arith.constant 0 : i32
      %parallel_loop3A_179 = arith.addi %parallel_loop3A_177, %parallel_loop3A_178 : i32
      %parallel_loop3A_180 = arith.constant 128 : i32
      %parallel_loop3A_181 = arith.muli %parallel_loop3A_173, %parallel_loop3A_180 : i32
      %parallel_loop3A_182 = arith.addi %parallel_loop3A_179, %parallel_loop3A_181 : i32
      %parallel_loop3A_183 = arith.constant 64 : i32
      %parallel_loop3A_184 = arith.muli %parallel_loop3A_169, %parallel_loop3A_183 : i32
      %parallel_loop3A_185 = arith.addi %parallel_loop3A_182, %parallel_loop3A_184 : i32
      %parallel_loop3A_186 = arith.constant 128 : i32
      %parallel_loop3A_187 = arith.muli %parallel_loop3A_175, %parallel_loop3A_186 : i32
      %parallel_loop3A_188 = arith.constant 2304 : i32
      %parallel_loop3A_189 = arith.addi %parallel_loop3A_188, %parallel_loop3A_187 : i32
      %parallel_loop3A_190 = arith.constant 16 : i32
      %parallel_loop3A_191 = arith.muli %parallel_loop3A_173, %parallel_loop3A_190 : i32
      %parallel_loop3A_192 = arith.addi %parallel_loop3A_189, %parallel_loop3A_191 : i32
      %parallel_loop3A_193 = arith.index_cast %parallel_loop3A_192 : i32 to index
      %parallel_loop3A_194 = tpu.vector_load %arg11[%parallel_loop3A_193] {strides = array<i32>} : memref<3456xf32, #tpu.memory_space<vmem>>, vector<16xf32>,
      %parallel_loop3A_195 = vector.shape_cast %parallel_loop3A_194 : vector<16xf32> to vector<16xf32>
      %parallel_loop3A_196 = arith.mulf %parallel_loop3A_195, %get3A_31 : vector<16xf32>
      %parallel_loop3A_197 = arith.constant 0 : i32
      %parallel_loop3A_198 = arith.addi %parallel_loop3A_185, %parallel_loop3A_197 : i32
      %parallel_loop3A_199 = arith.index_cast %parallel_loop3A_198 : i32 to index
      %parallel_loop3A_200 = tpu.vector_load %arg7[%parallel_loop3A_199] {strides = array<i32>} : memref<27648xf32, #tpu.memory_space<vmem>>, vector<16xf32>,
      %parallel_loop3A_201 = vector.shape_cast %parallel_loop3A_200 : vector<16xf32> to vector<16xf32>
      %parallel_loop3A_202 = arith.index_cast %parallel_loop3A_198 : i32 to index
      %parallel_loop3A_203 = tpu.vector_load %arg9[%parallel_loop3A_202] {strides = array<i32>} : memref<27648xf32, #tpu.memory_space<vmem>>, vector<16xf32>,
      %parallel_loop3A_204 = vector.shape_cast %parallel_loop3A_203 : vector<16xf32> to vector<16xf32>
      %parallel_loop3A_205 = arith.mulf %parallel_loop3A_201, %parallel_loop3A_204 : vector<16xf32>
      %parallel_loop3A_206 = math.absf %parallel_loop3A_205 : vector<16xf32>
      %parallel_loop3A_207 = arith.cmpf ogt, %parallel_loop3A_206, %mul3A_65 : vector<16xf32>
      %parallel_loop3A_208 = arith.select %parallel_loop3A_207, %mul3A_36, %mul3A_32 : vector<16xi1>, vector<16xf32>
      %parallel_loop3A_209 = arith.cmpf ogt, %parallel_loop3A_206, %mul3A_75 : vector<16xf32>
      %parallel_loop3A_210 = arith.select %parallel_loop3A_209, %mul3A_44, %mul3A_40 : vector<16xi1>, vector<16xf32>
      %parallel_loop3A_211 = arith.cmpf ogt, %parallel_loop3A_206, %mul3A_85 : vector<16xf32>
      %parallel_loop3A_212 = arith.select %parallel_loop3A_211, %mul3A_52, %mul3A_48 : vector<16xi1>, vector<16xf32>
      %parallel_loop3A_213 = arith.cmpf ogt, %parallel_loop3A_206, %mul3A_95 : vector<16xf32>
      %parallel_loop3A_214 = arith.select %parallel_loop3A_213, %mul3A_60, %mul3A_56 : vector<16xi1>, vector<16xf32>
      %parallel_loop3A_215 = arith.cmpf ogt, %parallel_loop3A_206, %mul3A_70 : vector<16xf32>
      %parallel_loop3A_216 = arith.select %parallel_loop3A_215, %parallel_loop3A_210, %parallel_loop3A_208 : vector<16xi1>, vector<16xf32>
      %parallel_loop3A_217 = arith.cmpf ogt, %parallel_loop3A_206, %mul3A_90 : vector<16xf32>
      %parallel_loop3A_218 = arith.select %parallel_loop3A_217, %parallel_loop3A_214, %parallel_loop3A_212 : vector<16xi1>, vector<16xf32>
      %parallel_loop3A_219 = arith.cmpf ogt, %parallel_loop3A_206, %mul3A_80 : vector<16xf32>
      %parallel_loop3A_220 = arith.select %parallel_loop3A_219, %parallel_loop3A_218, %parallel_loop3A_216 : vector<16xi1>, vector<16xf32>
      %parallel_loop3A_221 = tpu.bitcast %parallel_loop3A_205 : vector<16xf32> -> vector<16xi32>
      %parallel_loop3A_222 = arith.constant -2147483648 : i32
      %parallel_loop3A_223 = vector.broadcast %parallel_loop3A_222 : i32 to vector<16xi32>
      %parallel_loop3A_224 = arith.andi %parallel_loop3A_221, %parallel_loop3A_223 : vector<16xi32>
      %parallel_loop3A_225 = arith.constant 1065353216 : i32
      %parallel_loop3A_226 = vector.broadcast %parallel_loop3A_225 : i32 to vector<16xi32>
      %parallel_loop3A_227 = arith.ori %parallel_loop3A_226, %parallel_loop3A_224 : vector<16xi32>
      %parallel_loop3A_228 = tpu.bitcast %parallel_loop3A_227 : vector<16xi32> -> vector<16xf32>
      %parallel_loop3A_229 = math.absf %parallel_loop3A_205 : vector<16xf32>
      %parallel_loop3A_230 = arith.constant 0.000000e+00 : f32
      %parallel_loop3A_231 = vector.broadcast %parallel_loop3A_230 : f32 to vector<16xf32>
      %parallel_loop3A_232 = arith.cmpf ogt, %parallel_loop3A_229, %parallel_loop3A_231 : vector<16xf32>
      %parallel_loop3A_233 = arith.select %parallel_loop3A_232, %parallel_loop3A_228, %parallel_loop3A_205 : vector<16xi1>, vector<16xf32>
      %parallel_loop3A_234 = arith.mulf %parallel_loop3A_233, %parallel_loop3A_196 : vector<16xf32>
      %parallel_loop3A_235 = arith.mulf %parallel_loop3A_220, %parallel_loop3A_234 : vector<16xf32>
      %parallel_loop3A_236 = arith.index_cast %parallel_loop3A_198 : i32 to index
      %parallel_loop3A_237 = tpu.vector_load %arg9[%parallel_loop3A_236] {strides = array<i32>} : memref<27648xf32, #tpu.memory_space<vmem>>, vector<16xf32>,
      %parallel_loop3A_238 = vector.shape_cast %parallel_loop3A_237 : vector<16xf32> to vector<16xf32>
      %parallel_loop3A_239 = vector.shape_cast %parallel_loop3A_235 : vector<16xf32> to vector<16xf32>
      tpu.vector_store %arg9[%parallel_loop3A_236], %parallel_loop3A_239 {strides = array<i32>} : memref<27648xf32, #tpu.memory_space<vmem>>, vector<16xf32>,
      %parallel_loop3A_240 = arith.constant 16 : i32
      %parallel_loop3A_241 = arith.addi %parallel_loop3A_185, %parallel_loop3A_240 : i32
      %parallel_loop3A_242 = arith.index_cast %parallel_loop3A_241 : i32 to index
      %parallel_loop3A_243 = tpu.vector_load %arg7[%parallel_loop3A_242] {strides = array<i32>} : memref<27648xf32, #tpu.memory_space<vmem>>, vector<16xf32>,
      %parallel_loop3A_244 = vector.shape_cast %parallel_loop3A_243 : vector<16xf32> to vector<16xf32>
      %parallel_loop3A_245 = arith.index_cast %parallel_loop3A_241 : i32 to index
      %parallel_loop3A_246 = tpu.vector_load %arg9[%parallel_loop3A_245] {strides = array<i32>} : memref<27648xf32, #tpu.memory_space<vmem>>, vector<16xf32>,
      %parallel_loop3A_247 = vector.shape_cast %parallel_loop3A_246 : vector<16xf32> to vector<16xf32>
      %parallel_loop3A_248 = arith.mulf %parallel_loop3A_244, %parallel_loop3A_247 : vector<16xf32>
      %parallel_loop3A_249 = math.absf %parallel_loop3A_248 : vector<16xf32>
      %parallel_loop3A_250 = arith.cmpf ogt, %parallel_loop3A_249, %mul3A_65 : vector<16xf32>
      %parallel_loop3A_251 = arith.select %parallel_loop3A_250, %mul3A_36, %mul3A_32 : vector<16xi1>, vector<16xf32>
      %parallel_loop3A_252 = arith.cmpf ogt, %parallel_loop3A_249, %mul3A_75 : vector<16xf32>
      %parallel_loop3A_253 = arith.select %parallel_loop3A_252, %mul3A_44, %mul3A_40 : vector<16xi1>, vector<16xf32>
      %parallel_loop3A_254 = arith.cmpf ogt, %parallel_loop3A_249, %mul3A_85 : vector<16xf32>
      %parallel_loop3A_255 = arith.select %parallel_loop3A_254, %mul3A_52, %mul3A_48 : vector<16xi1>, vector<16xf32>
      %parallel_loop3A_256 = arith.cmpf ogt, %parallel_loop3A_249, %mul3A_95 : vector<16xf32>
      %parallel_loop3A_257 = arith.select %parallel_loop3A_256, %mul3A_60, %mul3A_56 : vector<16xi1>, vector<16xf32>
      %parallel_loop3A_258 = arith.cmpf ogt, %parallel_loop3A_249, %mul3A_70 : vector<16xf32>
      %parallel_loop3A_259 = arith.select %parallel_loop3A_258, %parallel_loop3A_253, %parallel_loop3A_251 : vector<16xi1>, vector<16xf32>
      %parallel_loop3A_260 = arith.cmpf ogt, %parallel_loop3A_249, %mul3A_90 : vector<16xf32>
      %parallel_loop3A_261 = arith.select %parallel_loop3A_260, %parallel_loop3A_257, %parallel_loop3A_255 : vector<16xi1>, vector<16xf32>
      %parallel_loop3A_262 = arith.cmpf ogt, %parallel_loop3A_249, %mul3A_80 : vector<16xf32>
      %parallel_loop3A_263 = arith.select %parallel_loop3A_262, %parallel_loop3A_261, %parallel_loop3A_259 : vector<16xi1>, vector<16xf32>
      %parallel_loop3A_264 = tpu.bitcast %parallel_loop3A_248 : vector<16xf32> -> vector<16xi32>
      %parallel_loop3A_265 = arith.constant -2147483648 : i32
      %parallel_loop3A_266 = vector.broadcast %parallel_loop3A_265 : i32 to vector<16xi32>
      %parallel_loop3A_267 = arith.andi %parallel_loop3A_264, %parallel_loop3A_266 : vector<16xi32>
      %parallel_loop3A_268 = arith.constant 1065353216 : i32
      %parallel_loop3A_269 = vector.broadcast %parallel_loop3A_268 : i32 to vector<16xi32>
      %parallel_loop3A_270 = arith.ori %parallel_loop3A_269, %parallel_loop3A_267 : vector<16xi32>
      %parallel_loop3A_271 = tpu.bitcast %parallel_loop3A_270 : vector<16xi32> -> vector<16xf32>
      %parallel_loop3A_272 = math.absf %parallel_loop3A_248 : vector<16xf32>
      %parallel_loop3A_273 = arith.constant 0.000000e+00 : f32
      %parallel_loop3A_274 = vector.broadcast %parallel_loop3A_273 : f32 to vector<16xf32>
      %parallel_loop3A_275 = arith.cmpf ogt, %parallel_loop3A_272, %parallel_loop3A_274 : vector<16xf32>
      %parallel_loop3A_276 = arith.select %parallel_loop3A_275, %parallel_loop3A_271, %parallel_loop3A_248 : vector<16xi1>, vector<16xf32>
      %parallel_loop3A_277 = arith.mulf %parallel_loop3A_276, %parallel_loop3A_196 : vector<16xf32>
      %parallel_loop3A_278 = arith.mulf %parallel_loop3A_263, %parallel_loop3A_277 : vector<16xf32>
      %parallel_loop3A_279 = arith.index_cast %parallel_loop3A_241 : i32 to index
      %parallel_loop3A_280 = tpu.vector_load %arg9[%parallel_loop3A_279] {strides = array<i32>} : memref<27648xf32, #tpu.memory_space<vmem>>, vector<16xf32>,
      %parallel_loop3A_281 = vector.shape_cast %parallel_loop3A_280 : vector<16xf32> to vector<16xf32>
      %parallel_loop3A_282 = vector.shape_cast %parallel_loop3A_278 : vector<16xf32> to vector<16xf32>
      tpu.vector_store %arg9[%parallel_loop3A_279], %parallel_loop3A_282 {strides = array<i32>} : memref<27648xf32, #tpu.memory_space<vmem>>, vector<16xf32>,
      %parallel_loop3A_283 = arith.constant 32 : i32
      %parallel_loop3A_284 = arith.addi %parallel_loop3A_185, %parallel_loop3A_283 : i32
      %parallel_loop3A_285 = arith.index_cast %parallel_loop3A_284 : i32 to index
      %parallel_loop3A_286 = tpu.vector_load %arg7[%parallel_loop3A_285] {strides = array<i32>} : memref<27648xf32, #tpu.memory_space<vmem>>, vector<16xf32>,
      %parallel_loop3A_287 = vector.shape_cast %parallel_loop3A_286 : vector<16xf32> to vector<16xf32>
      %parallel_loop3A_288 = arith.index_cast %parallel_loop3A_284 : i32 to index
      %parallel_loop3A_289 = tpu.vector_load %arg9[%parallel_loop3A_288] {strides = array<i32>} : memref<27648xf32, #tpu.memory_space<vmem>>, vector<16xf32>,
      %parallel_loop3A_290 = vector.shape_cast %parallel_loop3A_289 : vector<16xf32> to vector<16xf32>
      %parallel_loop3A_291 = arith.mulf %parallel_loop3A_287, %parallel_loop3A_290 : vector<16xf32>
      %parallel_loop3A_292 = math.absf %parallel_loop3A_291 : vector<16xf32>
      %parallel_loop3A_293 = arith.cmpf ogt, %parallel_loop3A_292, %mul3A_65 : vector<16xf32>
      %parallel_loop3A_294 = arith.select %parallel_loop3A_293, %mul3A_36, %mul3A_32 : vector<16xi1>, vector<16xf32>
      %parallel_loop3A_295 = arith.cmpf ogt, %parallel_loop3A_292, %mul3A_75 : vector<16xf32>
      %parallel_loop3A_296 = arith.select %parallel_loop3A_295, %mul3A_44, %mul3A_40 : vector<16xi1>, vector<16xf32>
      %parallel_loop3A_297 = arith.cmpf ogt, %parallel_loop3A_292, %mul3A_85 : vector<16xf32>
      %parallel_loop3A_298 = arith.select %parallel_loop3A_297, %mul3A_52, %mul3A_48 : vector<16xi1>, vector<16xf32>
      %parallel_loop3A_299 = arith.cmpf ogt, %parallel_loop3A_292, %mul3A_95 : vector<16xf32>
      %parallel_loop3A_300 = arith.select %parallel_loop3A_299, %mul3A_60, %mul3A_56 : vector<16xi1>, vector<16xf32>
      %parallel_loop3A_301 = arith.cmpf ogt, %parallel_loop3A_292, %mul3A_70 : vector<16xf32>
      %parallel_loop3A_302 = arith.select %parallel_loop3A_301, %parallel_loop3A_296, %parallel_loop3A_294 : vector<16xi1>, vector<16xf32>
      %parallel_loop3A_303 = arith.cmpf ogt, %parallel_loop3A_292, %mul3A_90 : vector<16xf32>
      %parallel_loop3A_304 = arith.select %parallel_loop3A_303, %parallel_loop3A_300, %parallel_loop3A_298 : vector<16xi1>, vector<16xf32>
      %parallel_loop3A_305 = arith.cmpf ogt, %parallel_loop3A_292, %mul3A_80 : vector<16xf32>
      %parallel_loop3A_306 = arith.select %parallel_loop3A_305, %parallel_loop3A_304, %parallel_loop3A_302 : vector<16xi1>, vector<16xf32>
      %parallel_loop3A_307 = tpu.bitcast %parallel_loop3A_291 : vector<16xf32> -> vector<16xi32>
      %parallel_loop3A_308 = arith.constant -2147483648 : i32
      %parallel_loop3A_309 = vector.broadcast %parallel_loop3A_308 : i32 to vector<16xi32>
      %parallel_loop3A_310 = arith.andi %parallel_loop3A_307, %parallel_loop3A_309 : vector<16xi32>
      %parallel_loop3A_311 = arith.constant 1065353216 : i32
      %parallel_loop3A_312 = vector.broadcast %parallel_loop3A_311 : i32 to vector<16xi32>
      %parallel_loop3A_313 = arith.ori %parallel_loop3A_312, %parallel_loop3A_310 : vector<16xi32>
      %parallel_loop3A_314 = tpu.bitcast %parallel_loop3A_313 : vector<16xi32> -> vector<16xf32>
      %parallel_loop3A_315 = math.absf %parallel_loop3A_291 : vector<16xf32>
      %parallel_loop3A_316 = arith.constant 0.000000e+00 : f32
      %parallel_loop3A_317 = vector.broadcast %parallel_loop3A_316 : f32 to vector<16xf32>
      %parallel_loop3A_318 = arith.cmpf ogt, %parallel_loop3A_315, %parallel_loop3A_317 : vector<16xf32>
      %parallel_loop3A_319 = arith.select %parallel_loop3A_318, %parallel_loop3A_314, %parallel_loop3A_291 : vector<16xi1>, vector<16xf32>
      %parallel_loop3A_320 = arith.mulf %parallel_loop3A_319, %parallel_loop3A_196 : vector<16xf32>
      %parallel_loop3A_321 = arith.mulf %parallel_loop3A_306, %parallel_loop3A_320 : vector<16xf32>
      %parallel_loop3A_322 = arith.index_cast %parallel_loop3A_284 : i32 to index
      %parallel_loop3A_323 = tpu.vector_load %arg9[%parallel_loop3A_322] {strides = array<i32>} : memref<27648xf32, #tpu.memory_space<vmem>>, vector<16xf32>,
      %parallel_loop3A_324 = vector.shape_cast %parallel_loop3A_323 : vector<16xf32> to vector<16xf32>
      %parallel_loop3A_325 = vector.shape_cast %parallel_loop3A_321 : vector<16xf32> to vector<16xf32>
      tpu.vector_store %arg9[%parallel_loop3A_322], %parallel_loop3A_325 {strides = array<i32>} : memref<27648xf32, #tpu.memory_space<vmem>>, vector<16xf32>,
      %parallel_loop3A_326 = arith.constant 48 : i32
      %parallel_loop3A_327 = arith.addi %parallel_loop3A_185, %parallel_loop3A_326 : i32
      %parallel_loop3A_328 = arith.index_cast %parallel_loop3A_327 : i32 to index
      %parallel_loop3A_329 = tpu.vector_load %arg7[%parallel_loop3A_328] {strides = array<i32>} : memref<27648xf32, #tpu.memory_space<vmem>>, vector<16xf32>,
      %parallel_loop3A_330 = vector.shape_cast %parallel_loop3A_329 : vector<16xf32> to vector<16xf32>
      %parallel_loop3A_331 = arith.index_cast %parallel_loop3A_327 : i32 to index
      %parallel_loop3A_332 = tpu.vector_load %arg9[%parallel_loop3A_331] {strides = array<i32>} : memref<27648xf32, #tpu.memory_space<vmem>>, vector<16xf32>,
      %parallel_loop3A_333 = vector.shape_cast %parallel_loop3A_332 : vector<16xf32> to vector<16xf32>
      %parallel_loop3A_334 = arith.mulf %parallel_loop3A_330, %parallel_loop3A_333 : vector<16xf32>
      %parallel_loop3A_335 = math.absf %parallel_loop3A_334 : vector<16xf32>
      %parallel_loop3A_336 = arith.cmpf ogt, %parallel_loop3A_335, %mul3A_65 : vector<16xf32>
      %parallel_loop3A_337 = arith.select %parallel_loop3A_336, %mul3A_36, %mul3A_32 : vector<16xi1>, vector<16xf32>
      %parallel_loop3A_338 = arith.cmpf ogt, %parallel_loop3A_335, %mul3A_75 : vector<16xf32>
      %parallel_loop3A_339 = arith.select %parallel_loop3A_338, %mul3A_44, %mul3A_40 : vector<16xi1>, vector<16xf32>
      %parallel_loop3A_340 = arith.cmpf ogt, %parallel_loop3A_335, %mul3A_85 : vector<16xf32>
      %parallel_loop3A_341 = arith.select %parallel_loop3A_340, %mul3A_52, %mul3A_48 : vector<16xi1>, vector<16xf32>
      %parallel_loop3A_342 = arith.cmpf ogt, %parallel_loop3A_335, %mul3A_95 : vector<16xf32>
      %parallel_loop3A_343 = arith.select %parallel_loop3A_342, %mul3A_60, %mul3A_56 : vector<16xi1>, vector<16xf32>
      %parallel_loop3A_344 = arith.cmpf ogt, %parallel_loop3A_335, %mul3A_70 : vector<16xf32>
      %parallel_loop3A_345 = arith.select %parallel_loop3A_344, %parallel_loop3A_339, %parallel_loop3A_337 : vector<16xi1>, vector<16xf32>
      %parallel_loop3A_346 = arith.cmpf ogt, %parallel_loop3A_335, %mul3A_90 : vector<16xf32>
      %parallel_loop3A_347 = arith.select %parallel_loop3A_346, %parallel_loop3A_343, %parallel_loop3A_341 : vector<16xi1>, vector<16xf32>
      %parallel_loop3A_348 = arith.cmpf ogt, %parallel_loop3A_335, %mul3A_80 : vector<16xf32>
      %parallel_loop3A_349 = arith.select %parallel_loop3A_348, %parallel_loop3A_347, %parallel_loop3A_345 : vector<16xi1>, vector<16xf32>
      %parallel_loop3A_350 = tpu.bitcast %parallel_loop3A_334 : vector<16xf32> -> vector<16xi32>
      %parallel_loop3A_351 = arith.constant -2147483648 : i32
      %parallel_loop3A_352 = vector.broadcast %parallel_loop3A_351 : i32 to vector<16xi32>
      %parallel_loop3A_353 = arith.andi %parallel_loop3A_350, %parallel_loop3A_352 : vector<16xi32>
      %parallel_loop3A_354 = arith.constant 1065353216 : i32
      %parallel_loop3A_355 = vector.broadcast %parallel_loop3A_354 : i32 to vector<16xi32>
      %parallel_loop3A_356 = arith.ori %parallel_loop3A_355, %parallel_loop3A_353 : vector<16xi32>
      %parallel_loop3A_357 = tpu.bitcast %parallel_loop3A_356 : vector<16xi32> -> vector<16xf32>
      %parallel_loop3A_358 = math.absf %parallel_loop3A_334 : vector<16xf32>
      %parallel_loop3A_359 = arith.constant 0.000000e+00 : f32
      %parallel_loop3A_360 = vector.broadcast %parallel_loop3A_359 : f32 to vector<16xf32>
      %parallel_loop3A_361 = arith.cmpf ogt, %parallel_loop3A_358, %parallel_loop3A_360 : vector<16xf32>
      %parallel_loop3A_362 = arith.select %parallel_loop3A_361, %parallel_loop3A_357, %parallel_loop3A_334 : vector<16xi1>, vector<16xf32>
      %parallel_loop3A_363 = arith.mulf %parallel_loop3A_362, %parallel_loop3A_196 : vector<16xf32>
      %parallel_loop3A_364 = arith.mulf %parallel_loop3A_349, %parallel_loop3A_363 : vector<16xf32>
      %parallel_loop3A_365 = arith.index_cast %parallel_loop3A_327 : i32 to index
      %parallel_loop3A_366 = tpu.vector_load %arg9[%parallel_loop3A_365] {strides = array<i32>} : memref<27648xf32, #tpu.memory_space<vmem>>, vector<16xf32>,
      %parallel_loop3A_367 = vector.shape_cast %parallel_loop3A_366 : vector<16xf32> to vector<16xf32>
      %parallel_loop3A_368 = vector.shape_cast %parallel_loop3A_364 : vector<16xf32> to vector<16xf32>
      tpu.vector_store %arg9[%parallel_loop3A_365], %parallel_loop3A_368 {strides = array<i32>} : memref<27648xf32, #tpu.memory_space<vmem>>, vector<16xf32>,
    } {sc.loop_unroll_factor = 1 : i64, sc.parallel_access}
    %parallel_loop3A_151 = arith.constant 0 : i32
    %parallel_loop3A_152 = arith.constant 144 : i32
    %parallel_loop3A_153 = arith.constant 1 : i32
    scf.for %parallel_loop3A_167 = %parallel_loop3A_151 to %parallel_loop3A_152 step %parallel_loop3A_153  : i32 {
      %parallel_loop3A_168 = arith.constant 1 : i32
      %parallel_loop3A_169 = arith.andi %parallel_loop3A_167, %parallel_loop3A_168 : i32
      %parallel_loop3A_170 = arith.constant 1 : i32
      %parallel_loop3A_171 = arith.shrsi %parallel_loop3A_167, %parallel_loop3A_170 : i32
      %parallel_loop3A_172 = arith.constant 7 : i32
      %parallel_loop3A_173 = arith.andi %parallel_loop3A_171, %parallel_loop3A_172 : i32
      %parallel_loop3A_174 = arith.constant 4 : i32
      %parallel_loop3A_175 = arith.shrsi %parallel_loop3A_167, %parallel_loop3A_174 : i32
      %parallel_loop3A_176 = arith.constant 3072 : i32
      %parallel_loop3A_177 = arith.muli %parallel_loop3A_175, %parallel_loop3A_176 : i32
      %parallel_loop3A_178 = arith.constant 1024 : i32
      %parallel_loop3A_179 = arith.addi %parallel_loop3A_177, %parallel_loop3A_178 : i32
      %parallel_loop3A_180 = arith.constant 128 : i32
      %parallel_loop3A_181 = arith.muli %parallel_loop3A_173, %parallel_loop3A_180 : i32
      %parallel_loop3A_182 = arith.addi %parallel_loop3A_179, %parallel_loop3A_181 : i32
      %parallel_loop3A_183 = arith.constant 64 : i32
      %parallel_loop3A_184 = arith.muli %parallel_loop3A_169, %parallel_loop3A_183 : i32
      %parallel_loop3A_185 = arith.addi %parallel_loop3A_182, %parallel_loop3A_184 : i32
      %parallel_loop3A_186 = arith.constant 128 : i32
      %parallel_loop3A_187 = arith.muli %parallel_loop3A_175, %parallel_loop3A_186 : i32
      %parallel_loop3A_188 = arith.constant 2304 : i32
      %parallel_loop3A_189 = arith.addi %parallel_loop3A_188, %parallel_loop3A_187 : i32
      %parallel_loop3A_190 = arith.constant 16 : i32
      %parallel_loop3A_191 = arith.muli %parallel_loop3A_173, %parallel_loop3A_190 : i32
      %parallel_loop3A_192 = arith.addi %parallel_loop3A_189, %parallel_loop3A_191 : i32
      %parallel_loop3A_193 = arith.index_cast %parallel_loop3A_192 : i32 to index
      %parallel_loop3A_194 = tpu.vector_load %arg11[%parallel_loop3A_193] {strides = array<i32>} : memref<3456xf32, #tpu.memory_space<vmem>>, vector<16xf32>,
      %parallel_loop3A_195 = vector.shape_cast %parallel_loop3A_194 : vector<16xf32> to vector<16xf32>
      %parallel_loop3A_196 = arith.mulf %parallel_loop3A_195, %get3A_31 : vector<16xf32>
      %parallel_loop3A_197 = arith.constant 0 : i32
      %parallel_loop3A_198 = arith.addi %parallel_loop3A_185, %parallel_loop3A_197 : i32
      %parallel_loop3A_199 = arith.index_cast %parallel_loop3A_198 : i32 to index
      %parallel_loop3A_200 = tpu.vector_load %arg7[%parallel_loop3A_199] {strides = array<i32>} : memref<27648xf32, #tpu.memory_space<vmem>>, vector<16xf32>,
      %parallel_loop3A_201 = vector.shape_cast %parallel_loop3A_200 : vector<16xf32> to vector<16xf32>
      %parallel_loop3A_202 = arith.index_cast %parallel_loop3A_198 : i32 to index
      %parallel_loop3A_203 = tpu.vector_load %arg9[%parallel_loop3A_202] {strides = array<i32>} : memref<27648xf32, #tpu.memory_space<vmem>>, vector<16xf32>,
      %parallel_loop3A_204 = vector.shape_cast %parallel_loop3A_203 : vector<16xf32> to vector<16xf32>
      %parallel_loop3A_205 = arith.mulf %parallel_loop3A_201, %parallel_loop3A_204 : vector<16xf32>
      %parallel_loop3A_206 = math.absf %parallel_loop3A_205 : vector<16xf32>
      %parallel_loop3A_207 = arith.cmpf ogt, %parallel_loop3A_206, %mul3A_65 : vector<16xf32>
      %parallel_loop3A_208 = arith.select %parallel_loop3A_207, %mul3A_36, %mul3A_32 : vector<16xi1>, vector<16xf32>
      %parallel_loop3A_209 = arith.cmpf ogt, %parallel_loop3A_206, %mul3A_75 : vector<16xf32>
      %parallel_loop3A_210 = arith.select %parallel_loop3A_209, %mul3A_44, %mul3A_40 : vector<16xi1>, vector<16xf32>
      %parallel_loop3A_211 = arith.cmpf ogt, %parallel_loop3A_206, %mul3A_85 : vector<16xf32>
      %parallel_loop3A_212 = arith.select %parallel_loop3A_211, %mul3A_52, %mul3A_48 : vector<16xi1>, vector<16xf32>
      %parallel_loop3A_213 = arith.cmpf ogt, %parallel_loop3A_206, %mul3A_95 : vector<16xf32>
      %parallel_loop3A_214 = arith.select %parallel_loop3A_213, %mul3A_60, %mul3A_56 : vector<16xi1>, vector<16xf32>
      %parallel_loop3A_215 = arith.cmpf ogt, %parallel_loop3A_206, %mul3A_70 : vector<16xf32>
      %parallel_loop3A_216 = arith.select %parallel_loop3A_215, %parallel_loop3A_210, %parallel_loop3A_208 : vector<16xi1>, vector<16xf32>
      %parallel_loop3A_217 = arith.cmpf ogt, %parallel_loop3A_206, %mul3A_90 : vector<16xf32>
      %parallel_loop3A_218 = arith.select %parallel_loop3A_217, %parallel_loop3A_214, %parallel_loop3A_212 : vector<16xi1>, vector<16xf32>
      %parallel_loop3A_219 = arith.cmpf ogt, %parallel_loop3A_206, %mul3A_80 : vector<16xf32>
      %parallel_loop3A_220 = arith.select %parallel_loop3A_219, %parallel_loop3A_218, %parallel_loop3A_216 : vector<16xi1>, vector<16xf32>
      %parallel_loop3A_221 = tpu.bitcast %parallel_loop3A_205 : vector<16xf32> -> vector<16xi32>
      %parallel_loop3A_222 = arith.constant -2147483648 : i32
      %parallel_loop3A_223 = vector.broadcast %parallel_loop3A_222 : i32 to vector<16xi32>
      %parallel_loop3A_224 = arith.andi %parallel_loop3A_221, %parallel_loop3A_223 : vector<16xi32>
      %parallel_loop3A_225 = arith.constant 1065353216 : i32
      %parallel_loop3A_226 = vector.broadcast %parallel_loop3A_225 : i32 to vector<16xi32>
      %parallel_loop3A_227 = arith.ori %parallel_loop3A_226, %parallel_loop3A_224 : vector<16xi32>
      %parallel_loop3A_228 = tpu.bitcast %parallel_loop3A_227 : vector<16xi32> -> vector<16xf32>
      %parallel_loop3A_229 = math.absf %parallel_loop3A_205 : vector<16xf32>
      %parallel_loop3A_230 = arith.constant 0.000000e+00 : f32
      %parallel_loop3A_231 = vector.broadcast %parallel_loop3A_230 : f32 to vector<16xf32>
      %parallel_loop3A_232 = arith.cmpf ogt, %parallel_loop3A_229, %parallel_loop3A_231 : vector<16xf32>
      %parallel_loop3A_233 = arith.select %parallel_loop3A_232, %parallel_loop3A_228, %parallel_loop3A_205 : vector<16xi1>, vector<16xf32>
      %parallel_loop3A_234 = arith.mulf %parallel_loop3A_233, %parallel_loop3A_196 : vector<16xf32>
      %parallel_loop3A_235 = arith.mulf %parallel_loop3A_220, %parallel_loop3A_234 : vector<16xf32>
      %parallel_loop3A_236 = arith.index_cast %parallel_loop3A_198 : i32 to index
      %parallel_loop3A_237 = tpu.vector_load %arg9[%parallel_loop3A_236] {strides = array<i32>} : memref<27648xf32, #tpu.memory_space<vmem>>, vector<16xf32>,
      %parallel_loop3A_238 = vector.shape_cast %parallel_loop3A_237 : vector<16xf32> to vector<16xf32>
      %parallel_loop3A_239 = vector.shape_cast %parallel_loop3A_235 : vector<16xf32> to vector<16xf32>
      tpu.vector_store %arg9[%parallel_loop3A_236], %parallel_loop3A_239 {strides = array<i32>} : memref<27648xf32, #tpu.memory_space<vmem>>, vector<16xf32>,
      %parallel_loop3A_240 = arith.constant 16 : i32
      %parallel_loop3A_241 = arith.addi %parallel_loop3A_185, %parallel_loop3A_240 : i32
      %parallel_loop3A_242 = arith.index_cast %parallel_loop3A_241 : i32 to index
      %parallel_loop3A_243 = tpu.vector_load %arg7[%parallel_loop3A_242] {strides = array<i32>} : memref<27648xf32, #tpu.memory_space<vmem>>, vector<16xf32>,
      %parallel_loop3A_244 = vector.shape_cast %parallel_loop3A_243 : vector<16xf32> to vector<16xf32>
      %parallel_loop3A_245 = arith.index_cast %parallel_loop3A_241 : i32 to index
      %parallel_loop3A_246 = tpu.vector_load %arg9[%parallel_loop3A_245] {strides = array<i32>} : memref<27648xf32, #tpu.memory_space<vmem>>, vector<16xf32>,
      %parallel_loop3A_247 = vector.shape_cast %parallel_loop3A_246 : vector<16xf32> to vector<16xf32>
      %parallel_loop3A_248 = arith.mulf %parallel_loop3A_244, %parallel_loop3A_247 : vector<16xf32>
      %parallel_loop3A_249 = math.absf %parallel_loop3A_248 : vector<16xf32>
      %parallel_loop3A_250 = arith.cmpf ogt, %parallel_loop3A_249, %mul3A_65 : vector<16xf32>
      %parallel_loop3A_251 = arith.select %parallel_loop3A_250, %mul3A_36, %mul3A_32 : vector<16xi1>, vector<16xf32>
      %parallel_loop3A_252 = arith.cmpf ogt, %parallel_loop3A_249, %mul3A_75 : vector<16xf32>
      %parallel_loop3A_253 = arith.select %parallel_loop3A_252, %mul3A_44, %mul3A_40 : vector<16xi1>, vector<16xf32>
      %parallel_loop3A_254 = arith.cmpf ogt, %parallel_loop3A_249, %mul3A_85 : vector<16xf32>
      %parallel_loop3A_255 = arith.select %parallel_loop3A_254, %mul3A_52, %mul3A_48 : vector<16xi1>, vector<16xf32>
      %parallel_loop3A_256 = arith.cmpf ogt, %parallel_loop3A_249, %mul3A_95 : vector<16xf32>
      %parallel_loop3A_257 = arith.select %parallel_loop3A_256, %mul3A_60, %mul3A_56 : vector<16xi1>, vector<16xf32>
      %parallel_loop3A_258 = arith.cmpf ogt, %parallel_loop3A_249, %mul3A_70 : vector<16xf32>
      %parallel_loop3A_259 = arith.select %parallel_loop3A_258, %parallel_loop3A_253, %parallel_loop3A_251 : vector<16xi1>, vector<16xf32>
      %parallel_loop3A_260 = arith.cmpf ogt, %parallel_loop3A_249, %mul3A_90 : vector<16xf32>
      %parallel_loop3A_261 = arith.select %parallel_loop3A_260, %parallel_loop3A_257, %parallel_loop3A_255 : vector<16xi1>, vector<16xf32>
      %parallel_loop3A_262 = arith.cmpf ogt, %parallel_loop3A_249, %mul3A_80 : vector<16xf32>
      %parallel_loop3A_263 = arith.select %parallel_loop3A_262, %parallel_loop3A_261, %parallel_loop3A_259 : vector<16xi1>, vector<16xf32>
      %parallel_loop3A_264 = tpu.bitcast %parallel_loop3A_248 : vector<16xf32> -> vector<16xi32>
      %parallel_loop3A_265 = arith.constant -2147483648 : i32
      %parallel_loop3A_266 = vector.broadcast %parallel_loop3A_265 : i32 to vector<16xi32>
      %parallel_loop3A_267 = arith.andi %parallel_loop3A_264, %parallel_loop3A_266 : vector<16xi32>
      %parallel_loop3A_268 = arith.constant 1065353216 : i32
      %parallel_loop3A_269 = vector.broadcast %parallel_loop3A_268 : i32 to vector<16xi32>
      %parallel_loop3A_270 = arith.ori %parallel_loop3A_269, %parallel_loop3A_267 : vector<16xi32>
      %parallel_loop3A_271 = tpu.bitcast %parallel_loop3A_270 : vector<16xi32> -> vector<16xf32>
      %parallel_loop3A_272 = math.absf %parallel_loop3A_248 : vector<16xf32>
      %parallel_loop3A_273 = arith.constant 0.000000e+00 : f32
      %parallel_loop3A_274 = vector.broadcast %parallel_loop3A_273 : f32 to vector<16xf32>
      %parallel_loop3A_275 = arith.cmpf ogt, %parallel_loop3A_272, %parallel_loop3A_274 : vector<16xf32>
      %parallel_loop3A_276 = arith.select %parallel_loop3A_275, %parallel_loop3A_271, %parallel_loop3A_248 : vector<16xi1>, vector<16xf32>
      %parallel_loop3A_277 = arith.mulf %parallel_loop3A_276, %parallel_loop3A_196 : vector<16xf32>
      %parallel_loop3A_278 = arith.mulf %parallel_loop3A_263, %parallel_loop3A_277 : vector<16xf32>
      %parallel_loop3A_279 = arith.index_cast %parallel_loop3A_241 : i32 to index
      %parallel_loop3A_280 = tpu.vector_load %arg9[%parallel_loop3A_279] {strides = array<i32>} : memref<27648xf32, #tpu.memory_space<vmem>>, vector<16xf32>,
      %parallel_loop3A_281 = vector.shape_cast %parallel_loop3A_280 : vector<16xf32> to vector<16xf32>
      %parallel_loop3A_282 = vector.shape_cast %parallel_loop3A_278 : vector<16xf32> to vector<16xf32>
      tpu.vector_store %arg9[%parallel_loop3A_279], %parallel_loop3A_282 {strides = array<i32>} : memref<27648xf32, #tpu.memory_space<vmem>>, vector<16xf32>,
      %parallel_loop3A_283 = arith.constant 32 : i32
      %parallel_loop3A_284 = arith.addi %parallel_loop3A_185, %parallel_loop3A_283 : i32
      %parallel_loop3A_285 = arith.index_cast %parallel_loop3A_284 : i32 to index
      %parallel_loop3A_286 = tpu.vector_load %arg7[%parallel_loop3A_285] {strides = array<i32>} : memref<27648xf32, #tpu.memory_space<vmem>>, vector<16xf32>,
      %parallel_loop3A_287 = vector.shape_cast %parallel_loop3A_286 : vector<16xf32> to vector<16xf32>
      %parallel_loop3A_288 = arith.index_cast %parallel_loop3A_284 : i32 to index
      %parallel_loop3A_289 = tpu.vector_load %arg9[%parallel_loop3A_288] {strides = array<i32>} : memref<27648xf32, #tpu.memory_space<vmem>>, vector<16xf32>,
      %parallel_loop3A_290 = vector.shape_cast %parallel_loop3A_289 : vector<16xf32> to vector<16xf32>
      %parallel_loop3A_291 = arith.mulf %parallel_loop3A_287, %parallel_loop3A_290 : vector<16xf32>
      %parallel_loop3A_292 = math.absf %parallel_loop3A_291 : vector<16xf32>
      %parallel_loop3A_293 = arith.cmpf ogt, %parallel_loop3A_292, %mul3A_65 : vector<16xf32>
      %parallel_loop3A_294 = arith.select %parallel_loop3A_293, %mul3A_36, %mul3A_32 : vector<16xi1>, vector<16xf32>
      %parallel_loop3A_295 = arith.cmpf ogt, %parallel_loop3A_292, %mul3A_75 : vector<16xf32>
      %parallel_loop3A_296 = arith.select %parallel_loop3A_295, %mul3A_44, %mul3A_40 : vector<16xi1>, vector<16xf32>
      %parallel_loop3A_297 = arith.cmpf ogt, %parallel_loop3A_292, %mul3A_85 : vector<16xf32>
      %parallel_loop3A_298 = arith.select %parallel_loop3A_297, %mul3A_52, %mul3A_48 : vector<16xi1>, vector<16xf32>
      %parallel_loop3A_299 = arith.cmpf ogt, %parallel_loop3A_292, %mul3A_95 : vector<16xf32>
      %parallel_loop3A_300 = arith.select %parallel_loop3A_299, %mul3A_60, %mul3A_56 : vector<16xi1>, vector<16xf32>
      %parallel_loop3A_301 = arith.cmpf ogt, %parallel_loop3A_292, %mul3A_70 : vector<16xf32>
      %parallel_loop3A_302 = arith.select %parallel_loop3A_301, %parallel_loop3A_296, %parallel_loop3A_294 : vector<16xi1>, vector<16xf32>
      %parallel_loop3A_303 = arith.cmpf ogt, %parallel_loop3A_292, %mul3A_90 : vector<16xf32>
      %parallel_loop3A_304 = arith.select %parallel_loop3A_303, %parallel_loop3A_300, %parallel_loop3A_298 : vector<16xi1>, vector<16xf32>
      %parallel_loop3A_305 = arith.cmpf ogt, %parallel_loop3A_292, %mul3A_80 : vector<16xf32>
      %parallel_loop3A_306 = arith.select %parallel_loop3A_305, %parallel_loop3A_304, %parallel_loop3A_302 : vector<16xi1>, vector<16xf32>
      %parallel_loop3A_307 = tpu.bitcast %parallel_loop3A_291 : vector<16xf32> -> vector<16xi32>
      %parallel_loop3A_308 = arith.constant -2147483648 : i32
      %parallel_loop3A_309 = vector.broadcast %parallel_loop3A_308 : i32 to vector<16xi32>
      %parallel_loop3A_310 = arith.andi %parallel_loop3A_307, %parallel_loop3A_309 : vector<16xi32>
      %parallel_loop3A_311 = arith.constant 1065353216 : i32
      %parallel_loop3A_312 = vector.broadcast %parallel_loop3A_311 : i32 to vector<16xi32>
      %parallel_loop3A_313 = arith.ori %parallel_loop3A_312, %parallel_loop3A_310 : vector<16xi32>
      %parallel_loop3A_314 = tpu.bitcast %parallel_loop3A_313 : vector<16xi32> -> vector<16xf32>
      %parallel_loop3A_315 = math.absf %parallel_loop3A_291 : vector<16xf32>
      %parallel_loop3A_316 = arith.constant 0.000000e+00 : f32
      %parallel_loop3A_317 = vector.broadcast %parallel_loop3A_316 : f32 to vector<16xf32>
      %parallel_loop3A_318 = arith.cmpf ogt, %parallel_loop3A_315, %parallel_loop3A_317 : vector<16xf32>
      %parallel_loop3A_319 = arith.select %parallel_loop3A_318, %parallel_loop3A_314, %parallel_loop3A_291 : vector<16xi1>, vector<16xf32>
      %parallel_loop3A_320 = arith.mulf %parallel_loop3A_319, %parallel_loop3A_196 : vector<16xf32>
      %parallel_loop3A_321 = arith.mulf %parallel_loop3A_306, %parallel_loop3A_320 : vector<16xf32>
      %parallel_loop3A_322 = arith.index_cast %parallel_loop3A_284 : i32 to index
      %parallel_loop3A_323 = tpu.vector_load %arg9[%parallel_loop3A_322] {strides = array<i32>} : memref<27648xf32, #tpu.memory_space<vmem>>, vector<16xf32>,
      %parallel_loop3A_324 = vector.shape_cast %parallel_loop3A_323 : vector<16xf32> to vector<16xf32>
      %parallel_loop3A_325 = vector.shape_cast %parallel_loop3A_321 : vector<16xf32> to vector<16xf32>
      tpu.vector_store %arg9[%parallel_loop3A_322], %parallel_loop3A_325 {strides = array<i32>} : memref<27648xf32, #tpu.memory_space<vmem>>, vector<16xf32>,
      %parallel_loop3A_326 = arith.constant 48 : i32
      %parallel_loop3A_327 = arith.addi %parallel_loop3A_185, %parallel_loop3A_326 : i32
      %parallel_loop3A_328 = arith.index_cast %parallel_loop3A_327 : i32 to index
      %parallel_loop3A_329 = tpu.vector_load %arg7[%parallel_loop3A_328] {strides = array<i32>} : memref<27648xf32, #tpu.memory_space<vmem>>, vector<16xf32>,
      %parallel_loop3A_330 = vector.shape_cast %parallel_loop3A_329 : vector<16xf32> to vector<16xf32>
      %parallel_loop3A_331 = arith.index_cast %parallel_loop3A_327 : i32 to index
      %parallel_loop3A_332 = tpu.vector_load %arg9[%parallel_loop3A_331] {strides = array<i32>} : memref<27648xf32, #tpu.memory_space<vmem>>, vector<16xf32>,
      %parallel_loop3A_333 = vector.shape_cast %parallel_loop3A_332 : vector<16xf32> to vector<16xf32>
      %parallel_loop3A_334 = arith.mulf %parallel_loop3A_330, %parallel_loop3A_333 : vector<16xf32>
      %parallel_loop3A_335 = math.absf %parallel_loop3A_334 : vector<16xf32>
      %parallel_loop3A_336 = arith.cmpf ogt, %parallel_loop3A_335, %mul3A_65 : vector<16xf32>
      %parallel_loop3A_337 = arith.select %parallel_loop3A_336, %mul3A_36, %mul3A_32 : vector<16xi1>, vector<16xf32>
      %parallel_loop3A_338 = arith.cmpf ogt, %parallel_loop3A_335, %mul3A_75 : vector<16xf32>
      %parallel_loop3A_339 = arith.select %parallel_loop3A_338, %mul3A_44, %mul3A_40 : vector<16xi1>, vector<16xf32>
      %parallel_loop3A_340 = arith.cmpf ogt, %parallel_loop3A_335, %mul3A_85 : vector<16xf32>
      %parallel_loop3A_341 = arith.select %parallel_loop3A_340, %mul3A_52, %mul3A_48 : vector<16xi1>, vector<16xf32>
      %parallel_loop3A_342 = arith.cmpf ogt, %parallel_loop3A_335, %mul3A_95 : vector<16xf32>
      %parallel_loop3A_343 = arith.select %parallel_loop3A_342, %mul3A_60, %mul3A_56 : vector<16xi1>, vector<16xf32>
      %parallel_loop3A_344 = arith.cmpf ogt, %parallel_loop3A_335, %mul3A_70 : vector<16xf32>
      %parallel_loop3A_345 = arith.select %parallel_loop3A_344, %parallel_loop3A_339, %parallel_loop3A_337 : vector<16xi1>, vector<16xf32>
      %parallel_loop3A_346 = arith.cmpf ogt, %parallel_loop3A_335, %mul3A_90 : vector<16xf32>
      %parallel_loop3A_347 = arith.select %parallel_loop3A_346, %parallel_loop3A_343, %parallel_loop3A_341 : vector<16xi1>, vector<16xf32>
      %parallel_loop3A_348 = arith.cmpf ogt, %parallel_loop3A_335, %mul3A_80 : vector<16xf32>
      %parallel_loop3A_349 = arith.select %parallel_loop3A_348, %parallel_loop3A_347, %parallel_loop3A_345 : vector<16xi1>, vector<16xf32>
      %parallel_loop3A_350 = tpu.bitcast %parallel_loop3A_334 : vector<16xf32> -> vector<16xi32>
      %parallel_loop3A_351 = arith.constant -2147483648 : i32
      %parallel_loop3A_352 = vector.broadcast %parallel_loop3A_351 : i32 to vector<16xi32>
      %parallel_loop3A_353 = arith.andi %parallel_loop3A_350, %parallel_loop3A_352 : vector<16xi32>
      %parallel_loop3A_354 = arith.constant 1065353216 : i32
      %parallel_loop3A_355 = vector.broadcast %parallel_loop3A_354 : i32 to vector<16xi32>
      %parallel_loop3A_356 = arith.ori %parallel_loop3A_355, %parallel_loop3A_353 : vector<16xi32>
      %parallel_loop3A_357 = tpu.bitcast %parallel_loop3A_356 : vector<16xi32> -> vector<16xf32>
      %parallel_loop3A_358 = math.absf %parallel_loop3A_334 : vector<16xf32>
      %parallel_loop3A_359 = arith.constant 0.000000e+00 : f32
      %parallel_loop3A_360 = vector.broadcast %parallel_loop3A_359 : f32 to vector<16xf32>
      %parallel_loop3A_361 = arith.cmpf ogt, %parallel_loop3A_358, %parallel_loop3A_360 : vector<16xf32>
      %parallel_loop3A_362 = arith.select %parallel_loop3A_361, %parallel_loop3A_357, %parallel_loop3A_334 : vector<16xi1>, vector<16xf32>
      %parallel_loop3A_363 = arith.mulf %parallel_loop3A_362, %parallel_loop3A_196 : vector<16xf32>
      %parallel_loop3A_364 = arith.mulf %parallel_loop3A_349, %parallel_loop3A_363 : vector<16xf32>
      %parallel_loop3A_365 = arith.index_cast %parallel_loop3A_327 : i32 to index
      %parallel_loop3A_366 = tpu.vector_load %arg9[%parallel_loop3A_365] {strides = array<i32>} : memref<27648xf32, #tpu.memory_space<vmem>>, vector<16xf32>,
      %parallel_loop3A_367 = vector.shape_cast %parallel_loop3A_366 : vector<16xf32> to vector<16xf32>
      %parallel_loop3A_368 = vector.shape_cast %parallel_loop3A_364 : vector<16xf32> to vector<16xf32>
      tpu.vector_store %arg9[%parallel_loop3A_365], %parallel_loop3A_368 {strides = array<i32>} : memref<27648xf32, #tpu.memory_space<vmem>>, vector<16xf32>,
    } {sc.loop_unroll_factor = 1 : i64, sc.parallel_access}
    %parallel_loop3A_154 = arith.constant 0 : i32
    %parallel_loop3A_155 = arith.constant 144 : i32
    %parallel_loop3A_156 = arith.constant 1 : i32
    scf.for %parallel_loop3A_167 = %parallel_loop3A_154 to %parallel_loop3A_155 step %parallel_loop3A_156  : i32 {
      %parallel_loop3A_168 = arith.constant 1 : i32
      %parallel_loop3A_169 = arith.andi %parallel_loop3A_167, %parallel_loop3A_168 : i32
      %parallel_loop3A_170 = arith.constant 1 : i32
      %parallel_loop3A_171 = arith.shrsi %parallel_loop3A_167, %parallel_loop3A_170 : i32
      %parallel_loop3A_172 = arith.constant 7 : i32
      %parallel_loop3A_173 = arith.andi %parallel_loop3A_171, %parallel_loop3A_172 : i32
      %parallel_loop3A_174 = arith.constant 4 : i32
      %parallel_loop3A_175 = arith.shrsi %parallel_loop3A_167, %parallel_loop3A_174 : i32
      %parallel_loop3A_176 = arith.constant 3072 : i32
      %parallel_loop3A_177 = arith.muli %parallel_loop3A_175, %parallel_loop3A_176 : i32
      %parallel_loop3A_178 = arith.constant 2048 : i32
      %parallel_loop3A_179 = arith.addi %parallel_loop3A_177, %parallel_loop3A_178 : i32
      %parallel_loop3A_180 = arith.constant 128 : i32
      %parallel_loop3A_181 = arith.muli %parallel_loop3A_173, %parallel_loop3A_180 : i32
      %parallel_loop3A_182 = arith.addi %parallel_loop3A_179, %parallel_loop3A_181 : i32
      %parallel_loop3A_183 = arith.constant 64 : i32
      %parallel_loop3A_184 = arith.muli %parallel_loop3A_169, %parallel_loop3A_183 : i32
      %parallel_loop3A_185 = arith.addi %parallel_loop3A_182, %parallel_loop3A_184 : i32
      %parallel_loop3A_186 = arith.constant 128 : i32
      %parallel_loop3A_187 = arith.muli %parallel_loop3A_175, %parallel_loop3A_186 : i32
      %parallel_loop3A_188 = arith.constant 2304 : i32
      %parallel_loop3A_189 = arith.addi %parallel_loop3A_188, %parallel_loop3A_187 : i32
      %parallel_loop3A_190 = arith.constant 16 : i32
      %parallel_loop3A_191 = arith.muli %parallel_loop3A_173, %parallel_loop3A_190 : i32
      %parallel_loop3A_192 = arith.addi %parallel_loop3A_189, %parallel_loop3A_191 : i32
      %parallel_loop3A_193 = arith.index_cast %parallel_loop3A_192 : i32 to index
      %parallel_loop3A_194 = tpu.vector_load %arg11[%parallel_loop3A_193] {strides = array<i32>} : memref<3456xf32, #tpu.memory_space<vmem>>, vector<16xf32>,
      %parallel_loop3A_195 = vector.shape_cast %parallel_loop3A_194 : vector<16xf32> to vector<16xf32>
      %parallel_loop3A_196 = arith.mulf %parallel_loop3A_195, %get3A_31 : vector<16xf32>
      %parallel_loop3A_197 = arith.constant 0 : i32
      %parallel_loop3A_198 = arith.addi %parallel_loop3A_185, %parallel_loop3A_197 : i32
      %parallel_loop3A_199 = arith.index_cast %parallel_loop3A_198 : i32 to index
      %parallel_loop3A_200 = tpu.vector_load %arg7[%parallel_loop3A_199] {strides = array<i32>} : memref<27648xf32, #tpu.memory_space<vmem>>, vector<16xf32>,
      %parallel_loop3A_201 = vector.shape_cast %parallel_loop3A_200 : vector<16xf32> to vector<16xf32>
      %parallel_loop3A_202 = arith.index_cast %parallel_loop3A_198 : i32 to index
      %parallel_loop3A_203 = tpu.vector_load %arg9[%parallel_loop3A_202] {strides = array<i32>} : memref<27648xf32, #tpu.memory_space<vmem>>, vector<16xf32>,
      %parallel_loop3A_204 = vector.shape_cast %parallel_loop3A_203 : vector<16xf32> to vector<16xf32>
      %parallel_loop3A_205 = arith.mulf %parallel_loop3A_201, %parallel_loop3A_204 : vector<16xf32>
      %parallel_loop3A_206 = math.absf %parallel_loop3A_205 : vector<16xf32>
      %parallel_loop3A_207 = arith.cmpf ogt, %parallel_loop3A_206, %mul3A_65 : vector<16xf32>
      %parallel_loop3A_208 = arith.select %parallel_loop3A_207, %mul3A_36, %mul3A_32 : vector<16xi1>, vector<16xf32>
      %parallel_loop3A_209 = arith.cmpf ogt, %parallel_loop3A_206, %mul3A_75 : vector<16xf32>
      %parallel_loop3A_210 = arith.select %parallel_loop3A_209, %mul3A_44, %mul3A_40 : vector<16xi1>, vector<16xf32>
      %parallel_loop3A_211 = arith.cmpf ogt, %parallel_loop3A_206, %mul3A_85 : vector<16xf32>
      %parallel_loop3A_212 = arith.select %parallel_loop3A_211, %mul3A_52, %mul3A_48 : vector<16xi1>, vector<16xf32>
      %parallel_loop3A_213 = arith.cmpf ogt, %parallel_loop3A_206, %mul3A_95 : vector<16xf32>
      %parallel_loop3A_214 = arith.select %parallel_loop3A_213, %mul3A_60, %mul3A_56 : vector<16xi1>, vector<16xf32>
      %parallel_loop3A_215 = arith.cmpf ogt, %parallel_loop3A_206, %mul3A_70 : vector<16xf32>
      %parallel_loop3A_216 = arith.select %parallel_loop3A_215, %parallel_loop3A_210, %parallel_loop3A_208 : vector<16xi1>, vector<16xf32>
      %parallel_loop3A_217 = arith.cmpf ogt, %parallel_loop3A_206, %mul3A_90 : vector<16xf32>
      %parallel_loop3A_218 = arith.select %parallel_loop3A_217, %parallel_loop3A_214, %parallel_loop3A_212 : vector<16xi1>, vector<16xf32>
      %parallel_loop3A_219 = arith.cmpf ogt, %parallel_loop3A_206, %mul3A_80 : vector<16xf32>
      %parallel_loop3A_220 = arith.select %parallel_loop3A_219, %parallel_loop3A_218, %parallel_loop3A_216 : vector<16xi1>, vector<16xf32>
      %parallel_loop3A_221 = tpu.bitcast %parallel_loop3A_205 : vector<16xf32> -> vector<16xi32>
      %parallel_loop3A_222 = arith.constant -2147483648 : i32
      %parallel_loop3A_223 = vector.broadcast %parallel_loop3A_222 : i32 to vector<16xi32>
      %parallel_loop3A_224 = arith.andi %parallel_loop3A_221, %parallel_loop3A_223 : vector<16xi32>
      %parallel_loop3A_225 = arith.constant 1065353216 : i32
      %parallel_loop3A_226 = vector.broadcast %parallel_loop3A_225 : i32 to vector<16xi32>
      %parallel_loop3A_227 = arith.ori %parallel_loop3A_226, %parallel_loop3A_224 : vector<16xi32>
      %parallel_loop3A_228 = tpu.bitcast %parallel_loop3A_227 : vector<16xi32> -> vector<16xf32>
      %parallel_loop3A_229 = math.absf %parallel_loop3A_205 : vector<16xf32>
      %parallel_loop3A_230 = arith.constant 0.000000e+00 : f32
      %parallel_loop3A_231 = vector.broadcast %parallel_loop3A_230 : f32 to vector<16xf32>
      %parallel_loop3A_232 = arith.cmpf ogt, %parallel_loop3A_229, %parallel_loop3A_231 : vector<16xf32>
      %parallel_loop3A_233 = arith.select %parallel_loop3A_232, %parallel_loop3A_228, %parallel_loop3A_205 : vector<16xi1>, vector<16xf32>
      %parallel_loop3A_234 = arith.mulf %parallel_loop3A_233, %parallel_loop3A_196 : vector<16xf32>
      %parallel_loop3A_235 = arith.mulf %parallel_loop3A_220, %parallel_loop3A_234 : vector<16xf32>
      %parallel_loop3A_236 = arith.index_cast %parallel_loop3A_198 : i32 to index
      %parallel_loop3A_237 = tpu.vector_load %arg9[%parallel_loop3A_236] {strides = array<i32>} : memref<27648xf32, #tpu.memory_space<vmem>>, vector<16xf32>,
      %parallel_loop3A_238 = vector.shape_cast %parallel_loop3A_237 : vector<16xf32> to vector<16xf32>
      %parallel_loop3A_239 = vector.shape_cast %parallel_loop3A_235 : vector<16xf32> to vector<16xf32>
      tpu.vector_store %arg9[%parallel_loop3A_236], %parallel_loop3A_239 {strides = array<i32>} : memref<27648xf32, #tpu.memory_space<vmem>>, vector<16xf32>,
      %parallel_loop3A_240 = arith.constant 16 : i32
      %parallel_loop3A_241 = arith.addi %parallel_loop3A_185, %parallel_loop3A_240 : i32
      %parallel_loop3A_242 = arith.index_cast %parallel_loop3A_241 : i32 to index
      %parallel_loop3A_243 = tpu.vector_load %arg7[%parallel_loop3A_242] {strides = array<i32>} : memref<27648xf32, #tpu.memory_space<vmem>>, vector<16xf32>,
      %parallel_loop3A_244 = vector.shape_cast %parallel_loop3A_243 : vector<16xf32> to vector<16xf32>
      %parallel_loop3A_245 = arith.index_cast %parallel_loop3A_241 : i32 to index
      %parallel_loop3A_246 = tpu.vector_load %arg9[%parallel_loop3A_245] {strides = array<i32>} : memref<27648xf32, #tpu.memory_space<vmem>>, vector<16xf32>,
      %parallel_loop3A_247 = vector.shape_cast %parallel_loop3A_246 : vector<16xf32> to vector<16xf32>
      %parallel_loop3A_248 = arith.mulf %parallel_loop3A_244, %parallel_loop3A_247 : vector<16xf32>
      %parallel_loop3A_249 = math.absf %parallel_loop3A_248 : vector<16xf32>
      %parallel_loop3A_250 = arith.cmpf ogt, %parallel_loop3A_249, %mul3A_65 : vector<16xf32>
      %parallel_loop3A_251 = arith.select %parallel_loop3A_250, %mul3A_36, %mul3A_32 : vector<16xi1>, vector<16xf32>
      %parallel_loop3A_252 = arith.cmpf ogt, %parallel_loop3A_249, %mul3A_75 : vector<16xf32>
      %parallel_loop3A_253 = arith.select %parallel_loop3A_252, %mul3A_44, %mul3A_40 : vector<16xi1>, vector<16xf32>
      %parallel_loop3A_254 = arith.cmpf ogt, %parallel_loop3A_249, %mul3A_85 : vector<16xf32>
      %parallel_loop3A_255 = arith.select %parallel_loop3A_254, %mul3A_52, %mul3A_48 : vector<16xi1>, vector<16xf32>
      %parallel_loop3A_256 = arith.cmpf ogt, %parallel_loop3A_249, %mul3A_95 : vector<16xf32>
      %parallel_loop3A_257 = arith.select %parallel_loop3A_256, %mul3A_60, %mul3A_56 : vector<16xi1>, vector<16xf32>
      %parallel_loop3A_258 = arith.cmpf ogt, %parallel_loop3A_249, %mul3A_70 : vector<16xf32>
      %parallel_loop3A_259 = arith.select %parallel_loop3A_258, %parallel_loop3A_253, %parallel_loop3A_251 : vector<16xi1>, vector<16xf32>
      %parallel_loop3A_260 = arith.cmpf ogt, %parallel_loop3A_249, %mul3A_90 : vector<16xf32>
      %parallel_loop3A_261 = arith.select %parallel_loop3A_260, %parallel_loop3A_257, %parallel_loop3A_255 : vector<16xi1>, vector<16xf32>
      %parallel_loop3A_262 = arith.cmpf ogt, %parallel_loop3A_249, %mul3A_80 : vector<16xf32>
      %parallel_loop3A_263 = arith.select %parallel_loop3A_262, %parallel_loop3A_261, %parallel_loop3A_259 : vector<16xi1>, vector<16xf32>
      %parallel_loop3A_264 = tpu.bitcast %parallel_loop3A_248 : vector<16xf32> -> vector<16xi32>
      %parallel_loop3A_265 = arith.constant -2147483648 : i32
      %parallel_loop3A_266 = vector.broadcast %parallel_loop3A_265 : i32 to vector<16xi32>
      %parallel_loop3A_267 = arith.andi %parallel_loop3A_264, %parallel_loop3A_266 : vector<16xi32>
      %parallel_loop3A_268 = arith.constant 1065353216 : i32
      %parallel_loop3A_269 = vector.broadcast %parallel_loop3A_268 : i32 to vector<16xi32>
      %parallel_loop3A_270 = arith.ori %parallel_loop3A_269, %parallel_loop3A_267 : vector<16xi32>
      %parallel_loop3A_271 = tpu.bitcast %parallel_loop3A_270 : vector<16xi32> -> vector<16xf32>
      %parallel_loop3A_272 = math.absf %parallel_loop3A_248 : vector<16xf32>
      %parallel_loop3A_273 = arith.constant 0.000000e+00 : f32
      %parallel_loop3A_274 = vector.broadcast %parallel_loop3A_273 : f32 to vector<16xf32>
      %parallel_loop3A_275 = arith.cmpf ogt, %parallel_loop3A_272, %parallel_loop3A_274 : vector<16xf32>
      %parallel_loop3A_276 = arith.select %parallel_loop3A_275, %parallel_loop3A_271, %parallel_loop3A_248 : vector<16xi1>, vector<16xf32>
      %parallel_loop3A_277 = arith.mulf %parallel_loop3A_276, %parallel_loop3A_196 : vector<16xf32>
      %parallel_loop3A_278 = arith.mulf %parallel_loop3A_263, %parallel_loop3A_277 : vector<16xf32>
      %parallel_loop3A_279 = arith.index_cast %parallel_loop3A_241 : i32 to index
      %parallel_loop3A_280 = tpu.vector_load %arg9[%parallel_loop3A_279] {strides = array<i32>} : memref<27648xf32, #tpu.memory_space<vmem>>, vector<16xf32>,
      %parallel_loop3A_281 = vector.shape_cast %parallel_loop3A_280 : vector<16xf32> to vector<16xf32>
      %parallel_loop3A_282 = vector.shape_cast %parallel_loop3A_278 : vector<16xf32> to vector<16xf32>
      tpu.vector_store %arg9[%parallel_loop3A_279], %parallel_loop3A_282 {strides = array<i32>} : memref<27648xf32, #tpu.memory_space<vmem>>, vector<16xf32>,
      %parallel_loop3A_283 = arith.constant 32 : i32
      %parallel_loop3A_284 = arith.addi %parallel_loop3A_185, %parallel_loop3A_283 : i32
      %parallel_loop3A_285 = arith.index_cast %parallel_loop3A_284 : i32 to index
      %parallel_loop3A_286 = tpu.vector_load %arg7[%parallel_loop3A_285] {strides = array<i32>} : memref<27648xf32, #tpu.memory_space<vmem>>, vector<16xf32>,
      %parallel_loop3A_287 = vector.shape_cast %parallel_loop3A_286 : vector<16xf32> to vector<16xf32>
      %parallel_loop3A_288 = arith.index_cast %parallel_loop3A_284 : i32 to index
      %parallel_loop3A_289 = tpu.vector_load %arg9[%parallel_loop3A_288] {strides = array<i32>} : memref<27648xf32, #tpu.memory_space<vmem>>, vector<16xf32>,
      %parallel_loop3A_290 = vector.shape_cast %parallel_loop3A_289 : vector<16xf32> to vector<16xf32>
      %parallel_loop3A_291 = arith.mulf %parallel_loop3A_287, %parallel_loop3A_290 : vector<16xf32>
      %parallel_loop3A_292 = math.absf %parallel_loop3A_291 : vector<16xf32>
      %parallel_loop3A_293 = arith.cmpf ogt, %parallel_loop3A_292, %mul3A_65 : vector<16xf32>
      %parallel_loop3A_294 = arith.select %parallel_loop3A_293, %mul3A_36, %mul3A_32 : vector<16xi1>, vector<16xf32>
      %parallel_loop3A_295 = arith.cmpf ogt, %parallel_loop3A_292, %mul3A_75 : vector<16xf32>
      %parallel_loop3A_296 = arith.select %parallel_loop3A_295, %mul3A_44, %mul3A_40 : vector<16xi1>, vector<16xf32>
      %parallel_loop3A_297 = arith.cmpf ogt, %parallel_loop3A_292, %mul3A_85 : vector<16xf32>
      %parallel_loop3A_298 = arith.select %parallel_loop3A_297, %mul3A_52, %mul3A_48 : vector<16xi1>, vector<16xf32>
      %parallel_loop3A_299 = arith.cmpf ogt, %parallel_loop3A_292, %mul3A_95 : vector<16xf32>
      %parallel_loop3A_300 = arith.select %parallel_loop3A_299, %mul3A_60, %mul3A_56 : vector<16xi1>, vector<16xf32>
      %parallel_loop3A_301 = arith.cmpf ogt, %parallel_loop3A_292, %mul3A_70 : vector<16xf32>
      %parallel_loop3A_302 = arith.select %parallel_loop3A_301, %parallel_loop3A_296, %parallel_loop3A_294 : vector<16xi1>, vector<16xf32>
      %parallel_loop3A_303 = arith.cmpf ogt, %parallel_loop3A_292, %mul3A_90 : vector<16xf32>
      %parallel_loop3A_304 = arith.select %parallel_loop3A_303, %parallel_loop3A_300, %parallel_loop3A_298 : vector<16xi1>, vector<16xf32>
      %parallel_loop3A_305 = arith.cmpf ogt, %parallel_loop3A_292, %mul3A_80 : vector<16xf32>
      %parallel_loop3A_306 = arith.select %parallel_loop3A_305, %parallel_loop3A_304, %parallel_loop3A_302 : vector<16xi1>, vector<16xf32>
      %parallel_loop3A_307 = tpu.bitcast %parallel_loop3A_291 : vector<16xf32> -> vector<16xi32>
      %parallel_loop3A_308 = arith.constant -2147483648 : i32
      %parallel_loop3A_309 = vector.broadcast %parallel_loop3A_308 : i32 to vector<16xi32>
      %parallel_loop3A_310 = arith.andi %parallel_loop3A_307, %parallel_loop3A_309 : vector<16xi32>
      %parallel_loop3A_311 = arith.constant 1065353216 : i32
      %parallel_loop3A_312 = vector.broadcast %parallel_loop3A_311 : i32 to vector<16xi32>
      %parallel_loop3A_313 = arith.ori %parallel_loop3A_312, %parallel_loop3A_310 : vector<16xi32>
      %parallel_loop3A_314 = tpu.bitcast %parallel_loop3A_313 : vector<16xi32> -> vector<16xf32>
      %parallel_loop3A_315 = math.absf %parallel_loop3A_291 : vector<16xf32>
      %parallel_loop3A_316 = arith.constant 0.000000e+00 : f32
      %parallel_loop3A_317 = vector.broadcast %parallel_loop3A_316 : f32 to vector<16xf32>
      %parallel_loop3A_318 = arith.cmpf ogt, %parallel_loop3A_315, %parallel_loop3A_317 : vector<16xf32>
      %parallel_loop3A_319 = arith.select %parallel_loop3A_318, %parallel_loop3A_314, %parallel_loop3A_291 : vector<16xi1>, vector<16xf32>
      %parallel_loop3A_320 = arith.mulf %parallel_loop3A_319, %parallel_loop3A_196 : vector<16xf32>
      %parallel_loop3A_321 = arith.mulf %parallel_loop3A_306, %parallel_loop3A_320 : vector<16xf32>
      %parallel_loop3A_322 = arith.index_cast %parallel_loop3A_284 : i32 to index
      %parallel_loop3A_323 = tpu.vector_load %arg9[%parallel_loop3A_322] {strides = array<i32>} : memref<27648xf32, #tpu.memory_space<vmem>>, vector<16xf32>,
      %parallel_loop3A_324 = vector.shape_cast %parallel_loop3A_323 : vector<16xf32> to vector<16xf32>
      %parallel_loop3A_325 = vector.shape_cast %parallel_loop3A_321 : vector<16xf32> to vector<16xf32>
      tpu.vector_store %arg9[%parallel_loop3A_322], %parallel_loop3A_325 {strides = array<i32>} : memref<27648xf32, #tpu.memory_space<vmem>>, vector<16xf32>,
      %parallel_loop3A_326 = arith.constant 48 : i32
      %parallel_loop3A_327 = arith.addi %parallel_loop3A_185, %parallel_loop3A_326 : i32
      %parallel_loop3A_328 = arith.index_cast %parallel_loop3A_327 : i32 to index
      %parallel_loop3A_329 = tpu.vector_load %arg7[%parallel_loop3A_328] {strides = array<i32>} : memref<27648xf32, #tpu.memory_space<vmem>>, vector<16xf32>,
      %parallel_loop3A_330 = vector.shape_cast %parallel_loop3A_329 : vector<16xf32> to vector<16xf32>
      %parallel_loop3A_331 = arith.index_cast %parallel_loop3A_327 : i32 to index
      %parallel_loop3A_332 = tpu.vector_load %arg9[%parallel_loop3A_331] {strides = array<i32>} : memref<27648xf32, #tpu.memory_space<vmem>>, vector<16xf32>,
      %parallel_loop3A_333 = vector.shape_cast %parallel_loop3A_332 : vector<16xf32> to vector<16xf32>
      %parallel_loop3A_334 = arith.mulf %parallel_loop3A_330, %parallel_loop3A_333 : vector<16xf32>
      %parallel_loop3A_335 = math.absf %parallel_loop3A_334 : vector<16xf32>
      %parallel_loop3A_336 = arith.cmpf ogt, %parallel_loop3A_335, %mul3A_65 : vector<16xf32>
      %parallel_loop3A_337 = arith.select %parallel_loop3A_336, %mul3A_36, %mul3A_32 : vector<16xi1>, vector<16xf32>
      %parallel_loop3A_338 = arith.cmpf ogt, %parallel_loop3A_335, %mul3A_75 : vector<16xf32>
      %parallel_loop3A_339 = arith.select %parallel_loop3A_338, %mul3A_44, %mul3A_40 : vector<16xi1>, vector<16xf32>
      %parallel_loop3A_340 = arith.cmpf ogt, %parallel_loop3A_335, %mul3A_85 : vector<16xf32>
      %parallel_loop3A_341 = arith.select %parallel_loop3A_340, %mul3A_52, %mul3A_48 : vector<16xi1>, vector<16xf32>
      %parallel_loop3A_342 = arith.cmpf ogt, %parallel_loop3A_335, %mul3A_95 : vector<16xf32>
      %parallel_loop3A_343 = arith.select %parallel_loop3A_342, %mul3A_60, %mul3A_56 : vector<16xi1>, vector<16xf32>
      %parallel_loop3A_344 = arith.cmpf ogt, %parallel_loop3A_335, %mul3A_70 : vector<16xf32>
      %parallel_loop3A_345 = arith.select %parallel_loop3A_344, %parallel_loop3A_339, %parallel_loop3A_337 : vector<16xi1>, vector<16xf32>
      %parallel_loop3A_346 = arith.cmpf ogt, %parallel_loop3A_335, %mul3A_90 : vector<16xf32>
      %parallel_loop3A_347 = arith.select %parallel_loop3A_346, %parallel_loop3A_343, %parallel_loop3A_341 : vector<16xi1>, vector<16xf32>
      %parallel_loop3A_348 = arith.cmpf ogt, %parallel_loop3A_335, %mul3A_80 : vector<16xf32>
      %parallel_loop3A_349 = arith.select %parallel_loop3A_348, %parallel_loop3A_347, %parallel_loop3A_345 : vector<16xi1>, vector<16xf32>
      %parallel_loop3A_350 = tpu.bitcast %parallel_loop3A_334 : vector<16xf32> -> vector<16xi32>
      %parallel_loop3A_351 = arith.constant -2147483648 : i32
      %parallel_loop3A_352 = vector.broadcast %parallel_loop3A_351 : i32 to vector<16xi32>
      %parallel_loop3A_353 = arith.andi %parallel_loop3A_350, %parallel_loop3A_352 : vector<16xi32>
      %parallel_loop3A_354 = arith.constant 1065353216 : i32
      %parallel_loop3A_355 = vector.broadcast %parallel_loop3A_354 : i32 to vector<16xi32>
      %parallel_loop3A_356 = arith.ori %parallel_loop3A_355, %parallel_loop3A_353 : vector<16xi32>
      %parallel_loop3A_357 = tpu.bitcast %parallel_loop3A_356 : vector<16xi32> -> vector<16xf32>
      %parallel_loop3A_358 = math.absf %parallel_loop3A_334 : vector<16xf32>
      %parallel_loop3A_359 = arith.constant 0.000000e+00 : f32
      %parallel_loop3A_360 = vector.broadcast %parallel_loop3A_359 : f32 to vector<16xf32>
      %parallel_loop3A_361 = arith.cmpf ogt, %parallel_loop3A_358, %parallel_loop3A_360 : vector<16xf32>
      %parallel_loop3A_362 = arith.select %parallel_loop3A_361, %parallel_loop3A_357, %parallel_loop3A_334 : vector<16xi1>, vector<16xf32>
      %parallel_loop3A_363 = arith.mulf %parallel_loop3A_362, %parallel_loop3A_196 : vector<16xf32>
      %parallel_loop3A_364 = arith.mulf %parallel_loop3A_349, %parallel_loop3A_363 : vector<16xf32>
      %parallel_loop3A_365 = arith.index_cast %parallel_loop3A_327 : i32 to index
      %parallel_loop3A_366 = tpu.vector_load %arg9[%parallel_loop3A_365] {strides = array<i32>} : memref<27648xf32, #tpu.memory_space<vmem>>, vector<16xf32>,
      %parallel_loop3A_367 = vector.shape_cast %parallel_loop3A_366 : vector<16xf32> to vector<16xf32>
      %parallel_loop3A_368 = vector.shape_cast %parallel_loop3A_364 : vector<16xf32> to vector<16xf32>
      tpu.vector_store %arg9[%parallel_loop3A_365], %parallel_loop3A_368 {strides = array<i32>} : memref<27648xf32, #tpu.memory_space<vmem>>, vector<16xf32>,
    } {sc.loop_unroll_factor = 1 : i64, sc.parallel_access}
    %add3A_157 = arith.constant 18 : i32
    %add3A_158 = arith.addi %mul3A_2, %add3A_157 : i32
    %mul3A_159 = arith.constant 3072 : i32
    %mul3A_160 = arith.muli %add3A_158, %mul3A_159 : i32
    %dma_start3A_161 = tpu.memref_slice %arg6[%mul3A_160] : memref<2654208xf32, #tpu.memory_space<hbm>> -> memref<27648xf32, #tpu.memory_space<hbm>>
    %dma_start3A_162 = tpu.memref_slice %arg6[%mul3A_160] : memref<2654208xf32, #tpu.memory_space<hbm>> -> memref<27648xf32, #tpu.memory_space<hbm>>
    tpu.enqueue_dma source(%arg9 : memref<27648xf32, #tpu.memory_space<vmem>>) target(%dma_start3A_162 : memref<27648xf32, #tpu.memory_space<hbm>>) target_semaphore(%arg17 : memref<!tpu.dma_semaphore, #tpu.memory_space<semaphore_mem>>)
    %dma_wait3A_163 = tpu.memref_slice %arg6[%mul3A_141] : memref<2654208xf32, #tpu.memory_space<hbm>> -> memref<27648xf32, #tpu.memory_space<hbm>>
    %dma_wait3A_164 = tpu.memref_slice %arg6[%mul3A_141] : memref<2654208xf32, #tpu.memory_space<hbm>> -> memref<27648xf32, #tpu.memory_space<hbm>>
    tpu.wait_dma2 semaphore(%arg18 : memref<!tpu.dma_semaphore, #tpu.memory_space<semaphore_mem>>) src(%arg10 : memref<27648xf32, #tpu.memory_space<vmem>>) dst(%dma_wait3A_164 : memref<27648xf32, #tpu.memory_space<hbm>>)
    %dma_wait3A_165 = tpu.memref_slice %arg6[%mul3A_160] : memref<2654208xf32, #tpu.memory_space<hbm>> -> memref<27648xf32, #tpu.memory_space<hbm>>
    %dma_wait3A_166 = tpu.memref_slice %arg6[%mul3A_160] : memref<2654208xf32, #tpu.memory_space<hbm>> -> memref<27648xf32, #tpu.memory_space<hbm>>
    tpu.wait_dma2 semaphore(%arg17 : memref<!tpu.dma_semaphore, #tpu.memory_space<semaphore_mem>>) src(%arg9 : memref<27648xf32, #tpu.memory_space<vmem>>) dst(%dma_wait3A_166 : memref<27648xf32, #tpu.memory_space<hbm>>)
    return
  }
}

</mosaic_0001>

<sc_bundles>
// kernel: kernel.3.cloned.1.call-start
scs
__scs_entry_jumppad:
0x0: {  	(pc) =	sbr.rel $0x88, $3  }
0x1: {  	(tag) =	ssettag $0x0;
	lr =	simm.s32 $0x1  }
0x2: {  	[smem:$0x3F9B] =	sst lr;
	_ =	strace $0xD0000000  }
0x3: {  	_ = 	snop  }
0x4: {  	_ = 	snop  }
0x5: {  	_ = 	snop  }
0x6: {  	_ = 	snop  }
0x7: {  	_ = 	snop  }
__scs_overlays_trampoline_lowered:
0x8: {  	[smem:$0x3FAA] =	sst s0  }
0x9: {  	[smem:$0x3FAB] =	sst s1  }
0xa: {  	[smem:$0x3FAC] =	sst s2  }
0xb: {  	[smem:$0x3FAD] =	sst s3  }
0xc: {  	[smem:$0x3FAE] =	sst s4  }
0xd: {  	[smem:$0x3FAF] =	sst s5  }
0xe: {  	[smem:$0x3FB0] =	sst s6  }
0xf: {  	[smem:$0x3FB1] =	sst s7  }
0x10: {  	[smem:$0x3FB2] =	sst s8  }
0x11: {  	[smem:$0x3FB3] =	sst s9;
	s0 =	simm.s32 @!p0 $0x0  }
0x12: {  	s1 =	sld [smem:$0x3F99];
	s0 =	simm.s32 @p0 $0x1  }
0x13: {  	[smem:$0x3FB4] =	sst s0;
	s0 =	simm.s32 @!p1 $0x0  }
0x14: {  	s2 =	sld [smem:$0x3F98];
	s0 =	simm.s32 @p1 $0x1  }
0x15: {  	[smem:$0x3FB5] =	sst s0;
	s0 =	simm.s32 @!p2 $0x0  }
0x16: {  	s3 =	sld [smem:$0x3FDB];
	s0 =	simm.s32 @p2 $0x1  }
0x17: {  	s4 =	simm.s32 $0x1BF5;
	[smem:$0x3FB7] =	sst s0  }
0x18: {  	s0 =	sld [smem:$0x3F9A];
	_ =	swait.ge [sflag:s4], $0x0  }
0x19: {  	s7 =	sld [smem:$0x3F9B]  }
0x1a: {  	s8 =	sadd.s32 $0xFFFFE003, lr  }
0x1b: {  	s9 =	sadd.s32 $0xFFFFFEF7, lr;
	s5 =	simm.s32 $0xFFFFFFFF;
	p2 =	slt.u32 s8, $0xFFFFF086  }
0x1c: {  	p1 =	slt.u32 s9, $0xF7A;
	s5 =	simm.s32 @!p2 $0x0  }
0x1d: {  	s5 =	simm.s32 @p1 $0x1;
	p0 =	seq.s32 s7, s2  }
0x1e: {  	s7 =	smul.u32 @!p0 $0xF7A, s2;
	p2 =	seq.s32 @!p0 s5, $0x0  }
0x1f: {  	s9 =	smul.u32 $0xF7A, s1;
	s8 =	simm.s32 @!p0 $0x1BF5;
	p2 =	por !p2, p0  }
0x20: {  	[sflag:s8] =	ssyncset.s32 @!p0 $0xFFFFF086;
	s6 =	sadd.s32 @!p0 s3, s7;
	s7 =	simm.s32 @!p0 $0x108  }
0x21: {  	s3 =	sadd.s32 s3, s9;
	s6 =	sadd.s32 @!p0 $0x88, s6;
	s7 =	simm.s32 @p2 $0x1082  }
0x22: {  	[simem:s7], [sflag:s8] =	dma.local @!p0 [hbm:s6], $0xF7A  }
0x23: {  	s9 =	sor.u32 $0xD0000000, s2;
	s6 =	simm.s32 $0x108;
	_ =	swait.ge @!p0 [sflag:s8], $0x0  }
0x24: {  	s3 =	sadd.s32 $0x88, s3;
	s6 =	simm.s32 @!p1 $0x1082;
	[sflag:s4] =	ssyncset.s32 $0xFFFFF086  }
0x25: {  	[simem:s6], [sflag:s4] =	dma.local [hbm:s3], $0xF7A  }
0x26: {  	[smem:$0x3F9B] =	sst s1;
	(tag) =	ssettag s2;
	_ =	strace s9  }
0x27: {  	s1 =	sld [smem:$0x3FAB]  }
0x28: {  	s2 =	sld [smem:$0x3FAC]  }
0x29: {  	s4 =	sld [smem:$0x3FAE]  }
0x2a: {  	p0 =	seq.s32 s5, $0x0;
	s5 =	sld [smem:$0x3FAF]  }
0x2b: {  	s6 =	sld [smem:$0x3FB0]  }
0x2c: {  	s7 =	sld [smem:$0x3FB1]  }
0x2d: {  	s3 =	simm.s32 $0x108;
	s8 =	sld [smem:$0x3FB2]  }
0x2e: {  	s3 =	simm.s32 @!p0 $0x1082;
	s9 =	sld [smem:$0x3FB3]  }
0x2f: {  	lr =	sadd.s32 s0, s3;
	s0 =	sld [smem:$0x3FAA]  }
0x30: {  	s3 =	sld [smem:$0x3FAD]  }
0x31: {  	[smem:$0x3FB6] =	sst s10  }
0x32: {  	s10 =	sld [smem:$0x3FB4];
	_ =	sdelay $0x3  }
0x33: {  	p0 =	seq.s32 s10, $0x1;
	s10 =	sld [smem:$0x3FB6];
	_ =	sdelay $0x3  }
0x34: {  	[smem:$0x3FB6] =	sst s10  }
0x35: {  	s10 =	sld [smem:$0x3FB5];
	_ =	sdelay $0x3  }
0x36: {  	p1 =	seq.s32 s10, $0x1;
	s10 =	sld [smem:$0x3FB6];
	_ =	sdelay $0x3  }
0x37: {  	[smem:$0x3FB6] =	sst s10  }
0x38: {  	s10 =	sld [smem:$0x3FB7]  }
0x39: {  	_ = 	snop;
	(pc) =	sbr.ind lr, $3  }
0x3a: {  	_ = 	snop  }
0x3b: {  	_ = 	snop  }
0x3c: {  	p2 =	seq.s32 s10, $0x1;
	s10 =	sld [smem:$0x3FB6]  }
0x3d: {  	_ =	shalt  }
0x3e: {  	_ =	shalt  }
0x3f: {  	_ =	shalt  }
0x40: {  	_ =	shalt  }
0x41: {  	_ =	shalt  }
0x42: {  	_ =	shalt  }
0x43: {  	_ =	shalt  }
0x44: {  	_ =	shalt  }
0x45: {  	_ =	shalt  }
0x46: {  	_ =	shalt  }
0x47: {  	_ =	shalt  }
0x48: {  	_ =	shalt  }
0x49: {  	_ =	shalt  }
0x4a: {  	_ =	shalt  }
0x4b: {  	_ =	shalt  }
0x4c: {  	_ =	shalt  }
0x4d: {  	_ =	shalt  }
0x4e: {  	_ =	shalt  }
0x4f: {  	_ =	shalt  }
0x50: {  	_ =	shalt  }
0x51: {  	_ =	shalt  }
0x52: {  	_ =	shalt  }
0x53: {  	_ =	shalt  }
0x54: {  	_ =	shalt  }
0x55: {  	_ =	shalt  }
0x56: {  	_ =	shalt  }
0x57: {  	_ =	shalt  }
0x58: {  	_ =	shalt  }
0x59: {  	_ =	shalt  }
0x5a: {  	_ =	shalt  }
0x5b: {  	_ =	shalt  }
0x5c: {  	_ =	shalt  }
0x5d: {  	_ =	shalt  }
0x5e: {  	_ =	shalt  }
0x5f: {  	_ =	shalt  }
0x60: {  	_ =	shalt  }
0x61: {  	_ =	shalt  }
0x62: {  	_ =	shalt  }
0x63: {  	_ =	shalt  }
0x64: {  	_ =	shalt  }
0x65: {  	_ =	shalt  }
0x66: {  	_ =	shalt  }
0x67: {  	_ =	shalt  }
0x68: {  	_ =	shalt  }
0x69: {  	_ =	shalt  }
0x6a: {  	_ =	shalt  }
0x6b: {  	_ =	shalt  }
0x6c: {  	_ =	shalt  }
0x6d: {  	_ =	shalt  }
0x6e: {  	_ =	shalt  }
0x6f: {  	_ =	shalt  }
0x70: {  	_ =	shalt  }
0x71: {  	_ =	shalt  }
0x72: {  	_ =	shalt  }
0x73: {  	_ =	shalt  }
0x74: {  	_ =	shalt  }
0x75: {  	_ =	shalt  }
0x76: {  	_ =	shalt  }
0x77: {  	_ =	shalt  }
0x78: {  	_ =	shalt  }
0x79: {  	_ =	shalt  }
0x7a: {  	_ =	shalt  }
0x7b: {  	_ =	shalt  }
0x7c: {  	_ =	shalt  }
0x7d: {  	_ =	shalt  }
0x7e: {  	_ =	shalt  }
0x7f: {  	_ =	shalt  }
0x80: {  	_ =	shalt  }
0x81: {  	_ =	shalt  }
0x82: {  	_ =	shalt  }
0x83: {  	_ =	shalt  }
0x84: {  	_ =	shalt  }
0x85: {  	_ =	shalt  }
0x86: {  	_ =	shalt  }
0x87: {  	_ =	shalt  }
.Lfunc_end0:
.L_simem_size_0:
called_computation_lowered:
.L_overlay_start_0:
0x88: {  	s2 =	sld [smem:$0x3FD9]  }
0x89: {  	s3 =	sld [smem:$0x3FFE];
	_ =	sdelay $0x1  }
0x8a: {  	s1 =	srdreg.scid  }
0x8b: {  	s0 =	sand.u32 $0x1, s1  }
0x8c: {  	s17 =	sshll.u32 s0, $0xA;
	s2 =	sadd.s32 s3, s2  }
0x8d: {  	s2 =	sadd.s32 s2, s17  }
0x8e: {  	[smem:$0x3FC2] =	sst s2  }
0x8f: {  	_ = 	snop  }
0x90: {  	s2 =	sld [smem:$0x3FC9]  }
0x91: {  	s18 =	sld [smem:$0x3FC5]  }
0x92: {  	s4 =	sld [smem:$0x3FD0];
	(tm) =	ssettm $0x1  }
0x93: {  	s5 =	sld [smem:$0x3FFB];
	_ =	sdelay $0x3  }
0x94: {  	_ =	strace s5  }
0x95: {  	s5 =	sld [smem:$0x3FFC];
	_ =	sdelay $0x3  }
0x96: {  	_ =	strace s5  }
0x97: {  	s5 =	sld [smem:$0x3FFD];
	_ =	sdelay $0x3  }
0x98: {  	_ =	strace s5  }
0x99: {  	_ =	strace $0x8FFFFFFF  }
0x9a: {  	s19 =	sld [smem:$0x3FDB];
	_ =	sdelay $0x1  }
0x9b: {  	s6 =	simm.s32 $_scs_section_size  }
0x9c: {  	s7 =	simm.s32 $_size__tile_overlayer_lowered;
	s8 =	simm.s32 $_tile_overlayer_lowered  }
0x9d: {  	s22 =	simm.s32 $0x1BFF;
	s21 =	sshll.u32 s8, $0x1;
	s5 =	sadd.s32 s6, s19  }
0x9e: {  	s9 =	simm.s32 $0x0;
	s20 =	sshll.u32 s7, $0x1;
	s7 =	sadd.s32 s21, s5  }
0x9f: {  	[timem:s9], [sflag:s22] =	dma.local [hbm:s7], s20  }
0xa0: {  	_ =	swait.ge [sflag:s22], s20  }
0xa1: {  	s6 =	ssub.s32 $0x0, s20;
	[sflag:s22] =	ssyncset.done $0x0  }
0xa2: {  	[sflag:s22] =	ssyncadd.s32 s6;
	_ =	sdelay $0x1  }
0xa3: {  	s23 =	simm.s32 $0x1B8B  }
0xa4: {  	_ =	swait.ge [sflag:s23], $0x1  }
0xa5: {  	[sflag:s23] =	ssyncset.done $0x0  }
0xa6: {  	s25 =	simm.s32 $0x1B8E;
	s24 =	sld [smem:$0x3FFE];
	[sflag:s23] =	ssyncadd.s32 $0xFFFFFFFF  }
0xa7: {  	s26 =	simm.s32 $execute0_lowered;
	[smem:$0x3FD2] =	sst s25  }
0xa8: {  	s7 =	sshll.u32 s26, $0x1;
	_ =	strace $0x80000046;
	[dreg:$0x1] =	wrdreg $0xFFFFFFFF  }
0xa9: {  	s28 =	simm.s32 $_size_execute0_lowered;
	s5 =	sadd.s32 s5, s7;
	[dreg:$0x0] =	wrdreg $0x0  }
0xaa: {  	s7 =	sshll.u32 s28, $0x1;
	[dreg:$0x2] =	wrdreg s5  }
0xab: {  	[dreg:$0x3] =	wrdreg s7  }
0xac: {  	[dreg:$0x4] =	wrdreg $0xC0  }
0xad: {  	_ =	task [dreg:s9], $0x5FFFF  }
0xae: {  	[dreg:$0x1] =	wrdreg $0xFFFFFFFF  }
0xaf: {  	[dreg:$0x0] =	wrdreg $0x60  }
0xb0: {  	[dreg:$0x2] =	wrdreg s2  }
0xb1: {  	[dreg:$0x3] =	wrdreg s18  }
0xb2: {  	[dreg:$0x4] =	wrdreg s24  }
0xb3: {  	[dreg:$0x5] =	wrdreg s4  }
0xb4: {  	[dreg:$0x6] =	wrdreg $0x9  }
0xb5: {  	_ =	task.clear_ibuf [dreg:s9], $0x7FFFF;
	_ =	strace $0x90000046  }
0xb6: {  	s29 =	simm.s32 $0x9;
	_ =	strace $0x80000048  }
0xb7: {  	_ =	swait.ge [sflag:s29], $0x1  }
0xb8: {  	[sflag:s29] =	ssyncadd.s32 $0xFFFFFFFF  }
0xb9: {  	_ =	strace $0x90000048  }
0xba: {  	_ =	sfence  }
0xbb: {  	s30 =	sld [smem:$0x0];
	_ =	sdelay $0x2  }
0xbc: {  	s31 =	sshll.u32 s1, $0xD;
	s1 =	sshrl.u32 s1, $0x2  }
0xbd: {  	s3 =	sand.u32 $0x4000, s31;
	s1 =	sadd.s32 s1, s30  }
0xbe: {  	s0 =	sor.u32 s3, s0;
	s1 =	sshll.u32 s1, $0x11  }
0xbf: {  	s0 =	sor.u32 s1, s0  }
0xc0: {  	s0 =	sadd.s32 $0x8F2B, s0  }
0xc1: {  	[sflag:s0] =	ssyncadd.remote.s32 $0x1  }
0xc2: {  	_ =	sfence.sel $0xFFFF  }
0xc3: {  	[dreg:$0x0] =	wrdreg $0xFFFFFFFF;
	(pc) =	sbr.abs _section_cstart, $3  }
0xc4: {  	[dreg:$0x1] =	wrdreg $0xFFFFFFFF  }
0xc5: {  	_ =	task.clear_ibuf [dreg:s9], $0x2FFFF;
	_ =	strace $0x9FFFFFFF  }
0xc6: {  	(tm) =	ssettm $0x7FFFFFFF  }
0xc7: {  	_ =	shalt  }
tec
execute0_lowered:
.L_overlay_start_1:
0x0: {  	(tag) =	ssettag $0x1  }
0x1: {  	s0 =	rddreg [dreg:$0x0]  }
0x2: {  	s1 =	rddreg [dreg:$0x1]  }
0x3: {  	s2 =	srdreg.scid;
	s9 =	rddreg [dreg:$0x2]  }
0x4: {  	s3 =	stileid.u32;
	s4 =	rddreg [dreg:$0x3];
	s15 =	simm.s32 $0xD800  }
0x5: {  	s20 =	simm.s32 $0x8;
	s2 =	sand.u32 $0x1, s2;
	s3 =	sshll.u32 s3, $0x1  }
0x6: {  	s21 =	simm.s32 $0x7;
	s22 =	simm.s32 $0x1;
	s5 =	sor.u32 s2, s3  }
0x7: {  	s23 =	simm.s32 $0x3;
	s24 =	simm.s32 $0x5;
	s6 =	smul.u32 $0x1B0, s5  }
0x8: {  	s28 =	simm.s32 $0x6;
	s3 =	simm.s32 $0x0;
	s7 =	smul.u32 $0x14400, s5  }
0x9: {  	s2 =	ssub.s32 $0x2, s2;
	[smem:$0x7FF] =	sst s3;
	s5 =	smul.u32 $0x2880, s5  }
0xa: {  	s29 =	simm.s32 $0x0;
	s8 =	sshrl.u32 s2, $0x1;
	_ =	strace $0x80000047  }
0xb: {  	s2 =	ssub.s32 s2, s8;
	s9 =	sadd.s32 s6, s9;
	s26 =	sadd.s32 s0, s5  }
0xc: {  	s25 =	sshrl.u32 s7, $0x3;
	s30 =	sadd.s32 s1, s5;
	[dreg:$0x5] =	wrdreg s26  }
0xd: {  	s14 =	smax.u32 s2, $0x1;
	[dreg:$0x6] =	wrdreg s30;
	s12 =	sadd.s32 $0xD80, s25  }
0xe: {  	s13 =	sadd.s32 $0x1B00, s25;
	s8 =	sadd.s32 $0x400, s9;
	s9 =	sadd.s32 s4, s5  }
0xf: {  	s25 =	simm.s32 $0x2;
	s26 =	simm.s32 $0x4;
	s31 =	sadd.s32 s0, s12  }
0x10: {  	v0 =	vimm.f32 $1.000000000e+00;
	s7 =	sadd.s32 s1, s12;
	s10 =	sadd.s32 s0, s13;
	s11 =	sadd.s32 s1, s13  }
0x11: {  	v0 =	vand.u32 $0x7FFFFFFF, v0;
	s12 =	sadd.s32 s4, s12;
	s13 =	sadd.s32 s4, s13;
	[dreg:$0x7] =	wrdreg s31  }
.LBB2_1:
0x12: {  	s0 =	rddreg [dreg:$0x5]  }
0x13: {  	[tilespmem:s3], [sflag:$0x1] =	stream.linear.gather [hbm4b:s0+s3], $0x6C00, $0x38;
	[tilespmem:$0x1BE00] =	vst v63  }
0x14: {  	s4 =	rddreg [dreg:$0x6]  }
0x15: {  	[tilespmem:s15], [sflag:$0x3] =	stream.linear.gather [hbm4b:s4+s3], $0x6C00, $0x38;
	[tilespmem:$0x1BE00] =	vst v63  }
0x16: {  	s5 =	rddreg [dreg:$0x7];
	s1 =	simm.s32 $0x6C00  }
0x17: {  	[tilespmem:s1], [sflag:$0x2] =	stream.linear.gather [hbm4b:s5+s3], $0x6C00, $0x38;
	[tilespmem:$0x1BE00] =	vst v63  }
0x18: {  	s6 =	simm.s32 $0x14400  }
0x19: {  	[tilespmem:s6], [sflag:$0x4] =	stream.linear.gather [hbm4b:s7+s3], $0x6C00, $0x38;
	[tilespmem:$0x1BE00] =	vst v63  }
0x1a: {  	s16 =	simm.s32 $0x1B000  }
0x1b: {  	[tilespmem:s16], [sflag:$0x7] =	stream.linear.gather [hbm4b:s8+s3], $0xD80, $0x38;
	[tilespmem:$0x1BE00] =	vst v63  }
0x1c: {  	s17 =	rddreg [dreg:$0x2];
	s18 =	simm.s32 $0x1BD80  }
0x1d: {  	[tilespmem:s18], [sflag:$0x8] =	stream.linear.gather [hbm4b:s17+s3], $0x80, $0x38;
	[tilespmem:$0x1BE00] =	vst v63  }
0x1e: {  	_ =	swait.ge [sflag:s20], $0x80  }
0x1f: {  	[sflag:s20] =	ssyncset.done $0x0  }
0x20: {  	[sflag:s20] =	ssyncadd.s32 $0xFFFFFF80  }
0x21: {  	v8 =	vld [tilespmem:$0x1BD80];
	_ =	sdelay $0x2  }
0x22: {  	v9 =	vld [tilespmem:$0x1BD90]  }
0x23: {  	v5 =	vld [tilespmem:$0x1BDA0];
	_ =	swait.ge [sflag:s21], $0xD80  }
0x24: {  	[sflag:s21] =	ssyncset.done $0x0;
	v1 =	vbroadcast v8, $0x0  }
0x25: {  	[sflag:s21] =	ssyncadd.s32 $0xFFFFF280;
	v2 =	vbroadcast v8, $0x1;
	v3 =	vbroadcast v8, $0x2  }
0x26: {  	s19 =	simm.s32 $0x0;
	_ =	swait.ge [sflag:s22], $0x6C00;
	v4 =	vbroadcast v8, $0x3;
	v6 =	vbroadcast v8, $0x4  }
0x27: {  	s30 =	simm.s32 $0x0;
	s2 =	simm.s32 $0x0;
	[sflag:s22] =	ssyncset.done $0x0;
	v7 =	vbroadcast v8, $0x5;
	v10 =	vbroadcast v8, $0x6  }
0x28: {  	s31 =	sand.u32 $0x40, s3;
	s0 =	sand.u32 $0x7, s19;
	[sflag:s22] =	ssyncadd.s32 $0xFFFF9400;
	v12 =	vbroadcast v8, $0x7;
	v1 =	vmul.f32 v9, v1  }
0x29: {  	s2 =	sand.u32 $0x3FFFFF80, s2;
	s1 =	smul.u32 $0xC00, s30;
	_ =	swait.ge [sflag:s23], $0x6C00;
	v2 =	vmul.f32 v9, v2;
	v3 =	vmul.f32 v9, v3  }
0x2a: {  	s4 =	sshll.u32 s0, $0x7;
	s0 =	sshll.u32 s0, $0x4;
	[sflag:s23] =	ssyncset.done $0x0;
	v7 =	vmul.f32 v9, v7;
	v8 =	vmul.f32 v9, v10  }
0x2b: {  	s0 =	sor.u32 s0, s2;
	s1 =	sor.u32 s1, s4;
	v4 =	vmul.f32 v9, v4;
	[sflag:s23] =	ssyncadd.s32 $0xFFFF9400;
	v11 =	vadd.f32 v2, v1  }
0x2c: {  	v6 =	vmul.f32 v9, v6;
	v13 =	vadd.f32 v3, v2;
	v17 =	vld [tilespmem:s0+$0x1B000];
	s0 =	sor.u32 s31, s1;
	v21 =	vadd.f32 v8, v7  }
0x2d: {  	v9 =	vmul.f32 v9, v12;
	v15 =	vld [tilespmem:s0+$0xD810];
	v10 =	vmul.f32 $5.000000000e-01, v11;
	v11 =	vadd.f32 v4, v3  }
0x2e: {  	v14 =	vadd.f32 v6, v4;
	v16 =	vld [tilespmem:s0+$0x10];
	v12 =	vmul.f32 $5.000000000e-01, v13;
	v21 =	vmul.f32 $5.000000000e-01, v21  }
0x2f: {  	v22 =	vadd.f32 v9, v8;
	v20 =	vld [tilespmem:s0+$0x0];
	v13 =	vmul.f32 v10, v5;
	v11 =	vmul.f32 $5.000000000e-01, v11  }
0x30: {  	v23 =	vld [tilespmem:s0+$0xD800];
	v10 =	vmul.f32 v12, v5;
	v12 =	vmul.f32 $5.000000000e-01, v14  }
0x31: {  	v19 =	vadd.f32 v7, v6;
	v22 =	vmul.f32 $5.000000000e-01, v22;
	v17 =	vmul.f32 v17, v5  }
0x32: {  	v11 =	vmul.f32 v11, v5;
	v14 =	vmul.f32 v12, v5  }
0x33: {  	v12 =	vmul.f32 $5.000000000e-01, v19;
	v26 =	vmul.f32 v15, v16  }
0x34: {  	v27 =	vimm.s32 $0x0;
	v18 =	vld [tilespmem:s0+$0xD830];
	v15 =	vmul.f32 v21, v5;
	v16 =	vmul.f32 v22, v5  }
0x35: {  	v19 =	vld [tilespmem:s0+$0x30];
	v20 =	vmul.f32 v23, v20;
	v23 =	vimm.s32 $0x0;
	v12 =	vmul.f32 v12, v5  }
0x36: {  	vm0 =	vlt.f32 v26, $0.0e+00;
	v30 =	vand.u32 $0x7FFFFFFF, v26;
	v21 =	vand.u32 $0x80000000, v26  }
0x37: {  	v24 =	vld [tilespmem:s0+$0xD820];
	vm4 =	vlt.f32 v20, $0.0e+00;
	vm1 =	vgt.f32 v30, v14;
	v22 =	vor.u32 v21, v0  }
0x38: {  	v25 =	vld [tilespmem:s0+$0x20];
	v21 =	vand.u32 $0x7FFFFFFF, v20;
	vm3 =	vgt.f32 v30, v10;
	vm8 =	vgt.f32 v30, v15  }
0x39: {  	vm5 =	vgt.f32 v30, v16;
	vm2 =	vgt.f32 v21, v14;
	vm6 =	vgt.f32 v21, v13  }
0x3a: {  	v28 =	vsel vm5, v9, v8;
	vm9 =	vgt.f32 v21, v10;
	v18 =	vmul.f32 v18, v19  }
0x3b: {  	v19 =	vimm.s32 $0x0;
	v23 =	vsel vm2, $0xFFFFFFFF, v23;
	vm2 =	vgt.f32 v21, v16  }
0x3c: {  	v27 =	vsel vm6, $0xFFFFFFFF, v27;
	vm6 =	vgt.f32 v30, v12;
	v19 =	vsel vm1, $0xFFFFFFFF, v19;
	[tilespmem:$0x1FF90] =	vst v23  }
0x3d: {  	vm1 =	vgt.f32 v26, $0.0e+00;
	v23 =	vimm.s32 $0x0;
	[tilespmem:$0x1FF80] =	vst v19;
	v19 =	vmul.f32 v24, v25  }
0x3e: {  	v25 =	vand.u32 $0x80000000, v20;
	vm0 =	vmor vm1, vm0;
	vm1 =	vgt.f32 v30, v13  }
0x3f: {  	vm10 =	vlt.f32 v18, $0.0e+00;
	vm14 =	vgt.f32 v18, $0.0e+00;
	v22 =	vsel vm0, v22, v26  }
0x40: {  	vm0 =	vgt.f32 v21, v15;
	v26 =	vsel vm1, v2, v1;
	vm1 =	vgt.f32 v30, v11  }
0x41: {  	v30 =	vimm.s32 $0x0;
	v23 =	vsel vm0, $0xFFFFFFFF, v23;
	v24 =	vmul.f32 v22, v17  }
0x42: {  	v31 =	vand.u32 $0x80000000, v19;
	vm0 =	vgt.f32 v19, $0.0e+00;
	v22 =	vimm.s32 $0x0  }
0x43: {  	[tilespmem:$0x1FFC0] =	vst v27;
	v27 =	vsel vm1, v4, v3;
	vm1 =	vgt.f32 v20, $0.0e+00;
	vm13 =	vlt.f32 v19, $0.0e+00  }
0x44: {  	[tilespmem:$0x1FFA0] =	vst v23;
	v22 =	vsel vm0, $0xFFFFFFFF, v22;
	v23 =	vand.u32 $0x7FFFFFFF, v19;
	v29 =	vsel vm3, v27, v26  }
0x45: {  	v26 =	vand.u32 $0x7FFFFFFF, v18;
	v27 =	vimm.s32 $0x0;
	vm15 =	vmor vm1, vm4  }
0x46: {  	[tilespmem:$0x1FFB0] =	vst v22;
	v22 =	vand.u32 $0x80000000, v18;
	vm12 =	vgt.f32 v23, v13;
	vm0 =	vgt.f32 v23, v11  }
0x47: {  	vm3 =	vgt.f32 v23, v12;
	vm1 =	vgt.f32 v23, v10;
	vm4 =	vgt.f32 v23, v14  }
0x48: {  	vm7 =	vgt.f32 v26, v13;
	vm11 =	vgt.f32 v26, v15;
	v27 =	vsel vm3, $0xFFFFFFFF, v27  }
0x49: {  	vm3 =	vgt.f32 v26, v14;
	v30 =	vsel vm4, $0xFFFFFFFF, v30;
	[tilespmem:$0x1FFD0] =	vst v27;
	v27 =	vimm.s32 $0x0  }
0x4a: {  	vm5 =	vgt.f32 v26, v11;
	vm4 =	vgt.f32 v26, v12;
	[tilespmem:$0x1FFF0] =	vst v30;
	v27 =	vsel vm3, $0xFFFFFFFF, v27  }
0x4b: {  	s4 =	simm.s32 $0x1;
	s1 =	simm.s32 $0x40;
	vm3 =	vgt.f32 v23, v16;
	[tilespmem:$0x1FFE0] =	vst v27;
	v27 =	vor.u32 v25, v0;
	v25 =	vor.u32 v31, v0  }
.LBB2_2:
0x4c: {  	v31 =	vsel vm6, v7, v6;
	v33 =	vsel vm0, v4, v3;
	vm0 =	vgt.f32 v26, v10  }
0x4d: {  	v28 =	vsel vm8, v28, v31;
	v31 =	vsel vm3, v9, v8;
	vm3 =	vgt.f32 v26, v16;
	v26 =	vld [tilespmem:$0x1FF80];
	_ =	sdelay $0x4  }
0x4e: {  	v30 =	vsel vm2, v9, v8;
	v32 =	vsel vm7, v2, v1;
	vm6 =	vnez.u8 v26  }
0x4f: {  	vm2 =	vgt.f32 v21, v12;
	v26 =	vsel vm6, v28, v29;
	v28 =	vsel vm12, v2, v1  }
0x50: {  	v29 =	vsel vm5, v4, v3;
	v24 =	vmul.f32 v26, v24;
	v26 =	vsel vm1, v33, v28  }
0x51: {  	vm1 =	vgt.f32 v21, v11;
	v21 =	vsel vm0, v29, v32;
	vm0 =	vgt.f32 v23, v15;
	v23 =	vld [tilespmem:$0x1FFB0];
	_ =	sdelay $0x4  }
0x52: {  	v36 =	vld [tilespmem:$0x1FFD0];
	v29 =	vsel vm2, v7, v6;
	vm2 =	vnez.u8 v23  }
0x53: {  	vm2 =	vmor vm2, vm13  }
0x54: {  	v19 =	vsel vm2, v25, v19;
	v25 =	vld [tilespmem:$0x1FFE0];
	_ =	sdelay $0x2  }
0x55: {  	s5 =	sshrl.u32 s4, $0x1;
	s16 =	sshrl.u32 s4, $0x4;
	s17 =	smov.u32 s4;
	v63 =	vsel vm1, v4, v3;
	vm1 =	vnez.u8 v36  }
0x56: {  	v62 =	vld [tilespmem:$0x1FFC0];
	s5 =	sand.u32 $0x7, s5;
	s16 =	smul.u32 $0xC00, s16;
	s17 =	sshll.u32 s17, $0x3;
	v36 =	vsel vm1, v7, v6  }
0x57: {  	s18 =	sshll.u32 s5, $0x7;
	s17 =	sand.u32 $0x3FFFFF80, s17;
	s5 =	sshll.u32 s5, $0x4;
	vm2 =	vnez.u8 v25;
	v25 =	vsel vm0, v31, v36;
	v31 =	vld [tilespmem:$0x1FF90]  }
0x58: {  	s31 =	sand.u32 $0x40, s1;
	v35 =	vld [tilespmem:$0x1FFA0];
	s16 =	sor.u32 s16, s18;
	s5 =	sor.u32 s5, s17  }
0x59: {  	v34 =	vld [tilespmem:s5+$0x1B000];
	s16 =	sor.u32 s31, s16  }
0x5a: {  	v20 =	vsel vm15, v27, v20;
	v61 =	vld [tilespmem:s16+$0xD830]  }
0x5b: {  	v22 =	vor.u32 v22, v0;
	v20 =	vmul.f32 v20, v17;
	v27 =	vld [tilespmem:s16+$0xD810]  }
0x5c: {  	v28 =	vsel vm4, v7, v6;
	vm4 =	vnez.u8 v62;
	vm0 =	vnez.u8 v31;
	v31 =	vld [tilespmem:$0x1FFF0]  }
0x5d: {  	v32 =	vsel vm4, v2, v1;
	vm4 =	vnez.u8 v35;
	vm1 =	vmor vm14, vm10;
	v23 =	vld [tilespmem:s16+$0x0];
	[tilespmem:s0+$0xD810] =	vst v24  }
0x5e: {  	v29 =	vsel vm4, v30, v29;
	v18 =	vsel vm1, v22, v18;
	v24 =	vsel vm3, v9, v8;
	v30 =	vld [tilespmem:s16+$0x10]  }
0x5f: {  	v24 =	vsel vm11, v24, v28;
	v28 =	vld [tilespmem:s16+$0xD800];
	v19 =	vmul.f32 v19, v17;
	v17 =	vmul.f32 v18, v17  }
0x60: {  	v32 =	vsel vm9, v63, v32;
	v37 =	vld [tilespmem:s16+$0xD820];
	v21 =	vsel vm2, v24, v21  }
0x61: {  	v24 =	vld [tilespmem:s16+$0x30];
	v21 =	vmul.f32 v21, v17;
	v29 =	vsel vm0, v29, v32;
	vm0 =	vnez.u8 v31  }
0x62: {  	v22 =	vld [tilespmem:s16+$0x20];
	v17 =	vmul.f32 v34, v5;
	v25 =	vsel vm0, v25, v26  }
0x63: {  	[tilespmem:s0+$0xD830] =	vst v21;
	v21 =	vimm.s32 $0x0;
	v26 =	vmul.f32 v27, v30;
	v18 =	vmul.f32 v25, v19  }
0x64: {  	v31 =	vimm.s32 $0x0;
	v19 =	vmul.f32 v29, v20;
	v20 =	vmul.f32 v28, v23  }
0x65: {  	vm0 =	vlt.f32 v26, $0.0e+00;
	v25 =	vand.u32 $0x7FFFFFFF, v26;
	v23 =	vand.u32 $0x80000000, v26  }
0x66: {  	[tilespmem:s0+$0xD820] =	vst v18;
	v18 =	vmul.f32 v61, v24;
	vm1 =	vgt.f32 v25, v14;
	v23 =	vor.u32 v23, v0  }
0x67: {  	[tilespmem:s0+$0xD800] =	vst v19;
	vm4 =	vgt.f32 v25, v10;
	v19 =	vmul.f32 v37, v22;
	v22 =	vimm.s32 $0x0  }
0x68: {  	v27 =	vand.u32 $0x80000000, v20;
	vm8 =	vgt.f32 v25, v15;
	vm3 =	vlt.f32 v20, $0.0e+00  }
0x69: {  	vm5 =	vgt.f32 v25, v16;
	vm6 =	vgt.f32 v25, v12;
	v21 =	vsel vm1, $0xFFFFFFFF, v21  }
0x6a: {  	vm1 =	vgt.f32 v26, $0.0e+00;
	v28 =	vsel vm5, v9, v8;
	v27 =	vor.u32 v27, v0  }
0x6b: {  	[tilespmem:$0x1FF80] =	vst v21;
	v21 =	vand.u32 $0x7FFFFFFF, v20;
	vm0 =	vmor vm1, vm0;
	vm1 =	vgt.f32 v25, v13  }
0x6c: {  	v29 =	vand.u32 $0x80000000, v19;
	vm13 =	vlt.f32 v19, $0.0e+00;
	vm10 =	vlt.f32 v18, $0.0e+00  }
0x6d: {  	vm14 =	vgt.f32 v18, $0.0e+00;
	vm2 =	vgt.f32 v21, v14;
	v30 =	vsel vm1, v2, v1  }
0x6e: {  	vm1 =	vgt.f32 v21, v13;
	vm9 =	vgt.f32 v21, v10;
	v22 =	vsel vm2, $0xFFFFFFFF, v22  }
0x6f: {  	[tilespmem:$0x1FF90] =	vst v22;
	v22 =	vsel vm0, v23, v26;
	vm0 =	vgt.f32 v21, v15;
	v23 =	vimm.s32 $0x0  }
0x70: {  	vm2 =	vgt.f32 v21, v16;
	v26 =	vimm.s32 $0x0;
	v23 =	vsel vm0, $0xFFFFFFFF, v23  }
0x71: {  	v24 =	vmul.f32 v22, v17;
	vm0 =	vgt.f32 v19, $0.0e+00;
	v22 =	vimm.s32 $0x0  }
0x72: {  	v26 =	vsel vm1, $0xFFFFFFFF, v26;
	vm1 =	vgt.f32 v20, $0.0e+00;
	[tilespmem:$0x1FFA0] =	vst v23;
	v22 =	vsel vm0, $0xFFFFFFFF, v22  }
0x73: {  	v23 =	vand.u32 $0x7FFFFFFF, v19;
	[tilespmem:$0x1FFC0] =	vst v26;
	v26 =	vand.u32 $0x7FFFFFFF, v18;
	vm15 =	vmor vm1, vm3  }
0x74: {  	[tilespmem:$0x1FFB0] =	vst v22;
	v22 =	vand.u32 $0x80000000, v18;
	vm12 =	vgt.f32 v23, v13;
	vm5 =	vgt.f32 v23, v12  }
0x75: {  	p0 =	sne.s32 s4, $0x8F;
	vm0 =	vgt.f32 v23, v11;
	vm3 =	vgt.f32 v23, v16;
	v31 =	vsel vm5, $0xFFFFFFFF, v31  }
.Ltmp0:
0x76: {  	vm1 =	vgt.f32 v23, v10;
	vm5 =	vgt.f32 v26, v14;
	[tilespmem:$0x1FFD0] =	vst v31;
	v31 =	vimm.s32 $0x0;
	(pc) =	sbr.rel @p0 .LBB2_2-.Ltmp0, $4  }
0x77: {  	v31 =	vsel vm5, $0xFFFFFFFF, v31;
	vm5 =	vgt.f32 v25, v11;
	v25 =	vor.u32 v29, v0  }
0x78: {  	[tilespmem:$0x1FFE0] =	vst v31;
	v29 =	vsel vm5, v4, v3;
	vm5 =	vgt.f32 v23, v14;
	v31 =	vimm.s32 $0x0  }
0x79: {  	s2 =	sadd.s32 $0x1, s4;
	s1 =	sadd.s32 $0x40, s1;
	vm7 =	vgt.f32 v26, v13;
	vm11 =	vgt.f32 v26, v15;
	v31 =	vsel vm5, $0xFFFFFFFF, v31  }
0x7a: {  	s4 =	smov.u32 s2;
	s0 =	smov.u32 s16;
	s16 =	simm.s32 $0x0;
	v29 =	vsel vm4, v29, v30;
	vm5 =	vgt.f32 v26, v11;
	vm4 =	vgt.f32 v26, v12;
	[tilespmem:$0x1FFF0] =	vst v31  }
0x7b: {  	v34 =	vld [tilespmem:$0x1FF80];
	_ =	sdelay $0x3  }
0x7c: {  	v30 =	vsel vm2, v9, v8;
	v31 =	vsel vm6, v7, v6;
	v32 =	vsel vm7, v2, v1  }
0x7d: {  	v33 =	vsel vm0, v4, v3;
	v28 =	vsel vm8, v28, v31;
	vm0 =	vnez.u8 v34  }
0x7e: {  	v60 =	vsel vm5, v4, v3;
	v28 =	vsel vm0, v28, v29;
	vm0 =	vgt.f32 v26, v10  }
0x7f: {  	vm2 =	vgt.f32 v21, v11;
	v32 =	vsel vm0, v60, v32;
	vm0 =	vgt.f32 v21, v12;
	v21 =	vld [tilespmem:$0x1FFC0];
	_ =	sdelay $0x4  }
0x80: {  	v29 =	vsel vm3, v9, v8;
	vm3 =	vnez.u8 v21  }
0x81: {  	v21 =	vsel vm3, v2, v1;
	vm3 =	vgt.f32 v23, v15;
	v23 =	vld [tilespmem:$0x1FFA0];
	_ =	sdelay $0x3  }
0x82: {  	v20 =	vsel vm15, v27, v20;
	v27 =	vsel vm4, v7, v6  }
0x83: {  	v61 =	vsel vm0, v7, v6;
	vm0 =	vgt.f32 v26, v16;
	v26 =	vld [tilespmem:$0x1FFB0];
	vm4 =	vnez.u8 v23  }
0x84: {  	v23 =	vsel vm4, v30, v61;
	v30 =	vld [tilespmem:$0x1FFD0];
	_ =	sdelay $0x2  }
0x85: {  	v31 =	vsel vm12, v2, v1  }
0x86: {  	v22 =	vor.u32 v22, v0;
	v31 =	vsel vm1, v33, v31;
	vm1 =	vnez.u8 v26  }
0x87: {  	v26 =	vsel vm0, v9, v8;
	vm1 =	vmor vm1, vm13;
	vm0 =	vnez.u8 v30  }
0x88: {  	v19 =	vsel vm1, v25, v19;
	v30 =	vsel vm0, v7, v6;
	vm0 =	vmor vm14, vm10  }
0x89: {  	v19 =	vmul.f32 v19, v17;
	v18 =	vsel vm0, v22, v18;
	v22 =	vsel vm11, v26, v27;
	v26 =	vld [tilespmem:$0x1FFF0]  }
0x8a: {  	v18 =	vmul.f32 v18, v17;
	v17 =	vmul.f32 v20, v17;
	v20 =	vld [tilespmem:$0x1FFE0];
	_ =	sdelay $0x2  }
0x8b: {  	v24 =	vmul.f32 v28, v24  }
0x8c: {  	v25 =	vsel vm3, v29, v30;
	vm0 =	vnez.u8 v26  }
0x8d: {  	[tilespmem:s0+$0xD810] =	vst v24;
	v25 =	vsel vm0, v25, v31;
	vm0 =	vnez.u8 v20  }
0x8e: {  	v20 =	vsel vm0, v22, v32;
	v22 =	vld [tilespmem:$0x1FF90];
	_ =	sdelay $0x3  }
0x8f: {  	v28 =	vsel vm2, v4, v3  }
0x90: {  	s1 =	simm.s32 $0x0;
	s2 =	simm.s32 $0x0;
	v21 =	vsel vm9, v28, v21;
	v19 =	vmul.f32 v25, v19;
	vm0 =	vnez.u8 v22  }
0x91: {  	s1 =	sand.u32 $0x7, s1;
	s2 =	smul.u32 $0xC00, s2;
	v18 =	vmul.f32 v20, v18;
	v21 =	vsel vm0, v23, v21  }
0x92: {  	s4 =	sshll.u32 s1, $0x7;
	[tilespmem:s0+$0xD820] =	vst v19;
	v17 =	vmul.f32 v21, v17  }
0x93: {  	s19 =	sand.u32 $0x40, s16;
	s2 =	sor.u32 s4, s2;
	[tilespmem:s0+$0xD830] =	vst v18  }
0x94: {  	s30 =	sor.u32 s19, s2;
	[tilespmem:s0+$0xD800] =	vst v17  }
0x95: {  	v18 =	vld [tilespmem:s30+$0xDC30]  }
0x96: {  	v17 =	vld [tilespmem:s30+$0xDC10]  }
0x97: {  	v19 =	vld [tilespmem:s30+$0x400]  }
0x98: {  	s31 =	simm.s32 $0x0;
	v20 =	vld [tilespmem:s30+$0xDC00]  }
0x99: {  	s1 =	sshll.u32 s1, $0x4;
	s0 =	sand.u32 $0x3FFFFF80, s31;
	v21 =	vld [tilespmem:s30+$0x410]  }
0x9a: {  	s0 =	sor.u32 s1, s0;
	v22 =	vld [tilespmem:s30+$0x430]  }
0x9b: {  	v23 =	vld [tilespmem:s0+$0x1B000];
	_ =	sdelay $0x2  }
0x9c: {  	v25 =	vmul.f32 v20, v19  }
0x9d: {  	v17 =	vmul.f32 v17, v21  }
0x9e: {  	v19 =	vmul.f32 v18, v22;
	v18 =	vmul.f32 v23, v5;
	v26 =	vand.u32 $0x7FFFFFFF, v25  }
0x9f: {  	v24 =	vld [tilespmem:s30+$0xDC20];
	v27 =	vand.u32 $0x80000000, v25;
	vm5 =	vlt.f32 v25, $0.0e+00;
	vm0 =	vgt.f32 v17, $0.0e+00  }
0xa0: {  	v20 =	vld [tilespmem:s30+$0x420];
	v62 =	vand.u32 $0x80000000, v19;
	v63 =	vand.u32 $0x7FFFFFFF, v17;
	vm2 =	vgt.f32 v26, v10  }
0xa1: {  	vm3 =	vgt.f32 v26, v15;
	vm1 =	vgt.f32 v26, v11;
	vm4 =	vgt.f32 v26, v14  }
0xa2: {  	vm6 =	vgt.f32 v26, v16;
	v27 =	vor.u32 v27, v0;
	vm8 =	vgt.f32 v26, v12  }
0xa3: {  	vm11 =	vgt.f32 v63, v11;
	vm14 =	vgt.f32 v63, v12;
	v23 =	vsel vm1, v4, v3  }
0xa4: {  	vm1 =	vgt.f32 v26, v13;
	v30 =	vsel vm6, v9, v8;
	vm6 =	vgt.f32 v63, v16  }
0xa5: {  	v33 =	vsel vm14, v7, v6;
	v21 =	vmul.f32 v24, v20;
	v20 =	vsel vm1, v2, v1  }
0xa6: {  	vm1 =	vgt.f32 v63, v14;
	v31 =	vsel vm6, v9, v8;
	v23 =	vsel vm2, v23, v20  }
0xa7: {  	vm2 =	vgt.f32 v63, v10;
	v20 =	vsel vm11, v4, v3;
	vm11 =	vgt.f32 v19, $0.0e+00  }
0xa8: {  	v22 =	vand.u32 $0x7FFFFFFF, v21;
	vm9 =	vlt.f32 v21, $0.0e+00;
	v28 =	vand.u32 $0x80000000, v21  }
0xa9: {  	vm12 =	vgt.f32 v21, $0.0e+00;
	vm7 =	vgt.f32 v22, v13;
	vm10 =	vgt.f32 v22, v16  }
0xaa: {  	vm13 =	vgt.f32 v22, v12;
	v24 =	vsel vm10, v9, v8;
	vm10 =	vgt.f32 v25, $0.0e+00  }
0xab: {  	v32 =	vsel vm13, v7, v6;
	vm5 =	vmor vm10, vm5;
	vm10 =	vgt.f32 v22, v11  }
0xac: {  	v29 =	vsel vm10, v4, v3;
	v25 =	vsel vm5, v27, v25;
	vm5 =	vgt.f32 v22, v10  }
0xad: {  	vm10 =	vgt.f32 v63, v15;
	v27 =	vand.u32 $0x7FFFFFFF, v19;
	v26 =	vmul.f32 v25, v18  }
0xae: {  	v25 =	vsel vm7, v2, v1;
	vm7 =	vgt.f32 v22, v14;
	vm6 =	vgt.f32 v27, v13  }
0xaf: {  	s4 =	simm.s32 $0x1;
	s2 =	simm.s32 $0x40;
	s1 =	smov.u32 s30;
	v29 =	vsel vm5, v29, v25;
	v25 =	vor.u32 v62, v0;
	vm5 =	vgt.f32 v63, v13  }
.LBB2_4:
0xb0: {  	s5 =	sshrl.u32 s4, $0x1  }
0xb1: {  	s17 =	sshrl.u32 s4, $0x4;
	vm12 =	vmor vm12, vm9;
	vm9 =	vgt.f32 v27, v14;
	vm13 =	vlt.f32 v19, $0.0e+00;
	s18 =	smov.u32 s4;
	s16 =	sadd.s32 $0x1, s4  }
0xb2: {  	p0 =	sne.s32 s4, $0x8F;
	v34 =	vsel vm8, v7, v6;
	vm8 =	vgt.f32 v27, v16;
	s5 =	sand.u32 $0x7, s5;
	s17 =	smul.u32 $0xC00, s17;
	vm11 =	vmor vm11, vm13  }
0xb3: {  	v28 =	vor.u32 v28, v0;
	v30 =	vsel vm3, v30, v34;
	vm3 =	vgt.f32 v27, v15;
	s4 =	sshll.u32 s5, $0x7;
	s5 =	sshll.u32 s5, $0x4  }
0xb4: {  	v21 =	vsel vm12, v28, v21;
	v23 =	vsel vm4, v30, v23;
	vm4 =	vgt.f32 v22, v15;
	s4 =	sor.u32 s4, s17;
	s17 =	sand.u32 $0x40, s2  }
0xb5: {  	v28 =	vand.u32 $0x80000000, v17;
	v22 =	vsel vm10, v31, v33;
	v24 =	vsel vm4, v24, v32;
	s17 =	sor.u32 s17, s4  }
0xb6: {  	v21 =	vmul.f32 v21, v18;
	v23 =	vmul.f32 v23, v26;
	v26 =	vor.u32 v28, v0;
	v30 =	vld [tilespmem:s17+$0xDC30]  }
0xb7: {  	vm4 =	vlt.f32 v17, $0.0e+00;
	s4 =	sshll.u32 s18, $0x3;
	v24 =	vsel vm7, v24, v29;
	vm7 =	vgt.f32 v27, v12;
	v28 =	vld [tilespmem:s17+$0xDC10]  }
0xb8: {  	vm12 =	vgt.f32 v27, v10;
	vm10 =	vgt.f32 v27, v11;
	v19 =	vsel vm11, v25, v19;
	s4 =	sand.u32 $0x3FFFFF80, s4;
	v29 =	vld [tilespmem:s17+$0x400];
	[tilespmem:s1+$0xDC00] =	vst v23  }
0xb9: {  	v31 =	vsel vm8, v9, v8;
	v25 =	vsel vm10, v4, v3;
	v27 =	vsel vm7, v7, v6;
	s4 =	sor.u32 s5, s4;
	v23 =	vld [tilespmem:s17+$0xDC00]  }
0xba: {  	v19 =	vmul.f32 v19, v18;
	vm0 =	vmor vm0, vm4;
	v27 =	vsel vm3, v31, v27;
	v32 =	vld [tilespmem:s17+$0x410]  }
0xbb: {  	v33 =	vsel vm5, v2, v1;
	v17 =	vsel vm0, v26, v17;
	v26 =	vsel vm6, v2, v1;
	v31 =	vld [tilespmem:s17+$0x430]  }
0xbc: {  	v20 =	vsel vm2, v20, v33;
	v17 =	vmul.f32 v17, v18;
	v18 =	vsel vm12, v25, v26;
	v34 =	vld [tilespmem:s4+$0x1B000]  }
0xbd: {  	v20 =	vsel vm1, v22, v20;
	v21 =	vmul.f32 v24, v21;
	v18 =	vsel vm9, v27, v18;
	v25 =	vld [tilespmem:s17+$0xDC20]  }
0xbe: {  	v20 =	vmul.f32 v20, v17;
	v26 =	vmul.f32 v23, v29;
	v22 =	vld [tilespmem:s17+$0x420]  }
0xbf: {  	v18 =	vmul.f32 v18, v19;
	v17 =	vmul.f32 v28, v32;
	[tilespmem:s1+$0xDC20] =	vst v21  }
0xc0: {  	v24 =	vand.u32 $0x7FFFFFFF, v26;
	v23 =	vand.u32 $0x80000000, v26;
	vm5 =	vlt.f32 v26, $0.0e+00;
	[tilespmem:s1+$0xDC10] =	vst v20  }
0xc1: {  	v19 =	vmul.f32 v30, v31;
	vm2 =	vgt.f32 v24, v10;
	vm3 =	vgt.f32 v24, v15;
	[tilespmem:s1+$0xDC30] =	vst v18;
	s1 =	smov.u32 s17  }
0xc2: {  	v18 =	vmul.f32 v34, v5;
	vm1 =	vgt.f32 v24, v11;
	vm0 =	vgt.f32 v17, $0.0e+00  }
0xc3: {  	vm4 =	vgt.f32 v24, v14;
	v20 =	vsel vm1, v4, v3;
	v21 =	vmul.f32 v25, v22  }
0xc4: {  	vm7 =	vgt.f32 v24, v16;
	vm1 =	vgt.f32 v24, v13;
	v25 =	vand.u32 $0x80000000, v19  }
0xc5: {  	v27 =	vor.u32 v23, v0;
	v33 =	vand.u32 $0x7FFFFFFF, v17;
	v22 =	vand.u32 $0x7FFFFFFF, v21  }
0xc6: {  	v23 =	vsel vm1, v2, v1;
	vm1 =	vgt.f32 v33, v14;
	vm9 =	vlt.f32 v21, $0.0e+00  }
0xc7: {  	v23 =	vsel vm2, v20, v23;
	vm2 =	vgt.f32 v33, v10;
	vm10 =	vgt.f32 v22, v13  }
0xc8: {  	vm8 =	vgt.f32 v24, v12;
	vm13 =	vgt.f32 v22, v12;
	vm11 =	vgt.f32 v22, v16  }
0xc9: {  	vm6 =	vgt.f32 v33, v12;
	v28 =	vand.u32 $0x80000000, v21;
	v24 =	vsel vm11, v9, v8  }
0xca: {  	vm12 =	vgt.f32 v33, v11;
	vm14 =	vgt.f32 v22, v11;
	vm11 =	vgt.f32 v26, $0.0e+00  }
0xcb: {  	v20 =	vsel vm12, v4, v3;
	v29 =	vsel vm14, v4, v3;
	vm5 =	vmor vm11, vm5  }
0xcc: {  	v30 =	vsel vm7, v9, v8;
	v26 =	vsel vm5, v27, v26;
	vm5 =	vgt.f32 v22, v10  }
.Ltmp1:
0xcd: {  	vm7 =	vgt.f32 v22, v14;
	v27 =	vsel vm10, v2, v1;
	v26 =	vmul.f32 v26, v18;
	(pc) =	sbr.rel @p0 .LBB2_4-.Ltmp1, $4  }
0xce: {  	vm12 =	vgt.f32 v21, $0.0e+00;
	vm11 =	vgt.f32 v19, $0.0e+00;
	vm10 =	vgt.f32 v33, v16  }
0xcf: {  	v25 =	vor.u32 v25, v0;
	v31 =	vsel vm10, v9, v8;
	v29 =	vsel vm5, v29, v27  }
0xd0: {  	v32 =	vsel vm13, v7, v6;
	vm10 =	vgt.f32 v33, v15;
	v27 =	vand.u32 $0x7FFFFFFF, v19  }
0xd1: {  	s2 =	sadd.s32 $0x40, s2;
	s4 =	smov.u32 s16;
	vm5 =	vgt.f32 v33, v13;
	v33 =	vsel vm6, v7, v6;
	vm6 =	vgt.f32 v27, v13  }
0xd2: {  	vm12 =	vmor vm12, vm9;
	vm9 =	vgt.f32 v27, v14  }
0xd3: {  	vm13 =	vlt.f32 v19, $0.0e+00;
	v34 =	vsel vm8, v7, v6;
	vm8 =	vgt.f32 v27, v16  }
0xd4: {  	v28 =	vor.u32 v28, v0;
	vm11 =	vmor vm11, vm13;
	v30 =	vsel vm3, v30, v34  }
0xd5: {  	vm3 =	vgt.f32 v27, v15;
	v21 =	vsel vm12, v28, v21;
	v28 =	vand.u32 $0x80000000, v17  }
0xd6: {  	vm12 =	vgt.f32 v27, v10;
	v23 =	vsel vm4, v30, v23;
	vm4 =	vgt.f32 v22, v15  }
0xd7: {  	v22 =	vsel vm10, v31, v33;
	v21 =	vmul.f32 v21, v18;
	vm10 =	vgt.f32 v27, v11  }
0xd8: {  	v19 =	vsel vm11, v25, v19;
	v24 =	vsel vm4, v24, v32;
	v23 =	vmul.f32 v23, v26  }
0xd9: {  	v26 =	vor.u32 v28, v0;
	vm4 =	vlt.f32 v17, $0.0e+00;
	v28 =	vsel vm10, v4, v3  }
0xda: {  	v19 =	vmul.f32 v19, v18;
	v24 =	vsel vm7, v24, v29;
	vm7 =	vgt.f32 v27, v12  }
0xdb: {  	v27 =	vsel vm8, v9, v8;
	vm0 =	vmor vm0, vm4;
	v25 =	vsel vm7, v7, v6  }
0xdc: {  	v17 =	vsel vm0, v26, v17;
	v26 =	vsel vm6, v2, v1;
	v25 =	vsel vm3, v27, v25  }
0xdd: {  	v27 =	vsel vm5, v2, v1;
	v17 =	vmul.f32 v17, v18;
	v18 =	vsel vm12, v28, v26  }
0xde: {  	v21 =	vmul.f32 v24, v21;
	v20 =	vsel vm2, v20, v27;
	v18 =	vsel vm9, v25, v18  }
0xdf: {  	[tilespmem:s1+$0xDC00] =	vst v23;
	v20 =	vsel vm1, v22, v20;
	v18 =	vmul.f32 v18, v19  }
0xe0: {  	[tilespmem:s1+$0xDC20] =	vst v21;
	v17 =	vmul.f32 v20, v17  }
0xe1: {  	[tilespmem:s1+$0xDC30] =	vst v18  }
0xe2: {  	[tilespmem:s1+$0xDC10] =	vst v17  }
0xe3: {  	v18 =	vld [tilespmem:s30+$0xE030]  }
0xe4: {  	v17 =	vld [tilespmem:s30+$0xE010]  }
0xe5: {  	v19 =	vld [tilespmem:s30+$0x800]  }
0xe6: {  	v20 =	vld [tilespmem:s30+$0xE000]  }
0xe7: {  	v21 =	vld [tilespmem:s30+$0x810]  }
0xe8: {  	v22 =	vld [tilespmem:s30+$0x830]  }
0xe9: {  	v23 =	vld [tilespmem:s0+$0x1B000];
	_ =	sdelay $0x2  }
0xea: {  	v25 =	vmul.f32 v20, v19  }
0xeb: {  	v17 =	vmul.f32 v17, v21  }
0xec: {  	v19 =	vmul.f32 v18, v22;
	v18 =	vmul.f32 v23, v5;
	v26 =	vand.u32 $0x7FFFFFFF, v25  }
0xed: {  	v24 =	vld [tilespmem:s30+$0xE020];
	v27 =	vand.u32 $0x80000000, v25;
	vm5 =	vlt.f32 v25, $0.0e+00;
	vm0 =	vgt.f32 v17, $0.0e+00  }
0xee: {  	v20 =	vld [tilespmem:s30+$0x820];
	v28 =	vand.u32 $0x80000000, v19;
	v63 =	vand.u32 $0x7FFFFFFF, v17;
	vm2 =	vgt.f32 v26, v10  }
0xef: {  	vm3 =	vgt.f32 v26, v15;
	vm1 =	vgt.f32 v26, v11;
	vm4 =	vgt.f32 v26, v14  }
0xf0: {  	vm6 =	vgt.f32 v26, v16;
	v27 =	vor.u32 v27, v0;
	vm8 =	vgt.f32 v26, v12  }
0xf1: {  	vm14 =	vgt.f32 v63, v12;
	vm11 =	vgt.f32 v63, v11;
	v23 =	vsel vm1, v4, v3  }
0xf2: {  	vm1 =	vgt.f32 v26, v13;
	v30 =	vsel vm6, v9, v8;
	vm6 =	vgt.f32 v63, v16  }
0xf3: {  	v33 =	vsel vm14, v7, v6;
	v21 =	vmul.f32 v24, v20;
	v20 =	vsel vm1, v2, v1  }
0xf4: {  	vm1 =	vgt.f32 v63, v14;
	v31 =	vsel vm6, v9, v8;
	v23 =	vsel vm2, v23, v20  }
0xf5: {  	vm2 =	vgt.f32 v63, v10;
	v20 =	vsel vm11, v4, v3;
	vm11 =	vgt.f32 v19, $0.0e+00  }
0xf6: {  	v22 =	vand.u32 $0x7FFFFFFF, v21;
	vm9 =	vlt.f32 v21, $0.0e+00;
	v26 =	vand.u32 $0x80000000, v21  }
0xf7: {  	vm7 =	vgt.f32 v22, v13;
	vm13 =	vgt.f32 v22, v12;
	vm10 =	vgt.f32 v22, v16  }
0xf8: {  	vm12 =	vgt.f32 v22, v11;
	v24 =	vsel vm10, v9, v8;
	vm10 =	vgt.f32 v25, $0.0e+00  }
0xf9: {  	v29 =	vsel vm12, v4, v3;
	vm12 =	vgt.f32 v21, $0.0e+00;
	vm5 =	vmor vm10, vm5  }
0xfa: {  	v32 =	vsel vm13, v7, v6;
	vm10 =	vgt.f32 v63, v15;
	v25 =	vsel vm5, v27, v25  }
0xfb: {  	vm5 =	vgt.f32 v22, v10;
	v27 =	vmul.f32 v25, v18;
	v25 =	vsel vm7, v2, v1  }
0xfc: {  	v29 =	vsel vm5, v29, v25;
	v25 =	vor.u32 v28, v0;
	v28 =	vand.u32 $0x7FFFFFFF, v19  }
0xfd: {  	s2 =	simm.s32 $0x1;
	s0 =	simm.s32 $0x40;
	vm7 =	vgt.f32 v22, v14;
	vm5 =	vgt.f32 v63, v13;
	vm6 =	vgt.f32 v28, v13  }
.LBB2_6:
0xfe: {  	s4 =	sshrl.u32 s2, $0x1  }
0xff: {  	s5 =	sshrl.u32 s2, $0x4;
	vm12 =	vmor vm12, vm9;
	vm9 =	vgt.f32 v28, v14;
	vm13 =	vlt.f32 v19, $0.0e+00;
	s16 =	smov.u32 s2;
	s1 =	sadd.s32 $0x1, s2  }
0x100: {  	p0 =	sne.s32 s2, $0x8F;
	v34 =	vsel vm8, v7, v6;
	vm8 =	vgt.f32 v28, v16;
	s4 =	sand.u32 $0x7, s4;
	s5 =	smul.u32 $0xC00, s5;
	vm11 =	vmor vm11, vm13  }
0x101: {  	v26 =	vor.u32 v26, v0;
	v30 =	vsel vm3, v30, v34;
	vm3 =	vgt.f32 v28, v15;
	s2 =	sshll.u32 s4, $0x7;
	s4 =	sshll.u32 s4, $0x4  }
0x102: {  	v21 =	vsel vm12, v26, v21;
	v23 =	vsel vm4, v30, v23;
	vm4 =	vgt.f32 v22, v15;
	s2 =	sor.u32 s2, s5;
	s5 =	sand.u32 $0x40, s0  }
0x103: {  	v26 =	vand.u32 $0x80000000, v17;
	v22 =	vsel vm10, v31, v33;
	v24 =	vsel vm4, v24, v32;
	s2 =	sor.u32 s5, s2  }
0x104: {  	v26 =	vor.u32 v26, v0;
	v21 =	vmul.f32 v21, v18;
	v23 =	vmul.f32 v23, v27;
	v30 =	vld [tilespmem:s2+$0xE030]  }
0x105: {  	vm4 =	vlt.f32 v17, $0.0e+00;
	s5 =	sshll.u32 s16, $0x3;
	v24 =	vsel vm7, v24, v29;
	vm7 =	vgt.f32 v28, v12;
	v27 =	vld [tilespmem:s2+$0xE010]  }
0x106: {  	vm12 =	vgt.f32 v28, v10;
	vm10 =	vgt.f32 v28, v11;
	v19 =	vsel vm11, v25, v19;
	s5 =	sand.u32 $0x3FFFFF80, s5;
	v29 =	vld [tilespmem:s2+$0x800];
	[tilespmem:s30+$0xE000] =	vst v23  }
0x107: {  	v31 =	vsel vm8, v9, v8;
	v25 =	vsel vm10, v4, v3;
	v28 =	vsel vm7, v7, v6;
	s4 =	sor.u32 s4, s5;
	v23 =	vld [tilespmem:s2+$0xE000]  }
0x108: {  	v19 =	vmul.f32 v19, v18;
	vm0 =	vmor vm0, vm4;
	v28 =	vsel vm3, v31, v28;
	v32 =	vld [tilespmem:s2+$0x810]  }
0x109: {  	v33 =	vsel vm5, v2, v1;
	v17 =	vsel vm0, v26, v17;
	v26 =	vsel vm6, v2, v1;
	v31 =	vld [tilespmem:s2+$0x830]  }
0x10a: {  	v20 =	vsel vm2, v20, v33;
	v17 =	vmul.f32 v17, v18;
	v18 =	vsel vm12, v25, v26;
	v34 =	vld [tilespmem:s4+$0x1B000]  }
0x10b: {  	v20 =	vsel vm1, v22, v20;
	v21 =	vmul.f32 v24, v21;
	v18 =	vsel vm9, v28, v18;
	v25 =	vld [tilespmem:s2+$0xE020]  }
0x10c: {  	v20 =	vmul.f32 v20, v17;
	v28 =	vmul.f32 v23, v29;
	v22 =	vld [tilespmem:s2+$0x820]  }
0x10d: {  	v18 =	vmul.f32 v18, v19;
	v17 =	vmul.f32 v27, v32;
	[tilespmem:s30+$0xE020] =	vst v21  }
0x10e: {  	v24 =	vand.u32 $0x7FFFFFFF, v28;
	v23 =	vand.u32 $0x80000000, v28;
	vm5 =	vlt.f32 v28, $0.0e+00;
	[tilespmem:s30+$0xE010] =	vst v20  }
0x10f: {  	v19 =	vmul.f32 v30, v31;
	vm2 =	vgt.f32 v24, v10;
	vm3 =	vgt.f32 v24, v15;
	[tilespmem:s30+$0xE030] =	vst v18;
	s30 =	smov.u32 s2  }
0x110: {  	v18 =	vmul.f32 v34, v5;
	vm1 =	vgt.f32 v24, v11;
	vm0 =	vgt.f32 v17, $0.0e+00  }
0x111: {  	vm4 =	vgt.f32 v24, v14;
	v20 =	vsel vm1, v4, v3;
	v21 =	vmul.f32 v25, v22  }
0x112: {  	vm7 =	vgt.f32 v24, v16;
	vm1 =	vgt.f32 v24, v13;
	v25 =	vand.u32 $0x80000000, v19  }
0x113: {  	v27 =	vor.u32 v23, v0;
	v33 =	vand.u32 $0x7FFFFFFF, v17;
	v22 =	vand.u32 $0x7FFFFFFF, v21  }
0x114: {  	v23 =	vsel vm1, v2, v1;
	vm1 =	vgt.f32 v33, v14;
	vm9 =	vlt.f32 v21, $0.0e+00  }
0x115: {  	v23 =	vsel vm2, v20, v23;
	vm2 =	vgt.f32 v33, v10;
	vm10 =	vgt.f32 v22, v13  }
0x116: {  	vm8 =	vgt.f32 v24, v12;
	vm13 =	vgt.f32 v22, v12;
	vm11 =	vgt.f32 v22, v16  }
0x117: {  	vm6 =	vgt.f32 v33, v12;
	v26 =	vand.u32 $0x80000000, v21;
	v24 =	vsel vm11, v9, v8  }
0x118: {  	vm12 =	vgt.f32 v33, v11;
	vm14 =	vgt.f32 v22, v11;
	vm11 =	vgt.f32 v28, $0.0e+00  }
0x119: {  	v20 =	vsel vm12, v4, v3;
	v29 =	vsel vm14, v4, v3;
	vm5 =	vmor vm11, vm5  }
0x11a: {  	v30 =	vsel vm7, v9, v8;
	v27 =	vsel vm5, v27, v28;
	vm5 =	vgt.f32 v22, v10  }
.Ltmp2:
0x11b: {  	vm7 =	vgt.f32 v22, v14;
	v28 =	vsel vm10, v2, v1;
	v27 =	vmul.f32 v27, v18;
	(pc) =	sbr.rel @p0 .LBB2_6-.Ltmp2, $4  }
0x11c: {  	vm12 =	vgt.f32 v21, $0.0e+00;
	vm11 =	vgt.f32 v19, $0.0e+00;
	vm10 =	vgt.f32 v33, v16  }
0x11d: {  	v25 =	vor.u32 v25, v0;
	v31 =	vsel vm10, v9, v8;
	v29 =	vsel vm5, v29, v28  }
0x11e: {  	v32 =	vsel vm13, v7, v6;
	vm10 =	vgt.f32 v33, v15;
	v28 =	vand.u32 $0x7FFFFFFF, v19  }
0x11f: {  	s0 =	sadd.s32 $0x40, s0;
	s2 =	smov.u32 s1;
	vm5 =	vgt.f32 v33, v13;
	v33 =	vsel vm6, v7, v6;
	vm6 =	vgt.f32 v28, v13  }
0x120: {  	vm12 =	vmor vm12, vm9;
	vm9 =	vgt.f32 v28, v14  }
0x121: {  	vm13 =	vlt.f32 v19, $0.0e+00;
	v34 =	vsel vm8, v7, v6;
	vm8 =	vgt.f32 v28, v16  }
0x122: {  	v26 =	vor.u32 v26, v0;
	vm11 =	vmor vm11, vm13;
	v30 =	vsel vm3, v30, v34  }
0x123: {  	vm3 =	vgt.f32 v28, v15;
	v21 =	vsel vm12, v26, v21;
	v26 =	vand.u32 $0x80000000, v17  }
0x124: {  	vm12 =	vgt.f32 v28, v10;
	v23 =	vsel vm4, v30, v23;
	vm4 =	vgt.f32 v22, v15  }
0x125: {  	v22 =	vsel vm10, v31, v33;
	v26 =	vor.u32 v26, v0;
	v21 =	vmul.f32 v21, v18  }
0x126: {  	vm10 =	vgt.f32 v28, v11;
	v19 =	vsel vm11, v25, v19;
	v24 =	vsel vm4, v24, v32  }
0x127: {  	v23 =	vmul.f32 v23, v27;
	vm4 =	vlt.f32 v17, $0.0e+00;
	v27 =	vsel vm8, v9, v8  }
0x128: {  	v19 =	vmul.f32 v19, v18;
	v24 =	vsel vm7, v24, v29;
	vm7 =	vgt.f32 v28, v12  }
0x129: {  	v28 =	vsel vm10, v4, v3;
	vm0 =	vmor vm0, vm4;
	v25 =	vsel vm7, v7, v6  }
0x12a: {  	v17 =	vsel vm0, v26, v17;
	v26 =	vsel vm6, v2, v1;
	v25 =	vsel vm3, v27, v25  }
0x12b: {  	v27 =	vsel vm5, v2, v1;
	v17 =	vmul.f32 v17, v18;
	v18 =	vsel vm12, v28, v26  }
0x12c: {  	v21 =	vmul.f32 v24, v21;
	v20 =	vsel vm2, v20, v27;
	v18 =	vsel vm9, v25, v18  }
0x12d: {  	[tilespmem:s30+$0xE000] =	vst v23;
	v20 =	vsel vm1, v22, v20;
	v18 =	vmul.f32 v18, v19  }
0x12e: {  	[tilespmem:s30+$0xE020] =	vst v21;
	v17 =	vmul.f32 v20, v17  }
0x12f: {  	[tilespmem:s30+$0xE030] =	vst v18  }
0x130: {  	s0 =	simm.s32 $0x0;
	[tilespmem:s30+$0xE010] =	vst v17  }
0x131: {  	[hbm4b:s9+s0] =	stream.linear.scatter [tilespmem:s15], [sflag:$0x5], $0x6C00, $0x38;
	[tilespmem:$0x1BE00] =	vst v63  }
0x132: {  	_ =	swait.ge [sflag:s24], $0x6C00  }
0x133: {  	[sflag:s24] =	ssyncset.done $0x0  }
0x134: {  	[sflag:s24] =	ssyncadd.s32 $0xFFFF9400  }
0x135: {  	[tilespmem:s0], [sflag:$0x1] =	stream.linear.gather [hbm4b:s10+s0], $0x6C00, $0x38;
	[tilespmem:$0x1BE00] =	vst v63  }
0x136: {  	_ = 	snop  }
0x137: {  	[tilespmem:s15], [sflag:$0x3] =	stream.linear.gather [hbm4b:s11+s0], $0x6C00, $0x38;
	[tilespmem:$0x1BE00] =	vst v63  }
0x138: {  	_ =	swait.ge [sflag:s25], $0x6C00  }
0x139: {  	s1 =	simm.s32 $0x0;
	s2 =	simm.s32 $0x0;
	[sflag:s25] =	ssyncset.done $0x0  }
0x13a: {  	s4 =	sand.u32 $0x7, s1;
	s30 =	smul.u32 $0xC00, s2;
	[sflag:s25] =	ssyncadd.s32 $0xFFFF9400  }
0x13b: {  	s1 =	sshll.u32 s4, $0x7;
	_ =	swait.ge [sflag:s26], $0x6C00  }
0x13c: {  	s2 =	sor.u32 s30, s1;
	s0 =	sand.u32 $0x40, s0;
	[sflag:s26] =	ssyncset.done $0x0  }
0x13d: {  	s5 =	simm.s32 $0x0;
	s18 =	sor.u32 s0, s2;
	[sflag:s26] =	ssyncadd.s32 $0xFFFF9400  }
0x13e: {  	s16 =	sand.u32 $0x3FFFFF80, s5;
	s31 =	sshll.u32 s4, $0x4;
	v17 =	vld [tilespmem:s18+$0x6C30]  }
0x13f: {  	s2 =	sor.u32 s31, s16;
	v18 =	vld [tilespmem:s18+$0x14430]  }
0x140: {  	v19 =	vld [tilespmem:s2+$0x1B480]  }
0x141: {  	v25 =	vld [tilespmem:s18+$0x6C20]  }
0x142: {  	v26 =	vld [tilespmem:s18+$0x14420];
	_ =	sdelay $0x2  }
0x143: {  	v18 =	vmul.f32 v18, v17;
	_ =	sdelay $0x1  }
0x144: {  	v20 =	vld [tilespmem:s18+$0x6C00];
	v17 =	vmul.f32 v19, v5;
	v63 =	vmul.f32 v26, v25;
	v22 =	vand.u32 $0x7FFFFFFF, v18  }
0x145: {  	v21 =	vld [tilespmem:s18+$0x14400];
	v23 =	vand.u32 $0x80000000, v18;
	vm0 =	vlt.f32 v18, $0.0e+00;
	vm3 =	vgt.f32 v18, $0.0e+00  }
0x146: {  	v24 =	vld [tilespmem:s18+$0x14410];
	vm1 =	vgt.f32 v22, v10;
	vm2 =	vgt.f32 v22, v14;
	vm4 =	vgt.f32 v22, v13  }
0x147: {  	v19 =	vld [tilespmem:s18+$0x6C10];
	vm5 =	vgt.f32 v22, v11;
	vm6 =	vgt.f32 v22, v15;
	vm7 =	vgt.f32 v22, v12  }
0x148: {  	vm15 =	vgt.f32 v22, v16;
	v22 =	vor.u32 v23, v0;
	vm0 =	vmor vm3, vm0  }
0x149: {  	v23 =	vsel vm4, v2, v1;
	v27 =	vsel vm5, v4, v3;
	v28 =	vsel vm7, v7, v6  }
0x14a: {  	v29 =	vsel vm15, v9, v8;
	v18 =	vsel vm0, v22, v18;
	vm4 =	vlt.f32 v63, $0.0e+00  }
0x14b: {  	vm5 =	vgt.f32 v63, $0.0e+00;
	v22 =	vsel vm1, v27, v23;
	v18 =	vmul.f32 v18, v17  }
0x14c: {  	v23 =	vsel vm6, v29, v28;
	v27 =	vmul.f32 v21, v20;
	v30 =	vmul.f32 v24, v19  }
0x14d: {  	v20 =	vand.u32 $0x7FFFFFFF, v63;
	vm4 =	vmor vm5, vm4;
	v19 =	vsel vm2, v23, v22  }
0x14e: {  	v23 =	vand.u32 $0x80000000, v63;
	vm13 =	vgt.f32 v20, v11;
	vm14 =	vgt.f32 v20, v12  }
0x14f: {  	vm15 =	vgt.f32 v20, v16;
	v36 =	vmul.f32 v19, v18;
	v18 =	vand.u32 $0x7FFFFFFF, v27  }
0x150: {  	v21 =	vand.u32 $0x80000000, v27;
	vm0 =	vlt.f32 v27, $0.0e+00;
	vm1 =	vgt.f32 v27, $0.0e+00  }
0x151: {  	v19 =	vand.u32 $0x7FFFFFFF, v30;
	v22 =	vand.u32 $0x80000000, v30;
	vm2 =	vlt.f32 v30, $0.0e+00  }
0x152: {  	vm3 =	vgt.f32 v30, $0.0e+00;
	v35 =	vor.u32 v23, v0;
	v33 =	vsel vm14, v7, v6  }
0x153: {  	vm6 =	vgt.f32 v18, v13;
	vm7 =	vgt.f32 v18, v11;
	vm8 =	vgt.f32 v18, v12  }
0x154: {  	vm9 =	vgt.f32 v18, v16;
	v26 =	vor.u32 v21, v0;
	vm0 =	vmor vm1, vm0  }
0x155: {  	vm1 =	vgt.f32 v19, v13;
	vm10 =	vgt.f32 v19, v11;
	vm11 =	vgt.f32 v19, v12  }
0x156: {  	vm12 =	vgt.f32 v19, v16;
	v31 =	vor.u32 v22, v0;
	vm2 =	vmor vm3, vm2  }
0x157: {  	vm3 =	vgt.f32 v20, v13;
	v34 =	vsel vm4, v35, v63;
	v35 =	vsel vm15, v9, v8  }
0x158: {  	vm4 =	vgt.f32 v18, v15;
	vm5 =	vgt.f32 v19, v15;
	v21 =	vsel vm6, v2, v1  }
0x159: {  	s17 =	simm.s32 $0x0;
	s19 =	simm.s32 $0x0;
	v23 =	vsel vm7, v4, v3;
	v24 =	vsel vm8, v7, v6;
	v25 =	vsel vm9, v9, v8  }
0x15a: {  	s5 =	smul.u32 $0xC00, s19;
	s4 =	sand.u32 $0x7, s17;
	v26 =	vsel vm0, v26, v27;
	v22 =	vsel vm1, v2, v1;
	v27 =	vsel vm10, v4, v3  }
0x15b: {  	s17 =	sshll.u32 s4, $0x7;
	s2 =	simm.s32 $0x40;
	v28 =	vsel vm11, v7, v6;
	v29 =	vsel vm12, v9, v8;
	v32 =	vsel vm2, v31, v30  }
0x15c: {  	s17 =	sor.u32 s5, s17;
	s5 =	simm.s32 $0x8;
	s19 =	sand.u32 $0x40, s2;
	v30 =	vsel vm3, v2, v1;
	v31 =	vsel vm13, v4, v3;
	vm3 =	vgt.f32 v18, v10  }
0x15d: {  	s16 =	simm.s32 $0x1;
	s19 =	sor.u32 s19, s17;
	s17 =	simm.s32 $0x2;
	vm0 =	vgt.f32 v19, v10;
	[tilespmem:s18+$0x14430] =	vst v36;
	vm1 =	vgt.f32 v20, v10;
	vm2 =	vgt.f32 v20, v15  }
.LBB2_8:
0x15e: {  	p0 =	sne.s32 s17, $0x8F;
	s5 =	sand.u32 $0x3FFFFF80, s5;
	s4 =	sshll.u32 s4, $0x4;
	v36 =	vld [tilespmem:s19+$0x6C30];
	v21 =	vsel vm3, v23, v21;
	v23 =	vsel vm4, v25, v24;
	v24 =	vmul.f32 v26, v17  }
0x15f: {  	v22 =	vsel vm0, v27, v22;
	v26 =	vsel vm5, v29, v28;
	v27 =	vmul.f32 v32, v17;
	s4 =	sor.u32 s4, s5;
	v25 =	vld [tilespmem:s19+$0x14430]  }
0x160: {  	v29 =	vsel vm1, v31, v30;
	v30 =	vsel vm2, v35, v33;
	v17 =	vmul.f32 v34, v17;
	v28 =	vld [tilespmem:s4+$0x1B480]  }
0x161: {  	vm0 =	vgt.f32 v18, v14;
	vm1 =	vgt.f32 v19, v14;
	vm2 =	vgt.f32 v20, v14;
	v31 =	vld [tilespmem:s19+$0x6C00]  }
0x162: {  	v19 =	vsel vm0, v23, v21;
	v20 =	vsel vm1, v26, v22;
	v21 =	vsel vm2, v30, v29;
	v18 =	vld [tilespmem:s19+$0x14400]  }
0x163: {  	v19 =	vmul.f32 v19, v24;
	v20 =	vmul.f32 v20, v27;
	v22 =	vld [tilespmem:s19+$0x6C10]  }
0x164: {  	v21 =	vmul.f32 v21, v17;
	v23 =	vld [tilespmem:s19+$0x14410];
	v24 =	vmul.f32 v25, v36  }
0x165: {  	v17 =	vmul.f32 v28, v5;
	v25 =	vld [tilespmem:s19+$0x6C20];
	[tilespmem:s18+$0x14400] =	vst v19  }
0x166: {  	v19 =	vld [tilespmem:s19+$0x14420];
	v26 =	vand.u32 $0x7FFFFFFF, v24;
	v27 =	vand.u32 $0x80000000, v24;
	vm0 =	vlt.f32 v24, $0.0e+00;
	[tilespmem:s18+$0x14410] =	vst v20  }
0x167: {  	vm3 =	vgt.f32 v24, $0.0e+00;
	vm1 =	vgt.f32 v26, v10;
	vm2 =	vgt.f32 v26, v14;
	[tilespmem:s18+$0x14420] =	vst v21;
	s18 =	smov.u32 s19  }
0x168: {  	vm4 =	vgt.f32 v26, v13;
	vm5 =	vgt.f32 v26, v11;
	vm6 =	vgt.f32 v26, v15  }
0x169: {  	vm7 =	vgt.f32 v26, v12;
	vm8 =	vgt.f32 v26, v16;
	v20 =	vor.u32 v27, v0  }
0x16a: {  	vm0 =	vmor vm3, vm0;
	v21 =	vsel vm4, v2, v1;
	v26 =	vsel vm5, v4, v3  }
0x16b: {  	v27 =	vsel vm7, v7, v6;
	v28 =	vsel vm8, v9, v8;
	v20 =	vsel vm0, v20, v24  }
0x16c: {  	v21 =	vsel vm1, v26, v21;
	v24 =	vsel vm6, v28, v27;
	v20 =	vmul.f32 v20, v17  }
0x16d: {  	v26 =	vmul.f32 v18, v31;
	v30 =	vmul.f32 v23, v22;
	v18 =	vsel vm2, v24, v21  }
0x16e: {  	v34 =	vmul.f32 v19, v25;
	v20 =	vmul.f32 v18, v20  }
0x16f: {  	v18 =	vand.u32 $0x7FFFFFFF, v26;
	v21 =	vand.u32 $0x80000000, v26;
	vm0 =	vlt.f32 v26, $0.0e+00  }
0x170: {  	vm1 =	vgt.f32 v26, $0.0e+00;
	v19 =	vand.u32 $0x7FFFFFFF, v30;
	v22 =	vand.u32 $0x80000000, v30;
	[tilespmem:s18+$0x14430] =	vst v20  }
0x171: {  	vm2 =	vlt.f32 v30, $0.0e+00;
	vm3 =	vgt.f32 v30, $0.0e+00;
	v20 =	vand.u32 $0x7FFFFFFF, v34  }
0x172: {  	v23 =	vand.u32 $0x80000000, v34;
	vm4 =	vlt.f32 v34, $0.0e+00;
	vm5 =	vgt.f32 v34, $0.0e+00  }
0x173: {  	vm6 =	vgt.f32 v18, v13;
	vm7 =	vgt.f32 v18, v11;
	vm8 =	vgt.f32 v18, v12  }
0x174: {  	vm9 =	vgt.f32 v18, v16;
	v27 =	vor.u32 v21, v0;
	vm0 =	vmor vm1, vm0  }
0x175: {  	vm1 =	vgt.f32 v19, v13;
	vm10 =	vgt.f32 v19, v11;
	vm11 =	vgt.f32 v19, v12  }
0x176: {  	vm12 =	vgt.f32 v19, v16;
	v31 =	vor.u32 v22, v0;
	vm2 =	vmor vm3, vm2  }
0x177: {  	vm3 =	vgt.f32 v20, v13;
	vm13 =	vgt.f32 v20, v11;
	vm14 =	vgt.f32 v20, v12  }
0x178: {  	v36 =	vor.u32 v23, v0;
	vm4 =	vmor vm5, vm4;
	vm15 =	vgt.f32 v20, v16  }
0x179: {  	v21 =	vsel vm6, v2, v1;
	v24 =	vsel vm8, v7, v6;
	v23 =	vsel vm7, v4, v3  }
0x17a: {  	v25 =	vsel vm9, v9, v8;
	v26 =	vsel vm0, v27, v26;
	v22 =	vsel vm1, v2, v1  }
.Ltmp3:
0x17b: {  	s5 =	sshrl.u32 s17, $0x4;
	s4 =	sshrl.u32 s17, $0x1;
	v27 =	vsel vm10, v4, v3;
	v28 =	vsel vm11, v7, v6;
	v29 =	vsel vm12, v9, v8;
	(pc) =	sbr.rel @p0 .LBB2_8-.Ltmp3, $4  }
0x17c: {  	s5 =	smul.u32 $0xC00, s5;
	s4 =	sand.u32 $0x7, s4;
	v32 =	vsel vm2, v31, v30;
	v30 =	vsel vm3, v2, v1;
	v31 =	vsel vm13, v4, v3  }
0x17d: {  	s2 =	sadd.s32 $0x40, s2;
	s19 =	sshll.u32 s4, $0x7;
	v34 =	vsel vm4, v36, v34;
	v33 =	vsel vm14, v7, v6;
	v35 =	vsel vm15, v9, v8  }
0x17e: {  	s6 =	sand.u32 $0x40, s2;
	s19 =	sor.u32 s5, s19;
	vm0 =	vgt.f32 v19, v10;
	vm4 =	vgt.f32 v18, v15;
	vm3 =	vgt.f32 v18, v10  }
0x17f: {  	s5 =	sshll.u32 s17, $0x3;
	s17 =	sadd.s32 $0x1, s17;
	s19 =	sor.u32 s6, s19;
	vm5 =	vgt.f32 v19, v15;
	vm1 =	vgt.f32 v20, v10;
	vm2 =	vgt.f32 v20, v15  }
0x180: {  	v36 =	vld [tilespmem:s19+$0x6C30];
	v21 =	vsel vm3, v23, v21  }
0x181: {  	v23 =	vsel vm4, v25, v24;
	v25 =	vld [tilespmem:s19+$0x14430];
	v22 =	vsel vm0, v27, v22;
	vm0 =	vgt.f32 v18, v14  }
0x182: {  	s2 =	sand.u32 $0x3FFFFF80, s5;
	s4 =	sshll.u32 s4, $0x4;
	v18 =	vsel vm0, v23, v21;
	vm0 =	vgt.f32 v20, v14;
	v20 =	vld [tilespmem:s19+$0x6C00]  }
0x183: {  	v24 =	vmul.f32 v26, v17;
	v26 =	vsel vm5, v29, v28;
	s2 =	sor.u32 s4, s2;
	v23 =	vld [tilespmem:s19+$0x14400]  }
0x184: {  	v27 =	vmul.f32 v32, v17;
	v29 =	vsel vm1, v31, v30;
	vm1 =	vgt.f32 v19, v14;
	v28 =	vld [tilespmem:s2+$0x1B480]  }
0x185: {  	v19 =	vsel vm1, v26, v22;
	v18 =	vmul.f32 v18, v24;
	v24 =	vld [tilespmem:s19+$0x6C10]  }
0x186: {  	v30 =	vsel vm2, v35, v33;
	v17 =	vmul.f32 v34, v17;
	v19 =	vmul.f32 v19, v27;
	v27 =	vld [tilespmem:s19+$0x14410]  }
0x187: {  	v21 =	vsel vm0, v30, v29;
	v22 =	vmul.f32 v25, v36  }
0x188: {  	v17 =	vmul.f32 v21, v17  }
0x189: {  	v20 =	vmul.f32 v23, v20;
	v21 =	vmul.f32 v28, v5;
	v25 =	vand.u32 $0x7FFFFFFF, v22  }
0x18a: {  	v26 =	vand.u32 $0x80000000, v22;
	vm0 =	vlt.f32 v22, $0.0e+00;
	vm3 =	vgt.f32 v22, $0.0e+00  }
0x18b: {  	v23 =	vmul.f32 v27, v24;
	vm1 =	vgt.f32 v25, v10;
	vm2 =	vgt.f32 v25, v14  }
0x18c: {  	vm4 =	vgt.f32 v25, v13;
	vm5 =	vgt.f32 v25, v11;
	vm6 =	vgt.f32 v25, v15  }
0x18d: {  	vm7 =	vgt.f32 v25, v12;
	vm8 =	vgt.f32 v25, v16;
	v25 =	vor.u32 v26, v0  }
0x18e: {  	vm0 =	vmor vm3, vm0;
	v26 =	vsel vm4, v2, v1;
	v30 =	vsel vm5, v4, v3  }
0x18f: {  	v29 =	vld [tilespmem:s19+$0x14420];
	v31 =	vsel vm7, v7, v6;
	v54 =	vsel vm8, v9, v8;
	v22 =	vsel vm0, v25, v22  }
0x190: {  	v28 =	vld [tilespmem:s19+$0x6C20];
	vm0 =	vlt.f32 v20, $0.0e+00;
	v27 =	vand.u32 $0x7FFFFFFF, v23;
	vm3 =	vgt.f32 v23, $0.0e+00  }
0x191: {  	v25 =	vsel vm1, v30, v26;
	v26 =	vsel vm6, v54, v31;
	v22 =	vmul.f32 v22, v21  }
0x192: {  	vm1 =	vgt.f32 v20, $0.0e+00;
	vm10 =	vgt.f32 v27, v11;
	vm11 =	vgt.f32 v27, v12  }
0x193: {  	vm12 =	vgt.f32 v27, v16;
	v24 =	vsel vm2, v26, v25;
	v26 =	vand.u32 $0x80000000, v20  }
0x194: {  	vm2 =	vlt.f32 v23, $0.0e+00;
	vm0 =	vmor vm1, vm0;
	vm1 =	vgt.f32 v27, v13  }
0x195: {  	v58 =	vsel vm10, v4, v3;
	v59 =	vsel vm11, v7, v6;
	v25 =	vmul.f32 v29, v28  }
0x196: {  	v22 =	vmul.f32 v24, v22;
	v24 =	vand.u32 $0x7FFFFFFF, v20;
	v28 =	vand.u32 $0x80000000, v23  }
0x197: {  	v26 =	vor.u32 v26, v0;
	vm2 =	vmor vm3, vm2;
	vm6 =	vgt.f32 v24, v13  }
0x198: {  	vm7 =	vgt.f32 v24, v11;
	vm8 =	vgt.f32 v24, v12;
	vm9 =	vgt.f32 v24, v16  }
0x199: {  	v28 =	vor.u32 v28, v0;
	v20 =	vsel vm0, v26, v20;
	v26 =	vsel vm1, v2, v1  }
0x19a: {  	vm0 =	vgt.f32 v24, v10;
	vm1 =	vgt.f32 v24, v15;
	v29 =	vand.u32 $0x7FFFFFFF, v25  }
0x19b: {  	v30 =	vand.u32 $0x80000000, v25;
	vm4 =	vlt.f32 v25, $0.0e+00;
	vm5 =	vgt.f32 v25, $0.0e+00  }
0x19c: {  	v31 =	vsel vm6, v2, v1;
	v55 =	vsel vm7, v4, v3;
	v56 =	vsel vm8, v7, v6  }
0x19d: {  	v57 =	vsel vm9, v9, v8;
	v23 =	vsel vm2, v28, v23;
	v28 =	vsel vm12, v9, v8  }
0x19e: {  	v20 =	vmul.f32 v20, v21;
	vm3 =	vgt.f32 v29, v13;
	vm13 =	vgt.f32 v29, v11  }
0x19f: {  	vm14 =	vgt.f32 v29, v12;
	vm15 =	vgt.f32 v29, v16;
	v30 =	vor.u32 v30, v0  }
0x1a0: {  	vm4 =	vmor vm5, vm4;
	v31 =	vsel vm0, v55, v31;
	vm0 =	vgt.f32 v27, v10  }
0x1a1: {  	v33 =	vsel vm1, v57, v56;
	vm1 =	vgt.f32 v29, v10;
	vm2 =	vgt.f32 v29, v15  }
0x1a2: {  	v23 =	vmul.f32 v23, v21;
	v25 =	vsel vm4, v30, v25;
	v30 =	vsel vm3, v2, v1  }
0x1a3: {  	v60 =	vsel vm13, v4, v3;
	v26 =	vsel vm0, v58, v26;
	vm0 =	vgt.f32 v27, v15  }
0x1a4: {  	v61 =	vsel vm14, v7, v6;
	v62 =	vsel vm15, v9, v8;
	v28 =	vsel vm0, v28, v59  }
0x1a5: {  	[tilespmem:s18+$0x14400] =	vst v18;
	v18 =	vsel vm1, v60, v30;
	v30 =	vsel vm2, v62, v61;
	vm0 =	vgt.f32 v24, v14  }
0x1a6: {  	[tilespmem:s18+$0x14410] =	vst v19;
	v19 =	vmul.f32 v25, v21;
	vm1 =	vgt.f32 v27, v14;
	v21 =	vsel vm0, v33, v31  }
0x1a7: {  	[tilespmem:s18+$0x14420] =	vst v17;
	vm0 =	vgt.f32 v29, v14;
	v17 =	vsel vm1, v28, v26;
	v20 =	vmul.f32 v21, v20  }
0x1a8: {  	[tilespmem:s19+$0x14430] =	vst v22;
	v18 =	vsel vm0, v30, v18;
	v17 =	vmul.f32 v17, v23  }
0x1a9: {  	v18 =	vmul.f32 v18, v19;
	[tilespmem:s19+$0x14400] =	vst v20  }
0x1aa: {  	s1 =	sor.u32 s1, s30;
	[tilespmem:s19+$0x14410] =	vst v17  }
0x1ab: {  	s0 =	sor.u32 s0, s1;
	[tilespmem:s19+$0x14420] =	vst v18  }
0x1ac: {  	v18 =	vld [tilespmem:s0+$0x14830]  }
0x1ad: {  	v17 =	vld [tilespmem:s0+$0x14810]  }
0x1ae: {  	v19 =	vld [tilespmem:s0+$0x7000]  }
0x1af: {  	s30 =	simm.s32 $0x0;
	v20 =	vld [tilespmem:s0+$0x14800]  }
0x1b0: {  	s1 =	sand.u32 $0x3FFFFF80, s30;
	v21 =	vld [tilespmem:s0+$0x7010]  }
0x1b1: {  	s1 =	sor.u32 s31, s1;
	v22 =	vld [tilespmem:s0+$0x7030]  }
0x1b2: {  	v23 =	vld [tilespmem:s1+$0x1B480];
	_ =	sdelay $0x2  }
0x1b3: {  	v25 =	vmul.f32 v20, v19  }
0x1b4: {  	v17 =	vmul.f32 v17, v21  }
0x1b5: {  	v19 =	vmul.f32 v18, v22;
	v18 =	vmul.f32 v23, v5;
	v26 =	vand.u32 $0x7FFFFFFF, v25  }
0x1b6: {  	v24 =	vld [tilespmem:s0+$0x14820];
	v27 =	vand.u32 $0x80000000, v25;
	vm5 =	vlt.f32 v25, $0.0e+00;
	vm0 =	vgt.f32 v17, $0.0e+00  }
0x1b7: {  	v20 =	vld [tilespmem:s0+$0x7020];
	v28 =	vand.u32 $0x80000000, v19;
	v63 =	vand.u32 $0x7FFFFFFF, v17;
	vm2 =	vgt.f32 v26, v10  }
0x1b8: {  	vm3 =	vgt.f32 v26, v15;
	vm1 =	vgt.f32 v26, v11;
	vm4 =	vgt.f32 v26, v14  }
0x1b9: {  	vm6 =	vgt.f32 v26, v16;
	v27 =	vor.u32 v27, v0;
	vm8 =	vgt.f32 v26, v12  }
0x1ba: {  	vm14 =	vgt.f32 v63, v12;
	vm11 =	vgt.f32 v63, v11;
	v23 =	vsel vm1, v4, v3  }
0x1bb: {  	vm1 =	vgt.f32 v26, v13;
	v30 =	vsel vm6, v9, v8;
	vm6 =	vgt.f32 v63, v16  }
0x1bc: {  	v33 =	vsel vm14, v7, v6;
	v21 =	vmul.f32 v24, v20;
	v20 =	vsel vm1, v2, v1  }
0x1bd: {  	vm1 =	vgt.f32 v63, v14;
	v31 =	vsel vm6, v9, v8;
	v23 =	vsel vm2, v23, v20  }
0x1be: {  	vm2 =	vgt.f32 v63, v10;
	v20 =	vsel vm11, v4, v3;
	vm11 =	vgt.f32 v19, $0.0e+00  }
0x1bf: {  	v22 =	vand.u32 $0x7FFFFFFF, v21;
	vm9 =	vlt.f32 v21, $0.0e+00;
	v26 =	vand.u32 $0x80000000, v21  }
0x1c0: {  	vm7 =	vgt.f32 v22, v13;
	vm13 =	vgt.f32 v22, v12;
	vm10 =	vgt.f32 v22, v16  }
0x1c1: {  	vm12 =	vgt.f32 v22, v11;
	v24 =	vsel vm10, v9, v8;
	vm10 =	vgt.f32 v25, $0.0e+00  }
0x1c2: {  	v29 =	vsel vm12, v4, v3;
	vm12 =	vgt.f32 v21, $0.0e+00;
	vm5 =	vmor vm10, vm5  }
0x1c3: {  	v32 =	vsel vm13, v7, v6;
	vm10 =	vgt.f32 v63, v15;
	v25 =	vsel vm5, v27, v25  }
0x1c4: {  	vm5 =	vgt.f32 v22, v10;
	v27 =	vmul.f32 v25, v18;
	v25 =	vsel vm7, v2, v1  }
0x1c5: {  	v29 =	vsel vm5, v29, v25;
	v25 =	vor.u32 v28, v0;
	v28 =	vand.u32 $0x7FFFFFFF, v19  }
0x1c6: {  	s1 =	simm.s32 $0x40;
	vm7 =	vgt.f32 v22, v14;
	vm5 =	vgt.f32 v63, v13;
	vm6 =	vgt.f32 v28, v13  }
.LBB2_10:
0x1c7: {  	s4 =	sshrl.u32 s16, $0x1  }
0x1c8: {  	s5 =	sshrl.u32 s16, $0x4;
	vm12 =	vmor vm12, vm9;
	vm9 =	vgt.f32 v28, v14;
	vm13 =	vlt.f32 v19, $0.0e+00;
	s6 =	smov.u32 s16;
	s2 =	sadd.s32 $0x1, s16  }
0x1c9: {  	p0 =	sne.s32 s16, $0x8F;
	v34 =	vsel vm8, v7, v6;
	vm8 =	vgt.f32 v28, v16;
	s4 =	sand.u32 $0x7, s4;
	s5 =	smul.u32 $0xC00, s5;
	vm11 =	vmor vm11, vm13  }
0x1ca: {  	v26 =	vor.u32 v26, v0;
	v30 =	vsel vm3, v30, v34;
	vm3 =	vgt.f32 v28, v15;
	s16 =	sshll.u32 s4, $0x7;
	s4 =	sshll.u32 s4, $0x4  }
0x1cb: {  	v21 =	vsel vm12, v26, v21;
	v23 =	vsel vm4, v30, v23;
	vm4 =	vgt.f32 v22, v15;
	s5 =	sor.u32 s16, s5;
	s16 =	sand.u32 $0x40, s1  }
0x1cc: {  	v26 =	vand.u32 $0x80000000, v17;
	v22 =	vsel vm10, v31, v33;
	v24 =	vsel vm4, v24, v32;
	s16 =	sor.u32 s16, s5  }
0x1cd: {  	v26 =	vor.u32 v26, v0;
	v21 =	vmul.f32 v21, v18;
	v23 =	vmul.f32 v23, v27;
	v30 =	vld [tilespmem:s16+$0x14830]  }
0x1ce: {  	vm4 =	vlt.f32 v17, $0.0e+00;
	s5 =	sshll.u32 s6, $0x3;
	v24 =	vsel vm7, v24, v29;
	vm7 =	vgt.f32 v28, v12;
	v27 =	vld [tilespmem:s16+$0x14810]  }
0x1cf: {  	vm12 =	vgt.f32 v28, v10;
	vm10 =	vgt.f32 v28, v11;
	v19 =	vsel vm11, v25, v19;
	s5 =	sand.u32 $0x3FFFFF80, s5;
	v29 =	vld [tilespmem:s16+$0x7000];
	[tilespmem:s0+$0x14800] =	vst v23  }
0x1d0: {  	v31 =	vsel vm8, v9, v8;
	v25 =	vsel vm10, v4, v3;
	v28 =	vsel vm7, v7, v6;
	s4 =	sor.u32 s4, s5;
	v23 =	vld [tilespmem:s16+$0x14800]  }
0x1d1: {  	v19 =	vmul.f32 v19, v18;
	vm0 =	vmor vm0, vm4;
	v28 =	vsel vm3, v31, v28;
	v32 =	vld [tilespmem:s16+$0x7010]  }
0x1d2: {  	v33 =	vsel vm5, v2, v1;
	v17 =	vsel vm0, v26, v17;
	v26 =	vsel vm6, v2, v1;
	v31 =	vld [tilespmem:s16+$0x7030]  }
0x1d3: {  	v20 =	vsel vm2, v20, v33;
	v17 =	vmul.f32 v17, v18;
	v18 =	vsel vm12, v25, v26;
	v34 =	vld [tilespmem:s4+$0x1B480]  }
0x1d4: {  	v20 =	vsel vm1, v22, v20;
	v21 =	vmul.f32 v24, v21;
	v18 =	vsel vm9, v28, v18;
	v25 =	vld [tilespmem:s16+$0x14820]  }
0x1d5: {  	v20 =	vmul.f32 v20, v17;
	v28 =	vmul.f32 v23, v29;
	v22 =	vld [tilespmem:s16+$0x7020]  }
0x1d6: {  	v18 =	vmul.f32 v18, v19;
	v17 =	vmul.f32 v27, v32;
	[tilespmem:s0+$0x14820] =	vst v21  }
0x1d7: {  	v24 =	vand.u32 $0x7FFFFFFF, v28;
	v23 =	vand.u32 $0x80000000, v28;
	vm5 =	vlt.f32 v28, $0.0e+00;
	[tilespmem:s0+$0x14810] =	vst v20  }
0x1d8: {  	v19 =	vmul.f32 v30, v31;
	vm2 =	vgt.f32 v24, v10;
	vm3 =	vgt.f32 v24, v15;
	[tilespmem:s0+$0x14830] =	vst v18;
	s0 =	smov.u32 s16  }
0x1d9: {  	v18 =	vmul.f32 v34, v5;
	vm1 =	vgt.f32 v24, v11;
	vm0 =	vgt.f32 v17, $0.0e+00  }
0x1da: {  	vm4 =	vgt.f32 v24, v14;
	v20 =	vsel vm1, v4, v3;
	v21 =	vmul.f32 v25, v22  }
0x1db: {  	vm7 =	vgt.f32 v24, v16;
	vm1 =	vgt.f32 v24, v13;
	v25 =	vand.u32 $0x80000000, v19  }
0x1dc: {  	v27 =	vor.u32 v23, v0;
	v33 =	vand.u32 $0x7FFFFFFF, v17;
	v22 =	vand.u32 $0x7FFFFFFF, v21  }
0x1dd: {  	v23 =	vsel vm1, v2, v1;
	vm1 =	vgt.f32 v33, v14;
	vm9 =	vlt.f32 v21, $0.0e+00  }
0x1de: {  	v23 =	vsel vm2, v20, v23;
	vm2 =	vgt.f32 v33, v10;
	vm10 =	vgt.f32 v22, v13  }
0x1df: {  	vm8 =	vgt.f32 v24, v12;
	vm13 =	vgt.f32 v22, v12;
	vm11 =	vgt.f32 v22, v16  }
0x1e0: {  	vm6 =	vgt.f32 v33, v12;
	v26 =	vand.u32 $0x80000000, v21;
	v24 =	vsel vm11, v9, v8  }
0x1e1: {  	vm12 =	vgt.f32 v33, v11;
	vm14 =	vgt.f32 v22, v11;
	vm11 =	vgt.f32 v28, $0.0e+00  }
0x1e2: {  	v20 =	vsel vm12, v4, v3;
	v29 =	vsel vm14, v4, v3;
	vm5 =	vmor vm11, vm5  }
0x1e3: {  	v30 =	vsel vm7, v9, v8;
	v27 =	vsel vm5, v27, v28;
	vm5 =	vgt.f32 v22, v10  }
.Ltmp4:
0x1e4: {  	vm7 =	vgt.f32 v22, v14;
	v28 =	vsel vm10, v2, v1;
	v27 =	vmul.f32 v27, v18;
	(pc) =	sbr.rel @p0 .LBB2_10-.Ltmp4, $4  }
0x1e5: {  	vm12 =	vgt.f32 v21, $0.0e+00;
	vm11 =	vgt.f32 v19, $0.0e+00;
	vm10 =	vgt.f32 v33, v16  }
0x1e6: {  	v25 =	vor.u32 v25, v0;
	v31 =	vsel vm10, v9, v8;
	v29 =	vsel vm5, v29, v28  }
0x1e7: {  	v32 =	vsel vm13, v7, v6;
	vm10 =	vgt.f32 v33, v15;
	v28 =	vand.u32 $0x7FFFFFFF, v19  }
0x1e8: {  	s1 =	sadd.s32 $0x40, s1;
	s16 =	smov.u32 s2;
	vm5 =	vgt.f32 v33, v13;
	v33 =	vsel vm6, v7, v6;
	vm6 =	vgt.f32 v28, v13  }
0x1e9: {  	vm12 =	vmor vm12, vm9;
	vm9 =	vgt.f32 v28, v14  }
0x1ea: {  	vm13 =	vlt.f32 v19, $0.0e+00;
	v34 =	vsel vm8, v7, v6;
	vm8 =	vgt.f32 v28, v16  }
0x1eb: {  	v26 =	vor.u32 v26, v0;
	vm11 =	vmor vm11, vm13;
	v30 =	vsel vm3, v30, v34  }
0x1ec: {  	vm3 =	vgt.f32 v28, v15;
	v21 =	vsel vm12, v26, v21;
	v26 =	vand.u32 $0x80000000, v17  }
0x1ed: {  	vm12 =	vgt.f32 v28, v10;
	v23 =	vsel vm4, v30, v23;
	vm4 =	vgt.f32 v22, v15  }
0x1ee: {  	v22 =	vsel vm10, v31, v33;
	v26 =	vor.u32 v26, v0;
	v21 =	vmul.f32 v21, v18  }
0x1ef: {  	vm10 =	vgt.f32 v28, v11;
	v19 =	vsel vm11, v25, v19;
	v24 =	vsel vm4, v24, v32  }
0x1f0: {  	v23 =	vmul.f32 v23, v27;
	vm4 =	vlt.f32 v17, $0.0e+00;
	v27 =	vsel vm8, v9, v8  }
0x1f1: {  	v19 =	vmul.f32 v19, v18;
	v24 =	vsel vm7, v24, v29;
	vm7 =	vgt.f32 v28, v12  }
0x1f2: {  	v28 =	vsel vm10, v4, v3;
	vm0 =	vmor vm0, vm4;
	v25 =	vsel vm7, v7, v6  }
0x1f3: {  	v17 =	vsel vm0, v26, v17;
	v26 =	vsel vm6, v2, v1;
	v25 =	vsel vm3, v27, v25  }
0x1f4: {  	v27 =	vsel vm5, v2, v1;
	v17 =	vmul.f32 v17, v18;
	v18 =	vsel vm12, v28, v26  }
0x1f5: {  	s1 =	simm.s32 $0x0;
	s2 =	simm.s32 $0x0;
	v21 =	vmul.f32 v24, v21;
	v20 =	vsel vm2, v20, v27;
	v18 =	vsel vm9, v25, v18  }
0x1f6: {  	s1 =	sand.u32 $0x7, s1;
	s2 =	smul.u32 $0xC00, s2;
	[tilespmem:s0+$0x14800] =	vst v23;
	v20 =	vsel vm1, v22, v20;
	v18 =	vmul.f32 v18, v19  }
0x1f7: {  	s4 =	simm.s32 $0x0;
	s5 =	sshll.u32 s1, $0x7;
	[tilespmem:s0+$0x14820] =	vst v21;
	v17 =	vmul.f32 v20, v17  }
0x1f8: {  	s4 =	sand.u32 $0x40, s4;
	s2 =	sor.u32 s5, s2;
	[tilespmem:s0+$0x14830] =	vst v18  }
0x1f9: {  	[tilespmem:s0+$0x14810] =	vst v17;
	s0 =	sor.u32 s4, s2  }
0x1fa: {  	v18 =	vld [tilespmem:s0+$0x14C30]  }
0x1fb: {  	v17 =	vld [tilespmem:s0+$0x14C10]  }
0x1fc: {  	v19 =	vld [tilespmem:s0+$0x7400]  }
0x1fd: {  	s31 =	simm.s32 $0x0;
	v20 =	vld [tilespmem:s0+$0x14C00]  }
0x1fe: {  	s1 =	sshll.u32 s1, $0x4;
	s2 =	sand.u32 $0x3FFFFF80, s31;
	v21 =	vld [tilespmem:s0+$0x7410]  }
0x1ff: {  	s1 =	sor.u32 s1, s2;
	v22 =	vld [tilespmem:s0+$0x7430]  }
0x200: {  	v23 =	vld [tilespmem:s1+$0x1B480];
	_ =	sdelay $0x2  }
0x201: {  	v25 =	vmul.f32 v20, v19  }
0x202: {  	v17 =	vmul.f32 v17, v21  }
0x203: {  	v19 =	vmul.f32 v18, v22;
	v18 =	vmul.f32 v23, v5;
	v26 =	vand.u32 $0x7FFFFFFF, v25  }
0x204: {  	v24 =	vld [tilespmem:s0+$0x14C20];
	v27 =	vand.u32 $0x80000000, v25;
	vm5 =	vlt.f32 v25, $0.0e+00;
	vm0 =	vgt.f32 v17, $0.0e+00  }
0x205: {  	v20 =	vld [tilespmem:s0+$0x7420];
	v28 =	vand.u32 $0x80000000, v19;
	v63 =	vand.u32 $0x7FFFFFFF, v17;
	vm2 =	vgt.f32 v26, v10  }
0x206: {  	vm3 =	vgt.f32 v26, v15;
	vm1 =	vgt.f32 v26, v11;
	vm4 =	vgt.f32 v26, v14  }
0x207: {  	vm6 =	vgt.f32 v26, v16;
	v27 =	vor.u32 v27, v0;
	vm8 =	vgt.f32 v26, v12  }
0x208: {  	vm14 =	vgt.f32 v63, v12;
	vm11 =	vgt.f32 v63, v11;
	v23 =	vsel vm1, v4, v3  }
0x209: {  	vm1 =	vgt.f32 v26, v13;
	v30 =	vsel vm6, v9, v8;
	vm6 =	vgt.f32 v63, v16  }
0x20a: {  	v33 =	vsel vm14, v7, v6;
	v21 =	vmul.f32 v24, v20;
	v20 =	vsel vm1, v2, v1  }
0x20b: {  	vm1 =	vgt.f32 v63, v14;
	v31 =	vsel vm6, v9, v8;
	v23 =	vsel vm2, v23, v20  }
0x20c: {  	vm2 =	vgt.f32 v63, v10;
	v20 =	vsel vm11, v4, v3;
	vm11 =	vgt.f32 v19, $0.0e+00  }
0x20d: {  	v22 =	vand.u32 $0x7FFFFFFF, v21;
	vm9 =	vlt.f32 v21, $0.0e+00;
	v26 =	vand.u32 $0x80000000, v21  }
0x20e: {  	vm7 =	vgt.f32 v22, v13;
	vm13 =	vgt.f32 v22, v12;
	vm10 =	vgt.f32 v22, v16  }
0x20f: {  	vm12 =	vgt.f32 v22, v11;
	v24 =	vsel vm10, v9, v8;
	vm10 =	vgt.f32 v25, $0.0e+00  }
0x210: {  	v29 =	vsel vm12, v4, v3;
	vm12 =	vgt.f32 v21, $0.0e+00;
	vm5 =	vmor vm10, vm5  }
0x211: {  	v32 =	vsel vm13, v7, v6;
	vm10 =	vgt.f32 v63, v15;
	v25 =	vsel vm5, v27, v25  }
0x212: {  	vm5 =	vgt.f32 v22, v10;
	v27 =	vmul.f32 v25, v18;
	v25 =	vsel vm7, v2, v1  }
0x213: {  	v29 =	vsel vm5, v29, v25;
	v25 =	vor.u32 v28, v0;
	v28 =	vand.u32 $0x7FFFFFFF, v19  }
0x214: {  	s4 =	simm.s32 $0x1;
	s1 =	simm.s32 $0x40;
	vm7 =	vgt.f32 v22, v14;
	vm5 =	vgt.f32 v63, v13;
	vm6 =	vgt.f32 v28, v13  }
.LBB2_12:
0x215: {  	s5 =	sshrl.u32 s4, $0x1  }
0x216: {  	s6 =	sshrl.u32 s4, $0x4;
	vm12 =	vmor vm12, vm9;
	vm9 =	vgt.f32 v28, v14;
	vm13 =	vlt.f32 v19, $0.0e+00;
	s17 =	smov.u32 s4;
	s2 =	sadd.s32 $0x1, s4  }
0x217: {  	p0 =	sne.s32 s4, $0x8F;
	v34 =	vsel vm8, v7, v6;
	vm8 =	vgt.f32 v28, v16;
	s5 =	sand.u32 $0x7, s5;
	s6 =	smul.u32 $0xC00, s6;
	vm11 =	vmor vm11, vm13  }
0x218: {  	v26 =	vor.u32 v26, v0;
	v30 =	vsel vm3, v30, v34;
	vm3 =	vgt.f32 v28, v15;
	s4 =	sshll.u32 s5, $0x7;
	s5 =	sshll.u32 s5, $0x4  }
0x219: {  	v21 =	vsel vm12, v26, v21;
	v23 =	vsel vm4, v30, v23;
	vm4 =	vgt.f32 v22, v15;
	s4 =	sor.u32 s4, s6;
	s6 =	sand.u32 $0x40, s1  }
0x21a: {  	v26 =	vand.u32 $0x80000000, v17;
	v22 =	vsel vm10, v31, v33;
	v24 =	vsel vm4, v24, v32;
	s16 =	sor.u32 s6, s4  }
0x21b: {  	v26 =	vor.u32 v26, v0;
	v21 =	vmul.f32 v21, v18;
	v23 =	vmul.f32 v23, v27;
	v30 =	vld [tilespmem:s16+$0x14C30]  }
0x21c: {  	vm4 =	vlt.f32 v17, $0.0e+00;
	s4 =	sshll.u32 s17, $0x3;
	v24 =	vsel vm7, v24, v29;
	vm7 =	vgt.f32 v28, v12;
	v27 =	vld [tilespmem:s16+$0x14C10]  }
0x21d: {  	vm12 =	vgt.f32 v28, v10;
	vm10 =	vgt.f32 v28, v11;
	v19 =	vsel vm11, v25, v19;
	s4 =	sand.u32 $0x3FFFFF80, s4;
	v29 =	vld [tilespmem:s16+$0x7400];
	[tilespmem:s0+$0x14C00] =	vst v23  }
0x21e: {  	v31 =	vsel vm8, v9, v8;
	v25 =	vsel vm10, v4, v3;
	v28 =	vsel vm7, v7, v6;
	s4 =	sor.u32 s5, s4;
	v23 =	vld [tilespmem:s16+$0x14C00]  }
0x21f: {  	v19 =	vmul.f32 v19, v18;
	vm0 =	vmor vm0, vm4;
	v28 =	vsel vm3, v31, v28;
	v32 =	vld [tilespmem:s16+$0x7410]  }
0x220: {  	v33 =	vsel vm5, v2, v1;
	v17 =	vsel vm0, v26, v17;
	v26 =	vsel vm6, v2, v1;
	v31 =	vld [tilespmem:s16+$0x7430]  }
0x221: {  	v20 =	vsel vm2, v20, v33;
	v17 =	vmul.f32 v17, v18;
	v18 =	vsel vm12, v25, v26;
	v34 =	vld [tilespmem:s4+$0x1B480]  }
0x222: {  	v20 =	vsel vm1, v22, v20;
	v21 =	vmul.f32 v24, v21;
	v18 =	vsel vm9, v28, v18;
	v25 =	vld [tilespmem:s16+$0x14C20]  }
0x223: {  	v20 =	vmul.f32 v20, v17;
	v28 =	vmul.f32 v23, v29;
	v22 =	vld [tilespmem:s16+$0x7420]  }
0x224: {  	v18 =	vmul.f32 v18, v19;
	v17 =	vmul.f32 v27, v32;
	[tilespmem:s0+$0x14C20] =	vst v21  }
0x225: {  	v24 =	vand.u32 $0x7FFFFFFF, v28;
	v23 =	vand.u32 $0x80000000, v28;
	vm5 =	vlt.f32 v28, $0.0e+00;
	[tilespmem:s0+$0x14C10] =	vst v20  }
0x226: {  	v19 =	vmul.f32 v30, v31;
	vm2 =	vgt.f32 v24, v10;
	vm3 =	vgt.f32 v24, v15;
	[tilespmem:s0+$0x14C30] =	vst v18;
	s0 =	smov.u32 s16  }
0x227: {  	v18 =	vmul.f32 v34, v5;
	vm1 =	vgt.f32 v24, v11;
	vm0 =	vgt.f32 v17, $0.0e+00  }
0x228: {  	vm4 =	vgt.f32 v24, v14;
	v20 =	vsel vm1, v4, v3;
	v21 =	vmul.f32 v25, v22  }
0x229: {  	vm7 =	vgt.f32 v24, v16;
	vm1 =	vgt.f32 v24, v13;
	v25 =	vand.u32 $0x80000000, v19  }
0x22a: {  	v27 =	vor.u32 v23, v0;
	v33 =	vand.u32 $0x7FFFFFFF, v17;
	v22 =	vand.u32 $0x7FFFFFFF, v21  }
0x22b: {  	v23 =	vsel vm1, v2, v1;
	vm1 =	vgt.f32 v33, v14;
	vm9 =	vlt.f32 v21, $0.0e+00  }
0x22c: {  	v23 =	vsel vm2, v20, v23;
	vm2 =	vgt.f32 v33, v10;
	vm10 =	vgt.f32 v22, v13  }
0x22d: {  	vm8 =	vgt.f32 v24, v12;
	vm13 =	vgt.f32 v22, v12;
	vm11 =	vgt.f32 v22, v16  }
0x22e: {  	vm6 =	vgt.f32 v33, v12;
	v26 =	vand.u32 $0x80000000, v21;
	v24 =	vsel vm11, v9, v8  }
0x22f: {  	vm12 =	vgt.f32 v33, v11;
	vm14 =	vgt.f32 v22, v11;
	vm11 =	vgt.f32 v28, $0.0e+00  }
0x230: {  	v20 =	vsel vm12, v4, v3;
	v29 =	vsel vm14, v4, v3;
	vm5 =	vmor vm11, vm5  }
0x231: {  	v30 =	vsel vm7, v9, v8;
	v27 =	vsel vm5, v27, v28;
	vm5 =	vgt.f32 v22, v10  }
.Ltmp5:
0x232: {  	vm7 =	vgt.f32 v22, v14;
	v28 =	vsel vm10, v2, v1;
	v27 =	vmul.f32 v27, v18;
	(pc) =	sbr.rel @p0 .LBB2_12-.Ltmp5, $4  }
0x233: {  	vm12 =	vgt.f32 v21, $0.0e+00;
	vm11 =	vgt.f32 v19, $0.0e+00;
	vm10 =	vgt.f32 v33, v16  }
0x234: {  	v25 =	vor.u32 v25, v0;
	v31 =	vsel vm10, v9, v8;
	v29 =	vsel vm5, v29, v28  }
0x235: {  	v32 =	vsel vm13, v7, v6;
	vm10 =	vgt.f32 v33, v15;
	v28 =	vand.u32 $0x7FFFFFFF, v19  }
0x236: {  	s1 =	sadd.s32 $0x40, s1;
	s4 =	smov.u32 s2;
	vm5 =	vgt.f32 v33, v13;
	v33 =	vsel vm6, v7, v6;
	vm6 =	vgt.f32 v28, v13  }
0x237: {  	vm12 =	vmor vm12, vm9;
	vm9 =	vgt.f32 v28, v14  }
0x238: {  	vm13 =	vlt.f32 v19, $0.0e+00;
	v34 =	vsel vm8, v7, v6;
	vm8 =	vgt.f32 v28, v16  }
0x239: {  	v26 =	vor.u32 v26, v0;
	vm11 =	vmor vm11, vm13;
	v30 =	vsel vm3, v30, v34  }
0x23a: {  	vm3 =	vgt.f32 v28, v15;
	v21 =	vsel vm12, v26, v21;
	v26 =	vand.u32 $0x80000000, v17  }
0x23b: {  	vm12 =	vgt.f32 v28, v10;
	v23 =	vsel vm4, v30, v23;
	vm4 =	vgt.f32 v22, v15  }
0x23c: {  	v22 =	vsel vm10, v31, v33;
	v26 =	vor.u32 v26, v0;
	v21 =	vmul.f32 v21, v18  }
0x23d: {  	vm10 =	vgt.f32 v28, v11;
	v19 =	vsel vm11, v25, v19;
	v24 =	vsel vm4, v24, v32  }
0x23e: {  	v23 =	vmul.f32 v23, v27;
	vm4 =	vlt.f32 v17, $0.0e+00;
	v27 =	vsel vm8, v9, v8  }
0x23f: {  	v19 =	vmul.f32 v19, v18;
	v24 =	vsel vm7, v24, v29;
	vm7 =	vgt.f32 v28, v12  }
0x240: {  	v28 =	vsel vm10, v4, v3;
	vm0 =	vmor vm0, vm4;
	v25 =	vsel vm7, v7, v6  }
0x241: {  	v17 =	vsel vm0, v26, v17;
	v26 =	vsel vm6, v2, v1;
	v25 =	vsel vm3, v27, v25  }
0x242: {  	v27 =	vsel vm5, v2, v1;
	v17 =	vmul.f32 v17, v18;
	v18 =	vsel vm12, v28, v26  }
0x243: {  	v21 =	vmul.f32 v24, v21;
	v20 =	vsel vm2, v20, v27;
	v18 =	vsel vm9, v25, v18  }
0x244: {  	[tilespmem:s0+$0x14C00] =	vst v23;
	v20 =	vsel vm1, v22, v20;
	v18 =	vmul.f32 v18, v19  }
0x245: {  	[tilespmem:s0+$0x14C20] =	vst v21;
	v17 =	vmul.f32 v20, v17  }
0x246: {  	[tilespmem:s0+$0x14C30] =	vst v18  }
0x247: {  	s5 =	simm.s32 $0x0;
	s1 =	simm.s32 $0x14400;
	[tilespmem:s0+$0x14C10] =	vst v17  }
0x248: {  	[hbm4b:s12+s5] =	stream.linear.scatter [tilespmem:s1], [sflag:$0x6], $0x6C00, $0x38;
	[tilespmem:$0x1BE00] =	vst v63  }
0x249: {  	_ =	swait.ge [sflag:s22], $0x6C00  }
0x24a: {  	s6 =	simm.s32 $0x0;
	s2 =	simm.s32 $0x0;
	[sflag:s22] =	ssyncset.done $0x0  }
0x24b: {  	s4 =	sand.u32 $0x7, s6;
	s30 =	smul.u32 $0xC00, s2;
	[sflag:s22] =	ssyncadd.s32 $0xFFFF9400  }
0x24c: {  	s1 =	sshll.u32 s4, $0x7;
	_ =	swait.ge [sflag:s23], $0x6C00  }
0x24d: {  	s0 =	sand.u32 $0x40, s5;
	s2 =	sor.u32 s30, s1;
	[sflag:s23] =	ssyncset.done $0x0  }
0x24e: {  	s5 =	simm.s32 $0x0;
	s18 =	sor.u32 s0, s2;
	[sflag:s23] =	ssyncadd.s32 $0xFFFF9400  }
0x24f: {  	s31 =	sshll.u32 s4, $0x4;
	s16 =	sand.u32 $0x3FFFFF80, s5;
	v17 =	vld [tilespmem:s18+$0x30]  }
0x250: {  	s2 =	sor.u32 s31, s16;
	v18 =	vld [tilespmem:s18+$0xD830]  }
0x251: {  	v19 =	vld [tilespmem:s2+$0x1B900]  }
0x252: {  	v25 =	vld [tilespmem:s18+$0x20]  }
0x253: {  	v26 =	vld [tilespmem:s18+$0xD820];
	_ =	sdelay $0x2  }
0x254: {  	v18 =	vmul.f32 v18, v17;
	_ =	sdelay $0x1  }
0x255: {  	v20 =	vld [tilespmem:s18+$0x0];
	v17 =	vmul.f32 v19, v5;
	v63 =	vmul.f32 v26, v25;
	v22 =	vand.u32 $0x7FFFFFFF, v18  }
0x256: {  	v21 =	vld [tilespmem:s18+$0xD800];
	v23 =	vand.u32 $0x80000000, v18;
	vm0 =	vlt.f32 v18, $0.0e+00;
	vm3 =	vgt.f32 v18, $0.0e+00  }
0x257: {  	v24 =	vld [tilespmem:s18+$0xD810];
	vm1 =	vgt.f32 v22, v10;
	vm2 =	vgt.f32 v22, v14;
	vm4 =	vgt.f32 v22, v13  }
0x258: {  	v19 =	vld [tilespmem:s18+$0x10];
	vm5 =	vgt.f32 v22, v11;
	vm6 =	vgt.f32 v22, v15;
	vm7 =	vgt.f32 v22, v12  }
0x259: {  	vm15 =	vgt.f32 v22, v16;
	v22 =	vor.u32 v23, v0;
	vm0 =	vmor vm3, vm0  }
0x25a: {  	v23 =	vsel vm4, v2, v1;
	v27 =	vsel vm5, v4, v3;
	v28 =	vsel vm7, v7, v6  }
0x25b: {  	v29 =	vsel vm15, v9, v8;
	v18 =	vsel vm0, v22, v18;
	vm4 =	vlt.f32 v63, $0.0e+00  }
0x25c: {  	vm5 =	vgt.f32 v63, $0.0e+00;
	v22 =	vsel vm1, v27, v23;
	v18 =	vmul.f32 v18, v17  }
0x25d: {  	v23 =	vsel vm6, v29, v28;
	v27 =	vmul.f32 v21, v20;
	v30 =	vmul.f32 v24, v19  }
0x25e: {  	v20 =	vand.u32 $0x7FFFFFFF, v63;
	vm4 =	vmor vm5, vm4;
	v19 =	vsel vm2, v23, v22  }
0x25f: {  	v23 =	vand.u32 $0x80000000, v63;
	vm13 =	vgt.f32 v20, v11;
	vm14 =	vgt.f32 v20, v12  }
0x260: {  	vm15 =	vgt.f32 v20, v16;
	v36 =	vmul.f32 v19, v18;
	v18 =	vand.u32 $0x7FFFFFFF, v27  }
0x261: {  	v21 =	vand.u32 $0x80000000, v27;
	vm0 =	vlt.f32 v27, $0.0e+00;
	vm1 =	vgt.f32 v27, $0.0e+00  }
0x262: {  	v19 =	vand.u32 $0x7FFFFFFF, v30;
	v22 =	vand.u32 $0x80000000, v30;
	vm2 =	vlt.f32 v30, $0.0e+00  }
0x263: {  	vm3 =	vgt.f32 v30, $0.0e+00;
	v35 =	vor.u32 v23, v0;
	v33 =	vsel vm14, v7, v6  }
0x264: {  	vm6 =	vgt.f32 v18, v13;
	vm7 =	vgt.f32 v18, v11;
	vm8 =	vgt.f32 v18, v12  }
0x265: {  	vm9 =	vgt.f32 v18, v16;
	v26 =	vor.u32 v21, v0;
	vm0 =	vmor vm1, vm0  }
0x266: {  	vm1 =	vgt.f32 v19, v13;
	vm10 =	vgt.f32 v19, v11;
	vm11 =	vgt.f32 v19, v12  }
0x267: {  	vm12 =	vgt.f32 v19, v16;
	v31 =	vor.u32 v22, v0;
	vm2 =	vmor vm3, vm2  }
0x268: {  	vm3 =	vgt.f32 v20, v13;
	v34 =	vsel vm4, v35, v63;
	v35 =	vsel vm15, v9, v8  }
0x269: {  	vm4 =	vgt.f32 v18, v15;
	vm5 =	vgt.f32 v19, v15;
	v21 =	vsel vm6, v2, v1  }
0x26a: {  	s17 =	simm.s32 $0x0;
	s19 =	simm.s32 $0x0;
	v23 =	vsel vm7, v4, v3;
	v24 =	vsel vm8, v7, v6;
	v25 =	vsel vm9, v9, v8  }
0x26b: {  	s4 =	sand.u32 $0x7, s17;
	s5 =	smul.u32 $0xC00, s19;
	v26 =	vsel vm0, v26, v27;
	v22 =	vsel vm1, v2, v1;
	v27 =	vsel vm10, v4, v3  }
0x26c: {  	s6 =	sshll.u32 s4, $0x7;
	s2 =	simm.s32 $0x40;
	v28 =	vsel vm11, v7, v6;
	v29 =	vsel vm12, v9, v8;
	v32 =	vsel vm2, v31, v30  }
0x26d: {  	s16 =	simm.s32 $0x1;
	s6 =	sor.u32 s5, s6;
	s17 =	sand.u32 $0x40, s2;
	v30 =	vsel vm3, v2, v1;
	v31 =	vsel vm13, v4, v3;
	vm3 =	vgt.f32 v18, v10  }
0x26e: {  	s5 =	simm.s32 $0x8;
	s19 =	sor.u32 s17, s6;
	s17 =	simm.s32 $0x2;
	vm0 =	vgt.f32 v19, v10;
	[tilespmem:s18+$0xD830] =	vst v36;
	vm1 =	vgt.f32 v20, v10;
	vm2 =	vgt.f32 v20, v15  }
.LBB2_14:
0x26f: {  	p0 =	sne.s32 s17, $0x8F;
	s5 =	sand.u32 $0x3FFFFF80, s5;
	s4 =	sshll.u32 s4, $0x4;
	v36 =	vld [tilespmem:s19+$0x30];
	v21 =	vsel vm3, v23, v21;
	v23 =	vsel vm4, v25, v24;
	v24 =	vmul.f32 v26, v17  }
0x270: {  	v22 =	vsel vm0, v27, v22;
	v26 =	vsel vm5, v29, v28;
	v27 =	vmul.f32 v32, v17;
	s4 =	sor.u32 s4, s5;
	v25 =	vld [tilespmem:s19+$0xD830]  }
0x271: {  	v29 =	vsel vm1, v31, v30;
	v30 =	vsel vm2, v35, v33;
	v17 =	vmul.f32 v34, v17;
	v28 =	vld [tilespmem:s4+$0x1B900]  }
0x272: {  	vm0 =	vgt.f32 v18, v14;
	vm1 =	vgt.f32 v19, v14;
	vm2 =	vgt.f32 v20, v14;
	v31 =	vld [tilespmem:s19+$0x0]  }
0x273: {  	v19 =	vsel vm0, v23, v21;
	v20 =	vsel vm1, v26, v22;
	v21 =	vsel vm2, v30, v29;
	v18 =	vld [tilespmem:s19+$0xD800]  }
0x274: {  	v19 =	vmul.f32 v19, v24;
	v20 =	vmul.f32 v20, v27;
	v22 =	vld [tilespmem:s19+$0x10]  }
0x275: {  	v21 =	vmul.f32 v21, v17;
	v23 =	vld [tilespmem:s19+$0xD810];
	v24 =	vmul.f32 v25, v36  }
0x276: {  	v17 =	vmul.f32 v28, v5;
	v25 =	vld [tilespmem:s19+$0x20];
	[tilespmem:s18+$0xD800] =	vst v19  }
0x277: {  	v19 =	vld [tilespmem:s19+$0xD820];
	v26 =	vand.u32 $0x7FFFFFFF, v24;
	v27 =	vand.u32 $0x80000000, v24;
	vm0 =	vlt.f32 v24, $0.0e+00;
	[tilespmem:s18+$0xD810] =	vst v20  }
0x278: {  	vm3 =	vgt.f32 v24, $0.0e+00;
	vm1 =	vgt.f32 v26, v10;
	vm2 =	vgt.f32 v26, v14;
	[tilespmem:s18+$0xD820] =	vst v21;
	s18 =	smov.u32 s19  }
0x279: {  	vm4 =	vgt.f32 v26, v13;
	vm5 =	vgt.f32 v26, v11;
	vm6 =	vgt.f32 v26, v15  }
0x27a: {  	vm7 =	vgt.f32 v26, v12;
	vm8 =	vgt.f32 v26, v16;
	v20 =	vor.u32 v27, v0  }
0x27b: {  	vm0 =	vmor vm3, vm0;
	v21 =	vsel vm4, v2, v1;
	v26 =	vsel vm5, v4, v3  }
0x27c: {  	v27 =	vsel vm7, v7, v6;
	v28 =	vsel vm8, v9, v8;
	v20 =	vsel vm0, v20, v24  }
0x27d: {  	v21 =	vsel vm1, v26, v21;
	v24 =	vsel vm6, v28, v27;
	v20 =	vmul.f32 v20, v17  }
0x27e: {  	v26 =	vmul.f32 v18, v31;
	v30 =	vmul.f32 v23, v22;
	v18 =	vsel vm2, v24, v21  }
0x27f: {  	v34 =	vmul.f32 v19, v25;
	v20 =	vmul.f32 v18, v20  }
0x280: {  	v18 =	vand.u32 $0x7FFFFFFF, v26;
	v21 =	vand.u32 $0x80000000, v26;
	vm0 =	vlt.f32 v26, $0.0e+00  }
0x281: {  	vm1 =	vgt.f32 v26, $0.0e+00;
	v19 =	vand.u32 $0x7FFFFFFF, v30;
	v22 =	vand.u32 $0x80000000, v30;
	[tilespmem:s18+$0xD830] =	vst v20  }
0x282: {  	vm2 =	vlt.f32 v30, $0.0e+00;
	vm3 =	vgt.f32 v30, $0.0e+00;
	v20 =	vand.u32 $0x7FFFFFFF, v34  }
0x283: {  	v23 =	vand.u32 $0x80000000, v34;
	vm4 =	vlt.f32 v34, $0.0e+00;
	vm5 =	vgt.f32 v34, $0.0e+00  }
0x284: {  	vm6 =	vgt.f32 v18, v13;
	vm7 =	vgt.f32 v18, v11;
	vm8 =	vgt.f32 v18, v12  }
0x285: {  	vm9 =	vgt.f32 v18, v16;
	v27 =	vor.u32 v21, v0;
	vm0 =	vmor vm1, vm0  }
0x286: {  	vm1 =	vgt.f32 v19, v13;
	vm10 =	vgt.f32 v19, v11;
	vm11 =	vgt.f32 v19, v12  }
0x287: {  	vm12 =	vgt.f32 v19, v16;
	v31 =	vor.u32 v22, v0;
	vm2 =	vmor vm3, vm2  }
0x288: {  	vm3 =	vgt.f32 v20, v13;
	vm13 =	vgt.f32 v20, v11;
	vm14 =	vgt.f32 v20, v12  }
0x289: {  	v36 =	vor.u32 v23, v0;
	vm4 =	vmor vm5, vm4;
	vm15 =	vgt.f32 v20, v16  }
0x28a: {  	v21 =	vsel vm6, v2, v1;
	v24 =	vsel vm8, v7, v6;
	v23 =	vsel vm7, v4, v3  }
0x28b: {  	v25 =	vsel vm9, v9, v8;
	v26 =	vsel vm0, v27, v26;
	v22 =	vsel vm1, v2, v1  }
.Ltmp6:
0x28c: {  	s5 =	sshrl.u32 s17, $0x4;
	s4 =	sshrl.u32 s17, $0x1;
	v27 =	vsel vm10, v4, v3;
	v28 =	vsel vm11, v7, v6;
	v29 =	vsel vm12, v9, v8;
	(pc) =	sbr.rel @p0 .LBB2_14-.Ltmp6, $4  }
0x28d: {  	s5 =	smul.u32 $0xC00, s5;
	s4 =	sand.u32 $0x7, s4;
	v32 =	vsel vm2, v31, v30;
	v30 =	vsel vm3, v2, v1;
	v31 =	vsel vm13, v4, v3  }
0x28e: {  	s2 =	sadd.s32 $0x40, s2;
	s6 =	sshll.u32 s4, $0x7;
	v34 =	vsel vm4, v36, v34;
	v33 =	vsel vm14, v7, v6;
	v35 =	vsel vm15, v9, v8  }
0x28f: {  	s6 =	sor.u32 s5, s6;
	s19 =	sand.u32 $0x40, s2;
	vm0 =	vgt.f32 v19, v10;
	vm4 =	vgt.f32 v18, v15;
	vm3 =	vgt.f32 v18, v10  }
0x290: {  	s5 =	sshll.u32 s17, $0x3;
	s17 =	sadd.s32 $0x1, s17;
	s19 =	sor.u32 s19, s6;
	vm5 =	vgt.f32 v19, v15;
	vm1 =	vgt.f32 v20, v10;
	vm2 =	vgt.f32 v20, v15  }
0x291: {  	v36 =	vld [tilespmem:s19+$0x30];
	v21 =	vsel vm3, v23, v21  }
0x292: {  	v23 =	vsel vm4, v25, v24;
	v25 =	vld [tilespmem:s19+$0xD830];
	v22 =	vsel vm0, v27, v22;
	vm0 =	vgt.f32 v18, v14  }
0x293: {  	s2 =	sand.u32 $0x3FFFFF80, s5;
	s4 =	sshll.u32 s4, $0x4;
	v18 =	vsel vm0, v23, v21;
	vm0 =	vgt.f32 v20, v14;
	v20 =	vld [tilespmem:s19+$0x0]  }
0x294: {  	v24 =	vmul.f32 v26, v17;
	v26 =	vsel vm5, v29, v28;
	s2 =	sor.u32 s4, s2;
	v23 =	vld [tilespmem:s19+$0xD800]  }
0x295: {  	v27 =	vmul.f32 v32, v17;
	v29 =	vsel vm1, v31, v30;
	vm1 =	vgt.f32 v19, v14;
	v28 =	vld [tilespmem:s2+$0x1B900]  }
0x296: {  	v19 =	vsel vm1, v26, v22;
	v18 =	vmul.f32 v18, v24;
	v24 =	vld [tilespmem:s19+$0x10]  }
0x297: {  	v30 =	vsel vm2, v35, v33;
	v17 =	vmul.f32 v34, v17;
	v19 =	vmul.f32 v19, v27;
	v27 =	vld [tilespmem:s19+$0xD810]  }
0x298: {  	v21 =	vsel vm0, v30, v29;
	v22 =	vmul.f32 v25, v36  }
0x299: {  	v17 =	vmul.f32 v21, v17  }
0x29a: {  	v20 =	vmul.f32 v23, v20;
	v21 =	vmul.f32 v28, v5;
	v25 =	vand.u32 $0x7FFFFFFF, v22  }
0x29b: {  	v26 =	vand.u32 $0x80000000, v22;
	vm0 =	vlt.f32 v22, $0.0e+00;
	vm3 =	vgt.f32 v22, $0.0e+00  }
0x29c: {  	v23 =	vmul.f32 v27, v24;
	vm1 =	vgt.f32 v25, v10;
	vm2 =	vgt.f32 v25, v14  }
0x29d: {  	vm4 =	vgt.f32 v25, v13;
	vm5 =	vgt.f32 v25, v11;
	vm6 =	vgt.f32 v25, v15  }
0x29e: {  	vm7 =	vgt.f32 v25, v12;
	vm8 =	vgt.f32 v25, v16;
	v25 =	vor.u32 v26, v0  }
0x29f: {  	vm0 =	vmor vm3, vm0;
	v26 =	vsel vm4, v2, v1;
	v30 =	vsel vm5, v4, v3  }
0x2a0: {  	v29 =	vld [tilespmem:s19+$0xD820];
	v31 =	vsel vm7, v7, v6;
	v54 =	vsel vm8, v9, v8;
	v22 =	vsel vm0, v25, v22  }
0x2a1: {  	v28 =	vld [tilespmem:s19+$0x20];
	vm0 =	vlt.f32 v20, $0.0e+00;
	v27 =	vand.u32 $0x7FFFFFFF, v23;
	vm3 =	vgt.f32 v23, $0.0e+00  }
0x2a2: {  	v25 =	vsel vm1, v30, v26;
	v26 =	vsel vm6, v54, v31;
	v22 =	vmul.f32 v22, v21  }
0x2a3: {  	vm1 =	vgt.f32 v20, $0.0e+00;
	vm10 =	vgt.f32 v27, v11;
	vm11 =	vgt.f32 v27, v12  }
0x2a4: {  	vm12 =	vgt.f32 v27, v16;
	v24 =	vsel vm2, v26, v25;
	v26 =	vand.u32 $0x80000000, v20  }
0x2a5: {  	vm2 =	vlt.f32 v23, $0.0e+00;
	vm0 =	vmor vm1, vm0;
	vm1 =	vgt.f32 v27, v13  }
0x2a6: {  	v58 =	vsel vm10, v4, v3;
	v59 =	vsel vm11, v7, v6;
	v25 =	vmul.f32 v29, v28  }
0x2a7: {  	v22 =	vmul.f32 v24, v22;
	v24 =	vand.u32 $0x7FFFFFFF, v20;
	v28 =	vand.u32 $0x80000000, v23  }
0x2a8: {  	v26 =	vor.u32 v26, v0;
	vm2 =	vmor vm3, vm2;
	vm6 =	vgt.f32 v24, v13  }
0x2a9: {  	vm7 =	vgt.f32 v24, v11;
	vm8 =	vgt.f32 v24, v12;
	vm9 =	vgt.f32 v24, v16  }
0x2aa: {  	v28 =	vor.u32 v28, v0;
	v20 =	vsel vm0, v26, v20;
	v26 =	vsel vm1, v2, v1  }
0x2ab: {  	vm0 =	vgt.f32 v24, v10;
	vm1 =	vgt.f32 v24, v15;
	v29 =	vand.u32 $0x7FFFFFFF, v25  }
0x2ac: {  	v30 =	vand.u32 $0x80000000, v25;
	vm4 =	vlt.f32 v25, $0.0e+00;
	vm5 =	vgt.f32 v25, $0.0e+00  }
0x2ad: {  	v31 =	vsel vm6, v2, v1;
	v55 =	vsel vm7, v4, v3;
	v56 =	vsel vm8, v7, v6  }
0x2ae: {  	v57 =	vsel vm9, v9, v8;
	v23 =	vsel vm2, v28, v23;
	v28 =	vsel vm12, v9, v8  }
0x2af: {  	v20 =	vmul.f32 v20, v21;
	vm3 =	vgt.f32 v29, v13;
	vm13 =	vgt.f32 v29, v11  }
0x2b0: {  	vm14 =	vgt.f32 v29, v12;
	vm15 =	vgt.f32 v29, v16;
	v30 =	vor.u32 v30, v0  }
0x2b1: {  	vm4 =	vmor vm5, vm4;
	v31 =	vsel vm0, v55, v31;
	vm0 =	vgt.f32 v27, v10  }
0x2b2: {  	v33 =	vsel vm1, v57, v56;
	vm1 =	vgt.f32 v29, v10;
	vm2 =	vgt.f32 v29, v15  }
0x2b3: {  	v23 =	vmul.f32 v23, v21;
	v25 =	vsel vm4, v30, v25;
	v30 =	vsel vm3, v2, v1  }
0x2b4: {  	v60 =	vsel vm13, v4, v3;
	v26 =	vsel vm0, v58, v26;
	vm0 =	vgt.f32 v27, v15  }
0x2b5: {  	v61 =	vsel vm14, v7, v6;
	v62 =	vsel vm15, v9, v8;
	v28 =	vsel vm0, v28, v59  }
0x2b6: {  	[tilespmem:s18+$0xD800] =	vst v18;
	v18 =	vsel vm1, v60, v30;
	v30 =	vsel vm2, v62, v61;
	vm0 =	vgt.f32 v24, v14  }
0x2b7: {  	[tilespmem:s18+$0xD810] =	vst v19;
	v19 =	vmul.f32 v25, v21;
	vm1 =	vgt.f32 v27, v14;
	v21 =	vsel vm0, v33, v31  }
0x2b8: {  	[tilespmem:s18+$0xD820] =	vst v17;
	vm0 =	vgt.f32 v29, v14;
	v17 =	vsel vm1, v28, v26;
	v20 =	vmul.f32 v21, v20  }
0x2b9: {  	[tilespmem:s19+$0xD830] =	vst v22;
	v18 =	vsel vm0, v30, v18;
	v17 =	vmul.f32 v17, v23  }
0x2ba: {  	v18 =	vmul.f32 v18, v19;
	[tilespmem:s19+$0xD800] =	vst v20  }
0x2bb: {  	s1 =	sor.u32 s1, s30;
	[tilespmem:s19+$0xD810] =	vst v17  }
0x2bc: {  	s0 =	sor.u32 s0, s1;
	[tilespmem:s19+$0xD820] =	vst v18  }
0x2bd: {  	v18 =	vld [tilespmem:s0+$0xDC30]  }
0x2be: {  	v17 =	vld [tilespmem:s0+$0xDC10]  }
0x2bf: {  	v19 =	vld [tilespmem:s0+$0x400]  }
0x2c0: {  	s30 =	simm.s32 $0x0;
	v20 =	vld [tilespmem:s0+$0xDC00]  }
0x2c1: {  	s1 =	sand.u32 $0x3FFFFF80, s30;
	v21 =	vld [tilespmem:s0+$0x410]  }
0x2c2: {  	s1 =	sor.u32 s31, s1;
	v22 =	vld [tilespmem:s0+$0x430]  }
0x2c3: {  	v23 =	vld [tilespmem:s1+$0x1B900];
	_ =	sdelay $0x2  }
0x2c4: {  	v25 =	vmul.f32 v20, v19  }
0x2c5: {  	v17 =	vmul.f32 v17, v21  }
0x2c6: {  	v19 =	vmul.f32 v18, v22;
	v18 =	vmul.f32 v23, v5;
	v26 =	vand.u32 $0x7FFFFFFF, v25  }
0x2c7: {  	v24 =	vld [tilespmem:s0+$0xDC20];
	v27 =	vand.u32 $0x80000000, v25;
	vm5 =	vlt.f32 v25, $0.0e+00;
	vm0 =	vgt.f32 v17, $0.0e+00  }
0x2c8: {  	v20 =	vld [tilespmem:s0+$0x420];
	v28 =	vand.u32 $0x80000000, v19;
	v63 =	vand.u32 $0x7FFFFFFF, v17;
	vm2 =	vgt.f32 v26, v10  }
0x2c9: {  	vm3 =	vgt.f32 v26, v15;
	vm1 =	vgt.f32 v26, v11;
	vm4 =	vgt.f32 v26, v14  }
0x2ca: {  	vm6 =	vgt.f32 v26, v16;
	v27 =	vor.u32 v27, v0;
	vm8 =	vgt.f32 v26, v12  }
0x2cb: {  	vm14 =	vgt.f32 v63, v12;
	vm11 =	vgt.f32 v63, v11;
	v23 =	vsel vm1, v4, v3  }
0x2cc: {  	vm1 =	vgt.f32 v26, v13;
	v30 =	vsel vm6, v9, v8;
	vm6 =	vgt.f32 v63, v16  }
0x2cd: {  	v33 =	vsel vm14, v7, v6;
	v21 =	vmul.f32 v24, v20;
	v20 =	vsel vm1, v2, v1  }
0x2ce: {  	vm1 =	vgt.f32 v63, v14;
	v31 =	vsel vm6, v9, v8;
	v23 =	vsel vm2, v23, v20  }
0x2cf: {  	vm2 =	vgt.f32 v63, v10;
	v20 =	vsel vm11, v4, v3;
	vm11 =	vgt.f32 v19, $0.0e+00  }
0x2d0: {  	v22 =	vand.u32 $0x7FFFFFFF, v21;
	vm9 =	vlt.f32 v21, $0.0e+00;
	v26 =	vand.u32 $0x80000000, v21  }
0x2d1: {  	vm7 =	vgt.f32 v22, v13;
	vm13 =	vgt.f32 v22, v12;
	vm10 =	vgt.f32 v22, v16  }
0x2d2: {  	vm12 =	vgt.f32 v22, v11;
	v24 =	vsel vm10, v9, v8;
	vm10 =	vgt.f32 v25, $0.0e+00  }
0x2d3: {  	v29 =	vsel vm12, v4, v3;
	vm12 =	vgt.f32 v21, $0.0e+00;
	vm5 =	vmor vm10, vm5  }
0x2d4: {  	v32 =	vsel vm13, v7, v6;
	vm10 =	vgt.f32 v63, v15;
	v25 =	vsel vm5, v27, v25  }
0x2d5: {  	vm5 =	vgt.f32 v22, v10;
	v27 =	vmul.f32 v25, v18;
	v25 =	vsel vm7, v2, v1  }
0x2d6: {  	v29 =	vsel vm5, v29, v25;
	v25 =	vor.u32 v28, v0;
	v28 =	vand.u32 $0x7FFFFFFF, v19  }
0x2d7: {  	s1 =	simm.s32 $0x40;
	vm7 =	vgt.f32 v22, v14;
	vm5 =	vgt.f32 v63, v13;
	vm6 =	vgt.f32 v28, v13  }
.LBB2_16:
0x2d8: {  	s4 =	sshrl.u32 s16, $0x1  }
0x2d9: {  	s5 =	sshrl.u32 s16, $0x4;
	vm12 =	vmor vm12, vm9;
	vm9 =	vgt.f32 v28, v14;
	vm13 =	vlt.f32 v19, $0.0e+00;
	s6 =	smov.u32 s16;
	s2 =	sadd.s32 $0x1, s16  }
0x2da: {  	p0 =	sne.s32 s16, $0x8F;
	v34 =	vsel vm8, v7, v6;
	vm8 =	vgt.f32 v28, v16;
	s4 =	sand.u32 $0x7, s4;
	s5 =	smul.u32 $0xC00, s5;
	vm11 =	vmor vm11, vm13  }
0x2db: {  	v26 =	vor.u32 v26, v0;
	v30 =	vsel vm3, v30, v34;
	vm3 =	vgt.f32 v28, v15;
	s16 =	sshll.u32 s4, $0x7;
	s4 =	sshll.u32 s4, $0x4  }
0x2dc: {  	v21 =	vsel vm12, v26, v21;
	v23 =	vsel vm4, v30, v23;
	vm4 =	vgt.f32 v22, v15;
	s5 =	sor.u32 s16, s5;
	s16 =	sand.u32 $0x40, s1  }
0x2dd: {  	v26 =	vand.u32 $0x80000000, v17;
	v22 =	vsel vm10, v31, v33;
	v24 =	vsel vm4, v24, v32;
	s16 =	sor.u32 s16, s5  }
0x2de: {  	v26 =	vor.u32 v26, v0;
	v21 =	vmul.f32 v21, v18;
	v23 =	vmul.f32 v23, v27;
	v30 =	vld [tilespmem:s16+$0xDC30]  }
0x2df: {  	vm4 =	vlt.f32 v17, $0.0e+00;
	s5 =	sshll.u32 s6, $0x3;
	v24 =	vsel vm7, v24, v29;
	vm7 =	vgt.f32 v28, v12;
	v27 =	vld [tilespmem:s16+$0xDC10]  }
0x2e0: {  	vm12 =	vgt.f32 v28, v10;
	vm10 =	vgt.f32 v28, v11;
	v19 =	vsel vm11, v25, v19;
	s5 =	sand.u32 $0x3FFFFF80, s5;
	v29 =	vld [tilespmem:s16+$0x400];
	[tilespmem:s0+$0xDC00] =	vst v23  }
0x2e1: {  	v31 =	vsel vm8, v9, v8;
	v25 =	vsel vm10, v4, v3;
	v28 =	vsel vm7, v7, v6;
	s4 =	sor.u32 s4, s5;
	v23 =	vld [tilespmem:s16+$0xDC00]  }
0x2e2: {  	v19 =	vmul.f32 v19, v18;
	vm0 =	vmor vm0, vm4;
	v28 =	vsel vm3, v31, v28;
	v32 =	vld [tilespmem:s16+$0x410]  }
0x2e3: {  	v33 =	vsel vm5, v2, v1;
	v17 =	vsel vm0, v26, v17;
	v26 =	vsel vm6, v2, v1;
	v31 =	vld [tilespmem:s16+$0x430]  }
0x2e4: {  	v20 =	vsel vm2, v20, v33;
	v17 =	vmul.f32 v17, v18;
	v18 =	vsel vm12, v25, v26;
	v34 =	vld [tilespmem:s4+$0x1B900]  }
0x2e5: {  	v20 =	vsel vm1, v22, v20;
	v21 =	vmul.f32 v24, v21;
	v18 =	vsel vm9, v28, v18;
	v25 =	vld [tilespmem:s16+$0xDC20]  }
0x2e6: {  	v20 =	vmul.f32 v20, v17;
	v28 =	vmul.f32 v23, v29;
	v22 =	vld [tilespmem:s16+$0x420]  }
0x2e7: {  	v18 =	vmul.f32 v18, v19;
	v17 =	vmul.f32 v27, v32;
	[tilespmem:s0+$0xDC20] =	vst v21  }
0x2e8: {  	v24 =	vand.u32 $0x7FFFFFFF, v28;
	v23 =	vand.u32 $0x80000000, v28;
	vm5 =	vlt.f32 v28, $0.0e+00;
	[tilespmem:s0+$0xDC10] =	vst v20  }
0x2e9: {  	v19 =	vmul.f32 v30, v31;
	vm2 =	vgt.f32 v24, v10;
	vm3 =	vgt.f32 v24, v15;
	[tilespmem:s0+$0xDC30] =	vst v18;
	s0 =	smov.u32 s16  }
0x2ea: {  	v18 =	vmul.f32 v34, v5;
	vm1 =	vgt.f32 v24, v11;
	vm0 =	vgt.f32 v17, $0.0e+00  }
0x2eb: {  	vm4 =	vgt.f32 v24, v14;
	v20 =	vsel vm1, v4, v3;
	v21 =	vmul.f32 v25, v22  }
0x2ec: {  	vm7 =	vgt.f32 v24, v16;
	vm1 =	vgt.f32 v24, v13;
	v25 =	vand.u32 $0x80000000, v19  }
0x2ed: {  	v27 =	vor.u32 v23, v0;
	v33 =	vand.u32 $0x7FFFFFFF, v17;
	v22 =	vand.u32 $0x7FFFFFFF, v21  }
0x2ee: {  	v23 =	vsel vm1, v2, v1;
	vm1 =	vgt.f32 v33, v14;
	vm9 =	vlt.f32 v21, $0.0e+00  }
0x2ef: {  	v23 =	vsel vm2, v20, v23;
	vm2 =	vgt.f32 v33, v10;
	vm10 =	vgt.f32 v22, v13  }
0x2f0: {  	vm8 =	vgt.f32 v24, v12;
	vm13 =	vgt.f32 v22, v12;
	vm11 =	vgt.f32 v22, v16  }
0x2f1: {  	vm6 =	vgt.f32 v33, v12;
	v26 =	vand.u32 $0x80000000, v21;
	v24 =	vsel vm11, v9, v8  }
0x2f2: {  	vm12 =	vgt.f32 v33, v11;
	vm14 =	vgt.f32 v22, v11;
	vm11 =	vgt.f32 v28, $0.0e+00  }
0x2f3: {  	v20 =	vsel vm12, v4, v3;
	v29 =	vsel vm14, v4, v3;
	vm5 =	vmor vm11, vm5  }
0x2f4: {  	v30 =	vsel vm7, v9, v8;
	v27 =	vsel vm5, v27, v28;
	vm5 =	vgt.f32 v22, v10  }
.Ltmp7:
0x2f5: {  	vm7 =	vgt.f32 v22, v14;
	v28 =	vsel vm10, v2, v1;
	v27 =	vmul.f32 v27, v18;
	(pc) =	sbr.rel @p0 .LBB2_16-.Ltmp7, $4  }
0x2f6: {  	vm12 =	vgt.f32 v21, $0.0e+00;
	vm11 =	vgt.f32 v19, $0.0e+00;
	vm10 =	vgt.f32 v33, v16  }
0x2f7: {  	v25 =	vor.u32 v25, v0;
	v31 =	vsel vm10, v9, v8;
	v29 =	vsel vm5, v29, v28  }
0x2f8: {  	v32 =	vsel vm13, v7, v6;
	vm10 =	vgt.f32 v33, v15;
	v28 =	vand.u32 $0x7FFFFFFF, v19  }
0x2f9: {  	s1 =	sadd.s32 $0x40, s1;
	s16 =	smov.u32 s2;
	vm5 =	vgt.f32 v33, v13;
	v33 =	vsel vm6, v7, v6;
	vm6 =	vgt.f32 v28, v13  }
0x2fa: {  	vm12 =	vmor vm12, vm9;
	vm9 =	vgt.f32 v28, v14  }
0x2fb: {  	vm13 =	vlt.f32 v19, $0.0e+00;
	v34 =	vsel vm8, v7, v6;
	vm8 =	vgt.f32 v28, v16  }
0x2fc: {  	v26 =	vor.u32 v26, v0;
	vm11 =	vmor vm11, vm13;
	v30 =	vsel vm3, v30, v34  }
0x2fd: {  	vm3 =	vgt.f32 v28, v15;
	v21 =	vsel vm12, v26, v21;
	v26 =	vand.u32 $0x80000000, v17  }
0x2fe: {  	vm12 =	vgt.f32 v28, v10;
	v23 =	vsel vm4, v30, v23;
	vm4 =	vgt.f32 v22, v15  }
0x2ff: {  	v22 =	vsel vm10, v31, v33;
	v26 =	vor.u32 v26, v0;
	v21 =	vmul.f32 v21, v18  }
0x300: {  	vm10 =	vgt.f32 v28, v11;
	v19 =	vsel vm11, v25, v19;
	v24 =	vsel vm4, v24, v32  }
0x301: {  	v23 =	vmul.f32 v23, v27;
	vm4 =	vlt.f32 v17, $0.0e+00;
	v27 =	vsel vm8, v9, v8  }
0x302: {  	v19 =	vmul.f32 v19, v18;
	v24 =	vsel vm7, v24, v29;
	vm7 =	vgt.f32 v28, v12  }
0x303: {  	v28 =	vsel vm10, v4, v3;
	vm0 =	vmor vm0, vm4;
	v25 =	vsel vm7, v7, v6  }
0x304: {  	v17 =	vsel vm0, v26, v17;
	v26 =	vsel vm6, v2, v1;
	v25 =	vsel vm3, v27, v25  }
0x305: {  	v27 =	vsel vm5, v2, v1;
	v17 =	vmul.f32 v17, v18;
	v18 =	vsel vm12, v28, v26  }
0x306: {  	s1 =	simm.s32 $0x0;
	s2 =	simm.s32 $0x0;
	v21 =	vmul.f32 v24, v21;
	v20 =	vsel vm2, v20, v27;
	v18 =	vsel vm9, v25, v18  }
0x307: {  	s1 =	sand.u32 $0x7, s1;
	s2 =	smul.u32 $0xC00, s2;
	[tilespmem:s0+$0xDC00] =	vst v23;
	v20 =	vsel vm1, v22, v20;
	v18 =	vmul.f32 v18, v19  }
0x308: {  	s4 =	simm.s32 $0x0;
	s5 =	sshll.u32 s1, $0x7;
	[tilespmem:s0+$0xDC20] =	vst v21;
	v17 =	vmul.f32 v20, v17  }
0x309: {  	s4 =	sand.u32 $0x40, s4;
	s2 =	sor.u32 s5, s2;
	[tilespmem:s0+$0xDC30] =	vst v18  }
0x30a: {  	[tilespmem:s0+$0xDC10] =	vst v17;
	s0 =	sor.u32 s4, s2  }
0x30b: {  	v18 =	vld [tilespmem:s0+$0xE030]  }
0x30c: {  	v17 =	vld [tilespmem:s0+$0xE010]  }
0x30d: {  	v19 =	vld [tilespmem:s0+$0x800]  }
0x30e: {  	s31 =	simm.s32 $0x0;
	v20 =	vld [tilespmem:s0+$0xE000]  }
0x30f: {  	s1 =	sshll.u32 s1, $0x4;
	s2 =	sand.u32 $0x3FFFFF80, s31;
	v21 =	vld [tilespmem:s0+$0x810]  }
0x310: {  	s1 =	sor.u32 s1, s2;
	v22 =	vld [tilespmem:s0+$0x830]  }
0x311: {  	v23 =	vld [tilespmem:s1+$0x1B900];
	_ =	sdelay $0x2  }
0x312: {  	v25 =	vmul.f32 v20, v19  }
0x313: {  	v17 =	vmul.f32 v17, v21  }
0x314: {  	v19 =	vmul.f32 v18, v22;
	v18 =	vmul.f32 v23, v5;
	v26 =	vand.u32 $0x7FFFFFFF, v25  }
0x315: {  	v24 =	vld [tilespmem:s0+$0xE020];
	v27 =	vand.u32 $0x80000000, v25;
	vm5 =	vlt.f32 v25, $0.0e+00;
	vm0 =	vgt.f32 v17, $0.0e+00  }
0x316: {  	v20 =	vld [tilespmem:s0+$0x820];
	v28 =	vand.u32 $0x80000000, v19;
	v63 =	vand.u32 $0x7FFFFFFF, v17;
	vm2 =	vgt.f32 v26, v10  }
0x317: {  	vm3 =	vgt.f32 v26, v15;
	vm1 =	vgt.f32 v26, v11;
	vm4 =	vgt.f32 v26, v14  }
0x318: {  	vm6 =	vgt.f32 v26, v16;
	v27 =	vor.u32 v27, v0;
	vm8 =	vgt.f32 v26, v12  }
0x319: {  	vm14 =	vgt.f32 v63, v12;
	vm11 =	vgt.f32 v63, v11;
	v23 =	vsel vm1, v4, v3  }
0x31a: {  	vm1 =	vgt.f32 v26, v13;
	v30 =	vsel vm6, v9, v8;
	vm6 =	vgt.f32 v63, v16  }
0x31b: {  	v33 =	vsel vm14, v7, v6;
	v21 =	vmul.f32 v24, v20;
	v20 =	vsel vm1, v2, v1  }
0x31c: {  	vm1 =	vgt.f32 v63, v14;
	v31 =	vsel vm6, v9, v8;
	v23 =	vsel vm2, v23, v20  }
0x31d: {  	vm2 =	vgt.f32 v63, v10;
	v20 =	vsel vm11, v4, v3;
	vm11 =	vgt.f32 v19, $0.0e+00  }
0x31e: {  	v22 =	vand.u32 $0x7FFFFFFF, v21;
	vm9 =	vlt.f32 v21, $0.0e+00;
	v26 =	vand.u32 $0x80000000, v21  }
0x31f: {  	vm7 =	vgt.f32 v22, v13;
	vm13 =	vgt.f32 v22, v12;
	vm10 =	vgt.f32 v22, v16  }
0x320: {  	vm12 =	vgt.f32 v22, v11;
	v24 =	vsel vm10, v9, v8;
	vm10 =	vgt.f32 v25, $0.0e+00  }
0x321: {  	v29 =	vsel vm12, v4, v3;
	vm12 =	vgt.f32 v21, $0.0e+00;
	vm5 =	vmor vm10, vm5  }
0x322: {  	v32 =	vsel vm13, v7, v6;
	vm10 =	vgt.f32 v63, v15;
	v25 =	vsel vm5, v27, v25  }
0x323: {  	vm5 =	vgt.f32 v22, v10;
	v27 =	vmul.f32 v25, v18;
	v25 =	vsel vm7, v2, v1  }
0x324: {  	v29 =	vsel vm5, v29, v25;
	v25 =	vor.u32 v28, v0;
	v28 =	vand.u32 $0x7FFFFFFF, v19  }
0x325: {  	s4 =	simm.s32 $0x1;
	s1 =	simm.s32 $0x40;
	vm7 =	vgt.f32 v22, v14;
	vm5 =	vgt.f32 v63, v13;
	vm6 =	vgt.f32 v28, v13  }
.LBB2_18:
0x326: {  	s5 =	sshrl.u32 s4, $0x1  }
0x327: {  	s6 =	sshrl.u32 s4, $0x4;
	vm12 =	vmor vm12, vm9;
	vm9 =	vgt.f32 v28, v14;
	vm13 =	vlt.f32 v19, $0.0e+00;
	s17 =	smov.u32 s4;
	s2 =	sadd.s32 $0x1, s4  }
0x328: {  	p0 =	sne.s32 s4, $0x8F;
	v34 =	vsel vm8, v7, v6;
	vm8 =	vgt.f32 v28, v16;
	s5 =	sand.u32 $0x7, s5;
	s6 =	smul.u32 $0xC00, s6;
	vm11 =	vmor vm11, vm13  }
0x329: {  	v26 =	vor.u32 v26, v0;
	v30 =	vsel vm3, v30, v34;
	vm3 =	vgt.f32 v28, v15;
	s4 =	sshll.u32 s5, $0x7;
	s5 =	sshll.u32 s5, $0x4  }
0x32a: {  	v21 =	vsel vm12, v26, v21;
	v23 =	vsel vm4, v30, v23;
	vm4 =	vgt.f32 v22, v15;
	s4 =	sor.u32 s4, s6;
	s6 =	sand.u32 $0x40, s1  }
0x32b: {  	v26 =	vand.u32 $0x80000000, v17;
	v22 =	vsel vm10, v31, v33;
	v24 =	vsel vm4, v24, v32;
	s16 =	sor.u32 s6, s4  }
0x32c: {  	v26 =	vor.u32 v26, v0;
	v21 =	vmul.f32 v21, v18;
	v23 =	vmul.f32 v23, v27;
	v30 =	vld [tilespmem:s16+$0xE030]  }
0x32d: {  	vm4 =	vlt.f32 v17, $0.0e+00;
	s4 =	sshll.u32 s17, $0x3;
	v24 =	vsel vm7, v24, v29;
	vm7 =	vgt.f32 v28, v12;
	v27 =	vld [tilespmem:s16+$0xE010]  }
0x32e: {  	vm12 =	vgt.f32 v28, v10;
	vm10 =	vgt.f32 v28, v11;
	v19 =	vsel vm11, v25, v19;
	s4 =	sand.u32 $0x3FFFFF80, s4;
	v29 =	vld [tilespmem:s16+$0x800];
	[tilespmem:s0+$0xE000] =	vst v23  }
0x32f: {  	v31 =	vsel vm8, v9, v8;
	v25 =	vsel vm10, v4, v3;
	v28 =	vsel vm7, v7, v6;
	s4 =	sor.u32 s5, s4;
	v23 =	vld [tilespmem:s16+$0xE000]  }
0x330: {  	v19 =	vmul.f32 v19, v18;
	vm0 =	vmor vm0, vm4;
	v28 =	vsel vm3, v31, v28;
	v32 =	vld [tilespmem:s16+$0x810]  }
0x331: {  	v33 =	vsel vm5, v2, v1;
	v17 =	vsel vm0, v26, v17;
	v26 =	vsel vm6, v2, v1;
	v31 =	vld [tilespmem:s16+$0x830]  }
0x332: {  	v20 =	vsel vm2, v20, v33;
	v17 =	vmul.f32 v17, v18;
	v18 =	vsel vm12, v25, v26;
	v34 =	vld [tilespmem:s4+$0x1B900]  }
0x333: {  	v20 =	vsel vm1, v22, v20;
	v21 =	vmul.f32 v24, v21;
	v18 =	vsel vm9, v28, v18;
	v25 =	vld [tilespmem:s16+$0xE020]  }
0x334: {  	v20 =	vmul.f32 v20, v17;
	v28 =	vmul.f32 v23, v29;
	v22 =	vld [tilespmem:s16+$0x820]  }
0x335: {  	v18 =	vmul.f32 v18, v19;
	v17 =	vmul.f32 v27, v32;
	[tilespmem:s0+$0xE020] =	vst v21  }
0x336: {  	v24 =	vand.u32 $0x7FFFFFFF, v28;
	v23 =	vand.u32 $0x80000000, v28;
	vm5 =	vlt.f32 v28, $0.0e+00;
	[tilespmem:s0+$0xE010] =	vst v20  }
0x337: {  	v19 =	vmul.f32 v30, v31;
	vm2 =	vgt.f32 v24, v10;
	vm3 =	vgt.f32 v24, v15;
	[tilespmem:s0+$0xE030] =	vst v18;
	s0 =	smov.u32 s16  }
0x338: {  	v18 =	vmul.f32 v34, v5;
	vm1 =	vgt.f32 v24, v11;
	vm0 =	vgt.f32 v17, $0.0e+00  }
0x339: {  	vm4 =	vgt.f32 v24, v14;
	v20 =	vsel vm1, v4, v3;
	v21 =	vmul.f32 v25, v22  }
0x33a: {  	vm7 =	vgt.f32 v24, v16;
	vm1 =	vgt.f32 v24, v13;
	v25 =	vand.u32 $0x80000000, v19  }
0x33b: {  	v27 =	vor.u32 v23, v0;
	v33 =	vand.u32 $0x7FFFFFFF, v17;
	v22 =	vand.u32 $0x7FFFFFFF, v21  }
0x33c: {  	v23 =	vsel vm1, v2, v1;
	vm1 =	vgt.f32 v33, v14;
	vm9 =	vlt.f32 v21, $0.0e+00  }
0x33d: {  	v23 =	vsel vm2, v20, v23;
	vm2 =	vgt.f32 v33, v10;
	vm10 =	vgt.f32 v22, v13  }
0x33e: {  	vm8 =	vgt.f32 v24, v12;
	vm13 =	vgt.f32 v22, v12;
	vm11 =	vgt.f32 v22, v16  }
0x33f: {  	vm6 =	vgt.f32 v33, v12;
	v26 =	vand.u32 $0x80000000, v21;
	v24 =	vsel vm11, v9, v8  }
0x340: {  	vm12 =	vgt.f32 v33, v11;
	vm14 =	vgt.f32 v22, v11;
	vm11 =	vgt.f32 v28, $0.0e+00  }
0x341: {  	v20 =	vsel vm12, v4, v3;
	v29 =	vsel vm14, v4, v3;
	vm5 =	vmor vm11, vm5  }
0x342: {  	v30 =	vsel vm7, v9, v8;
	v27 =	vsel vm5, v27, v28;
	vm5 =	vgt.f32 v22, v10  }
.Ltmp8:
0x343: {  	vm7 =	vgt.f32 v22, v14;
	v28 =	vsel vm10, v2, v1;
	v27 =	vmul.f32 v27, v18;
	(pc) =	sbr.rel @p0 .LBB2_18-.Ltmp8, $4  }
0x344: {  	vm12 =	vgt.f32 v21, $0.0e+00;
	vm11 =	vgt.f32 v19, $0.0e+00;
	vm10 =	vgt.f32 v33, v16  }
0x345: {  	v25 =	vor.u32 v25, v0;
	v31 =	vsel vm10, v9, v8;
	v29 =	vsel vm5, v29, v28  }
0x346: {  	v32 =	vsel vm13, v7, v6;
	vm10 =	vgt.f32 v33, v15;
	v28 =	vand.u32 $0x7FFFFFFF, v19  }
0x347: {  	s1 =	sadd.s32 $0x40, s1;
	s4 =	smov.u32 s2;
	vm5 =	vgt.f32 v33, v13;
	v33 =	vsel vm6, v7, v6;
	vm6 =	vgt.f32 v28, v13  }
0x348: {  	vm12 =	vmor vm12, vm9;
	vm9 =	vgt.f32 v28, v14  }
0x349: {  	vm13 =	vlt.f32 v19, $0.0e+00;
	v5 =	vsel vm8, v7, v6;
	vm8 =	vgt.f32 v28, v16  }
0x34a: {  	v13 =	vor.u32 v26, v0;
	vm15 =	vgt.f32 v22, v15;
	v53 =	vsel vm10, v31, v33  }
0x34b: {  	v54 =	vand.u32 $0x80000000, v17;
	vm10 =	vgt.f32 v28, v11;
	v61 =	vsel vm5, v2, v1  }
0x34c: {  	v1 =	vsel vm6, v2, v1;
	vm11 =	vmor vm11, vm13;
	v5 =	vsel vm3, v30, v5  }
0x34d: {  	vm3 =	vgt.f32 v28, v15;
	v13 =	vsel vm12, v13, v21;
	v55 =	vsel vm15, v24, v32  }
0x34e: {  	v15 =	vor.u32 v54, v0;
	vm12 =	vgt.f32 v28, v10;
	v58 =	vsel vm8, v9, v8  }
0x34f: {  	v3 =	vsel vm10, v4, v3;
	v2 =	vsel vm2, v20, v61;
	v5 =	vsel vm4, v5, v23  }
0x350: {  	v13 =	vmul.f32 v13, v18;
	vm4 =	vlt.f32 v17, $0.0e+00;
	v16 =	vsel vm7, v55, v29  }
0x351: {  	vm7 =	vgt.f32 v28, v12;
	v56 =	vsel vm11, v25, v19;
	v1 =	vsel vm12, v3, v1  }
0x352: {  	v5 =	vmul.f32 v5, v27;
	v57 =	vsel vm7, v7, v6;
	vm0 =	vmor vm0, vm4  }
0x353: {  	v60 =	vmul.f32 v56, v18;
	v59 =	vsel vm3, v58, v57;
	v62 =	vsel vm0, v15, v17  }
0x354: {  	v3 =	vmul.f32 v16, v13;
	v63 =	vmul.f32 v62, v18;
	v1 =	vsel vm9, v59, v1  }
0x355: {  	v2 =	vsel vm1, v53, v2;
	[tilespmem:s0+$0xE000] =	vst v5;
	v1 =	vmul.f32 v1, v60  }
0x356: {  	[tilespmem:s0+$0xE020] =	vst v3;
	v2 =	vmul.f32 v2, v63  }
0x357: {  	[tilespmem:s0+$0xE030] =	vst v1  }
0x358: {  	s29 =	sadd.s32 $0x1, s29;
	[tilespmem:s0+$0xE010] =	vst v2  }
0x359: {  	[hbm4b:s13+s3] =	stream.linear.scatter [tilespmem:s15], [sflag:$0x5], $0x6C00, $0x38;
	[tilespmem:$0x1BE00] =	vst v63  }
0x35a: {  	p0 =	sne.s32 s29, s14;
	_ =	swait.ge [sflag:s28], $0x6C00  }
.Ltmp9:
0x35b: {  	[sflag:s28] =	ssyncset.done $0x0;
	(pc) =	sbr.rel @p0 .LBB2_1-.Ltmp9, $4  }
0x35c: {  	[sflag:s28] =	ssyncadd.s32 $0xFFFF9400  }
0x35d: {  	_ =	swait.ge [sflag:s24], $0x6C00  }
0x35e: {  	[sflag:s24] =	ssyncset.done $0x0  }
0x35f: {  	[sflag:s24] =	ssyncadd.s32 $0xFFFF9400  }
0x360: {  	_ =	sfence.sel $0x180000  }
0x361: {  	[bflag:$0x0] =	sbarrier.arrive $0xFFFF  }
0x362: {  	_ =	strace $0x90000047  }
0x363: {  	s0 =	stileid.u32;
	[bflag:$0x2] =	sbarrier.arrive $0xFFFF  }
0x364: {  	p0 =	sne.s32 s0, $0x0;
	s0 =	rddreg [dreg:$0x4]  }
0x365: {  	s0 =	sadd.s32 @!p0 $0x100000, s0  }
0x366: {  	[sflag:s0] =	ssyncadd.tile.s32 @!p0 $0x1;
	_ =	shalt  }
.Lfunc_end2:
_tile_overlayer_lowered:
.L_overlay_start_2:
0x367: {  	(tag) =	ssettag $0x2  }
0x368: {  	s0 =	rddreg [dreg:$0x0];
	s2 =	stileid.u32  }
0x369: {  	s1 =	rddreg [dreg:$0x1];
	p0 =	sne.s32 s2, $0x0  }
0x36a: {  	s3 =	rddreg [dreg:$0x2];
	[bflag:$0x3] =	sbarrier.arrive $0xFFFF;
	s2 =	simm.s32 @!p0 $0x1C08  }
0x36b: {  	[timem:s3], [sflag:s2] =	dma.local @!p0 [hbm:s0], s1  }
0x36c: {  	s0 =	simm.s32 @!p0 $0x8  }
0x36d: {  	_ =	swait.ge @!p0 [sflag:s0], s1  }
0x36e: {  	s1 =	ssub.s32 @!p0 $0x0, s1;
	[sflag:s0] =	ssyncset.done @!p0 $0x0  }
0x36f: {  	[sflag:s0] =	ssyncadd.s32 @!p0 s1  }
0x370: {  	[bflag:$0x3] =	sbarrier.arrive $0xFFFF  }
0x371: {  	_ =	shalt  }

</sc_bundles>
